<compile_context>
chip_gen: v7x
topology: tpu7x:2x2x1
jax: 0.10.2.dev20260603
libtpu: 0.0.44.dev20260713+nightly
codegen_flags: <defaults>
</compile_context>

<pallas_src>
import functools

import jax
import jax.numpy as jnp
from jax import lax
from jax.experimental import pallas as pl
from jax.experimental.pallas import tpu as pltpu
from jax.experimental.pallas import tpu_sc as plsc

N_NODES = 10000
N_EDGES = 160000
D_HID = 512
GROUPS = 64

NCORES = 2
NSUB = 16
LANES = 16

EBATCH = 128
NB = 80
ET = NB * EBATCH
E_PAD = ET * NSUB
ROWS_PER = 624
TAIL_R0 = ROWS_PER * NSUB
TAIL_ROWS = N_NODES - TAIL_R0

BN = 1000
NBLK = N_NODES // BN



def _edge_sum_body(C, *refs):
    zcs = refs[:C]
    src_hbm, dst_hbm = refs[C], refs[C + 1]
    outs = refs[C + 2:2 * C + 2]
    acc, src_t, dst_t, dst2, rows_a, sem_a = refs[2 * C + 2:]

    core = lax.axis_index("c")
    sub = lax.axis_index("s")
    r0 = sub * ROWS_PER

    pltpu.sync_copy(src_hbm.at[pl.ds(sub * ET, ET)], src_t)
    pltpu.sync_copy(dst_hbm.at[pl.ds(sub * ET, ET)], dst_t)

    def dstcopy(i, _):
        off = pl.multiple_of(i * LANES, LANES)
        b = i // (EBATCH // LANES)
        col = (i % (EBATCH // LANES)) * LANES
        dst2[b, pl.ds(col, LANES)] = dst_t[pl.ds(off, LANES)]
        return 0
    lax.fori_loop(0, ET // LANES, dstcopy, 0, unroll=8)

    cpc = C // NCORES
    for c in range(C):
        @pl.when(core == c // cpc)
        def _(c=c, first=(c % cpc == 0)):
            z_c = zcs[c]
            out_c = outs[c]
            if not first:
                plsc.subcore_barrier()
            pltpu.sync_copy(z_c.at[pl.ds(r0, ROWS_PER)],
                            acc.at[pl.ds(r0, ROWS_PER)])

            @pl.when(sub == NSUB - 1)
            def _():
                pltpu.sync_copy(z_c.at[pl.ds(TAIL_R0, TAIL_ROWS)],
                                acc.at[pl.ds(TAIL_R0, TAIL_ROWS)])

            plsc.subcore_barrier()

            def start_gather(b, buf, sem):
                off = pl.multiple_of(b * EBATCH, EBATCH)
                pltpu.async_copy(z_c.at[src_t.at[pl.ds(off, EBATCH)]],
                                 buf, sem)

            def wait_gather(buf, sem):
                pltpu.make_async_copy(z_c.at[pl.ds(0, EBATCH)], buf,
                                      sem).wait()

            def scatter(b, buf):
                pltpu.sync_copy(buf, acc.at[dst2.at[b]], add=True)

            def ebody(b, _):
                start_gather(b, rows_a, sem_a)
                wait_gather(rows_a, sem_a)
                scatter(b, rows_a)
                return 0
            lax.fori_loop(0, NB, ebody, 0)

            plsc.subcore_barrier()
            pltpu.sync_copy(acc.at[pl.ds(r0, ROWS_PER)],
                            out_c.at[pl.ds(r0, ROWS_PER)])

            @pl.when(sub == NSUB - 1)
            def _():
                pltpu.sync_copy(acc.at[pl.ds(TAIL_R0, TAIL_ROWS)],
                                out_c.at[pl.ds(TAIL_R0, TAIL_ROWS)])


@functools.cache
def _edge_sum(C):
    return pl.kernel(
        functools.partial(_edge_sum_body, C),
        out_type=[jax.ShapeDtypeStruct((N_NODES, 128), jnp.float32)] * C,
        mesh=plsc.VectorSubcoreMesh(core_axis_name="c", subcore_axis_name="s",
                                    num_cores=NCORES, num_subcores=NSUB),
        scratch_types=[
            pltpu.VMEM_SHARED((N_NODES + LANES, 128), jnp.float32),
            pltpu.VMEM((ET,), jnp.int32),
            pltpu.VMEM((ET,), jnp.int32),
            pltpu.VMEM((NB, EBATCH), jnp.int32),
            pltpu.VMEM((EBATCH, 128), jnp.float32),
            pltpu.SemaphoreType.DMA,
        ],
    )



def _mm1_body(C, *refs):
    s_refs = refs[:C]
    w_ref, b_ref, g_ref, be_ref, h_ref, st_ref = refs[C:]
    i = pl.program_id(0)
    agg = jnp.concatenate([s_refs[c][...] for c in range(C)], axis=-1)
    h = jnp.dot(agg, w_ref[...], preferred_element_type=jnp.float32) + b_ref[...]
    h_ref[...] = h

    @pl.when(i == 0)
    def _():
        st_ref[...] = jnp.zeros_like(st_ref)

    st_ref[0:1, :] += jnp.sum(h, axis=0, keepdims=True)
    st_ref[1:2, :] += jnp.sum(h * h, axis=0, keepdims=True)

    @pl.when(i == pl.num_programs(0) - 1)
    def _():
        mean = st_ref[0:1, :] / N_NODES
        var = st_ref[1:2, :] / N_NODES - mean * mean
        a = g_ref[...] * lax.rsqrt(var + 1e-5)
        st_ref[2:3, :] = a
        st_ref[3:4, :] = be_ref[...] - mean * a


@functools.cache
def _mm1(C):
    d_in = C * 128
    return pl.pallas_call(
        functools.partial(_mm1_body, C),
        grid=(NBLK,),
        in_specs=[pl.BlockSpec((BN, 128), lambda i: (i, 0))] * C + [
            pl.BlockSpec((d_in, D_HID), lambda i: (0, 0)),
            pl.BlockSpec((1, D_HID), lambda i: (0, 0)),
            pl.BlockSpec((1, D_HID), lambda i: (0, 0)),
            pl.BlockSpec((1, D_HID), lambda i: (0, 0)),
        ],
        out_specs=[
            pl.BlockSpec((BN, D_HID), lambda i: (i, 0)),
            pl.BlockSpec((8, D_HID), lambda i: (0, 0)),
        ],
        out_shape=[
            jax.ShapeDtypeStruct((N_NODES, D_HID), jnp.float32),
            jax.ShapeDtypeStruct((8, D_HID), jnp.float32),
        ],
    )



def _mm2_body(h_ref, st_ref, w_ref, b2_ref, *z_refs):
    h2 = jnp.maximum(h_ref[...] * st_ref[2:3, :] + st_ref[3:4, :], 0.0)
    z = jnp.dot(h2, w_ref[...], preferred_element_type=jnp.float32) + b2_ref[...]
    z = jnp.maximum(z, 0.0)
    for c in range(4):
        z_refs[c][...] = z[:, c * 128:(c + 1) * 128]


_mm2 = pl.pallas_call(
    _mm2_body,
    grid=(NBLK,),
    in_specs=[
        pl.BlockSpec((BN, D_HID), lambda i: (i, 0)),
        pl.BlockSpec((8, D_HID), lambda i: (0, 0)),
        pl.BlockSpec((D_HID, D_HID), lambda i: (0, 0)),
        pl.BlockSpec((1, D_HID), lambda i: (0, 0)),
    ],
    out_specs=[pl.BlockSpec((BN, 128), lambda i: (i, 0))] * 4,
    out_shape=[jax.ShapeDtypeStruct((N_NODES, 128), jnp.float32)] * 4,
)


def _mm2p_body(h_ref, st_ref, w_ref, b2_ref, bt_ref, z_ref, p_ref):
    i = pl.program_id(0)
    h2 = jnp.maximum(h_ref[...] * st_ref[2:3, :] + st_ref[3:4, :], 0.0)
    z = jnp.dot(h2, w_ref[...], preferred_element_type=jnp.float32) + b2_ref[...]
    z = jnp.maximum(z, 0.0)
    z_ref[...] = z

    oh = (lax.broadcasted_iota(jnp.int32, (GROUPS, BN), 0)
          == bt_ref[0, 0, :][None, :]).astype(jnp.float32)

    @pl.when(i == 0)
    def _():
        p_ref[...] = jnp.zeros_like(p_ref)

    p_ref[...] += jnp.dot(oh, z, preferred_element_type=jnp.float32)


_mm2p = pl.pallas_call(
    _mm2p_body,
    grid=(NBLK,),
    in_specs=[
        pl.BlockSpec((BN, D_HID), lambda i: (i, 0)),
        pl.BlockSpec((8, D_HID), lambda i: (0, 0)),
        pl.BlockSpec((D_HID, D_HID), lambda i: (0, 0)),
        pl.BlockSpec((1, D_HID), lambda i: (0, 0)),
        pl.BlockSpec((1, 1, BN), lambda i: (i, 0, 0)),
    ],
    out_specs=[
        pl.BlockSpec((BN, D_HID), lambda i: (i, 0)),
        pl.BlockSpec((GROUPS, D_HID), lambda i: (0, 0)),
    ],
    out_shape=[
        jax.ShapeDtypeStruct((N_NODES, D_HID), jnp.float32),
        jax.ShapeDtypeStruct((GROUPS, D_HID), jnp.float32),
    ],
)


def kernel(x, edge_index, batch, params):
    src = edge_index[0]
    dst = edge_index[1]
    batch3d = batch.reshape(NBLK, 1, BN)

    pad = E_PAD - N_EDGES
    src_p = jnp.concatenate([src, jnp.zeros((pad,), jnp.int32)])
    dst_p = jnp.concatenate([dst, jnp.full((pad,), N_NODES, jnp.int32)])

    zcs = [x[:, 0:128], x[:, 128:256]]

    n_layers = len(params)
    for l, p in enumerate(params):
        C = len(zcs)
        scs = _edge_sum(C)(*zcs, src_p, dst_p)
        h, st = _mm1(C)(*scs, p['W1'], p['b1'].reshape(1, -1),
                        p['gamma'].reshape(1, -1), p['beta'].reshape(1, -1))
        if l + 1 < n_layers:
            zcs = _mm2(h, st, p['W2'], p['b2'].reshape(1, -1))
        else:
            z, pool = _mm2p(h, st, p['W2'], p['b2'].reshape(1, -1), batch3d)
    return z, pool

# --- scband reference (transcript-rebuilt; emitter-appended) ---
"""Pipeline reference for scband-gconv-89747636617483 (READ-ONLY COPY).

The authoritative reference and input builder live on the scoring server;
editing this copy changes nothing except your own understanding.
"""

import jax, jax.numpy as jnp
import numpy as np

N = 10000
E = 160000
D_IN = 256
D_H = 512
L = 3
G = 64


def _init_params(key):
    params = []
    for l in range(L):
        d_in = D_IN if l == 0 else D_H
        k1, k2, key = jax.random.split(key, 3)
        p = {
            'W1': jax.random.normal(k1, (d_in, D_H), dtype=jnp.float32) * (1.0 / np.sqrt(d_in)),
            'b1': jnp.zeros((D_H,), dtype=jnp.float32),
            'gamma': jnp.ones((D_H,), dtype=jnp.float32),
            'beta': jnp.zeros((D_H,), dtype=jnp.float32),
            'W2': jax.random.normal(k2, (D_H, D_H), dtype=jnp.float32) * (1.0 / np.sqrt(D_H)),
            'b2': jnp.zeros((D_H,), dtype=jnp.float32),
        }
        params.append(p)
    return params


def setup_inputs(seed: int = 0) -> dict:
    key = jax.random.key(seed)
    kx, ke, kb, kp = jax.random.split(key, 4)
    x = jax.random.normal(kx, (N, D_IN), dtype=jnp.float32)
    edge_index = jax.random.randint(ke, (2, E), 0, N, dtype=jnp.int32)
    batch = jnp.sort(jax.random.randint(kb, (N,), 0, G, dtype=jnp.int32))
    params = _init_params(kp)
    return {'x': x, 'edge_index': edge_index, 'batch': batch, 'params': params}


def _gin_conv(z, edge_index, p):
    # GINConv with train_eps=False (eps=0): h = MLP((1+eps)*x + sum_{j in N(i)} x_j)
    src = edge_index[0]
    dst = edge_index[1]
    agg = z + jax.ops.segment_sum(jnp.take(z, src, axis=0), dst, num_segments=N)
    h = agg @ p['W1'] + p['b1']
    # BatchNorm1d with batch statistics (training-mode stats, deterministic)
    mean = jnp.mean(h, axis=0)
    var = jnp.var(h, axis=0)
    h = (h - mean) / jnp.sqrt(var + 1e-5) * p['gamma'] + p['beta']
    h = jax.nn.relu(h)
    h = h @ p['W2'] + p['b2']
    return h


def reference(x, edge_index, batch, params):
    z = x
    zs = []
    for p in params:
        z = _gin_conv(z, edge_index, p)
        z = jax.nn.relu(z)
        # dropout omitted (eval-mode / deterministic reference)
        zs.append(z)
    gs = [jax.ops.segment_sum(z_l, batch, num_segments=G) for z_l in zs]
    return (z, gs[-1])

if __name__ == "__main__":
    import jax
    _d = setup_inputs()
    print(jax.jit(kernel)(*tuple(_d.values())))

</pallas_src>

<mosaic_0001>
#map = affine_map<(d0, d1) -> (0, 0)>
#map1 = affine_map<(d0, d1) -> (0)>
module attributes {stable_mosaic.version = 14 : i64} {
  func.func @_edge_sum_body(%arg0: i32, %arg1: i32, %arg2: memref<10000x128xf32, #tpu.memory_space<hbm>>, %arg3: memref<10000x128xf32, #tpu.memory_space<hbm>>, %arg4: memref<10000x128xf32, #tpu.memory_space<hbm>>, %arg5: memref<10000x128xf32, #tpu.memory_space<hbm>>, %arg6: memref<163840xi32, #tpu.memory_space<hbm>>, %arg7: memref<163840xi32, #tpu.memory_space<hbm>>, %arg8: memref<10000x128xf32, #tpu.memory_space<hbm>>, %arg9: memref<10000x128xf32, #tpu.memory_space<hbm>>, %arg10: memref<10000x128xf32, #tpu.memory_space<hbm>>, %arg11: memref<10000x128xf32, #tpu.memory_space<hbm>>, %arg12: memref<10016x128xf32, #tpu.memory_space<vmem_shared>>, %arg13: memref<10240xi32, #tpu.memory_space<vmem>>, %arg14: memref<10240xi32, #tpu.memory_space<vmem>>, %arg15: memref<80x128xi32, #tpu.memory_space<vmem>>, %arg16: memref<128x128xf32, #tpu.memory_space<vmem>>, %arg17: memref<!tpu.dma_semaphore, #tpu.memory_space<semaphore_mem>>) attributes {dimension_semantics = [#tpu.dimension_semantics<core_parallel>, #tpu.dimension_semantics<subcore_parallel>], iteration_bounds = array<i64: 2, 16>, scalar_prefetch = 0 : i64, scratch_operands = 6 : i64, tpu.core_type = #tpu.core_type<sc_vector_subcore>, window_params = [{transform_indices = #map}, {transform_indices = #map}, {transform_indices = #map}, {transform_indices = #map}, {transform_indices = #map1}, {transform_indices = #map1}, {transform_indices = #map}, {transform_indices = #map}, {transform_indices = #map}, {transform_indices = #map}]} {
    %mul3A = arith.constant 624 : i32
    %mul3A_0 = arith.muli %arg1, %mul3A : i32
    %mul3A_1 = arith.constant 10240 : i32
    %mul3A_2 = arith.muli %arg1, %mul3A_1 : i32
    "tpu.region"() ({
      %run_scoped3A = tpu.sem_alloc : memref<!tpu.dma_semaphore, #tpu.memory_space<semaphore_mem>>
      %dma_start3A = tpu.memref_slice %arg6[%mul3A_2] : memref<163840xi32, #tpu.memory_space<hbm>> -> memref<10240xi32, #tpu.memory_space<hbm>>
      %dma_start3A_28 = tpu.memref_slice %arg6[%mul3A_2] : memref<163840xi32, #tpu.memory_space<hbm>> -> memref<10240xi32, #tpu.memory_space<hbm>>
      tpu.enqueue_dma source(%dma_start3A_28 : memref<10240xi32, #tpu.memory_space<hbm>>) target(%arg13 : memref<10240xi32, #tpu.memory_space<vmem>>) target_semaphore(%run_scoped3A : memref<!tpu.dma_semaphore, #tpu.memory_space<semaphore_mem>>)
      %dma_wait3A = tpu.memref_slice %arg6[%mul3A_2] : memref<163840xi32, #tpu.memory_space<hbm>> -> memref<10240xi32, #tpu.memory_space<hbm>>
      %dma_wait3A_29 = tpu.memref_slice %arg6[%mul3A_2] : memref<163840xi32, #tpu.memory_space<hbm>> -> memref<10240xi32, #tpu.memory_space<hbm>>
      tpu.wait_dma2 semaphore(%run_scoped3A : memref<!tpu.dma_semaphore, #tpu.memory_space<semaphore_mem>>) src(%dma_wait3A_29 : memref<10240xi32, #tpu.memory_space<hbm>>) dst(%arg13 : memref<10240xi32, #tpu.memory_space<vmem>>)
      tpu.yield
    }) : () -> ()
    %mul3A_3 = arith.constant 10240 : i32
    %mul3A_4 = arith.muli %arg1, %mul3A_3 : i32
    "tpu.region"() ({
      %run_scoped3A = tpu.sem_alloc : memref<!tpu.dma_semaphore, #tpu.memory_space<semaphore_mem>>
      %dma_start3A = tpu.memref_slice %arg7[%mul3A_4] : memref<163840xi32, #tpu.memory_space<hbm>> -> memref<10240xi32, #tpu.memory_space<hbm>>
      %dma_start3A_28 = tpu.memref_slice %arg7[%mul3A_4] : memref<163840xi32, #tpu.memory_space<hbm>> -> memref<10240xi32, #tpu.memory_space<hbm>>
      tpu.enqueue_dma source(%dma_start3A_28 : memref<10240xi32, #tpu.memory_space<hbm>>) target(%arg14 : memref<10240xi32, #tpu.memory_space<vmem>>) target_semaphore(%run_scoped3A : memref<!tpu.dma_semaphore, #tpu.memory_space<semaphore_mem>>)
      %dma_wait3A = tpu.memref_slice %arg7[%mul3A_4] : memref<163840xi32, #tpu.memory_space<hbm>> -> memref<10240xi32, #tpu.memory_space<hbm>>
      %dma_wait3A_29 = tpu.memref_slice %arg7[%mul3A_4] : memref<163840xi32, #tpu.memory_space<hbm>> -> memref<10240xi32, #tpu.memory_space<hbm>>
      tpu.wait_dma2 semaphore(%run_scoped3A : memref<!tpu.dma_semaphore, #tpu.memory_space<semaphore_mem>>) src(%dma_wait3A_29 : memref<10240xi32, #tpu.memory_space<hbm>>) dst(%arg14 : memref<10240xi32, #tpu.memory_space<vmem>>)
      tpu.yield
    }) : () -> ()
    %scan3A = arith.constant 0 : i32
    %scan3A_5 = arith.constant 0 : i32
    %scan3A_6 = arith.constant 640 : i32
    %scan3A_7 = arith.addi %scan3A_5, %scan3A_6 : i32
    %scan3A_8 = arith.constant 8 : i32
    %scan3A_9 = scf.for %scan3A_28 = %scan3A_5 to %scan3A_7 step %scan3A_8 iter_args(%scan3A_29 = %scan3A) -> (i32)  : i32 {
      %mul3A_30 = arith.constant 16 : i32
      %mul3A_31 = arith.muli %scan3A_28, %mul3A_30 : i32
      %multiple_of3A = tpu.assume_multiple %mul3A_31, 16 : i32
      %jit3A = arith.constant 8 : i32
      %div3A = arith.divsi %scan3A_28, %jit3A : i32
      %sign3A = arith.constant 0 : i32
      %sign3A_32 = arith.cmpi sgt, %scan3A_28, %sign3A : i32
      %sign3A_33 = arith.extui %sign3A_32 : i1 to i32
      %sign3A_34 = arith.constant 0 : i32
      %sign3A_35 = arith.cmpi slt, %scan3A_28, %sign3A_34 : i32
      %sign3A_36 = arith.extui %sign3A_35 : i1 to i32
      %sign3A_37 = arith.subi %sign3A_33, %sign3A_36 : i32
      %sign3A_38 = arith.constant 0 : i32
      %sign3A_39 = arith.cmpi sgt, %jit3A, %sign3A_38 : i32
      %sign3A_40 = arith.extui %sign3A_39 : i1 to i32
      %sign3A_41 = arith.constant 0 : i32
      %sign3A_42 = arith.cmpi slt, %jit3A, %sign3A_41 : i32
      %sign3A_43 = arith.extui %sign3A_42 : i1 to i32
      %sign3A_44 = arith.subi %sign3A_40, %sign3A_43 : i32
      %ne3A = arith.cmpi ne, %sign3A_37, %sign3A_44 : i32
      %rem3A = arith.remsi %scan3A_28, %jit3A : i32
      %ne3A_45 = arith.constant 0 : i32
      %ne3A_46 = arith.cmpi ne, %rem3A, %ne3A_45 : i32
      %and3A = arith.andi %ne3A, %ne3A_46 : i1
      %sub3A = arith.constant 1 : i32
      %sub3A_47 = arith.subi %div3A, %sub3A : i32
      %select_n3A = arith.select %and3A, %sub3A_47, %div3A : i32
      %jit3A_48 = arith.constant 8 : i32
      %eq3A_49 = arith.constant 0 : i32
      %eq3A_50 = arith.cmpi eq, %jit3A_48, %eq3A_49 : i32
      %jit3A_51 = arith.constant 1 : i32
      %select_n3A_52 = arith.select %eq3A_50, %jit3A_51, %jit3A_48 : i32
      %rem3A_53 = arith.remsi %scan3A_28, %select_n3A_52 : i32
      %ne3A_54 = arith.constant 0 : i32
      %ne3A_55 = arith.cmpi ne, %rem3A_53, %ne3A_54 : i32
      %lt3A = arith.constant 0 : i32
      %lt3A_56 = arith.cmpi slt, %rem3A_53, %lt3A : i32
      %lt3A_57 = arith.constant 0 : i32
      %lt3A_58 = arith.cmpi slt, %select_n3A_52, %lt3A_57 : i32
      %ne3A_59 = arith.xori %lt3A_56, %lt3A_58 : i1
      %and3A_60 = arith.andi %ne3A_59, %ne3A_55 : i1
      %add3A = arith.addi %rem3A_53, %select_n3A_52 : i32
      %select_n3A_61 = arith.select %and3A_60, %add3A, %rem3A_53 : i32
      %mul3A_62 = arith.constant 16 : i32
      %mul3A_63 = arith.muli %select_n3A_61, %mul3A_62 : i32
      %get3A = arith.index_cast %multiple_of3A : i32 to index
      %get3A_64 = tpu.vector_load %arg14[%get3A] {strides = array<i32>} : memref<10240xi32, #tpu.memory_space<vmem>>, vector<16xi32>,
      %get3A_65 = vector.shape_cast %get3A_64 : vector<16xi32> to vector<16xi32>
      %swap3A = arith.index_cast %select_n3A : i32 to index
      %swap3A_66 = arith.index_cast %mul3A_63 : i32 to index
      %swap3A_67 = tpu.vector_load %arg15[%swap3A, %swap3A_66] {strides = array<i32>} : memref<80x128xi32, #tpu.memory_space<vmem>>, vector<1x16xi32>,
      %swap3A_68 = vector.shape_cast %swap3A_67 : vector<1x16xi32> to vector<16xi32>
      %swap3A_69 = vector.shape_cast %get3A_65 : vector<16xi32> to vector<1x16xi32>
      tpu.vector_store %arg15[%swap3A, %swap3A_66], %swap3A_69 {strides = array<i32>} : memref<80x128xi32, #tpu.memory_space<vmem>>, vector<1x16xi32>,
      %scan3A_70 = arith.constant 0 : i32
      %scan3A_71 = arith.constant 1 : i32
      %scan3A_72 = arith.addi %scan3A_28, %scan3A_71 : i32
      %mul3A_73 = arith.constant 16 : i32
      %mul3A_74 = arith.muli %scan3A_72, %mul3A_73 : i32
      %multiple_of3A_75 = tpu.assume_multiple %mul3A_74, 16 : i32
      %jit3A_76 = arith.constant 8 : i32
      %div3A_77 = arith.divsi %scan3A_72, %jit3A_76 : i32
      %sign3A_78 = arith.constant 0 : i32
      %sign3A_79 = arith.cmpi sgt, %scan3A_72, %sign3A_78 : i32
      %sign3A_80 = arith.extui %sign3A_79 : i1 to i32
      %sign3A_81 = arith.constant 0 : i32
      %sign3A_82 = arith.cmpi slt, %scan3A_72, %sign3A_81 : i32
      %sign3A_83 = arith.extui %sign3A_82 : i1 to i32
      %sign3A_84 = arith.subi %sign3A_80, %sign3A_83 : i32
      %sign3A_85 = arith.constant 0 : i32
      %sign3A_86 = arith.cmpi sgt, %jit3A_76, %sign3A_85 : i32
      %sign3A_87 = arith.extui %sign3A_86 : i1 to i32
      %sign3A_88 = arith.constant 0 : i32
      %sign3A_89 = arith.cmpi slt, %jit3A_76, %sign3A_88 : i32
      %sign3A_90 = arith.extui %sign3A_89 : i1 to i32
      %sign3A_91 = arith.subi %sign3A_87, %sign3A_90 : i32
      %ne3A_92 = arith.cmpi ne, %sign3A_84, %sign3A_91 : i32
      %rem3A_93 = arith.remsi %scan3A_72, %jit3A_76 : i32
      %ne3A_94 = arith.constant 0 : i32
      %ne3A_95 = arith.cmpi ne, %rem3A_93, %ne3A_94 : i32
      %and3A_96 = arith.andi %ne3A_92, %ne3A_95 : i1
      %sub3A_97 = arith.constant 1 : i32
      %sub3A_98 = arith.subi %div3A_77, %sub3A_97 : i32
      %select_n3A_99 = arith.select %and3A_96, %sub3A_98, %div3A_77 : i32
      %jit3A_100 = arith.constant 8 : i32
      %eq3A_101 = arith.constant 0 : i32
      %eq3A_102 = arith.cmpi eq, %jit3A_100, %eq3A_101 : i32
      %jit3A_103 = arith.constant 1 : i32
      %select_n3A_104 = arith.select %eq3A_102, %jit3A_103, %jit3A_100 : i32
      %rem3A_105 = arith.remsi %scan3A_72, %select_n3A_104 : i32
      %ne3A_106 = arith.constant 0 : i32
      %ne3A_107 = arith.cmpi ne, %rem3A_105, %ne3A_106 : i32
      %lt3A_108 = arith.constant 0 : i32
      %lt3A_109 = arith.cmpi slt, %rem3A_105, %lt3A_108 : i32
      %lt3A_110 = arith.constant 0 : i32
      %lt3A_111 = arith.cmpi slt, %select_n3A_104, %lt3A_110 : i32
      %ne3A_112 = arith.xori %lt3A_109, %lt3A_111 : i1
      %and3A_113 = arith.andi %ne3A_112, %ne3A_107 : i1
      %add3A_114 = arith.addi %rem3A_105, %select_n3A_104 : i32
      %select_n3A_115 = arith.select %and3A_113, %add3A_114, %rem3A_105 : i32
      %mul3A_116 = arith.constant 16 : i32
      %mul3A_117 = arith.muli %select_n3A_115, %mul3A_116 : i32
      %get3A_118 = arith.index_cast %multiple_of3A_75 : i32 to index
      %get3A_119 = tpu.vector_load %arg14[%get3A_118] {strides = array<i32>} : memref<10240xi32, #tpu.memory_space<vmem>>, vector<16xi32>,
      %get3A_120 = vector.shape_cast %get3A_119 : vector<16xi32> to vector<16xi32>
      %swap3A_121 = arith.index_cast %select_n3A_99 : i32 to index
      %swap3A_122 = arith.index_cast %mul3A_117 : i32 to index
      %swap3A_123 = tpu.vector_load %arg15[%swap3A_121, %swap3A_122] {strides = array<i32>} : memref<80x128xi32, #tpu.memory_space<vmem>>, vector<1x16xi32>,
      %swap3A_124 = vector.shape_cast %swap3A_123 : vector<1x16xi32> to vector<16xi32>
      %swap3A_125 = vector.shape_cast %get3A_120 : vector<16xi32> to vector<1x16xi32>
      tpu.vector_store %arg15[%swap3A_121, %swap3A_122], %swap3A_125 {strides = array<i32>} : memref<80x128xi32, #tpu.memory_space<vmem>>, vector<1x16xi32>,
      %scan3A_126 = arith.constant 0 : i32
      %scan3A_127 = arith.constant 2 : i32
      %scan3A_128 = arith.addi %scan3A_28, %scan3A_127 : i32
      %mul3A_129 = arith.constant 16 : i32
      %mul3A_130 = arith.muli %scan3A_128, %mul3A_129 : i32
      %multiple_of3A_131 = tpu.assume_multiple %mul3A_130, 16 : i32
      %jit3A_132 = arith.constant 8 : i32
      %div3A_133 = arith.divsi %scan3A_128, %jit3A_132 : i32
      %sign3A_134 = arith.constant 0 : i32
      %sign3A_135 = arith.cmpi sgt, %scan3A_128, %sign3A_134 : i32
      %sign3A_136 = arith.extui %sign3A_135 : i1 to i32
      %sign3A_137 = arith.constant 0 : i32
      %sign3A_138 = arith.cmpi slt, %scan3A_128, %sign3A_137 : i32
      %sign3A_139 = arith.extui %sign3A_138 : i1 to i32
      %sign3A_140 = arith.subi %sign3A_136, %sign3A_139 : i32
      %sign3A_141 = arith.constant 0 : i32
      %sign3A_142 = arith.cmpi sgt, %jit3A_132, %sign3A_141 : i32
      %sign3A_143 = arith.extui %sign3A_142 : i1 to i32
      %sign3A_144 = arith.constant 0 : i32
      %sign3A_145 = arith.cmpi slt, %jit3A_132, %sign3A_144 : i32
      %sign3A_146 = arith.extui %sign3A_145 : i1 to i32
      %sign3A_147 = arith.subi %sign3A_143, %sign3A_146 : i32
      %ne3A_148 = arith.cmpi ne, %sign3A_140, %sign3A_147 : i32
      %rem3A_149 = arith.remsi %scan3A_128, %jit3A_132 : i32
      %ne3A_150 = arith.constant 0 : i32
      %ne3A_151 = arith.cmpi ne, %rem3A_149, %ne3A_150 : i32
      %and3A_152 = arith.andi %ne3A_148, %ne3A_151 : i1
      %sub3A_153 = arith.constant 1 : i32
      %sub3A_154 = arith.subi %div3A_133, %sub3A_153 : i32
      %select_n3A_155 = arith.select %and3A_152, %sub3A_154, %div3A_133 : i32
      %jit3A_156 = arith.constant 8 : i32
      %eq3A_157 = arith.constant 0 : i32
      %eq3A_158 = arith.cmpi eq, %jit3A_156, %eq3A_157 : i32
      %jit3A_159 = arith.constant 1 : i32
      %select_n3A_160 = arith.select %eq3A_158, %jit3A_159, %jit3A_156 : i32
      %rem3A_161 = arith.remsi %scan3A_128, %select_n3A_160 : i32
      %ne3A_162 = arith.constant 0 : i32
      %ne3A_163 = arith.cmpi ne, %rem3A_161, %ne3A_162 : i32
      %lt3A_164 = arith.constant 0 : i32
      %lt3A_165 = arith.cmpi slt, %rem3A_161, %lt3A_164 : i32
      %lt3A_166 = arith.constant 0 : i32
      %lt3A_167 = arith.cmpi slt, %select_n3A_160, %lt3A_166 : i32
      %ne3A_168 = arith.xori %lt3A_165, %lt3A_167 : i1
      %and3A_169 = arith.andi %ne3A_168, %ne3A_163 : i1
      %add3A_170 = arith.addi %rem3A_161, %select_n3A_160 : i32
      %select_n3A_171 = arith.select %and3A_169, %add3A_170, %rem3A_161 : i32
      %mul3A_172 = arith.constant 16 : i32
      %mul3A_173 = arith.muli %select_n3A_171, %mul3A_172 : i32
      %get3A_174 = arith.index_cast %multiple_of3A_131 : i32 to index
      %get3A_175 = tpu.vector_load %arg14[%get3A_174] {strides = array<i32>} : memref<10240xi32, #tpu.memory_space<vmem>>, vector<16xi32>,
      %get3A_176 = vector.shape_cast %get3A_175 : vector<16xi32> to vector<16xi32>
      %swap3A_177 = arith.index_cast %select_n3A_155 : i32 to index
      %swap3A_178 = arith.index_cast %mul3A_173 : i32 to index
      %swap3A_179 = tpu.vector_load %arg15[%swap3A_177, %swap3A_178] {strides = array<i32>} : memref<80x128xi32, #tpu.memory_space<vmem>>, vector<1x16xi32>,
      %swap3A_180 = vector.shape_cast %swap3A_179 : vector<1x16xi32> to vector<16xi32>
      %swap3A_181 = vector.shape_cast %get3A_176 : vector<16xi32> to vector<1x16xi32>
      tpu.vector_store %arg15[%swap3A_177, %swap3A_178], %swap3A_181 {strides = array<i32>} : memref<80x128xi32, #tpu.memory_space<vmem>>, vector<1x16xi32>,
      %scan3A_182 = arith.constant 0 : i32
      %scan3A_183 = arith.constant 3 : i32
      %scan3A_184 = arith.addi %scan3A_28, %scan3A_183 : i32
      %mul3A_185 = arith.constant 16 : i32
      %mul3A_186 = arith.muli %scan3A_184, %mul3A_185 : i32
      %multiple_of3A_187 = tpu.assume_multiple %mul3A_186, 16 : i32
      %jit3A_188 = arith.constant 8 : i32
      %div3A_189 = arith.divsi %scan3A_184, %jit3A_188 : i32
      %sign3A_190 = arith.constant 0 : i32
      %sign3A_191 = arith.cmpi sgt, %scan3A_184, %sign3A_190 : i32
      %sign3A_192 = arith.extui %sign3A_191 : i1 to i32
      %sign3A_193 = arith.constant 0 : i32
      %sign3A_194 = arith.cmpi slt, %scan3A_184, %sign3A_193 : i32
      %sign3A_195 = arith.extui %sign3A_194 : i1 to i32
      %sign3A_196 = arith.subi %sign3A_192, %sign3A_195 : i32
      %sign3A_197 = arith.constant 0 : i32
      %sign3A_198 = arith.cmpi sgt, %jit3A_188, %sign3A_197 : i32
      %sign3A_199 = arith.extui %sign3A_198 : i1 to i32
      %sign3A_200 = arith.constant 0 : i32
      %sign3A_201 = arith.cmpi slt, %jit3A_188, %sign3A_200 : i32
      %sign3A_202 = arith.extui %sign3A_201 : i1 to i32
      %sign3A_203 = arith.subi %sign3A_199, %sign3A_202 : i32
      %ne3A_204 = arith.cmpi ne, %sign3A_196, %sign3A_203 : i32
      %rem3A_205 = arith.remsi %scan3A_184, %jit3A_188 : i32
      %ne3A_206 = arith.constant 0 : i32
      %ne3A_207 = arith.cmpi ne, %rem3A_205, %ne3A_206 : i32
      %and3A_208 = arith.andi %ne3A_204, %ne3A_207 : i1
      %sub3A_209 = arith.constant 1 : i32
      %sub3A_210 = arith.subi %div3A_189, %sub3A_209 : i32
      %select_n3A_211 = arith.select %and3A_208, %sub3A_210, %div3A_189 : i32
      %jit3A_212 = arith.constant 8 : i32
      %eq3A_213 = arith.constant 0 : i32
      %eq3A_214 = arith.cmpi eq, %jit3A_212, %eq3A_213 : i32
      %jit3A_215 = arith.constant 1 : i32
      %select_n3A_216 = arith.select %eq3A_214, %jit3A_215, %jit3A_212 : i32
      %rem3A_217 = arith.remsi %scan3A_184, %select_n3A_216 : i32
      %ne3A_218 = arith.constant 0 : i32
      %ne3A_219 = arith.cmpi ne, %rem3A_217, %ne3A_218 : i32
      %lt3A_220 = arith.constant 0 : i32
      %lt3A_221 = arith.cmpi slt, %rem3A_217, %lt3A_220 : i32
      %lt3A_222 = arith.constant 0 : i32
      %lt3A_223 = arith.cmpi slt, %select_n3A_216, %lt3A_222 : i32
      %ne3A_224 = arith.xori %lt3A_221, %lt3A_223 : i1
      %and3A_225 = arith.andi %ne3A_224, %ne3A_219 : i1
      %add3A_226 = arith.addi %rem3A_217, %select_n3A_216 : i32
      %select_n3A_227 = arith.select %and3A_225, %add3A_226, %rem3A_217 : i32
      %mul3A_228 = arith.constant 16 : i32
      %mul3A_229 = arith.muli %select_n3A_227, %mul3A_228 : i32
      %get3A_230 = arith.index_cast %multiple_of3A_187 : i32 to index
      %get3A_231 = tpu.vector_load %arg14[%get3A_230] {strides = array<i32>} : memref<10240xi32, #tpu.memory_space<vmem>>, vector<16xi32>,
      %get3A_232 = vector.shape_cast %get3A_231 : vector<16xi32> to vector<16xi32>
      %swap3A_233 = arith.index_cast %select_n3A_211 : i32 to index
      %swap3A_234 = arith.index_cast %mul3A_229 : i32 to index
      %swap3A_235 = tpu.vector_load %arg15[%swap3A_233, %swap3A_234] {strides = array<i32>} : memref<80x128xi32, #tpu.memory_space<vmem>>, vector<1x16xi32>,
      %swap3A_236 = vector.shape_cast %swap3A_235 : vector<1x16xi32> to vector<16xi32>
      %swap3A_237 = vector.shape_cast %get3A_232 : vector<16xi32> to vector<1x16xi32>
      tpu.vector_store %arg15[%swap3A_233, %swap3A_234], %swap3A_237 {strides = array<i32>} : memref<80x128xi32, #tpu.memory_space<vmem>>, vector<1x16xi32>,
      %scan3A_238 = arith.constant 0 : i32
      %scan3A_239 = arith.constant 4 : i32
      %scan3A_240 = arith.addi %scan3A_28, %scan3A_239 : i32
      %mul3A_241 = arith.constant 16 : i32
      %mul3A_242 = arith.muli %scan3A_240, %mul3A_241 : i32
      %multiple_of3A_243 = tpu.assume_multiple %mul3A_242, 16 : i32
      %jit3A_244 = arith.constant 8 : i32
      %div3A_245 = arith.divsi %scan3A_240, %jit3A_244 : i32
      %sign3A_246 = arith.constant 0 : i32
      %sign3A_247 = arith.cmpi sgt, %scan3A_240, %sign3A_246 : i32
      %sign3A_248 = arith.extui %sign3A_247 : i1 to i32
      %sign3A_249 = arith.constant 0 : i32
      %sign3A_250 = arith.cmpi slt, %scan3A_240, %sign3A_249 : i32
      %sign3A_251 = arith.extui %sign3A_250 : i1 to i32
      %sign3A_252 = arith.subi %sign3A_248, %sign3A_251 : i32
      %sign3A_253 = arith.constant 0 : i32
      %sign3A_254 = arith.cmpi sgt, %jit3A_244, %sign3A_253 : i32
      %sign3A_255 = arith.extui %sign3A_254 : i1 to i32
      %sign3A_256 = arith.constant 0 : i32
      %sign3A_257 = arith.cmpi slt, %jit3A_244, %sign3A_256 : i32
      %sign3A_258 = arith.extui %sign3A_257 : i1 to i32
      %sign3A_259 = arith.subi %sign3A_255, %sign3A_258 : i32
      %ne3A_260 = arith.cmpi ne, %sign3A_252, %sign3A_259 : i32
      %rem3A_261 = arith.remsi %scan3A_240, %jit3A_244 : i32
      %ne3A_262 = arith.constant 0 : i32
      %ne3A_263 = arith.cmpi ne, %rem3A_261, %ne3A_262 : i32
      %and3A_264 = arith.andi %ne3A_260, %ne3A_263 : i1
      %sub3A_265 = arith.constant 1 : i32
      %sub3A_266 = arith.subi %div3A_245, %sub3A_265 : i32
      %select_n3A_267 = arith.select %and3A_264, %sub3A_266, %div3A_245 : i32
      %jit3A_268 = arith.constant 8 : i32
      %eq3A_269 = arith.constant 0 : i32
      %eq3A_270 = arith.cmpi eq, %jit3A_268, %eq3A_269 : i32
      %jit3A_271 = arith.constant 1 : i32
      %select_n3A_272 = arith.select %eq3A_270, %jit3A_271, %jit3A_268 : i32
      %rem3A_273 = arith.remsi %scan3A_240, %select_n3A_272 : i32
      %ne3A_274 = arith.constant 0 : i32
      %ne3A_275 = arith.cmpi ne, %rem3A_273, %ne3A_274 : i32
      %lt3A_276 = arith.constant 0 : i32
      %lt3A_277 = arith.cmpi slt, %rem3A_273, %lt3A_276 : i32
      %lt3A_278 = arith.constant 0 : i32
      %lt3A_279 = arith.cmpi slt, %select_n3A_272, %lt3A_278 : i32
      %ne3A_280 = arith.xori %lt3A_277, %lt3A_279 : i1
      %and3A_281 = arith.andi %ne3A_280, %ne3A_275 : i1
      %add3A_282 = arith.addi %rem3A_273, %select_n3A_272 : i32
      %select_n3A_283 = arith.select %and3A_281, %add3A_282, %rem3A_273 : i32
      %mul3A_284 = arith.constant 16 : i32
      %mul3A_285 = arith.muli %select_n3A_283, %mul3A_284 : i32
      %get3A_286 = arith.index_cast %multiple_of3A_243 : i32 to index
      %get3A_287 = tpu.vector_load %arg14[%get3A_286] {strides = array<i32>} : memref<10240xi32, #tpu.memory_space<vmem>>, vector<16xi32>,
      %get3A_288 = vector.shape_cast %get3A_287 : vector<16xi32> to vector<16xi32>
      %swap3A_289 = arith.index_cast %select_n3A_267 : i32 to index
      %swap3A_290 = arith.index_cast %mul3A_285 : i32 to index
      %swap3A_291 = tpu.vector_load %arg15[%swap3A_289, %swap3A_290] {strides = array<i32>} : memref<80x128xi32, #tpu.memory_space<vmem>>, vector<1x16xi32>,
      %swap3A_292 = vector.shape_cast %swap3A_291 : vector<1x16xi32> to vector<16xi32>
      %swap3A_293 = vector.shape_cast %get3A_288 : vector<16xi32> to vector<1x16xi32>
      tpu.vector_store %arg15[%swap3A_289, %swap3A_290], %swap3A_293 {strides = array<i32>} : memref<80x128xi32, #tpu.memory_space<vmem>>, vector<1x16xi32>,
      %scan3A_294 = arith.constant 0 : i32
      %scan3A_295 = arith.constant 5 : i32
      %scan3A_296 = arith.addi %scan3A_28, %scan3A_295 : i32
      %mul3A_297 = arith.constant 16 : i32
      %mul3A_298 = arith.muli %scan3A_296, %mul3A_297 : i32
      %multiple_of3A_299 = tpu.assume_multiple %mul3A_298, 16 : i32
      %jit3A_300 = arith.constant 8 : i32
      %div3A_301 = arith.divsi %scan3A_296, %jit3A_300 : i32
      %sign3A_302 = arith.constant 0 : i32
      %sign3A_303 = arith.cmpi sgt, %scan3A_296, %sign3A_302 : i32
      %sign3A_304 = arith.extui %sign3A_303 : i1 to i32
      %sign3A_305 = arith.constant 0 : i32
      %sign3A_306 = arith.cmpi slt, %scan3A_296, %sign3A_305 : i32
      %sign3A_307 = arith.extui %sign3A_306 : i1 to i32
      %sign3A_308 = arith.subi %sign3A_304, %sign3A_307 : i32
      %sign3A_309 = arith.constant 0 : i32
      %sign3A_310 = arith.cmpi sgt, %jit3A_300, %sign3A_309 : i32
      %sign3A_311 = arith.extui %sign3A_310 : i1 to i32
      %sign3A_312 = arith.constant 0 : i32
      %sign3A_313 = arith.cmpi slt, %jit3A_300, %sign3A_312 : i32
      %sign3A_314 = arith.extui %sign3A_313 : i1 to i32
      %sign3A_315 = arith.subi %sign3A_311, %sign3A_314 : i32
      %ne3A_316 = arith.cmpi ne, %sign3A_308, %sign3A_315 : i32
      %rem3A_317 = arith.remsi %scan3A_296, %jit3A_300 : i32
      %ne3A_318 = arith.constant 0 : i32
      %ne3A_319 = arith.cmpi ne, %rem3A_317, %ne3A_318 : i32
      %and3A_320 = arith.andi %ne3A_316, %ne3A_319 : i1
      %sub3A_321 = arith.constant 1 : i32
      %sub3A_322 = arith.subi %div3A_301, %sub3A_321 : i32
      %select_n3A_323 = arith.select %and3A_320, %sub3A_322, %div3A_301 : i32
      %jit3A_324 = arith.constant 8 : i32
      %eq3A_325 = arith.constant 0 : i32
      %eq3A_326 = arith.cmpi eq, %jit3A_324, %eq3A_325 : i32
      %jit3A_327 = arith.constant 1 : i32
      %select_n3A_328 = arith.select %eq3A_326, %jit3A_327, %jit3A_324 : i32
      %rem3A_329 = arith.remsi %scan3A_296, %select_n3A_328 : i32
      %ne3A_330 = arith.constant 0 : i32
      %ne3A_331 = arith.cmpi ne, %rem3A_329, %ne3A_330 : i32
      %lt3A_332 = arith.constant 0 : i32
      %lt3A_333 = arith.cmpi slt, %rem3A_329, %lt3A_332 : i32
      %lt3A_334 = arith.constant 0 : i32
      %lt3A_335 = arith.cmpi slt, %select_n3A_328, %lt3A_334 : i32
      %ne3A_336 = arith.xori %lt3A_333, %lt3A_335 : i1
      %and3A_337 = arith.andi %ne3A_336, %ne3A_331 : i1
      %add3A_338 = arith.addi %rem3A_329, %select_n3A_328 : i32
      %select_n3A_339 = arith.select %and3A_337, %add3A_338, %rem3A_329 : i32
      %mul3A_340 = arith.constant 16 : i32
      %mul3A_341 = arith.muli %select_n3A_339, %mul3A_340 : i32
      %get3A_342 = arith.index_cast %multiple_of3A_299 : i32 to index
      %get3A_343 = tpu.vector_load %arg14[%get3A_342] {strides = array<i32>} : memref<10240xi32, #tpu.memory_space<vmem>>, vector<16xi32>,
      %get3A_344 = vector.shape_cast %get3A_343 : vector<16xi32> to vector<16xi32>
      %swap3A_345 = arith.index_cast %select_n3A_323 : i32 to index
      %swap3A_346 = arith.index_cast %mul3A_341 : i32 to index
      %swap3A_347 = tpu.vector_load %arg15[%swap3A_345, %swap3A_346] {strides = array<i32>} : memref<80x128xi32, #tpu.memory_space<vmem>>, vector<1x16xi32>,
      %swap3A_348 = vector.shape_cast %swap3A_347 : vector<1x16xi32> to vector<16xi32>
      %swap3A_349 = vector.shape_cast %get3A_344 : vector<16xi32> to vector<1x16xi32>
      tpu.vector_store %arg15[%swap3A_345, %swap3A_346], %swap3A_349 {strides = array<i32>} : memref<80x128xi32, #tpu.memory_space<vmem>>, vector<1x16xi32>,
      %scan3A_350 = arith.constant 0 : i32
      %scan3A_351 = arith.constant 6 : i32
      %scan3A_352 = arith.addi %scan3A_28, %scan3A_351 : i32
      %mul3A_353 = arith.constant 16 : i32
      %mul3A_354 = arith.muli %scan3A_352, %mul3A_353 : i32
      %multiple_of3A_355 = tpu.assume_multiple %mul3A_354, 16 : i32
      %jit3A_356 = arith.constant 8 : i32
      %div3A_357 = arith.divsi %scan3A_352, %jit3A_356 : i32
      %sign3A_358 = arith.constant 0 : i32
      %sign3A_359 = arith.cmpi sgt, %scan3A_352, %sign3A_358 : i32
      %sign3A_360 = arith.extui %sign3A_359 : i1 to i32
      %sign3A_361 = arith.constant 0 : i32
      %sign3A_362 = arith.cmpi slt, %scan3A_352, %sign3A_361 : i32
      %sign3A_363 = arith.extui %sign3A_362 : i1 to i32
      %sign3A_364 = arith.subi %sign3A_360, %sign3A_363 : i32
      %sign3A_365 = arith.constant 0 : i32
      %sign3A_366 = arith.cmpi sgt, %jit3A_356, %sign3A_365 : i32
      %sign3A_367 = arith.extui %sign3A_366 : i1 to i32
      %sign3A_368 = arith.constant 0 : i32
      %sign3A_369 = arith.cmpi slt, %jit3A_356, %sign3A_368 : i32
      %sign3A_370 = arith.extui %sign3A_369 : i1 to i32
      %sign3A_371 = arith.subi %sign3A_367, %sign3A_370 : i32
      %ne3A_372 = arith.cmpi ne, %sign3A_364, %sign3A_371 : i32
      %rem3A_373 = arith.remsi %scan3A_352, %jit3A_356 : i32
      %ne3A_374 = arith.constant 0 : i32
      %ne3A_375 = arith.cmpi ne, %rem3A_373, %ne3A_374 : i32
      %and3A_376 = arith.andi %ne3A_372, %ne3A_375 : i1
      %sub3A_377 = arith.constant 1 : i32
      %sub3A_378 = arith.subi %div3A_357, %sub3A_377 : i32
      %select_n3A_379 = arith.select %and3A_376, %sub3A_378, %div3A_357 : i32
      %jit3A_380 = arith.constant 8 : i32
      %eq3A_381 = arith.constant 0 : i32
      %eq3A_382 = arith.cmpi eq, %jit3A_380, %eq3A_381 : i32
      %jit3A_383 = arith.constant 1 : i32
      %select_n3A_384 = arith.select %eq3A_382, %jit3A_383, %jit3A_380 : i32
      %rem3A_385 = arith.remsi %scan3A_352, %select_n3A_384 : i32
      %ne3A_386 = arith.constant 0 : i32
      %ne3A_387 = arith.cmpi ne, %rem3A_385, %ne3A_386 : i32
      %lt3A_388 = arith.constant 0 : i32
      %lt3A_389 = arith.cmpi slt, %rem3A_385, %lt3A_388 : i32
      %lt3A_390 = arith.constant 0 : i32
      %lt3A_391 = arith.cmpi slt, %select_n3A_384, %lt3A_390 : i32
      %ne3A_392 = arith.xori %lt3A_389, %lt3A_391 : i1
      %and3A_393 = arith.andi %ne3A_392, %ne3A_387 : i1
      %add3A_394 = arith.addi %rem3A_385, %select_n3A_384 : i32
      %select_n3A_395 = arith.select %and3A_393, %add3A_394, %rem3A_385 : i32
      %mul3A_396 = arith.constant 16 : i32
      %mul3A_397 = arith.muli %select_n3A_395, %mul3A_396 : i32
      %get3A_398 = arith.index_cast %multiple_of3A_355 : i32 to index
      %get3A_399 = tpu.vector_load %arg14[%get3A_398] {strides = array<i32>} : memref<10240xi32, #tpu.memory_space<vmem>>, vector<16xi32>,
      %get3A_400 = vector.shape_cast %get3A_399 : vector<16xi32> to vector<16xi32>
      %swap3A_401 = arith.index_cast %select_n3A_379 : i32 to index
      %swap3A_402 = arith.index_cast %mul3A_397 : i32 to index
      %swap3A_403 = tpu.vector_load %arg15[%swap3A_401, %swap3A_402] {strides = array<i32>} : memref<80x128xi32, #tpu.memory_space<vmem>>, vector<1x16xi32>,
      %swap3A_404 = vector.shape_cast %swap3A_403 : vector<1x16xi32> to vector<16xi32>
      %swap3A_405 = vector.shape_cast %get3A_400 : vector<16xi32> to vector<1x16xi32>
      tpu.vector_store %arg15[%swap3A_401, %swap3A_402], %swap3A_405 {strides = array<i32>} : memref<80x128xi32, #tpu.memory_space<vmem>>, vector<1x16xi32>,
      %scan3A_406 = arith.constant 0 : i32
      %scan3A_407 = arith.constant 7 : i32
      %scan3A_408 = arith.addi %scan3A_28, %scan3A_407 : i32
      %mul3A_409 = arith.constant 16 : i32
      %mul3A_410 = arith.muli %scan3A_408, %mul3A_409 : i32
      %multiple_of3A_411 = tpu.assume_multiple %mul3A_410, 16 : i32
      %jit3A_412 = arith.constant 8 : i32
      %div3A_413 = arith.divsi %scan3A_408, %jit3A_412 : i32
      %sign3A_414 = arith.constant 0 : i32
      %sign3A_415 = arith.cmpi sgt, %scan3A_408, %sign3A_414 : i32
      %sign3A_416 = arith.extui %sign3A_415 : i1 to i32
      %sign3A_417 = arith.constant 0 : i32
      %sign3A_418 = arith.cmpi slt, %scan3A_408, %sign3A_417 : i32
      %sign3A_419 = arith.extui %sign3A_418 : i1 to i32
      %sign3A_420 = arith.subi %sign3A_416, %sign3A_419 : i32
      %sign3A_421 = arith.constant 0 : i32
      %sign3A_422 = arith.cmpi sgt, %jit3A_412, %sign3A_421 : i32
      %sign3A_423 = arith.extui %sign3A_422 : i1 to i32
      %sign3A_424 = arith.constant 0 : i32
      %sign3A_425 = arith.cmpi slt, %jit3A_412, %sign3A_424 : i32
      %sign3A_426 = arith.extui %sign3A_425 : i1 to i32
      %sign3A_427 = arith.subi %sign3A_423, %sign3A_426 : i32
      %ne3A_428 = arith.cmpi ne, %sign3A_420, %sign3A_427 : i32
      %rem3A_429 = arith.remsi %scan3A_408, %jit3A_412 : i32
      %ne3A_430 = arith.constant 0 : i32
      %ne3A_431 = arith.cmpi ne, %rem3A_429, %ne3A_430 : i32
      %and3A_432 = arith.andi %ne3A_428, %ne3A_431 : i1
      %sub3A_433 = arith.constant 1 : i32
      %sub3A_434 = arith.subi %div3A_413, %sub3A_433 : i32
      %select_n3A_435 = arith.select %and3A_432, %sub3A_434, %div3A_413 : i32
      %jit3A_436 = arith.constant 8 : i32
      %eq3A_437 = arith.constant 0 : i32
      %eq3A_438 = arith.cmpi eq, %jit3A_436, %eq3A_437 : i32
      %jit3A_439 = arith.constant 1 : i32
      %select_n3A_440 = arith.select %eq3A_438, %jit3A_439, %jit3A_436 : i32
      %rem3A_441 = arith.remsi %scan3A_408, %select_n3A_440 : i32
      %ne3A_442 = arith.constant 0 : i32
      %ne3A_443 = arith.cmpi ne, %rem3A_441, %ne3A_442 : i32
      %lt3A_444 = arith.constant 0 : i32
      %lt3A_445 = arith.cmpi slt, %rem3A_441, %lt3A_444 : i32
      %lt3A_446 = arith.constant 0 : i32
      %lt3A_447 = arith.cmpi slt, %select_n3A_440, %lt3A_446 : i32
      %ne3A_448 = arith.xori %lt3A_445, %lt3A_447 : i1
      %and3A_449 = arith.andi %ne3A_448, %ne3A_443 : i1
      %add3A_450 = arith.addi %rem3A_441, %select_n3A_440 : i32
      %select_n3A_451 = arith.select %and3A_449, %add3A_450, %rem3A_441 : i32
      %mul3A_452 = arith.constant 16 : i32
      %mul3A_453 = arith.muli %select_n3A_451, %mul3A_452 : i32
      %get3A_454 = arith.index_cast %multiple_of3A_411 : i32 to index
      %get3A_455 = tpu.vector_load %arg14[%get3A_454] {strides = array<i32>} : memref<10240xi32, #tpu.memory_space<vmem>>, vector<16xi32>,
      %get3A_456 = vector.shape_cast %get3A_455 : vector<16xi32> to vector<16xi32>
      %swap3A_457 = arith.index_cast %select_n3A_435 : i32 to index
      %swap3A_458 = arith.index_cast %mul3A_453 : i32 to index
      %swap3A_459 = tpu.vector_load %arg15[%swap3A_457, %swap3A_458] {strides = array<i32>} : memref<80x128xi32, #tpu.memory_space<vmem>>, vector<1x16xi32>,
      %swap3A_460 = vector.shape_cast %swap3A_459 : vector<1x16xi32> to vector<16xi32>
      %swap3A_461 = vector.shape_cast %get3A_456 : vector<16xi32> to vector<1x16xi32>
      tpu.vector_store %arg15[%swap3A_457, %swap3A_458], %swap3A_461 {strides = array<i32>} : memref<80x128xi32, #tpu.memory_space<vmem>>, vector<1x16xi32>,
      %scan3A_462 = arith.constant 0 : i32
      scf.yield %scan3A_462 : i32
    }
    %scan3A_10 = arith.constant 640 : i32
    %eq3A = arith.constant 0 : i32
    %eq3A_11 = arith.cmpi eq, %arg0, %eq3A : i32
    %convert_element_type3A = arith.extui %eq3A_11 : i1 to i32
    %cond3A = arith.constant 0 : i32
    %cond3A_12 = arith.cmpi ne, %convert_element_type3A, %cond3A : i32
    scf.if %cond3A_12 {
      "tpu.region"() ({
        %run_scoped3A = tpu.sem_alloc : memref<!tpu.dma_semaphore, #tpu.memory_space<semaphore_mem>>
        %dma_start3A = arith.constant 0 : i32
        %dma_start3A_46 = tpu.memref_slice %arg12[%mul3A_0, %dma_start3A] : memref<10016x128xf32, #tpu.memory_space<vmem_shared>> -> memref<624x128xf32, #tpu.memory_space<vmem_shared>>
        %dma_start3A_47 = arith.constant 0 : i32
        %dma_start3A_48 = tpu.memref_slice %arg2[%mul3A_0, %dma_start3A_47] : memref<10000x128xf32, #tpu.memory_space<hbm>> -> memref<624x128xf32, #tpu.memory_space<hbm>>
        tpu.enqueue_dma source(%dma_start3A_48 : memref<624x128xf32, #tpu.memory_space<hbm>>) target(%dma_start3A_46 : memref<624x128xf32, #tpu.memory_space<vmem_shared>>) target_semaphore(%run_scoped3A : memref<!tpu.dma_semaphore, #tpu.memory_space<semaphore_mem>>)
        %dma_wait3A = arith.constant 0 : i32
        %dma_wait3A_49 = tpu.memref_slice %arg12[%mul3A_0, %dma_wait3A] : memref<10016x128xf32, #tpu.memory_space<vmem_shared>> -> memref<624x128xf32, #tpu.memory_space<vmem_shared>>
        %dma_wait3A_50 = arith.constant 0 : i32
        %dma_wait3A_51 = tpu.memref_slice %arg2[%mul3A_0, %dma_wait3A_50] : memref<10000x128xf32, #tpu.memory_space<hbm>> -> memref<624x128xf32, #tpu.memory_space<hbm>>
        tpu.wait_dma2 semaphore(%run_scoped3A : memref<!tpu.dma_semaphore, #tpu.memory_space<semaphore_mem>>) src(%dma_wait3A_51 : memref<624x128xf32, #tpu.memory_space<hbm>>) dst(%dma_wait3A_49 : memref<624x128xf32, #tpu.memory_space<vmem_shared>>)
        tpu.yield
      }) : () -> ()
      %eq3A_28 = arith.constant 15 : i32
      %eq3A_29 = arith.cmpi eq, %arg1, %eq3A_28 : i32
      %convert_element_type3A_30 = arith.extui %eq3A_29 : i1 to i32
      %cond3A_31 = arith.constant 0 : i32
      %cond3A_32 = arith.cmpi ne, %convert_element_type3A_30, %cond3A_31 : i32
      scf.if %cond3A_32 {
        "tpu.region"() ({
          %run_scoped3A = tpu.sem_alloc : memref<!tpu.dma_semaphore, #tpu.memory_space<semaphore_mem>>
          %dma_start3A = arith.constant 9984 : i32
          %dma_start3A_46 = arith.constant 0 : i32
          %dma_start3A_47 = tpu.memref_slice %arg12[%dma_start3A, %dma_start3A_46] : memref<10016x128xf32, #tpu.memory_space<vmem_shared>> -> memref<16x128xf32, #tpu.memory_space<vmem_shared>>
          %dma_start3A_48 = arith.constant 9984 : i32
          %dma_start3A_49 = arith.constant 0 : i32
          %dma_start3A_50 = tpu.memref_slice %arg2[%dma_start3A_48, %dma_start3A_49] : memref<10000x128xf32, #tpu.memory_space<hbm>> -> memref<16x128xf32, #tpu.memory_space<hbm>>
          tpu.enqueue_dma source(%dma_start3A_50 : memref<16x128xf32, #tpu.memory_space<hbm>>) target(%dma_start3A_47 : memref<16x128xf32, #tpu.memory_space<vmem_shared>>) target_semaphore(%run_scoped3A : memref<!tpu.dma_semaphore, #tpu.memory_space<semaphore_mem>>)
          %dma_wait3A = arith.constant 9984 : i32
          %dma_wait3A_51 = arith.constant 0 : i32
          %dma_wait3A_52 = tpu.memref_slice %arg12[%dma_wait3A, %dma_wait3A_51] : memref<10016x128xf32, #tpu.memory_space<vmem_shared>> -> memref<16x128xf32, #tpu.memory_space<vmem_shared>>
          %dma_wait3A_53 = arith.constant 9984 : i32
          %dma_wait3A_54 = arith.constant 0 : i32
          %dma_wait3A_55 = tpu.memref_slice %arg2[%dma_wait3A_53, %dma_wait3A_54] : memref<10000x128xf32, #tpu.memory_space<hbm>> -> memref<16x128xf32, #tpu.memory_space<hbm>>
          tpu.wait_dma2 semaphore(%run_scoped3A : memref<!tpu.dma_semaphore, #tpu.memory_space<semaphore_mem>>) src(%dma_wait3A_55 : memref<16x128xf32, #tpu.memory_space<hbm>>) dst(%dma_wait3A_52 : memref<16x128xf32, #tpu.memory_space<vmem_shared>>)
          tpu.yield
        }) : () -> ()
      } else {
      }
      %barrier3A = arith.constant 0 : index
      tpu.barrier barrier_id(%barrier3A)
      %scan3A_33 = arith.constant 0 : i32
      %scan3A_34 = arith.constant 0 : i32
      %scan3A_35 = arith.constant 80 : i32
      %scan3A_36 = arith.addi %scan3A_34, %scan3A_35 : i32
      %scan3A_37 = arith.constant 1 : i32
      %scan3A_38 = scf.for %scan3A_46 = %scan3A_34 to %scan3A_36 step %scan3A_37 iter_args(%scan3A_47 = %scan3A_33) -> (i32)  : i32 {
        %mul3A_48 = arith.constant 128 : i32
        %mul3A_49 = arith.muli %scan3A_46, %mul3A_48 : i32
        %multiple_of3A = tpu.assume_multiple %mul3A_49, 128 : i32
        %dma_start3A = tpu.memref_slice %arg13[%multiple_of3A] : memref<10240xi32, #tpu.memory_space<vmem>> -> memref<128xi32, #tpu.memory_space<vmem>>
        %dma_start3A_50 = arith.constant 0 : i32
        %dma_start3A_51 = arith.constant 0 : i32
        %dma_start3A_52 = tpu.memref_slice %arg2[%dma_start3A_50, %dma_start3A_51] : memref<10000x128xf32, #tpu.memory_space<hbm>> -> memref<10000x128xf32, #tpu.memory_space<hbm>>
        tpu.enqueue_indirect_dma source(%dma_start3A_52 : memref<10000x128xf32, #tpu.memory_space<hbm>>) target(%arg16 : memref<128x128xf32, #tpu.memory_space<vmem>>) offsets(%dma_start3A : memref<128xi32, #tpu.memory_space<vmem>>) semaphore(%arg17 : memref<!tpu.dma_semaphore, #tpu.memory_space<semaphore_mem>>)
        %dma_wait3A = arith.constant 0 : i32
        %dma_wait3A_53 = arith.constant 0 : i32
        %dma_wait3A_54 = tpu.memref_slice %arg2[%dma_wait3A, %dma_wait3A_53] : memref<10000x128xf32, #tpu.memory_space<hbm>> -> memref<128x128xf32, #tpu.memory_space<hbm>>
        %dma_wait3A_55 = arith.constant 0 : i32
        %dma_wait3A_56 = arith.constant 0 : i32
        %dma_wait3A_57 = tpu.memref_slice %arg2[%dma_wait3A_55, %dma_wait3A_56] : memref<10000x128xf32, #tpu.memory_space<hbm>> -> memref<128x128xf32, #tpu.memory_space<hbm>>
        tpu.wait_dma2 semaphore(%arg17 : memref<!tpu.dma_semaphore, #tpu.memory_space<semaphore_mem>>) src(%dma_wait3A_57 : memref<128x128xf32, #tpu.memory_space<hbm>>) dst(%arg16 : memref<128x128xf32, #tpu.memory_space<vmem>>)
        "tpu.region"() ({
          %run_scoped3A = tpu.sem_alloc : memref<!tpu.dma_semaphore, #tpu.memory_space<semaphore_mem>>
          %dma_start3A_59 = arith.constant 0 : i32
          %dma_start3A_60 = tpu.memref_slice %arg15[%scan3A_46, %dma_start3A_59] : memref<80x128xi32, #tpu.memory_space<vmem>> -> memref<1x128xi32, #tpu.memory_space<vmem>>
          %dma_start3A_61 = tpu.memref_squeeze %dma_start3A_60 : memref<1x128xi32, #tpu.memory_space<vmem>> -> memref<128xi32, #tpu.memory_space<vmem>>
          %dma_start3A_62 = arith.constant 0 : i32
          %dma_start3A_63 = arith.constant 0 : i32
          %dma_start3A_64 = tpu.memref_slice %arg12[%dma_start3A_62, %dma_start3A_63] : memref<10016x128xf32, #tpu.memory_space<vmem_shared>> -> memref<10016x128xf32, #tpu.memory_space<vmem_shared>>
          tpu.enqueue_indirect_dma source(%arg16 : memref<128x128xf32, #tpu.memory_space<vmem>>) target(%dma_start3A_64 : memref<10016x128xf32, #tpu.memory_space<vmem_shared>>) offsets(%dma_start3A_61 : memref<128xi32, #tpu.memory_space<vmem>>) semaphore(%run_scoped3A : memref<!tpu.dma_semaphore, #tpu.memory_space<semaphore_mem>>) {add = true}
          %dma_wait3A_65 = arith.constant 0 : i32
          %dma_wait3A_66 = tpu.memref_slice %arg15[%scan3A_46, %dma_wait3A_65] : memref<80x128xi32, #tpu.memory_space<vmem>> -> memref<1x128xi32, #tpu.memory_space<vmem>>
          %dma_wait3A_67 = tpu.memref_squeeze %dma_wait3A_66 : memref<1x128xi32, #tpu.memory_space<vmem>> -> memref<128xi32, #tpu.memory_space<vmem>>
          %dma_wait3A_68 = arith.constant 0 : i32
          %dma_wait3A_69 = arith.constant 0 : i32
          %dma_wait3A_70 = tpu.memref_slice %arg12[%dma_wait3A_68, %dma_wait3A_69] : memref<10016x128xf32, #tpu.memory_space<vmem_shared>> -> memref<10016x128xf32, #tpu.memory_space<vmem_shared>>
          tpu.wait_indirect_dma semaphore(%run_scoped3A : memref<!tpu.dma_semaphore, #tpu.memory_space<semaphore_mem>>) src(%arg16 : memref<128x128xf32, #tpu.memory_space<vmem>>) dst(%dma_wait3A_70 : memref<10016x128xf32, #tpu.memory_space<vmem_shared>>)
          tpu.yield
        }) : () -> ()
        %scan3A_58 = arith.constant 0 : i32
        scf.yield %scan3A_58 : i32
      }
      %scan3A_39 = arith.constant 80 : i32
      %barrier3A_40 = arith.constant 0 : index
      tpu.barrier barrier_id(%barrier3A_40)
      "tpu.region"() ({
        %run_scoped3A = tpu.sem_alloc : memref<!tpu.dma_semaphore, #tpu.memory_space<semaphore_mem>>
        %dma_start3A = arith.constant 0 : i32
        %dma_start3A_46 = tpu.memref_slice %arg8[%mul3A_0, %dma_start3A] : memref<10000x128xf32, #tpu.memory_space<hbm>> -> memref<624x128xf32, #tpu.memory_space<hbm>>
        %dma_start3A_47 = arith.constant 0 : i32
        %dma_start3A_48 = tpu.memref_slice %arg12[%mul3A_0, %dma_start3A_47] : memref<10016x128xf32, #tpu.memory_space<vmem_shared>> -> memref<624x128xf32, #tpu.memory_space<vmem_shared>>
        tpu.enqueue_dma source(%dma_start3A_48 : memref<624x128xf32, #tpu.memory_space<vmem_shared>>) target(%dma_start3A_46 : memref<624x128xf32, #tpu.memory_space<hbm>>) target_semaphore(%run_scoped3A : memref<!tpu.dma_semaphore, #tpu.memory_space<semaphore_mem>>)
        %dma_wait3A = arith.constant 0 : i32
        %dma_wait3A_49 = tpu.memref_slice %arg8[%mul3A_0, %dma_wait3A] : memref<10000x128xf32, #tpu.memory_space<hbm>> -> memref<624x128xf32, #tpu.memory_space<hbm>>
        %dma_wait3A_50 = arith.constant 0 : i32
        %dma_wait3A_51 = tpu.memref_slice %arg12[%mul3A_0, %dma_wait3A_50] : memref<10016x128xf32, #tpu.memory_space<vmem_shared>> -> memref<624x128xf32, #tpu.memory_space<vmem_shared>>
        tpu.wait_dma2 semaphore(%run_scoped3A : memref<!tpu.dma_semaphore, #tpu.memory_space<semaphore_mem>>) src(%dma_wait3A_51 : memref<624x128xf32, #tpu.memory_space<vmem_shared>>) dst(%dma_wait3A_49 : memref<624x128xf32, #tpu.memory_space<hbm>>)
        tpu.yield
      }) : () -> ()
      %eq3A_41 = arith.constant 15 : i32
      %eq3A_42 = arith.cmpi eq, %arg1, %eq3A_41 : i32
      %convert_element_type3A_43 = arith.extui %eq3A_42 : i1 to i32
      %cond3A_44 = arith.constant 0 : i32
      %cond3A_45 = arith.cmpi ne, %convert_element_type3A_43, %cond3A_44 : i32
      scf.if %cond3A_45 {
        "tpu.region"() ({
          %run_scoped3A = tpu.sem_alloc : memref<!tpu.dma_semaphore, #tpu.memory_space<semaphore_mem>>
          %dma_start3A = arith.constant 9984 : i32
          %dma_start3A_46 = arith.constant 0 : i32
          %dma_start3A_47 = tpu.memref_slice %arg8[%dma_start3A, %dma_start3A_46] : memref<10000x128xf32, #tpu.memory_space<hbm>> -> memref<16x128xf32, #tpu.memory_space<hbm>>
          %dma_start3A_48 = arith.constant 9984 : i32
          %dma_start3A_49 = arith.constant 0 : i32
          %dma_start3A_50 = tpu.memref_slice %arg12[%dma_start3A_48, %dma_start3A_49] : memref<10016x128xf32, #tpu.memory_space<vmem_shared>> -> memref<16x128xf32, #tpu.memory_space<vmem_shared>>
          tpu.enqueue_dma source(%dma_start3A_50 : memref<16x128xf32, #tpu.memory_space<vmem_shared>>) target(%dma_start3A_47 : memref<16x128xf32, #tpu.memory_space<hbm>>) target_semaphore(%run_scoped3A : memref<!tpu.dma_semaphore, #tpu.memory_space<semaphore_mem>>)
          %dma_wait3A = arith.constant 9984 : i32
          %dma_wait3A_51 = arith.constant 0 : i32
          %dma_wait3A_52 = tpu.memref_slice %arg8[%dma_wait3A, %dma_wait3A_51] : memref<10000x128xf32, #tpu.memory_space<hbm>> -> memref<16x128xf32, #tpu.memory_space<hbm>>
          %dma_wait3A_53 = arith.constant 9984 : i32
          %dma_wait3A_54 = arith.constant 0 : i32
          %dma_wait3A_55 = tpu.memref_slice %arg12[%dma_wait3A_53, %dma_wait3A_54] : memref<10016x128xf32, #tpu.memory_space<vmem_shared>> -> memref<16x128xf32, #tpu.memory_space<vmem_shared>>
          tpu.wait_dma2 semaphore(%run_scoped3A : memref<!tpu.dma_semaphore, #tpu.memory_space<semaphore_mem>>) src(%dma_wait3A_55 : memref<16x128xf32, #tpu.memory_space<vmem_shared>>) dst(%dma_wait3A_52 : memref<16x128xf32, #tpu.memory_space<hbm>>)
          tpu.yield
        }) : () -> ()
      } else {
      }
    } else {
    }
    %eq3A_13 = arith.constant 0 : i32
    %eq3A_14 = arith.cmpi eq, %arg0, %eq3A_13 : i32
    %convert_element_type3A_15 = arith.extui %eq3A_14 : i1 to i32
    %cond3A_16 = arith.constant 0 : i32
    %cond3A_17 = arith.cmpi ne, %convert_element_type3A_15, %cond3A_16 : i32
    scf.if %cond3A_17 {
      %barrier3A = arith.constant 0 : index
      tpu.barrier barrier_id(%barrier3A)
      "tpu.region"() ({
        %run_scoped3A = tpu.sem_alloc : memref<!tpu.dma_semaphore, #tpu.memory_space<semaphore_mem>>
        %dma_start3A = arith.constant 0 : i32
        %dma_start3A_47 = tpu.memref_slice %arg12[%mul3A_0, %dma_start3A] : memref<10016x128xf32, #tpu.memory_space<vmem_shared>> -> memref<624x128xf32, #tpu.memory_space<vmem_shared>>
        %dma_start3A_48 = arith.constant 0 : i32
        %dma_start3A_49 = tpu.memref_slice %arg3[%mul3A_0, %dma_start3A_48] : memref<10000x128xf32, #tpu.memory_space<hbm>> -> memref<624x128xf32, #tpu.memory_space<hbm>>
        tpu.enqueue_dma source(%dma_start3A_49 : memref<624x128xf32, #tpu.memory_space<hbm>>) target(%dma_start3A_47 : memref<624x128xf32, #tpu.memory_space<vmem_shared>>) target_semaphore(%run_scoped3A : memref<!tpu.dma_semaphore, #tpu.memory_space<semaphore_mem>>)
        %dma_wait3A = arith.constant 0 : i32
        %dma_wait3A_50 = tpu.memref_slice %arg12[%mul3A_0, %dma_wait3A] : memref<10016x128xf32, #tpu.memory_space<vmem_shared>> -> memref<624x128xf32, #tpu.memory_space<vmem_shared>>
        %dma_wait3A_51 = arith.constant 0 : i32
        %dma_wait3A_52 = tpu.memref_slice %arg3[%mul3A_0, %dma_wait3A_51] : memref<10000x128xf32, #tpu.memory_space<hbm>> -> memref<624x128xf32, #tpu.memory_space<hbm>>
        tpu.wait_dma2 semaphore(%run_scoped3A : memref<!tpu.dma_semaphore, #tpu.memory_space<semaphore_mem>>) src(%dma_wait3A_52 : memref<624x128xf32, #tpu.memory_space<hbm>>) dst(%dma_wait3A_50 : memref<624x128xf32, #tpu.memory_space<vmem_shared>>)
        tpu.yield
      }) : () -> ()
      %eq3A_28 = arith.constant 15 : i32
      %eq3A_29 = arith.cmpi eq, %arg1, %eq3A_28 : i32
      %convert_element_type3A_30 = arith.extui %eq3A_29 : i1 to i32
      %cond3A_31 = arith.constant 0 : i32
      %cond3A_32 = arith.cmpi ne, %convert_element_type3A_30, %cond3A_31 : i32
      scf.if %cond3A_32 {
        "tpu.region"() ({
          %run_scoped3A = tpu.sem_alloc : memref<!tpu.dma_semaphore, #tpu.memory_space<semaphore_mem>>
          %dma_start3A = arith.constant 9984 : i32
          %dma_start3A_47 = arith.constant 0 : i32
          %dma_start3A_48 = tpu.memref_slice %arg12[%dma_start3A, %dma_start3A_47] : memref<10016x128xf32, #tpu.memory_space<vmem_shared>> -> memref<16x128xf32, #tpu.memory_space<vmem_shared>>
          %dma_start3A_49 = arith.constant 9984 : i32
          %dma_start3A_50 = arith.constant 0 : i32
          %dma_start3A_51 = tpu.memref_slice %arg3[%dma_start3A_49, %dma_start3A_50] : memref<10000x128xf32, #tpu.memory_space<hbm>> -> memref<16x128xf32, #tpu.memory_space<hbm>>
          tpu.enqueue_dma source(%dma_start3A_51 : memref<16x128xf32, #tpu.memory_space<hbm>>) target(%dma_start3A_48 : memref<16x128xf32, #tpu.memory_space<vmem_shared>>) target_semaphore(%run_scoped3A : memref<!tpu.dma_semaphore, #tpu.memory_space<semaphore_mem>>)
          %dma_wait3A = arith.constant 9984 : i32
          %dma_wait3A_52 = arith.constant 0 : i32
          %dma_wait3A_53 = tpu.memref_slice %arg12[%dma_wait3A, %dma_wait3A_52] : memref<10016x128xf32, #tpu.memory_space<vmem_shared>> -> memref<16x128xf32, #tpu.memory_space<vmem_shared>>
          %dma_wait3A_54 = arith.constant 9984 : i32
          %dma_wait3A_55 = arith.constant 0 : i32
          %dma_wait3A_56 = tpu.memref_slice %arg3[%dma_wait3A_54, %dma_wait3A_55] : memref<10000x128xf32, #tpu.memory_space<hbm>> -> memref<16x128xf32, #tpu.memory_space<hbm>>
          tpu.wait_dma2 semaphore(%run_scoped3A : memref<!tpu.dma_semaphore, #tpu.memory_space<semaphore_mem>>) src(%dma_wait3A_56 : memref<16x128xf32, #tpu.memory_space<hbm>>) dst(%dma_wait3A_53 : memref<16x128xf32, #tpu.memory_space<vmem_shared>>)
          tpu.yield
        }) : () -> ()
      } else {
      }
      %barrier3A_33 = arith.constant 0 : index
      tpu.barrier barrier_id(%barrier3A_33)
      %scan3A_34 = arith.constant 0 : i32
      %scan3A_35 = arith.constant 0 : i32
      %scan3A_36 = arith.constant 80 : i32
      %scan3A_37 = arith.addi %scan3A_35, %scan3A_36 : i32
      %scan3A_38 = arith.constant 1 : i32
      %scan3A_39 = scf.for %scan3A_47 = %scan3A_35 to %scan3A_37 step %scan3A_38 iter_args(%scan3A_48 = %scan3A_34) -> (i32)  : i32 {
        %mul3A_49 = arith.constant 128 : i32
        %mul3A_50 = arith.muli %scan3A_47, %mul3A_49 : i32
        %multiple_of3A = tpu.assume_multiple %mul3A_50, 128 : i32
        %dma_start3A = tpu.memref_slice %arg13[%multiple_of3A] : memref<10240xi32, #tpu.memory_space<vmem>> -> memref<128xi32, #tpu.memory_space<vmem>>
        %dma_start3A_51 = arith.constant 0 : i32
        %dma_start3A_52 = arith.constant 0 : i32
        %dma_start3A_53 = tpu.memref_slice %arg3[%dma_start3A_51, %dma_start3A_52] : memref<10000x128xf32, #tpu.memory_space<hbm>> -> memref<10000x128xf32, #tpu.memory_space<hbm>>
        tpu.enqueue_indirect_dma source(%dma_start3A_53 : memref<10000x128xf32, #tpu.memory_space<hbm>>) target(%arg16 : memref<128x128xf32, #tpu.memory_space<vmem>>) offsets(%dma_start3A : memref<128xi32, #tpu.memory_space<vmem>>) semaphore(%arg17 : memref<!tpu.dma_semaphore, #tpu.memory_space<semaphore_mem>>)
        %dma_wait3A = arith.constant 0 : i32
        %dma_wait3A_54 = arith.constant 0 : i32
        %dma_wait3A_55 = tpu.memref_slice %arg3[%dma_wait3A, %dma_wait3A_54] : memref<10000x128xf32, #tpu.memory_space<hbm>> -> memref<128x128xf32, #tpu.memory_space<hbm>>
        %dma_wait3A_56 = arith.constant 0 : i32
        %dma_wait3A_57 = arith.constant 0 : i32
        %dma_wait3A_58 = tpu.memref_slice %arg3[%dma_wait3A_56, %dma_wait3A_57] : memref<10000x128xf32, #tpu.memory_space<hbm>> -> memref<128x128xf32, #tpu.memory_space<hbm>>
        tpu.wait_dma2 semaphore(%arg17 : memref<!tpu.dma_semaphore, #tpu.memory_space<semaphore_mem>>) src(%dma_wait3A_58 : memref<128x128xf32, #tpu.memory_space<hbm>>) dst(%arg16 : memref<128x128xf32, #tpu.memory_space<vmem>>)
        "tpu.region"() ({
          %run_scoped3A = tpu.sem_alloc : memref<!tpu.dma_semaphore, #tpu.memory_space<semaphore_mem>>
          %dma_start3A_60 = arith.constant 0 : i32
          %dma_start3A_61 = tpu.memref_slice %arg15[%scan3A_47, %dma_start3A_60] : memref<80x128xi32, #tpu.memory_space<vmem>> -> memref<1x128xi32, #tpu.memory_space<vmem>>
          %dma_start3A_62 = tpu.memref_squeeze %dma_start3A_61 : memref<1x128xi32, #tpu.memory_space<vmem>> -> memref<128xi32, #tpu.memory_space<vmem>>
          %dma_start3A_63 = arith.constant 0 : i32
          %dma_start3A_64 = arith.constant 0 : i32
          %dma_start3A_65 = tpu.memref_slice %arg12[%dma_start3A_63, %dma_start3A_64] : memref<10016x128xf32, #tpu.memory_space<vmem_shared>> -> memref<10016x128xf32, #tpu.memory_space<vmem_shared>>
          tpu.enqueue_indirect_dma source(%arg16 : memref<128x128xf32, #tpu.memory_space<vmem>>) target(%dma_start3A_65 : memref<10016x128xf32, #tpu.memory_space<vmem_shared>>) offsets(%dma_start3A_62 : memref<128xi32, #tpu.memory_space<vmem>>) semaphore(%run_scoped3A : memref<!tpu.dma_semaphore, #tpu.memory_space<semaphore_mem>>) {add = true}
          %dma_wait3A_66 = arith.constant 0 : i32
          %dma_wait3A_67 = tpu.memref_slice %arg15[%scan3A_47, %dma_wait3A_66] : memref<80x128xi32, #tpu.memory_space<vmem>> -> memref<1x128xi32, #tpu.memory_space<vmem>>
          %dma_wait3A_68 = tpu.memref_squeeze %dma_wait3A_67 : memref<1x128xi32, #tpu.memory_space<vmem>> -> memref<128xi32, #tpu.memory_space<vmem>>
          %dma_wait3A_69 = arith.constant 0 : i32
          %dma_wait3A_70 = arith.constant 0 : i32
          %dma_wait3A_71 = tpu.memref_slice %arg12[%dma_wait3A_69, %dma_wait3A_70] : memref<10016x128xf32, #tpu.memory_space<vmem_shared>> -> memref<10016x128xf32, #tpu.memory_space<vmem_shared>>
          tpu.wait_indirect_dma semaphore(%run_scoped3A : memref<!tpu.dma_semaphore, #tpu.memory_space<semaphore_mem>>) src(%arg16 : memref<128x128xf32, #tpu.memory_space<vmem>>) dst(%dma_wait3A_71 : memref<10016x128xf32, #tpu.memory_space<vmem_shared>>)
          tpu.yield
        }) : () -> ()
        %scan3A_59 = arith.constant 0 : i32
        scf.yield %scan3A_59 : i32
      }
      %scan3A_40 = arith.constant 80 : i32
      %barrier3A_41 = arith.constant 0 : index
      tpu.barrier barrier_id(%barrier3A_41)
      "tpu.region"() ({
        %run_scoped3A = tpu.sem_alloc : memref<!tpu.dma_semaphore, #tpu.memory_space<semaphore_mem>>
        %dma_start3A = arith.constant 0 : i32
        %dma_start3A_47 = tpu.memref_slice %arg9[%mul3A_0, %dma_start3A] : memref<10000x128xf32, #tpu.memory_space<hbm>> -> memref<624x128xf32, #tpu.memory_space<hbm>>
        %dma_start3A_48 = arith.constant 0 : i32
        %dma_start3A_49 = tpu.memref_slice %arg12[%mul3A_0, %dma_start3A_48] : memref<10016x128xf32, #tpu.memory_space<vmem_shared>> -> memref<624x128xf32, #tpu.memory_space<vmem_shared>>
        tpu.enqueue_dma source(%dma_start3A_49 : memref<624x128xf32, #tpu.memory_space<vmem_shared>>) target(%dma_start3A_47 : memref<624x128xf32, #tpu.memory_space<hbm>>) target_semaphore(%run_scoped3A : memref<!tpu.dma_semaphore, #tpu.memory_space<semaphore_mem>>)
        %dma_wait3A = arith.constant 0 : i32
        %dma_wait3A_50 = tpu.memref_slice %arg9[%mul3A_0, %dma_wait3A] : memref<10000x128xf32, #tpu.memory_space<hbm>> -> memref<624x128xf32, #tpu.memory_space<hbm>>
        %dma_wait3A_51 = arith.constant 0 : i32
        %dma_wait3A_52 = tpu.memref_slice %arg12[%mul3A_0, %dma_wait3A_51] : memref<10016x128xf32, #tpu.memory_space<vmem_shared>> -> memref<624x128xf32, #tpu.memory_space<vmem_shared>>
        tpu.wait_dma2 semaphore(%run_scoped3A : memref<!tpu.dma_semaphore, #tpu.memory_space<semaphore_mem>>) src(%dma_wait3A_52 : memref<624x128xf32, #tpu.memory_space<vmem_shared>>) dst(%dma_wait3A_50 : memref<624x128xf32, #tpu.memory_space<hbm>>)
        tpu.yield
      }) : () -> ()
      %eq3A_42 = arith.constant 15 : i32
      %eq3A_43 = arith.cmpi eq, %arg1, %eq3A_42 : i32
      %convert_element_type3A_44 = arith.extui %eq3A_43 : i1 to i32
      %cond3A_45 = arith.constant 0 : i32
      %cond3A_46 = arith.cmpi ne, %convert_element_type3A_44, %cond3A_45 : i32
      scf.if %cond3A_46 {
        "tpu.region"() ({
          %run_scoped3A = tpu.sem_alloc : memref<!tpu.dma_semaphore, #tpu.memory_space<semaphore_mem>>
          %dma_start3A = arith.constant 9984 : i32
          %dma_start3A_47 = arith.constant 0 : i32
          %dma_start3A_48 = tpu.memref_slice %arg9[%dma_start3A, %dma_start3A_47] : memref<10000x128xf32, #tpu.memory_space<hbm>> -> memref<16x128xf32, #tpu.memory_space<hbm>>
          %dma_start3A_49 = arith.constant 9984 : i32
          %dma_start3A_50 = arith.constant 0 : i32
          %dma_start3A_51 = tpu.memref_slice %arg12[%dma_start3A_49, %dma_start3A_50] : memref<10016x128xf32, #tpu.memory_space<vmem_shared>> -> memref<16x128xf32, #tpu.memory_space<vmem_shared>>
          tpu.enqueue_dma source(%dma_start3A_51 : memref<16x128xf32, #tpu.memory_space<vmem_shared>>) target(%dma_start3A_48 : memref<16x128xf32, #tpu.memory_space<hbm>>) target_semaphore(%run_scoped3A : memref<!tpu.dma_semaphore, #tpu.memory_space<semaphore_mem>>)
          %dma_wait3A = arith.constant 9984 : i32
          %dma_wait3A_52 = arith.constant 0 : i32
          %dma_wait3A_53 = tpu.memref_slice %arg9[%dma_wait3A, %dma_wait3A_52] : memref<10000x128xf32, #tpu.memory_space<hbm>> -> memref<16x128xf32, #tpu.memory_space<hbm>>
          %dma_wait3A_54 = arith.constant 9984 : i32
          %dma_wait3A_55 = arith.constant 0 : i32
          %dma_wait3A_56 = tpu.memref_slice %arg12[%dma_wait3A_54, %dma_wait3A_55] : memref<10016x128xf32, #tpu.memory_space<vmem_shared>> -> memref<16x128xf32, #tpu.memory_space<vmem_shared>>
          tpu.wait_dma2 semaphore(%run_scoped3A : memref<!tpu.dma_semaphore, #tpu.memory_space<semaphore_mem>>) src(%dma_wait3A_56 : memref<16x128xf32, #tpu.memory_space<vmem_shared>>) dst(%dma_wait3A_53 : memref<16x128xf32, #tpu.memory_space<hbm>>)
          tpu.yield
        }) : () -> ()
      } else {
      }
    } else {
    }
    %eq3A_18 = arith.constant 1 : i32
    %eq3A_19 = arith.cmpi eq, %arg0, %eq3A_18 : i32
    %convert_element_type3A_20 = arith.extui %eq3A_19 : i1 to i32
    %cond3A_21 = arith.constant 0 : i32
    %cond3A_22 = arith.cmpi ne, %convert_element_type3A_20, %cond3A_21 : i32
    scf.if %cond3A_22 {
      "tpu.region"() ({
        %run_scoped3A = tpu.sem_alloc : memref<!tpu.dma_semaphore, #tpu.memory_space<semaphore_mem>>
        %dma_start3A = arith.constant 0 : i32
        %dma_start3A_46 = tpu.memref_slice %arg12[%mul3A_0, %dma_start3A] : memref<10016x128xf32, #tpu.memory_space<vmem_shared>> -> memref<624x128xf32, #tpu.memory_space<vmem_shared>>
        %dma_start3A_47 = arith.constant 0 : i32
        %dma_start3A_48 = tpu.memref_slice %arg4[%mul3A_0, %dma_start3A_47] : memref<10000x128xf32, #tpu.memory_space<hbm>> -> memref<624x128xf32, #tpu.memory_space<hbm>>
        tpu.enqueue_dma source(%dma_start3A_48 : memref<624x128xf32, #tpu.memory_space<hbm>>) target(%dma_start3A_46 : memref<624x128xf32, #tpu.memory_space<vmem_shared>>) target_semaphore(%run_scoped3A : memref<!tpu.dma_semaphore, #tpu.memory_space<semaphore_mem>>)
        %dma_wait3A = arith.constant 0 : i32
        %dma_wait3A_49 = tpu.memref_slice %arg12[%mul3A_0, %dma_wait3A] : memref<10016x128xf32, #tpu.memory_space<vmem_shared>> -> memref<624x128xf32, #tpu.memory_space<vmem_shared>>
        %dma_wait3A_50 = arith.constant 0 : i32
        %dma_wait3A_51 = tpu.memref_slice %arg4[%mul3A_0, %dma_wait3A_50] : memref<10000x128xf32, #tpu.memory_space<hbm>> -> memref<624x128xf32, #tpu.memory_space<hbm>>
        tpu.wait_dma2 semaphore(%run_scoped3A : memref<!tpu.dma_semaphore, #tpu.memory_space<semaphore_mem>>) src(%dma_wait3A_51 : memref<624x128xf32, #tpu.memory_space<hbm>>) dst(%dma_wait3A_49 : memref<624x128xf32, #tpu.memory_space<vmem_shared>>)
        tpu.yield
      }) : () -> ()
      %eq3A_28 = arith.constant 15 : i32
      %eq3A_29 = arith.cmpi eq, %arg1, %eq3A_28 : i32
      %convert_element_type3A_30 = arith.extui %eq3A_29 : i1 to i32
      %cond3A_31 = arith.constant 0 : i32
      %cond3A_32 = arith.cmpi ne, %convert_element_type3A_30, %cond3A_31 : i32
      scf.if %cond3A_32 {
        "tpu.region"() ({
          %run_scoped3A = tpu.sem_alloc : memref<!tpu.dma_semaphore, #tpu.memory_space<semaphore_mem>>
          %dma_start3A = arith.constant 9984 : i32
          %dma_start3A_46 = arith.constant 0 : i32
          %dma_start3A_47 = tpu.memref_slice %arg12[%dma_start3A, %dma_start3A_46] : memref<10016x128xf32, #tpu.memory_space<vmem_shared>> -> memref<16x128xf32, #tpu.memory_space<vmem_shared>>
          %dma_start3A_48 = arith.constant 9984 : i32
          %dma_start3A_49 = arith.constant 0 : i32
          %dma_start3A_50 = tpu.memref_slice %arg4[%dma_start3A_48, %dma_start3A_49] : memref<10000x128xf32, #tpu.memory_space<hbm>> -> memref<16x128xf32, #tpu.memory_space<hbm>>
          tpu.enqueue_dma source(%dma_start3A_50 : memref<16x128xf32, #tpu.memory_space<hbm>>) target(%dma_start3A_47 : memref<16x128xf32, #tpu.memory_space<vmem_shared>>) target_semaphore(%run_scoped3A : memref<!tpu.dma_semaphore, #tpu.memory_space<semaphore_mem>>)
          %dma_wait3A = arith.constant 9984 : i32
          %dma_wait3A_51 = arith.constant 0 : i32
          %dma_wait3A_52 = tpu.memref_slice %arg12[%dma_wait3A, %dma_wait3A_51] : memref<10016x128xf32, #tpu.memory_space<vmem_shared>> -> memref<16x128xf32, #tpu.memory_space<vmem_shared>>
          %dma_wait3A_53 = arith.constant 9984 : i32
          %dma_wait3A_54 = arith.constant 0 : i32
          %dma_wait3A_55 = tpu.memref_slice %arg4[%dma_wait3A_53, %dma_wait3A_54] : memref<10000x128xf32, #tpu.memory_space<hbm>> -> memref<16x128xf32, #tpu.memory_space<hbm>>
          tpu.wait_dma2 semaphore(%run_scoped3A : memref<!tpu.dma_semaphore, #tpu.memory_space<semaphore_mem>>) src(%dma_wait3A_55 : memref<16x128xf32, #tpu.memory_space<hbm>>) dst(%dma_wait3A_52 : memref<16x128xf32, #tpu.memory_space<vmem_shared>>)
          tpu.yield
        }) : () -> ()
      } else {
      }
      %barrier3A = arith.constant 0 : index
      tpu.barrier barrier_id(%barrier3A)
      %scan3A_33 = arith.constant 0 : i32
      %scan3A_34 = arith.constant 0 : i32
      %scan3A_35 = arith.constant 80 : i32
      %scan3A_36 = arith.addi %scan3A_34, %scan3A_35 : i32
      %scan3A_37 = arith.constant 1 : i32
      %scan3A_38 = scf.for %scan3A_46 = %scan3A_34 to %scan3A_36 step %scan3A_37 iter_args(%scan3A_47 = %scan3A_33) -> (i32)  : i32 {
        %mul3A_48 = arith.constant 128 : i32
        %mul3A_49 = arith.muli %scan3A_46, %mul3A_48 : i32
        %multiple_of3A = tpu.assume_multiple %mul3A_49, 128 : i32
        %dma_start3A = tpu.memref_slice %arg13[%multiple_of3A] : memref<10240xi32, #tpu.memory_space<vmem>> -> memref<128xi32, #tpu.memory_space<vmem>>
        %dma_start3A_50 = arith.constant 0 : i32
        %dma_start3A_51 = arith.constant 0 : i32
        %dma_start3A_52 = tpu.memref_slice %arg4[%dma_start3A_50, %dma_start3A_51] : memref<10000x128xf32, #tpu.memory_space<hbm>> -> memref<10000x128xf32, #tpu.memory_space<hbm>>
        tpu.enqueue_indirect_dma source(%dma_start3A_52 : memref<10000x128xf32, #tpu.memory_space<hbm>>) target(%arg16 : memref<128x128xf32, #tpu.memory_space<vmem>>) offsets(%dma_start3A : memref<128xi32, #tpu.memory_space<vmem>>) semaphore(%arg17 : memref<!tpu.dma_semaphore, #tpu.memory_space<semaphore_mem>>)
        %dma_wait3A = arith.constant 0 : i32
        %dma_wait3A_53 = arith.constant 0 : i32
        %dma_wait3A_54 = tpu.memref_slice %arg4[%dma_wait3A, %dma_wait3A_53] : memref<10000x128xf32, #tpu.memory_space<hbm>> -> memref<128x128xf32, #tpu.memory_space<hbm>>
        %dma_wait3A_55 = arith.constant 0 : i32
        %dma_wait3A_56 = arith.constant 0 : i32
        %dma_wait3A_57 = tpu.memref_slice %arg4[%dma_wait3A_55, %dma_wait3A_56] : memref<10000x128xf32, #tpu.memory_space<hbm>> -> memref<128x128xf32, #tpu.memory_space<hbm>>
        tpu.wait_dma2 semaphore(%arg17 : memref<!tpu.dma_semaphore, #tpu.memory_space<semaphore_mem>>) src(%dma_wait3A_57 : memref<128x128xf32, #tpu.memory_space<hbm>>) dst(%arg16 : memref<128x128xf32, #tpu.memory_space<vmem>>)
        "tpu.region"() ({
          %run_scoped3A = tpu.sem_alloc : memref<!tpu.dma_semaphore, #tpu.memory_space<semaphore_mem>>
          %dma_start3A_59 = arith.constant 0 : i32
          %dma_start3A_60 = tpu.memref_slice %arg15[%scan3A_46, %dma_start3A_59] : memref<80x128xi32, #tpu.memory_space<vmem>> -> memref<1x128xi32, #tpu.memory_space<vmem>>
          %dma_start3A_61 = tpu.memref_squeeze %dma_start3A_60 : memref<1x128xi32, #tpu.memory_space<vmem>> -> memref<128xi32, #tpu.memory_space<vmem>>
          %dma_start3A_62 = arith.constant 0 : i32
          %dma_start3A_63 = arith.constant 0 : i32
          %dma_start3A_64 = tpu.memref_slice %arg12[%dma_start3A_62, %dma_start3A_63] : memref<10016x128xf32, #tpu.memory_space<vmem_shared>> -> memref<10016x128xf32, #tpu.memory_space<vmem_shared>>
          tpu.enqueue_indirect_dma source(%arg16 : memref<128x128xf32, #tpu.memory_space<vmem>>) target(%dma_start3A_64 : memref<10016x128xf32, #tpu.memory_space<vmem_shared>>) offsets(%dma_start3A_61 : memref<128xi32, #tpu.memory_space<vmem>>) semaphore(%run_scoped3A : memref<!tpu.dma_semaphore, #tpu.memory_space<semaphore_mem>>) {add = true}
          %dma_wait3A_65 = arith.constant 0 : i32
          %dma_wait3A_66 = tpu.memref_slice %arg15[%scan3A_46, %dma_wait3A_65] : memref<80x128xi32, #tpu.memory_space<vmem>> -> memref<1x128xi32, #tpu.memory_space<vmem>>
          %dma_wait3A_67 = tpu.memref_squeeze %dma_wait3A_66 : memref<1x128xi32, #tpu.memory_space<vmem>> -> memref<128xi32, #tpu.memory_space<vmem>>
          %dma_wait3A_68 = arith.constant 0 : i32
          %dma_wait3A_69 = arith.constant 0 : i32
          %dma_wait3A_70 = tpu.memref_slice %arg12[%dma_wait3A_68, %dma_wait3A_69] : memref<10016x128xf32, #tpu.memory_space<vmem_shared>> -> memref<10016x128xf32, #tpu.memory_space<vmem_shared>>
          tpu.wait_indirect_dma semaphore(%run_scoped3A : memref<!tpu.dma_semaphore, #tpu.memory_space<semaphore_mem>>) src(%arg16 : memref<128x128xf32, #tpu.memory_space<vmem>>) dst(%dma_wait3A_70 : memref<10016x128xf32, #tpu.memory_space<vmem_shared>>)
          tpu.yield
        }) : () -> ()
        %scan3A_58 = arith.constant 0 : i32
        scf.yield %scan3A_58 : i32
      }
      %scan3A_39 = arith.constant 80 : i32
      %barrier3A_40 = arith.constant 0 : index
      tpu.barrier barrier_id(%barrier3A_40)
      "tpu.region"() ({
        %run_scoped3A = tpu.sem_alloc : memref<!tpu.dma_semaphore, #tpu.memory_space<semaphore_mem>>
        %dma_start3A = arith.constant 0 : i32
        %dma_start3A_46 = tpu.memref_slice %arg10[%mul3A_0, %dma_start3A] : memref<10000x128xf32, #tpu.memory_space<hbm>> -> memref<624x128xf32, #tpu.memory_space<hbm>>
        %dma_start3A_47 = arith.constant 0 : i32
        %dma_start3A_48 = tpu.memref_slice %arg12[%mul3A_0, %dma_start3A_47] : memref<10016x128xf32, #tpu.memory_space<vmem_shared>> -> memref<624x128xf32, #tpu.memory_space<vmem_shared>>
        tpu.enqueue_dma source(%dma_start3A_48 : memref<624x128xf32, #tpu.memory_space<vmem_shared>>) target(%dma_start3A_46 : memref<624x128xf32, #tpu.memory_space<hbm>>) target_semaphore(%run_scoped3A : memref<!tpu.dma_semaphore, #tpu.memory_space<semaphore_mem>>)
        %dma_wait3A = arith.constant 0 : i32
        %dma_wait3A_49 = tpu.memref_slice %arg10[%mul3A_0, %dma_wait3A] : memref<10000x128xf32, #tpu.memory_space<hbm>> -> memref<624x128xf32, #tpu.memory_space<hbm>>
        %dma_wait3A_50 = arith.constant 0 : i32
        %dma_wait3A_51 = tpu.memref_slice %arg12[%mul3A_0, %dma_wait3A_50] : memref<10016x128xf32, #tpu.memory_space<vmem_shared>> -> memref<624x128xf32, #tpu.memory_space<vmem_shared>>
        tpu.wait_dma2 semaphore(%run_scoped3A : memref<!tpu.dma_semaphore, #tpu.memory_space<semaphore_mem>>) src(%dma_wait3A_51 : memref<624x128xf32, #tpu.memory_space<vmem_shared>>) dst(%dma_wait3A_49 : memref<624x128xf32, #tpu.memory_space<hbm>>)
        tpu.yield
      }) : () -> ()
      %eq3A_41 = arith.constant 15 : i32
      %eq3A_42 = arith.cmpi eq, %arg1, %eq3A_41 : i32
      %convert_element_type3A_43 = arith.extui %eq3A_42 : i1 to i32
      %cond3A_44 = arith.constant 0 : i32
      %cond3A_45 = arith.cmpi ne, %convert_element_type3A_43, %cond3A_44 : i32
      scf.if %cond3A_45 {
        "tpu.region"() ({
          %run_scoped3A = tpu.sem_alloc : memref<!tpu.dma_semaphore, #tpu.memory_space<semaphore_mem>>
          %dma_start3A = arith.constant 9984 : i32
          %dma_start3A_46 = arith.constant 0 : i32
          %dma_start3A_47 = tpu.memref_slice %arg10[%dma_start3A, %dma_start3A_46] : memref<10000x128xf32, #tpu.memory_space<hbm>> -> memref<16x128xf32, #tpu.memory_space<hbm>>
          %dma_start3A_48 = arith.constant 9984 : i32
          %dma_start3A_49 = arith.constant 0 : i32
          %dma_start3A_50 = tpu.memref_slice %arg12[%dma_start3A_48, %dma_start3A_49] : memref<10016x128xf32, #tpu.memory_space<vmem_shared>> -> memref<16x128xf32, #tpu.memory_space<vmem_shared>>
          tpu.enqueue_dma source(%dma_start3A_50 : memref<16x128xf32, #tpu.memory_space<vmem_shared>>) target(%dma_start3A_47 : memref<16x128xf32, #tpu.memory_space<hbm>>) target_semaphore(%run_scoped3A : memref<!tpu.dma_semaphore, #tpu.memory_space<semaphore_mem>>)
          %dma_wait3A = arith.constant 9984 : i32
          %dma_wait3A_51 = arith.constant 0 : i32
          %dma_wait3A_52 = tpu.memref_slice %arg10[%dma_wait3A, %dma_wait3A_51] : memref<10000x128xf32, #tpu.memory_space<hbm>> -> memref<16x128xf32, #tpu.memory_space<hbm>>
          %dma_wait3A_53 = arith.constant 9984 : i32
          %dma_wait3A_54 = arith.constant 0 : i32
          %dma_wait3A_55 = tpu.memref_slice %arg12[%dma_wait3A_53, %dma_wait3A_54] : memref<10016x128xf32, #tpu.memory_space<vmem_shared>> -> memref<16x128xf32, #tpu.memory_space<vmem_shared>>
          tpu.wait_dma2 semaphore(%run_scoped3A : memref<!tpu.dma_semaphore, #tpu.memory_space<semaphore_mem>>) src(%dma_wait3A_55 : memref<16x128xf32, #tpu.memory_space<vmem_shared>>) dst(%dma_wait3A_52 : memref<16x128xf32, #tpu.memory_space<hbm>>)
          tpu.yield
        }) : () -> ()
      } else {
      }
    } else {
    }
    %eq3A_23 = arith.constant 1 : i32
    %eq3A_24 = arith.cmpi eq, %arg0, %eq3A_23 : i32
    %convert_element_type3A_25 = arith.extui %eq3A_24 : i1 to i32
    %cond3A_26 = arith.constant 0 : i32
    %cond3A_27 = arith.cmpi ne, %convert_element_type3A_25, %cond3A_26 : i32
    scf.if %cond3A_27 {
      %barrier3A = arith.constant 0 : index
      tpu.barrier barrier_id(%barrier3A)
      "tpu.region"() ({
        %run_scoped3A = tpu.sem_alloc : memref<!tpu.dma_semaphore, #tpu.memory_space<semaphore_mem>>
        %dma_start3A = arith.constant 0 : i32
        %dma_start3A_47 = tpu.memref_slice %arg12[%mul3A_0, %dma_start3A] : memref<10016x128xf32, #tpu.memory_space<vmem_shared>> -> memref<624x128xf32, #tpu.memory_space<vmem_shared>>
        %dma_start3A_48 = arith.constant 0 : i32
        %dma_start3A_49 = tpu.memref_slice %arg5[%mul3A_0, %dma_start3A_48] : memref<10000x128xf32, #tpu.memory_space<hbm>> -> memref<624x128xf32, #tpu.memory_space<hbm>>
        tpu.enqueue_dma source(%dma_start3A_49 : memref<624x128xf32, #tpu.memory_space<hbm>>) target(%dma_start3A_47 : memref<624x128xf32, #tpu.memory_space<vmem_shared>>) target_semaphore(%run_scoped3A : memref<!tpu.dma_semaphore, #tpu.memory_space<semaphore_mem>>)
        %dma_wait3A = arith.constant 0 : i32
        %dma_wait3A_50 = tpu.memref_slice %arg12[%mul3A_0, %dma_wait3A] : memref<10016x128xf32, #tpu.memory_space<vmem_shared>> -> memref<624x128xf32, #tpu.memory_space<vmem_shared>>
        %dma_wait3A_51 = arith.constant 0 : i32
        %dma_wait3A_52 = tpu.memref_slice %arg5[%mul3A_0, %dma_wait3A_51] : memref<10000x128xf32, #tpu.memory_space<hbm>> -> memref<624x128xf32, #tpu.memory_space<hbm>>
        tpu.wait_dma2 semaphore(%run_scoped3A : memref<!tpu.dma_semaphore, #tpu.memory_space<semaphore_mem>>) src(%dma_wait3A_52 : memref<624x128xf32, #tpu.memory_space<hbm>>) dst(%dma_wait3A_50 : memref<624x128xf32, #tpu.memory_space<vmem_shared>>)
        tpu.yield
      }) : () -> ()
      %eq3A_28 = arith.constant 15 : i32
      %eq3A_29 = arith.cmpi eq, %arg1, %eq3A_28 : i32
      %convert_element_type3A_30 = arith.extui %eq3A_29 : i1 to i32
      %cond3A_31 = arith.constant 0 : i32
      %cond3A_32 = arith.cmpi ne, %convert_element_type3A_30, %cond3A_31 : i32
      scf.if %cond3A_32 {
        "tpu.region"() ({
          %run_scoped3A = tpu.sem_alloc : memref<!tpu.dma_semaphore, #tpu.memory_space<semaphore_mem>>
          %dma_start3A = arith.constant 9984 : i32
          %dma_start3A_47 = arith.constant 0 : i32
          %dma_start3A_48 = tpu.memref_slice %arg12[%dma_start3A, %dma_start3A_47] : memref<10016x128xf32, #tpu.memory_space<vmem_shared>> -> memref<16x128xf32, #tpu.memory_space<vmem_shared>>
          %dma_start3A_49 = arith.constant 9984 : i32
          %dma_start3A_50 = arith.constant 0 : i32
          %dma_start3A_51 = tpu.memref_slice %arg5[%dma_start3A_49, %dma_start3A_50] : memref<10000x128xf32, #tpu.memory_space<hbm>> -> memref<16x128xf32, #tpu.memory_space<hbm>>
          tpu.enqueue_dma source(%dma_start3A_51 : memref<16x128xf32, #tpu.memory_space<hbm>>) target(%dma_start3A_48 : memref<16x128xf32, #tpu.memory_space<vmem_shared>>) target_semaphore(%run_scoped3A : memref<!tpu.dma_semaphore, #tpu.memory_space<semaphore_mem>>)
          %dma_wait3A = arith.constant 9984 : i32
          %dma_wait3A_52 = arith.constant 0 : i32
          %dma_wait3A_53 = tpu.memref_slice %arg12[%dma_wait3A, %dma_wait3A_52] : memref<10016x128xf32, #tpu.memory_space<vmem_shared>> -> memref<16x128xf32, #tpu.memory_space<vmem_shared>>
          %dma_wait3A_54 = arith.constant 9984 : i32
          %dma_wait3A_55 = arith.constant 0 : i32
          %dma_wait3A_56 = tpu.memref_slice %arg5[%dma_wait3A_54, %dma_wait3A_55] : memref<10000x128xf32, #tpu.memory_space<hbm>> -> memref<16x128xf32, #tpu.memory_space<hbm>>
          tpu.wait_dma2 semaphore(%run_scoped3A : memref<!tpu.dma_semaphore, #tpu.memory_space<semaphore_mem>>) src(%dma_wait3A_56 : memref<16x128xf32, #tpu.memory_space<hbm>>) dst(%dma_wait3A_53 : memref<16x128xf32, #tpu.memory_space<vmem_shared>>)
          tpu.yield
        }) : () -> ()
      } else {
      }
      %barrier3A_33 = arith.constant 0 : index
      tpu.barrier barrier_id(%barrier3A_33)
      %scan3A_34 = arith.constant 0 : i32
      %scan3A_35 = arith.constant 0 : i32
      %scan3A_36 = arith.constant 80 : i32
      %scan3A_37 = arith.addi %scan3A_35, %scan3A_36 : i32
      %scan3A_38 = arith.constant 1 : i32
      %scan3A_39 = scf.for %scan3A_47 = %scan3A_35 to %scan3A_37 step %scan3A_38 iter_args(%scan3A_48 = %scan3A_34) -> (i32)  : i32 {
        %mul3A_49 = arith.constant 128 : i32
        %mul3A_50 = arith.muli %scan3A_47, %mul3A_49 : i32
        %multiple_of3A = tpu.assume_multiple %mul3A_50, 128 : i32
        %dma_start3A = tpu.memref_slice %arg13[%multiple_of3A] : memref<10240xi32, #tpu.memory_space<vmem>> -> memref<128xi32, #tpu.memory_space<vmem>>
        %dma_start3A_51 = arith.constant 0 : i32
        %dma_start3A_52 = arith.constant 0 : i32
        %dma_start3A_53 = tpu.memref_slice %arg5[%dma_start3A_51, %dma_start3A_52] : memref<10000x128xf32, #tpu.memory_space<hbm>> -> memref<10000x128xf32, #tpu.memory_space<hbm>>
        tpu.enqueue_indirect_dma source(%dma_start3A_53 : memref<10000x128xf32, #tpu.memory_space<hbm>>) target(%arg16 : memref<128x128xf32, #tpu.memory_space<vmem>>) offsets(%dma_start3A : memref<128xi32, #tpu.memory_space<vmem>>) semaphore(%arg17 : memref<!tpu.dma_semaphore, #tpu.memory_space<semaphore_mem>>)
        %dma_wait3A = arith.constant 0 : i32
        %dma_wait3A_54 = arith.constant 0 : i32
        %dma_wait3A_55 = tpu.memref_slice %arg5[%dma_wait3A, %dma_wait3A_54] : memref<10000x128xf32, #tpu.memory_space<hbm>> -> memref<128x128xf32, #tpu.memory_space<hbm>>
        %dma_wait3A_56 = arith.constant 0 : i32
        %dma_wait3A_57 = arith.constant 0 : i32
        %dma_wait3A_58 = tpu.memref_slice %arg5[%dma_wait3A_56, %dma_wait3A_57] : memref<10000x128xf32, #tpu.memory_space<hbm>> -> memref<128x128xf32, #tpu.memory_space<hbm>>
        tpu.wait_dma2 semaphore(%arg17 : memref<!tpu.dma_semaphore, #tpu.memory_space<semaphore_mem>>) src(%dma_wait3A_58 : memref<128x128xf32, #tpu.memory_space<hbm>>) dst(%arg16 : memref<128x128xf32, #tpu.memory_space<vmem>>)
        "tpu.region"() ({
          %run_scoped3A = tpu.sem_alloc : memref<!tpu.dma_semaphore, #tpu.memory_space<semaphore_mem>>
          %dma_start3A_60 = arith.constant 0 : i32
          %dma_start3A_61 = tpu.memref_slice %arg15[%scan3A_47, %dma_start3A_60] : memref<80x128xi32, #tpu.memory_space<vmem>> -> memref<1x128xi32, #tpu.memory_space<vmem>>
          %dma_start3A_62 = tpu.memref_squeeze %dma_start3A_61 : memref<1x128xi32, #tpu.memory_space<vmem>> -> memref<128xi32, #tpu.memory_space<vmem>>
          %dma_start3A_63 = arith.constant 0 : i32
          %dma_start3A_64 = arith.constant 0 : i32
          %dma_start3A_65 = tpu.memref_slice %arg12[%dma_start3A_63, %dma_start3A_64] : memref<10016x128xf32, #tpu.memory_space<vmem_shared>> -> memref<10016x128xf32, #tpu.memory_space<vmem_shared>>
          tpu.enqueue_indirect_dma source(%arg16 : memref<128x128xf32, #tpu.memory_space<vmem>>) target(%dma_start3A_65 : memref<10016x128xf32, #tpu.memory_space<vmem_shared>>) offsets(%dma_start3A_62 : memref<128xi32, #tpu.memory_space<vmem>>) semaphore(%run_scoped3A : memref<!tpu.dma_semaphore, #tpu.memory_space<semaphore_mem>>) {add = true}
          %dma_wait3A_66 = arith.constant 0 : i32
          %dma_wait3A_67 = tpu.memref_slice %arg15[%scan3A_47, %dma_wait3A_66] : memref<80x128xi32, #tpu.memory_space<vmem>> -> memref<1x128xi32, #tpu.memory_space<vmem>>
          %dma_wait3A_68 = tpu.memref_squeeze %dma_wait3A_67 : memref<1x128xi32, #tpu.memory_space<vmem>> -> memref<128xi32, #tpu.memory_space<vmem>>
          %dma_wait3A_69 = arith.constant 0 : i32
          %dma_wait3A_70 = arith.constant 0 : i32
          %dma_wait3A_71 = tpu.memref_slice %arg12[%dma_wait3A_69, %dma_wait3A_70] : memref<10016x128xf32, #tpu.memory_space<vmem_shared>> -> memref<10016x128xf32, #tpu.memory_space<vmem_shared>>
          tpu.wait_indirect_dma semaphore(%run_scoped3A : memref<!tpu.dma_semaphore, #tpu.memory_space<semaphore_mem>>) src(%arg16 : memref<128x128xf32, #tpu.memory_space<vmem>>) dst(%dma_wait3A_71 : memref<10016x128xf32, #tpu.memory_space<vmem_shared>>)
          tpu.yield
        }) : () -> ()
        %scan3A_59 = arith.constant 0 : i32
        scf.yield %scan3A_59 : i32
      }
      %scan3A_40 = arith.constant 80 : i32
      %barrier3A_41 = arith.constant 0 : index
      tpu.barrier barrier_id(%barrier3A_41)
      "tpu.region"() ({
        %run_scoped3A = tpu.sem_alloc : memref<!tpu.dma_semaphore, #tpu.memory_space<semaphore_mem>>
        %dma_start3A = arith.constant 0 : i32
        %dma_start3A_47 = tpu.memref_slice %arg11[%mul3A_0, %dma_start3A] : memref<10000x128xf32, #tpu.memory_space<hbm>> -> memref<624x128xf32, #tpu.memory_space<hbm>>
        %dma_start3A_48 = arith.constant 0 : i32
        %dma_start3A_49 = tpu.memref_slice %arg12[%mul3A_0, %dma_start3A_48] : memref<10016x128xf32, #tpu.memory_space<vmem_shared>> -> memref<624x128xf32, #tpu.memory_space<vmem_shared>>
        tpu.enqueue_dma source(%dma_start3A_49 : memref<624x128xf32, #tpu.memory_space<vmem_shared>>) target(%dma_start3A_47 : memref<624x128xf32, #tpu.memory_space<hbm>>) target_semaphore(%run_scoped3A : memref<!tpu.dma_semaphore, #tpu.memory_space<semaphore_mem>>)
        %dma_wait3A = arith.constant 0 : i32
        %dma_wait3A_50 = tpu.memref_slice %arg11[%mul3A_0, %dma_wait3A] : memref<10000x128xf32, #tpu.memory_space<hbm>> -> memref<624x128xf32, #tpu.memory_space<hbm>>
        %dma_wait3A_51 = arith.constant 0 : i32
        %dma_wait3A_52 = tpu.memref_slice %arg12[%mul3A_0, %dma_wait3A_51] : memref<10016x128xf32, #tpu.memory_space<vmem_shared>> -> memref<624x128xf32, #tpu.memory_space<vmem_shared>>
        tpu.wait_dma2 semaphore(%run_scoped3A : memref<!tpu.dma_semaphore, #tpu.memory_space<semaphore_mem>>) src(%dma_wait3A_52 : memref<624x128xf32, #tpu.memory_space<vmem_shared>>) dst(%dma_wait3A_50 : memref<624x128xf32, #tpu.memory_space<hbm>>)
        tpu.yield
      }) : () -> ()
      %eq3A_42 = arith.constant 15 : i32
      %eq3A_43 = arith.cmpi eq, %arg1, %eq3A_42 : i32
      %convert_element_type3A_44 = arith.extui %eq3A_43 : i1 to i32
      %cond3A_45 = arith.constant 0 : i32
      %cond3A_46 = arith.cmpi ne, %convert_element_type3A_44, %cond3A_45 : i32
      scf.if %cond3A_46 {
        "tpu.region"() ({
          %run_scoped3A = tpu.sem_alloc : memref<!tpu.dma_semaphore, #tpu.memory_space<semaphore_mem>>
          %dma_start3A = arith.constant 9984 : i32
          %dma_start3A_47 = arith.constant 0 : i32
          %dma_start3A_48 = tpu.memref_slice %arg11[%dma_start3A, %dma_start3A_47] : memref<10000x128xf32, #tpu.memory_space<hbm>> -> memref<16x128xf32, #tpu.memory_space<hbm>>
          %dma_start3A_49 = arith.constant 9984 : i32
          %dma_start3A_50 = arith.constant 0 : i32
          %dma_start3A_51 = tpu.memref_slice %arg12[%dma_start3A_49, %dma_start3A_50] : memref<10016x128xf32, #tpu.memory_space<vmem_shared>> -> memref<16x128xf32, #tpu.memory_space<vmem_shared>>
          tpu.enqueue_dma source(%dma_start3A_51 : memref<16x128xf32, #tpu.memory_space<vmem_shared>>) target(%dma_start3A_48 : memref<16x128xf32, #tpu.memory_space<hbm>>) target_semaphore(%run_scoped3A : memref<!tpu.dma_semaphore, #tpu.memory_space<semaphore_mem>>)
          %dma_wait3A = arith.constant 9984 : i32
          %dma_wait3A_52 = arith.constant 0 : i32
          %dma_wait3A_53 = tpu.memref_slice %arg11[%dma_wait3A, %dma_wait3A_52] : memref<10000x128xf32, #tpu.memory_space<hbm>> -> memref<16x128xf32, #tpu.memory_space<hbm>>
          %dma_wait3A_54 = arith.constant 9984 : i32
          %dma_wait3A_55 = arith.constant 0 : i32
          %dma_wait3A_56 = tpu.memref_slice %arg12[%dma_wait3A_54, %dma_wait3A_55] : memref<10016x128xf32, #tpu.memory_space<vmem_shared>> -> memref<16x128xf32, #tpu.memory_space<vmem_shared>>
          tpu.wait_dma2 semaphore(%run_scoped3A : memref<!tpu.dma_semaphore, #tpu.memory_space<semaphore_mem>>) src(%dma_wait3A_56 : memref<16x128xf32, #tpu.memory_space<vmem_shared>>) dst(%dma_wait3A_53 : memref<16x128xf32, #tpu.memory_space<hbm>>)
          tpu.yield
        }) : () -> ()
      } else {
      }
    } else {
    }
    return
  }
}

#map = affine_map<(d0, d1) -> (0, 0)>
#map1 = affine_map<(d0, d1) -> (0)>
module attributes {stable_mosaic.version = 14 : i64} {
  func.func @_edge_sum_body(%arg0: i32, %arg1: i32, %arg2: memref<10000x128xf32, #tpu.memory_space<hbm>>, %arg3: memref<10000x128xf32, #tpu.memory_space<hbm>>, %arg4: memref<163840xi32, #tpu.memory_space<hbm>>, %arg5: memref<163840xi32, #tpu.memory_space<hbm>>, %arg6: memref<10000x128xf32, #tpu.memory_space<hbm>>, %arg7: memref<10000x128xf32, #tpu.memory_space<hbm>>, %arg8: memref<10016x128xf32, #tpu.memory_space<vmem_shared>>, %arg9: memref<10240xi32, #tpu.memory_space<vmem>>, %arg10: memref<10240xi32, #tpu.memory_space<vmem>>, %arg11: memref<80x128xi32, #tpu.memory_space<vmem>>, %arg12: memref<128x128xf32, #tpu.memory_space<vmem>>, %arg13: memref<!tpu.dma_semaphore, #tpu.memory_space<semaphore_mem>>) attributes {dimension_semantics = [#tpu.dimension_semantics<core_parallel>, #tpu.dimension_semantics<subcore_parallel>], iteration_bounds = array<i64: 2, 16>, scalar_prefetch = 0 : i64, scratch_operands = 6 : i64, tpu.core_type = #tpu.core_type<sc_vector_subcore>, window_params = [{transform_indices = #map}, {transform_indices = #map}, {transform_indices = #map1}, {transform_indices = #map1}, {transform_indices = #map}, {transform_indices = #map}]} {
    %mul3A = arith.constant 624 : i32
    %mul3A_0 = arith.muli %arg1, %mul3A : i32
    %mul3A_1 = arith.constant 10240 : i32
    %mul3A_2 = arith.muli %arg1, %mul3A_1 : i32
    "tpu.region"() ({
      %run_scoped3A = tpu.sem_alloc : memref<!tpu.dma_semaphore, #tpu.memory_space<semaphore_mem>>
      %dma_start3A = tpu.memref_slice %arg4[%mul3A_2] : memref<163840xi32, #tpu.memory_space<hbm>> -> memref<10240xi32, #tpu.memory_space<hbm>>
      %dma_start3A_18 = tpu.memref_slice %arg4[%mul3A_2] : memref<163840xi32, #tpu.memory_space<hbm>> -> memref<10240xi32, #tpu.memory_space<hbm>>
      tpu.enqueue_dma source(%dma_start3A_18 : memref<10240xi32, #tpu.memory_space<hbm>>) target(%arg9 : memref<10240xi32, #tpu.memory_space<vmem>>) target_semaphore(%run_scoped3A : memref<!tpu.dma_semaphore, #tpu.memory_space<semaphore_mem>>)
      %dma_wait3A = tpu.memref_slice %arg4[%mul3A_2] : memref<163840xi32, #tpu.memory_space<hbm>> -> memref<10240xi32, #tpu.memory_space<hbm>>
      %dma_wait3A_19 = tpu.memref_slice %arg4[%mul3A_2] : memref<163840xi32, #tpu.memory_space<hbm>> -> memref<10240xi32, #tpu.memory_space<hbm>>
      tpu.wait_dma2 semaphore(%run_scoped3A : memref<!tpu.dma_semaphore, #tpu.memory_space<semaphore_mem>>) src(%dma_wait3A_19 : memref<10240xi32, #tpu.memory_space<hbm>>) dst(%arg9 : memref<10240xi32, #tpu.memory_space<vmem>>)
      tpu.yield
    }) : () -> ()
    %mul3A_3 = arith.constant 10240 : i32
    %mul3A_4 = arith.muli %arg1, %mul3A_3 : i32
    "tpu.region"() ({
      %run_scoped3A = tpu.sem_alloc : memref<!tpu.dma_semaphore, #tpu.memory_space<semaphore_mem>>
      %dma_start3A = tpu.memref_slice %arg5[%mul3A_4] : memref<163840xi32, #tpu.memory_space<hbm>> -> memref<10240xi32, #tpu.memory_space<hbm>>
      %dma_start3A_18 = tpu.memref_slice %arg5[%mul3A_4] : memref<163840xi32, #tpu.memory_space<hbm>> -> memref<10240xi32, #tpu.memory_space<hbm>>
      tpu.enqueue_dma source(%dma_start3A_18 : memref<10240xi32, #tpu.memory_space<hbm>>) target(%arg10 : memref<10240xi32, #tpu.memory_space<vmem>>) target_semaphore(%run_scoped3A : memref<!tpu.dma_semaphore, #tpu.memory_space<semaphore_mem>>)
      %dma_wait3A = tpu.memref_slice %arg5[%mul3A_4] : memref<163840xi32, #tpu.memory_space<hbm>> -> memref<10240xi32, #tpu.memory_space<hbm>>
      %dma_wait3A_19 = tpu.memref_slice %arg5[%mul3A_4] : memref<163840xi32, #tpu.memory_space<hbm>> -> memref<10240xi32, #tpu.memory_space<hbm>>
      tpu.wait_dma2 semaphore(%run_scoped3A : memref<!tpu.dma_semaphore, #tpu.memory_space<semaphore_mem>>) src(%dma_wait3A_19 : memref<10240xi32, #tpu.memory_space<hbm>>) dst(%arg10 : memref<10240xi32, #tpu.memory_space<vmem>>)
      tpu.yield
    }) : () -> ()
    %scan3A = arith.constant 0 : i32
    %scan3A_5 = arith.constant 0 : i32
    %scan3A_6 = arith.constant 640 : i32
    %scan3A_7 = arith.addi %scan3A_5, %scan3A_6 : i32
    %scan3A_8 = arith.constant 8 : i32
    %scan3A_9 = scf.for %scan3A_18 = %scan3A_5 to %scan3A_7 step %scan3A_8 iter_args(%scan3A_19 = %scan3A) -> (i32)  : i32 {
      %mul3A_20 = arith.constant 16 : i32
      %mul3A_21 = arith.muli %scan3A_18, %mul3A_20 : i32
      %multiple_of3A = tpu.assume_multiple %mul3A_21, 16 : i32
      %jit3A = arith.constant 8 : i32
      %div3A = arith.divsi %scan3A_18, %jit3A : i32
      %sign3A = arith.constant 0 : i32
      %sign3A_22 = arith.cmpi sgt, %scan3A_18, %sign3A : i32
      %sign3A_23 = arith.extui %sign3A_22 : i1 to i32
      %sign3A_24 = arith.constant 0 : i32
      %sign3A_25 = arith.cmpi slt, %scan3A_18, %sign3A_24 : i32
      %sign3A_26 = arith.extui %sign3A_25 : i1 to i32
      %sign3A_27 = arith.subi %sign3A_23, %sign3A_26 : i32
      %sign3A_28 = arith.constant 0 : i32
      %sign3A_29 = arith.cmpi sgt, %jit3A, %sign3A_28 : i32
      %sign3A_30 = arith.extui %sign3A_29 : i1 to i32
      %sign3A_31 = arith.constant 0 : i32
      %sign3A_32 = arith.cmpi slt, %jit3A, %sign3A_31 : i32
      %sign3A_33 = arith.extui %sign3A_32 : i1 to i32
      %sign3A_34 = arith.subi %sign3A_30, %sign3A_33 : i32
      %ne3A = arith.cmpi ne, %sign3A_27, %sign3A_34 : i32
      %rem3A = arith.remsi %scan3A_18, %jit3A : i32
      %ne3A_35 = arith.constant 0 : i32
      %ne3A_36 = arith.cmpi ne, %rem3A, %ne3A_35 : i32
      %and3A = arith.andi %ne3A, %ne3A_36 : i1
      %sub3A = arith.constant 1 : i32
      %sub3A_37 = arith.subi %div3A, %sub3A : i32
      %select_n3A = arith.select %and3A, %sub3A_37, %div3A : i32
      %jit3A_38 = arith.constant 8 : i32
      %eq3A_39 = arith.constant 0 : i32
      %eq3A_40 = arith.cmpi eq, %jit3A_38, %eq3A_39 : i32
      %jit3A_41 = arith.constant 1 : i32
      %select_n3A_42 = arith.select %eq3A_40, %jit3A_41, %jit3A_38 : i32
      %rem3A_43 = arith.remsi %scan3A_18, %select_n3A_42 : i32
      %ne3A_44 = arith.constant 0 : i32
      %ne3A_45 = arith.cmpi ne, %rem3A_43, %ne3A_44 : i32
      %lt3A = arith.constant 0 : i32
      %lt3A_46 = arith.cmpi slt, %rem3A_43, %lt3A : i32
      %lt3A_47 = arith.constant 0 : i32
      %lt3A_48 = arith.cmpi slt, %select_n3A_42, %lt3A_47 : i32
      %ne3A_49 = arith.xori %lt3A_46, %lt3A_48 : i1
      %and3A_50 = arith.andi %ne3A_49, %ne3A_45 : i1
      %add3A = arith.addi %rem3A_43, %select_n3A_42 : i32
      %select_n3A_51 = arith.select %and3A_50, %add3A, %rem3A_43 : i32
      %mul3A_52 = arith.constant 16 : i32
      %mul3A_53 = arith.muli %select_n3A_51, %mul3A_52 : i32
      %get3A = arith.index_cast %multiple_of3A : i32 to index
      %get3A_54 = tpu.vector_load %arg10[%get3A] {strides = array<i32>} : memref<10240xi32, #tpu.memory_space<vmem>>, vector<16xi32>,
      %get3A_55 = vector.shape_cast %get3A_54 : vector<16xi32> to vector<16xi32>
      %swap3A = arith.index_cast %select_n3A : i32 to index
      %swap3A_56 = arith.index_cast %mul3A_53 : i32 to index
      %swap3A_57 = tpu.vector_load %arg11[%swap3A, %swap3A_56] {strides = array<i32>} : memref<80x128xi32, #tpu.memory_space<vmem>>, vector<1x16xi32>,
      %swap3A_58 = vector.shape_cast %swap3A_57 : vector<1x16xi32> to vector<16xi32>
      %swap3A_59 = vector.shape_cast %get3A_55 : vector<16xi32> to vector<1x16xi32>
      tpu.vector_store %arg11[%swap3A, %swap3A_56], %swap3A_59 {strides = array<i32>} : memref<80x128xi32, #tpu.memory_space<vmem>>, vector<1x16xi32>,
      %scan3A_60 = arith.constant 0 : i32
      %scan3A_61 = arith.constant 1 : i32
      %scan3A_62 = arith.addi %scan3A_18, %scan3A_61 : i32
      %mul3A_63 = arith.constant 16 : i32
      %mul3A_64 = arith.muli %scan3A_62, %mul3A_63 : i32
      %multiple_of3A_65 = tpu.assume_multiple %mul3A_64, 16 : i32
      %jit3A_66 = arith.constant 8 : i32
      %div3A_67 = arith.divsi %scan3A_62, %jit3A_66 : i32
      %sign3A_68 = arith.constant 0 : i32
      %sign3A_69 = arith.cmpi sgt, %scan3A_62, %sign3A_68 : i32
      %sign3A_70 = arith.extui %sign3A_69 : i1 to i32
      %sign3A_71 = arith.constant 0 : i32
      %sign3A_72 = arith.cmpi slt, %scan3A_62, %sign3A_71 : i32
      %sign3A_73 = arith.extui %sign3A_72 : i1 to i32
      %sign3A_74 = arith.subi %sign3A_70, %sign3A_73 : i32
      %sign3A_75 = arith.constant 0 : i32
      %sign3A_76 = arith.cmpi sgt, %jit3A_66, %sign3A_75 : i32
      %sign3A_77 = arith.extui %sign3A_76 : i1 to i32
      %sign3A_78 = arith.constant 0 : i32
      %sign3A_79 = arith.cmpi slt, %jit3A_66, %sign3A_78 : i32
      %sign3A_80 = arith.extui %sign3A_79 : i1 to i32
      %sign3A_81 = arith.subi %sign3A_77, %sign3A_80 : i32
      %ne3A_82 = arith.cmpi ne, %sign3A_74, %sign3A_81 : i32
      %rem3A_83 = arith.remsi %scan3A_62, %jit3A_66 : i32
      %ne3A_84 = arith.constant 0 : i32
      %ne3A_85 = arith.cmpi ne, %rem3A_83, %ne3A_84 : i32
      %and3A_86 = arith.andi %ne3A_82, %ne3A_85 : i1
      %sub3A_87 = arith.constant 1 : i32
      %sub3A_88 = arith.subi %div3A_67, %sub3A_87 : i32
      %select_n3A_89 = arith.select %and3A_86, %sub3A_88, %div3A_67 : i32
      %jit3A_90 = arith.constant 8 : i32
      %eq3A_91 = arith.constant 0 : i32
      %eq3A_92 = arith.cmpi eq, %jit3A_90, %eq3A_91 : i32
      %jit3A_93 = arith.constant 1 : i32
      %select_n3A_94 = arith.select %eq3A_92, %jit3A_93, %jit3A_90 : i32
      %rem3A_95 = arith.remsi %scan3A_62, %select_n3A_94 : i32
      %ne3A_96 = arith.constant 0 : i32
      %ne3A_97 = arith.cmpi ne, %rem3A_95, %ne3A_96 : i32
      %lt3A_98 = arith.constant 0 : i32
      %lt3A_99 = arith.cmpi slt, %rem3A_95, %lt3A_98 : i32
      %lt3A_100 = arith.constant 0 : i32
      %lt3A_101 = arith.cmpi slt, %select_n3A_94, %lt3A_100 : i32
      %ne3A_102 = arith.xori %lt3A_99, %lt3A_101 : i1
      %and3A_103 = arith.andi %ne3A_102, %ne3A_97 : i1
      %add3A_104 = arith.addi %rem3A_95, %select_n3A_94 : i32
      %select_n3A_105 = arith.select %and3A_103, %add3A_104, %rem3A_95 : i32
      %mul3A_106 = arith.constant 16 : i32
      %mul3A_107 = arith.muli %select_n3A_105, %mul3A_106 : i32
      %get3A_108 = arith.index_cast %multiple_of3A_65 : i32 to index
      %get3A_109 = tpu.vector_load %arg10[%get3A_108] {strides = array<i32>} : memref<10240xi32, #tpu.memory_space<vmem>>, vector<16xi32>,
      %get3A_110 = vector.shape_cast %get3A_109 : vector<16xi32> to vector<16xi32>
      %swap3A_111 = arith.index_cast %select_n3A_89 : i32 to index
      %swap3A_112 = arith.index_cast %mul3A_107 : i32 to index
      %swap3A_113 = tpu.vector_load %arg11[%swap3A_111, %swap3A_112] {strides = array<i32>} : memref<80x128xi32, #tpu.memory_space<vmem>>, vector<1x16xi32>,
      %swap3A_114 = vector.shape_cast %swap3A_113 : vector<1x16xi32> to vector<16xi32>
      %swap3A_115 = vector.shape_cast %get3A_110 : vector<16xi32> to vector<1x16xi32>
      tpu.vector_store %arg11[%swap3A_111, %swap3A_112], %swap3A_115 {strides = array<i32>} : memref<80x128xi32, #tpu.memory_space<vmem>>, vector<1x16xi32>,
      %scan3A_116 = arith.constant 0 : i32
      %scan3A_117 = arith.constant 2 : i32
      %scan3A_118 = arith.addi %scan3A_18, %scan3A_117 : i32
      %mul3A_119 = arith.constant 16 : i32
      %mul3A_120 = arith.muli %scan3A_118, %mul3A_119 : i32
      %multiple_of3A_121 = tpu.assume_multiple %mul3A_120, 16 : i32
      %jit3A_122 = arith.constant 8 : i32
      %div3A_123 = arith.divsi %scan3A_118, %jit3A_122 : i32
      %sign3A_124 = arith.constant 0 : i32
      %sign3A_125 = arith.cmpi sgt, %scan3A_118, %sign3A_124 : i32
      %sign3A_126 = arith.extui %sign3A_125 : i1 to i32
      %sign3A_127 = arith.constant 0 : i32
      %sign3A_128 = arith.cmpi slt, %scan3A_118, %sign3A_127 : i32
      %sign3A_129 = arith.extui %sign3A_128 : i1 to i32
      %sign3A_130 = arith.subi %sign3A_126, %sign3A_129 : i32
      %sign3A_131 = arith.constant 0 : i32
      %sign3A_132 = arith.cmpi sgt, %jit3A_122, %sign3A_131 : i32
      %sign3A_133 = arith.extui %sign3A_132 : i1 to i32
      %sign3A_134 = arith.constant 0 : i32
      %sign3A_135 = arith.cmpi slt, %jit3A_122, %sign3A_134 : i32
      %sign3A_136 = arith.extui %sign3A_135 : i1 to i32
      %sign3A_137 = arith.subi %sign3A_133, %sign3A_136 : i32
      %ne3A_138 = arith.cmpi ne, %sign3A_130, %sign3A_137 : i32
      %rem3A_139 = arith.remsi %scan3A_118, %jit3A_122 : i32
      %ne3A_140 = arith.constant 0 : i32
      %ne3A_141 = arith.cmpi ne, %rem3A_139, %ne3A_140 : i32
      %and3A_142 = arith.andi %ne3A_138, %ne3A_141 : i1
      %sub3A_143 = arith.constant 1 : i32
      %sub3A_144 = arith.subi %div3A_123, %sub3A_143 : i32
      %select_n3A_145 = arith.select %and3A_142, %sub3A_144, %div3A_123 : i32
      %jit3A_146 = arith.constant 8 : i32
      %eq3A_147 = arith.constant 0 : i32
      %eq3A_148 = arith.cmpi eq, %jit3A_146, %eq3A_147 : i32
      %jit3A_149 = arith.constant 1 : i32
      %select_n3A_150 = arith.select %eq3A_148, %jit3A_149, %jit3A_146 : i32
      %rem3A_151 = arith.remsi %scan3A_118, %select_n3A_150 : i32
      %ne3A_152 = arith.constant 0 : i32
      %ne3A_153 = arith.cmpi ne, %rem3A_151, %ne3A_152 : i32
      %lt3A_154 = arith.constant 0 : i32
      %lt3A_155 = arith.cmpi slt, %rem3A_151, %lt3A_154 : i32
      %lt3A_156 = arith.constant 0 : i32
      %lt3A_157 = arith.cmpi slt, %select_n3A_150, %lt3A_156 : i32
      %ne3A_158 = arith.xori %lt3A_155, %lt3A_157 : i1
      %and3A_159 = arith.andi %ne3A_158, %ne3A_153 : i1
      %add3A_160 = arith.addi %rem3A_151, %select_n3A_150 : i32
      %select_n3A_161 = arith.select %and3A_159, %add3A_160, %rem3A_151 : i32
      %mul3A_162 = arith.constant 16 : i32
      %mul3A_163 = arith.muli %select_n3A_161, %mul3A_162 : i32
      %get3A_164 = arith.index_cast %multiple_of3A_121 : i32 to index
      %get3A_165 = tpu.vector_load %arg10[%get3A_164] {strides = array<i32>} : memref<10240xi32, #tpu.memory_space<vmem>>, vector<16xi32>,
      %get3A_166 = vector.shape_cast %get3A_165 : vector<16xi32> to vector<16xi32>
      %swap3A_167 = arith.index_cast %select_n3A_145 : i32 to index
      %swap3A_168 = arith.index_cast %mul3A_163 : i32 to index
      %swap3A_169 = tpu.vector_load %arg11[%swap3A_167, %swap3A_168] {strides = array<i32>} : memref<80x128xi32, #tpu.memory_space<vmem>>, vector<1x16xi32>,
      %swap3A_170 = vector.shape_cast %swap3A_169 : vector<1x16xi32> to vector<16xi32>
      %swap3A_171 = vector.shape_cast %get3A_166 : vector<16xi32> to vector<1x16xi32>
      tpu.vector_store %arg11[%swap3A_167, %swap3A_168], %swap3A_171 {strides = array<i32>} : memref<80x128xi32, #tpu.memory_space<vmem>>, vector<1x16xi32>,
      %scan3A_172 = arith.constant 0 : i32
      %scan3A_173 = arith.constant 3 : i32
      %scan3A_174 = arith.addi %scan3A_18, %scan3A_173 : i32
      %mul3A_175 = arith.constant 16 : i32
      %mul3A_176 = arith.muli %scan3A_174, %mul3A_175 : i32
      %multiple_of3A_177 = tpu.assume_multiple %mul3A_176, 16 : i32
      %jit3A_178 = arith.constant 8 : i32
      %div3A_179 = arith.divsi %scan3A_174, %jit3A_178 : i32
      %sign3A_180 = arith.constant 0 : i32
      %sign3A_181 = arith.cmpi sgt, %scan3A_174, %sign3A_180 : i32
      %sign3A_182 = arith.extui %sign3A_181 : i1 to i32
      %sign3A_183 = arith.constant 0 : i32
      %sign3A_184 = arith.cmpi slt, %scan3A_174, %sign3A_183 : i32
      %sign3A_185 = arith.extui %sign3A_184 : i1 to i32
      %sign3A_186 = arith.subi %sign3A_182, %sign3A_185 : i32
      %sign3A_187 = arith.constant 0 : i32
      %sign3A_188 = arith.cmpi sgt, %jit3A_178, %sign3A_187 : i32
      %sign3A_189 = arith.extui %sign3A_188 : i1 to i32
      %sign3A_190 = arith.constant 0 : i32
      %sign3A_191 = arith.cmpi slt, %jit3A_178, %sign3A_190 : i32
      %sign3A_192 = arith.extui %sign3A_191 : i1 to i32
      %sign3A_193 = arith.subi %sign3A_189, %sign3A_192 : i32
      %ne3A_194 = arith.cmpi ne, %sign3A_186, %sign3A_193 : i32
      %rem3A_195 = arith.remsi %scan3A_174, %jit3A_178 : i32
      %ne3A_196 = arith.constant 0 : i32
      %ne3A_197 = arith.cmpi ne, %rem3A_195, %ne3A_196 : i32
      %and3A_198 = arith.andi %ne3A_194, %ne3A_197 : i1
      %sub3A_199 = arith.constant 1 : i32
      %sub3A_200 = arith.subi %div3A_179, %sub3A_199 : i32
      %select_n3A_201 = arith.select %and3A_198, %sub3A_200, %div3A_179 : i32
      %jit3A_202 = arith.constant 8 : i32
      %eq3A_203 = arith.constant 0 : i32
      %eq3A_204 = arith.cmpi eq, %jit3A_202, %eq3A_203 : i32
      %jit3A_205 = arith.constant 1 : i32
      %select_n3A_206 = arith.select %eq3A_204, %jit3A_205, %jit3A_202 : i32
      %rem3A_207 = arith.remsi %scan3A_174, %select_n3A_206 : i32
      %ne3A_208 = arith.constant 0 : i32
      %ne3A_209 = arith.cmpi ne, %rem3A_207, %ne3A_208 : i32
      %lt3A_210 = arith.constant 0 : i32
      %lt3A_211 = arith.cmpi slt, %rem3A_207, %lt3A_210 : i32
      %lt3A_212 = arith.constant 0 : i32
      %lt3A_213 = arith.cmpi slt, %select_n3A_206, %lt3A_212 : i32
      %ne3A_214 = arith.xori %lt3A_211, %lt3A_213 : i1
      %and3A_215 = arith.andi %ne3A_214, %ne3A_209 : i1
      %add3A_216 = arith.addi %rem3A_207, %select_n3A_206 : i32
      %select_n3A_217 = arith.select %and3A_215, %add3A_216, %rem3A_207 : i32
      %mul3A_218 = arith.constant 16 : i32
      %mul3A_219 = arith.muli %select_n3A_217, %mul3A_218 : i32
      %get3A_220 = arith.index_cast %multiple_of3A_177 : i32 to index
      %get3A_221 = tpu.vector_load %arg10[%get3A_220] {strides = array<i32>} : memref<10240xi32, #tpu.memory_space<vmem>>, vector<16xi32>,
      %get3A_222 = vector.shape_cast %get3A_221 : vector<16xi32> to vector<16xi32>
      %swap3A_223 = arith.index_cast %select_n3A_201 : i32 to index
      %swap3A_224 = arith.index_cast %mul3A_219 : i32 to index
      %swap3A_225 = tpu.vector_load %arg11[%swap3A_223, %swap3A_224] {strides = array<i32>} : memref<80x128xi32, #tpu.memory_space<vmem>>, vector<1x16xi32>,
      %swap3A_226 = vector.shape_cast %swap3A_225 : vector<1x16xi32> to vector<16xi32>
      %swap3A_227 = vector.shape_cast %get3A_222 : vector<16xi32> to vector<1x16xi32>
      tpu.vector_store %arg11[%swap3A_223, %swap3A_224], %swap3A_227 {strides = array<i32>} : memref<80x128xi32, #tpu.memory_space<vmem>>, vector<1x16xi32>,
      %scan3A_228 = arith.constant 0 : i32
      %scan3A_229 = arith.constant 4 : i32
      %scan3A_230 = arith.addi %scan3A_18, %scan3A_229 : i32
      %mul3A_231 = arith.constant 16 : i32
      %mul3A_232 = arith.muli %scan3A_230, %mul3A_231 : i32
      %multiple_of3A_233 = tpu.assume_multiple %mul3A_232, 16 : i32
      %jit3A_234 = arith.constant 8 : i32
      %div3A_235 = arith.divsi %scan3A_230, %jit3A_234 : i32
      %sign3A_236 = arith.constant 0 : i32
      %sign3A_237 = arith.cmpi sgt, %scan3A_230, %sign3A_236 : i32
      %sign3A_238 = arith.extui %sign3A_237 : i1 to i32
      %sign3A_239 = arith.constant 0 : i32
      %sign3A_240 = arith.cmpi slt, %scan3A_230, %sign3A_239 : i32
      %sign3A_241 = arith.extui %sign3A_240 : i1 to i32
      %sign3A_242 = arith.subi %sign3A_238, %sign3A_241 : i32
      %sign3A_243 = arith.constant 0 : i32
      %sign3A_244 = arith.cmpi sgt, %jit3A_234, %sign3A_243 : i32
      %sign3A_245 = arith.extui %sign3A_244 : i1 to i32
      %sign3A_246 = arith.constant 0 : i32
      %sign3A_247 = arith.cmpi slt, %jit3A_234, %sign3A_246 : i32
      %sign3A_248 = arith.extui %sign3A_247 : i1 to i32
      %sign3A_249 = arith.subi %sign3A_245, %sign3A_248 : i32
      %ne3A_250 = arith.cmpi ne, %sign3A_242, %sign3A_249 : i32
      %rem3A_251 = arith.remsi %scan3A_230, %jit3A_234 : i32
      %ne3A_252 = arith.constant 0 : i32
      %ne3A_253 = arith.cmpi ne, %rem3A_251, %ne3A_252 : i32
      %and3A_254 = arith.andi %ne3A_250, %ne3A_253 : i1
      %sub3A_255 = arith.constant 1 : i32
      %sub3A_256 = arith.subi %div3A_235, %sub3A_255 : i32
      %select_n3A_257 = arith.select %and3A_254, %sub3A_256, %div3A_235 : i32
      %jit3A_258 = arith.constant 8 : i32
      %eq3A_259 = arith.constant 0 : i32
      %eq3A_260 = arith.cmpi eq, %jit3A_258, %eq3A_259 : i32
      %jit3A_261 = arith.constant 1 : i32
      %select_n3A_262 = arith.select %eq3A_260, %jit3A_261, %jit3A_258 : i32
      %rem3A_263 = arith.remsi %scan3A_230, %select_n3A_262 : i32
      %ne3A_264 = arith.constant 0 : i32
      %ne3A_265 = arith.cmpi ne, %rem3A_263, %ne3A_264 : i32
      %lt3A_266 = arith.constant 0 : i32
      %lt3A_267 = arith.cmpi slt, %rem3A_263, %lt3A_266 : i32
      %lt3A_268 = arith.constant 0 : i32
      %lt3A_269 = arith.cmpi slt, %select_n3A_262, %lt3A_268 : i32
      %ne3A_270 = arith.xori %lt3A_267, %lt3A_269 : i1
      %and3A_271 = arith.andi %ne3A_270, %ne3A_265 : i1
      %add3A_272 = arith.addi %rem3A_263, %select_n3A_262 : i32
      %select_n3A_273 = arith.select %and3A_271, %add3A_272, %rem3A_263 : i32
      %mul3A_274 = arith.constant 16 : i32
      %mul3A_275 = arith.muli %select_n3A_273, %mul3A_274 : i32
      %get3A_276 = arith.index_cast %multiple_of3A_233 : i32 to index
      %get3A_277 = tpu.vector_load %arg10[%get3A_276] {strides = array<i32>} : memref<10240xi32, #tpu.memory_space<vmem>>, vector<16xi32>,
      %get3A_278 = vector.shape_cast %get3A_277 : vector<16xi32> to vector<16xi32>
      %swap3A_279 = arith.index_cast %select_n3A_257 : i32 to index
      %swap3A_280 = arith.index_cast %mul3A_275 : i32 to index
      %swap3A_281 = tpu.vector_load %arg11[%swap3A_279, %swap3A_280] {strides = array<i32>} : memref<80x128xi32, #tpu.memory_space<vmem>>, vector<1x16xi32>,
      %swap3A_282 = vector.shape_cast %swap3A_281 : vector<1x16xi32> to vector<16xi32>
      %swap3A_283 = vector.shape_cast %get3A_278 : vector<16xi32> to vector<1x16xi32>
      tpu.vector_store %arg11[%swap3A_279, %swap3A_280], %swap3A_283 {strides = array<i32>} : memref<80x128xi32, #tpu.memory_space<vmem>>, vector<1x16xi32>,
      %scan3A_284 = arith.constant 0 : i32
      %scan3A_285 = arith.constant 5 : i32
      %scan3A_286 = arith.addi %scan3A_18, %scan3A_285 : i32
      %mul3A_287 = arith.constant 16 : i32
      %mul3A_288 = arith.muli %scan3A_286, %mul3A_287 : i32
      %multiple_of3A_289 = tpu.assume_multiple %mul3A_288, 16 : i32
      %jit3A_290 = arith.constant 8 : i32
      %div3A_291 = arith.divsi %scan3A_286, %jit3A_290 : i32
      %sign3A_292 = arith.constant 0 : i32
      %sign3A_293 = arith.cmpi sgt, %scan3A_286, %sign3A_292 : i32
      %sign3A_294 = arith.extui %sign3A_293 : i1 to i32
      %sign3A_295 = arith.constant 0 : i32
      %sign3A_296 = arith.cmpi slt, %scan3A_286, %sign3A_295 : i32
      %sign3A_297 = arith.extui %sign3A_296 : i1 to i32
      %sign3A_298 = arith.subi %sign3A_294, %sign3A_297 : i32
      %sign3A_299 = arith.constant 0 : i32
      %sign3A_300 = arith.cmpi sgt, %jit3A_290, %sign3A_299 : i32
      %sign3A_301 = arith.extui %sign3A_300 : i1 to i32
      %sign3A_302 = arith.constant 0 : i32
      %sign3A_303 = arith.cmpi slt, %jit3A_290, %sign3A_302 : i32
      %sign3A_304 = arith.extui %sign3A_303 : i1 to i32
      %sign3A_305 = arith.subi %sign3A_301, %sign3A_304 : i32
      %ne3A_306 = arith.cmpi ne, %sign3A_298, %sign3A_305 : i32
      %rem3A_307 = arith.remsi %scan3A_286, %jit3A_290 : i32
      %ne3A_308 = arith.constant 0 : i32
      %ne3A_309 = arith.cmpi ne, %rem3A_307, %ne3A_308 : i32
      %and3A_310 = arith.andi %ne3A_306, %ne3A_309 : i1
      %sub3A_311 = arith.constant 1 : i32
      %sub3A_312 = arith.subi %div3A_291, %sub3A_311 : i32
      %select_n3A_313 = arith.select %and3A_310, %sub3A_312, %div3A_291 : i32
      %jit3A_314 = arith.constant 8 : i32
      %eq3A_315 = arith.constant 0 : i32
      %eq3A_316 = arith.cmpi eq, %jit3A_314, %eq3A_315 : i32
      %jit3A_317 = arith.constant 1 : i32
      %select_n3A_318 = arith.select %eq3A_316, %jit3A_317, %jit3A_314 : i32
      %rem3A_319 = arith.remsi %scan3A_286, %select_n3A_318 : i32
      %ne3A_320 = arith.constant 0 : i32
      %ne3A_321 = arith.cmpi ne, %rem3A_319, %ne3A_320 : i32
      %lt3A_322 = arith.constant 0 : i32
      %lt3A_323 = arith.cmpi slt, %rem3A_319, %lt3A_322 : i32
      %lt3A_324 = arith.constant 0 : i32
      %lt3A_325 = arith.cmpi slt, %select_n3A_318, %lt3A_324 : i32
      %ne3A_326 = arith.xori %lt3A_323, %lt3A_325 : i1
      %and3A_327 = arith.andi %ne3A_326, %ne3A_321 : i1
      %add3A_328 = arith.addi %rem3A_319, %select_n3A_318 : i32
      %select_n3A_329 = arith.select %and3A_327, %add3A_328, %rem3A_319 : i32
      %mul3A_330 = arith.constant 16 : i32
      %mul3A_331 = arith.muli %select_n3A_329, %mul3A_330 : i32
      %get3A_332 = arith.index_cast %multiple_of3A_289 : i32 to index
      %get3A_333 = tpu.vector_load %arg10[%get3A_332] {strides = array<i32>} : memref<10240xi32, #tpu.memory_space<vmem>>, vector<16xi32>,
      %get3A_334 = vector.shape_cast %get3A_333 : vector<16xi32> to vector<16xi32>
      %swap3A_335 = arith.index_cast %select_n3A_313 : i32 to index
      %swap3A_336 = arith.index_cast %mul3A_331 : i32 to index
      %swap3A_337 = tpu.vector_load %arg11[%swap3A_335, %swap3A_336] {strides = array<i32>} : memref<80x128xi32, #tpu.memory_space<vmem>>, vector<1x16xi32>,
      %swap3A_338 = vector.shape_cast %swap3A_337 : vector<1x16xi32> to vector<16xi32>
      %swap3A_339 = vector.shape_cast %get3A_334 : vector<16xi32> to vector<1x16xi32>
      tpu.vector_store %arg11[%swap3A_335, %swap3A_336], %swap3A_339 {strides = array<i32>} : memref<80x128xi32, #tpu.memory_space<vmem>>, vector<1x16xi32>,
      %scan3A_340 = arith.constant 0 : i32
      %scan3A_341 = arith.constant 6 : i32
      %scan3A_342 = arith.addi %scan3A_18, %scan3A_341 : i32
      %mul3A_343 = arith.constant 16 : i32
      %mul3A_344 = arith.muli %scan3A_342, %mul3A_343 : i32
      %multiple_of3A_345 = tpu.assume_multiple %mul3A_344, 16 : i32
      %jit3A_346 = arith.constant 8 : i32
      %div3A_347 = arith.divsi %scan3A_342, %jit3A_346 : i32
      %sign3A_348 = arith.constant 0 : i32
      %sign3A_349 = arith.cmpi sgt, %scan3A_342, %sign3A_348 : i32
      %sign3A_350 = arith.extui %sign3A_349 : i1 to i32
      %sign3A_351 = arith.constant 0 : i32
      %sign3A_352 = arith.cmpi slt, %scan3A_342, %sign3A_351 : i32
      %sign3A_353 = arith.extui %sign3A_352 : i1 to i32
      %sign3A_354 = arith.subi %sign3A_350, %sign3A_353 : i32
      %sign3A_355 = arith.constant 0 : i32
      %sign3A_356 = arith.cmpi sgt, %jit3A_346, %sign3A_355 : i32
      %sign3A_357 = arith.extui %sign3A_356 : i1 to i32
      %sign3A_358 = arith.constant 0 : i32
      %sign3A_359 = arith.cmpi slt, %jit3A_346, %sign3A_358 : i32
      %sign3A_360 = arith.extui %sign3A_359 : i1 to i32
      %sign3A_361 = arith.subi %sign3A_357, %sign3A_360 : i32
      %ne3A_362 = arith.cmpi ne, %sign3A_354, %sign3A_361 : i32
      %rem3A_363 = arith.remsi %scan3A_342, %jit3A_346 : i32
      %ne3A_364 = arith.constant 0 : i32
      %ne3A_365 = arith.cmpi ne, %rem3A_363, %ne3A_364 : i32
      %and3A_366 = arith.andi %ne3A_362, %ne3A_365 : i1
      %sub3A_367 = arith.constant 1 : i32
      %sub3A_368 = arith.subi %div3A_347, %sub3A_367 : i32
      %select_n3A_369 = arith.select %and3A_366, %sub3A_368, %div3A_347 : i32
      %jit3A_370 = arith.constant 8 : i32
      %eq3A_371 = arith.constant 0 : i32
      %eq3A_372 = arith.cmpi eq, %jit3A_370, %eq3A_371 : i32
      %jit3A_373 = arith.constant 1 : i32
      %select_n3A_374 = arith.select %eq3A_372, %jit3A_373, %jit3A_370 : i32
      %rem3A_375 = arith.remsi %scan3A_342, %select_n3A_374 : i32
      %ne3A_376 = arith.constant 0 : i32
      %ne3A_377 = arith.cmpi ne, %rem3A_375, %ne3A_376 : i32
      %lt3A_378 = arith.constant 0 : i32
      %lt3A_379 = arith.cmpi slt, %rem3A_375, %lt3A_378 : i32
      %lt3A_380 = arith.constant 0 : i32
      %lt3A_381 = arith.cmpi slt, %select_n3A_374, %lt3A_380 : i32
      %ne3A_382 = arith.xori %lt3A_379, %lt3A_381 : i1
      %and3A_383 = arith.andi %ne3A_382, %ne3A_377 : i1
      %add3A_384 = arith.addi %rem3A_375, %select_n3A_374 : i32
      %select_n3A_385 = arith.select %and3A_383, %add3A_384, %rem3A_375 : i32
      %mul3A_386 = arith.constant 16 : i32
      %mul3A_387 = arith.muli %select_n3A_385, %mul3A_386 : i32
      %get3A_388 = arith.index_cast %multiple_of3A_345 : i32 to index
      %get3A_389 = tpu.vector_load %arg10[%get3A_388] {strides = array<i32>} : memref<10240xi32, #tpu.memory_space<vmem>>, vector<16xi32>,
      %get3A_390 = vector.shape_cast %get3A_389 : vector<16xi32> to vector<16xi32>
      %swap3A_391 = arith.index_cast %select_n3A_369 : i32 to index
      %swap3A_392 = arith.index_cast %mul3A_387 : i32 to index
      %swap3A_393 = tpu.vector_load %arg11[%swap3A_391, %swap3A_392] {strides = array<i32>} : memref<80x128xi32, #tpu.memory_space<vmem>>, vector<1x16xi32>,
      %swap3A_394 = vector.shape_cast %swap3A_393 : vector<1x16xi32> to vector<16xi32>
      %swap3A_395 = vector.shape_cast %get3A_390 : vector<16xi32> to vector<1x16xi32>
      tpu.vector_store %arg11[%swap3A_391, %swap3A_392], %swap3A_395 {strides = array<i32>} : memref<80x128xi32, #tpu.memory_space<vmem>>, vector<1x16xi32>,
      %scan3A_396 = arith.constant 0 : i32
      %scan3A_397 = arith.constant 7 : i32
      %scan3A_398 = arith.addi %scan3A_18, %scan3A_397 : i32
      %mul3A_399 = arith.constant 16 : i32
      %mul3A_400 = arith.muli %scan3A_398, %mul3A_399 : i32
      %multiple_of3A_401 = tpu.assume_multiple %mul3A_400, 16 : i32
      %jit3A_402 = arith.constant 8 : i32
      %div3A_403 = arith.divsi %scan3A_398, %jit3A_402 : i32
      %sign3A_404 = arith.constant 0 : i32
      %sign3A_405 = arith.cmpi sgt, %scan3A_398, %sign3A_404 : i32
      %sign3A_406 = arith.extui %sign3A_405 : i1 to i32
      %sign3A_407 = arith.constant 0 : i32
      %sign3A_408 = arith.cmpi slt, %scan3A_398, %sign3A_407 : i32
      %sign3A_409 = arith.extui %sign3A_408 : i1 to i32
      %sign3A_410 = arith.subi %sign3A_406, %sign3A_409 : i32
      %sign3A_411 = arith.constant 0 : i32
      %sign3A_412 = arith.cmpi sgt, %jit3A_402, %sign3A_411 : i32
      %sign3A_413 = arith.extui %sign3A_412 : i1 to i32
      %sign3A_414 = arith.constant 0 : i32
      %sign3A_415 = arith.cmpi slt, %jit3A_402, %sign3A_414 : i32
      %sign3A_416 = arith.extui %sign3A_415 : i1 to i32
      %sign3A_417 = arith.subi %sign3A_413, %sign3A_416 : i32
      %ne3A_418 = arith.cmpi ne, %sign3A_410, %sign3A_417 : i32
      %rem3A_419 = arith.remsi %scan3A_398, %jit3A_402 : i32
      %ne3A_420 = arith.constant 0 : i32
      %ne3A_421 = arith.cmpi ne, %rem3A_419, %ne3A_420 : i32
      %and3A_422 = arith.andi %ne3A_418, %ne3A_421 : i1
      %sub3A_423 = arith.constant 1 : i32
      %sub3A_424 = arith.subi %div3A_403, %sub3A_423 : i32
      %select_n3A_425 = arith.select %and3A_422, %sub3A_424, %div3A_403 : i32
      %jit3A_426 = arith.constant 8 : i32
      %eq3A_427 = arith.constant 0 : i32
      %eq3A_428 = arith.cmpi eq, %jit3A_426, %eq3A_427 : i32
      %jit3A_429 = arith.constant 1 : i32
      %select_n3A_430 = arith.select %eq3A_428, %jit3A_429, %jit3A_426 : i32
      %rem3A_431 = arith.remsi %scan3A_398, %select_n3A_430 : i32
      %ne3A_432 = arith.constant 0 : i32
      %ne3A_433 = arith.cmpi ne, %rem3A_431, %ne3A_432 : i32
      %lt3A_434 = arith.constant 0 : i32
      %lt3A_435 = arith.cmpi slt, %rem3A_431, %lt3A_434 : i32
      %lt3A_436 = arith.constant 0 : i32
      %lt3A_437 = arith.cmpi slt, %select_n3A_430, %lt3A_436 : i32
      %ne3A_438 = arith.xori %lt3A_435, %lt3A_437 : i1
      %and3A_439 = arith.andi %ne3A_438, %ne3A_433 : i1
      %add3A_440 = arith.addi %rem3A_431, %select_n3A_430 : i32
      %select_n3A_441 = arith.select %and3A_439, %add3A_440, %rem3A_431 : i32
      %mul3A_442 = arith.constant 16 : i32
      %mul3A_443 = arith.muli %select_n3A_441, %mul3A_442 : i32
      %get3A_444 = arith.index_cast %multiple_of3A_401 : i32 to index
      %get3A_445 = tpu.vector_load %arg10[%get3A_444] {strides = array<i32>} : memref<10240xi32, #tpu.memory_space<vmem>>, vector<16xi32>,
      %get3A_446 = vector.shape_cast %get3A_445 : vector<16xi32> to vector<16xi32>
      %swap3A_447 = arith.index_cast %select_n3A_425 : i32 to index
      %swap3A_448 = arith.index_cast %mul3A_443 : i32 to index
      %swap3A_449 = tpu.vector_load %arg11[%swap3A_447, %swap3A_448] {strides = array<i32>} : memref<80x128xi32, #tpu.memory_space<vmem>>, vector<1x16xi32>,
      %swap3A_450 = vector.shape_cast %swap3A_449 : vector<1x16xi32> to vector<16xi32>
      %swap3A_451 = vector.shape_cast %get3A_446 : vector<16xi32> to vector<1x16xi32>
      tpu.vector_store %arg11[%swap3A_447, %swap3A_448], %swap3A_451 {strides = array<i32>} : memref<80x128xi32, #tpu.memory_space<vmem>>, vector<1x16xi32>,
      %scan3A_452 = arith.constant 0 : i32
      scf.yield %scan3A_452 : i32
    }
    %scan3A_10 = arith.constant 640 : i32
    %eq3A = arith.constant 0 : i32
    %eq3A_11 = arith.cmpi eq, %arg0, %eq3A : i32
    %convert_element_type3A = arith.extui %eq3A_11 : i1 to i32
    %cond3A = arith.constant 0 : i32
    %cond3A_12 = arith.cmpi ne, %convert_element_type3A, %cond3A : i32
    scf.if %cond3A_12 {
      "tpu.region"() ({
        %run_scoped3A = tpu.sem_alloc : memref<!tpu.dma_semaphore, #tpu.memory_space<semaphore_mem>>
        %dma_start3A = arith.constant 0 : i32
        %dma_start3A_36 = tpu.memref_slice %arg8[%mul3A_0, %dma_start3A] : memref<10016x128xf32, #tpu.memory_space<vmem_shared>> -> memref<624x128xf32, #tpu.memory_space<vmem_shared>>
        %dma_start3A_37 = arith.constant 0 : i32
        %dma_start3A_38 = tpu.memref_slice %arg2[%mul3A_0, %dma_start3A_37] : memref<10000x128xf32, #tpu.memory_space<hbm>> -> memref<624x128xf32, #tpu.memory_space<hbm>>
        tpu.enqueue_dma source(%dma_start3A_38 : memref<624x128xf32, #tpu.memory_space<hbm>>) target(%dma_start3A_36 : memref<624x128xf32, #tpu.memory_space<vmem_shared>>) target_semaphore(%run_scoped3A : memref<!tpu.dma_semaphore, #tpu.memory_space<semaphore_mem>>)
        %dma_wait3A = arith.constant 0 : i32
        %dma_wait3A_39 = tpu.memref_slice %arg8[%mul3A_0, %dma_wait3A] : memref<10016x128xf32, #tpu.memory_space<vmem_shared>> -> memref<624x128xf32, #tpu.memory_space<vmem_shared>>
        %dma_wait3A_40 = arith.constant 0 : i32
        %dma_wait3A_41 = tpu.memref_slice %arg2[%mul3A_0, %dma_wait3A_40] : memref<10000x128xf32, #tpu.memory_space<hbm>> -> memref<624x128xf32, #tpu.memory_space<hbm>>
        tpu.wait_dma2 semaphore(%run_scoped3A : memref<!tpu.dma_semaphore, #tpu.memory_space<semaphore_mem>>) src(%dma_wait3A_41 : memref<624x128xf32, #tpu.memory_space<hbm>>) dst(%dma_wait3A_39 : memref<624x128xf32, #tpu.memory_space<vmem_shared>>)
        tpu.yield
      }) : () -> ()
      %eq3A_18 = arith.constant 15 : i32
      %eq3A_19 = arith.cmpi eq, %arg1, %eq3A_18 : i32
      %convert_element_type3A_20 = arith.extui %eq3A_19 : i1 to i32
      %cond3A_21 = arith.constant 0 : i32
      %cond3A_22 = arith.cmpi ne, %convert_element_type3A_20, %cond3A_21 : i32
      scf.if %cond3A_22 {
        "tpu.region"() ({
          %run_scoped3A = tpu.sem_alloc : memref<!tpu.dma_semaphore, #tpu.memory_space<semaphore_mem>>
          %dma_start3A = arith.constant 9984 : i32
          %dma_start3A_36 = arith.constant 0 : i32
          %dma_start3A_37 = tpu.memref_slice %arg8[%dma_start3A, %dma_start3A_36] : memref<10016x128xf32, #tpu.memory_space<vmem_shared>> -> memref<16x128xf32, #tpu.memory_space<vmem_shared>>
          %dma_start3A_38 = arith.constant 9984 : i32
          %dma_start3A_39 = arith.constant 0 : i32
          %dma_start3A_40 = tpu.memref_slice %arg2[%dma_start3A_38, %dma_start3A_39] : memref<10000x128xf32, #tpu.memory_space<hbm>> -> memref<16x128xf32, #tpu.memory_space<hbm>>
          tpu.enqueue_dma source(%dma_start3A_40 : memref<16x128xf32, #tpu.memory_space<hbm>>) target(%dma_start3A_37 : memref<16x128xf32, #tpu.memory_space<vmem_shared>>) target_semaphore(%run_scoped3A : memref<!tpu.dma_semaphore, #tpu.memory_space<semaphore_mem>>)
          %dma_wait3A = arith.constant 9984 : i32
          %dma_wait3A_41 = arith.constant 0 : i32
          %dma_wait3A_42 = tpu.memref_slice %arg8[%dma_wait3A, %dma_wait3A_41] : memref<10016x128xf32, #tpu.memory_space<vmem_shared>> -> memref<16x128xf32, #tpu.memory_space<vmem_shared>>
          %dma_wait3A_43 = arith.constant 9984 : i32
          %dma_wait3A_44 = arith.constant 0 : i32
          %dma_wait3A_45 = tpu.memref_slice %arg2[%dma_wait3A_43, %dma_wait3A_44] : memref<10000x128xf32, #tpu.memory_space<hbm>> -> memref<16x128xf32, #tpu.memory_space<hbm>>
          tpu.wait_dma2 semaphore(%run_scoped3A : memref<!tpu.dma_semaphore, #tpu.memory_space<semaphore_mem>>) src(%dma_wait3A_45 : memref<16x128xf32, #tpu.memory_space<hbm>>) dst(%dma_wait3A_42 : memref<16x128xf32, #tpu.memory_space<vmem_shared>>)
          tpu.yield
        }) : () -> ()
      } else {
      }
      %barrier3A = arith.constant 0 : index
      tpu.barrier barrier_id(%barrier3A)
      %scan3A_23 = arith.constant 0 : i32
      %scan3A_24 = arith.constant 0 : i32
      %scan3A_25 = arith.constant 80 : i32
      %scan3A_26 = arith.addi %scan3A_24, %scan3A_25 : i32
      %scan3A_27 = arith.constant 1 : i32
      %scan3A_28 = scf.for %scan3A_36 = %scan3A_24 to %scan3A_26 step %scan3A_27 iter_args(%scan3A_37 = %scan3A_23) -> (i32)  : i32 {
        %mul3A_38 = arith.constant 128 : i32
        %mul3A_39 = arith.muli %scan3A_36, %mul3A_38 : i32
        %multiple_of3A = tpu.assume_multiple %mul3A_39, 128 : i32
        %dma_start3A = tpu.memref_slice %arg9[%multiple_of3A] : memref<10240xi32, #tpu.memory_space<vmem>> -> memref<128xi32, #tpu.memory_space<vmem>>
        %dma_start3A_40 = arith.constant 0 : i32
        %dma_start3A_41 = arith.constant 0 : i32
        %dma_start3A_42 = tpu.memref_slice %arg2[%dma_start3A_40, %dma_start3A_41] : memref<10000x128xf32, #tpu.memory_space<hbm>> -> memref<10000x128xf32, #tpu.memory_space<hbm>>
        tpu.enqueue_indirect_dma source(%dma_start3A_42 : memref<10000x128xf32, #tpu.memory_space<hbm>>) target(%arg12 : memref<128x128xf32, #tpu.memory_space<vmem>>) offsets(%dma_start3A : memref<128xi32, #tpu.memory_space<vmem>>) semaphore(%arg13 : memref<!tpu.dma_semaphore, #tpu.memory_space<semaphore_mem>>)
        %dma_wait3A = arith.constant 0 : i32
        %dma_wait3A_43 = arith.constant 0 : i32
        %dma_wait3A_44 = tpu.memref_slice %arg2[%dma_wait3A, %dma_wait3A_43] : memref<10000x128xf32, #tpu.memory_space<hbm>> -> memref<128x128xf32, #tpu.memory_space<hbm>>
        %dma_wait3A_45 = arith.constant 0 : i32
        %dma_wait3A_46 = arith.constant 0 : i32
        %dma_wait3A_47 = tpu.memref_slice %arg2[%dma_wait3A_45, %dma_wait3A_46] : memref<10000x128xf32, #tpu.memory_space<hbm>> -> memref<128x128xf32, #tpu.memory_space<hbm>>
        tpu.wait_dma2 semaphore(%arg13 : memref<!tpu.dma_semaphore, #tpu.memory_space<semaphore_mem>>) src(%dma_wait3A_47 : memref<128x128xf32, #tpu.memory_space<hbm>>) dst(%arg12 : memref<128x128xf32, #tpu.memory_space<vmem>>)
        "tpu.region"() ({
          %run_scoped3A = tpu.sem_alloc : memref<!tpu.dma_semaphore, #tpu.memory_space<semaphore_mem>>
          %dma_start3A_49 = arith.constant 0 : i32
          %dma_start3A_50 = tpu.memref_slice %arg11[%scan3A_36, %dma_start3A_49] : memref<80x128xi32, #tpu.memory_space<vmem>> -> memref<1x128xi32, #tpu.memory_space<vmem>>
          %dma_start3A_51 = tpu.memref_squeeze %dma_start3A_50 : memref<1x128xi32, #tpu.memory_space<vmem>> -> memref<128xi32, #tpu.memory_space<vmem>>
          %dma_start3A_52 = arith.constant 0 : i32
          %dma_start3A_53 = arith.constant 0 : i32
          %dma_start3A_54 = tpu.memref_slice %arg8[%dma_start3A_52, %dma_start3A_53] : memref<10016x128xf32, #tpu.memory_space<vmem_shared>> -> memref<10016x128xf32, #tpu.memory_space<vmem_shared>>
          tpu.enqueue_indirect_dma source(%arg12 : memref<128x128xf32, #tpu.memory_space<vmem>>) target(%dma_start3A_54 : memref<10016x128xf32, #tpu.memory_space<vmem_shared>>) offsets(%dma_start3A_51 : memref<128xi32, #tpu.memory_space<vmem>>) semaphore(%run_scoped3A : memref<!tpu.dma_semaphore, #tpu.memory_space<semaphore_mem>>) {add = true}
          %dma_wait3A_55 = arith.constant 0 : i32
          %dma_wait3A_56 = tpu.memref_slice %arg11[%scan3A_36, %dma_wait3A_55] : memref<80x128xi32, #tpu.memory_space<vmem>> -> memref<1x128xi32, #tpu.memory_space<vmem>>
          %dma_wait3A_57 = tpu.memref_squeeze %dma_wait3A_56 : memref<1x128xi32, #tpu.memory_space<vmem>> -> memref<128xi32, #tpu.memory_space<vmem>>
          %dma_wait3A_58 = arith.constant 0 : i32
          %dma_wait3A_59 = arith.constant 0 : i32
          %dma_wait3A_60 = tpu.memref_slice %arg8[%dma_wait3A_58, %dma_wait3A_59] : memref<10016x128xf32, #tpu.memory_space<vmem_shared>> -> memref<10016x128xf32, #tpu.memory_space<vmem_shared>>
          tpu.wait_indirect_dma semaphore(%run_scoped3A : memref<!tpu.dma_semaphore, #tpu.memory_space<semaphore_mem>>) src(%arg12 : memref<128x128xf32, #tpu.memory_space<vmem>>) dst(%dma_wait3A_60 : memref<10016x128xf32, #tpu.memory_space<vmem_shared>>)
          tpu.yield
        }) : () -> ()
        %scan3A_48 = arith.constant 0 : i32
        scf.yield %scan3A_48 : i32
      }
      %scan3A_29 = arith.constant 80 : i32
      %barrier3A_30 = arith.constant 0 : index
      tpu.barrier barrier_id(%barrier3A_30)
      "tpu.region"() ({
        %run_scoped3A = tpu.sem_alloc : memref<!tpu.dma_semaphore, #tpu.memory_space<semaphore_mem>>
        %dma_start3A = arith.constant 0 : i32
        %dma_start3A_36 = tpu.memref_slice %arg6[%mul3A_0, %dma_start3A] : memref<10000x128xf32, #tpu.memory_space<hbm>> -> memref<624x128xf32, #tpu.memory_space<hbm>>
        %dma_start3A_37 = arith.constant 0 : i32
        %dma_start3A_38 = tpu.memref_slice %arg8[%mul3A_0, %dma_start3A_37] : memref<10016x128xf32, #tpu.memory_space<vmem_shared>> -> memref<624x128xf32, #tpu.memory_space<vmem_shared>>
        tpu.enqueue_dma source(%dma_start3A_38 : memref<624x128xf32, #tpu.memory_space<vmem_shared>>) target(%dma_start3A_36 : memref<624x128xf32, #tpu.memory_space<hbm>>) target_semaphore(%run_scoped3A : memref<!tpu.dma_semaphore, #tpu.memory_space<semaphore_mem>>)
        %dma_wait3A = arith.constant 0 : i32
        %dma_wait3A_39 = tpu.memref_slice %arg6[%mul3A_0, %dma_wait3A] : memref<10000x128xf32, #tpu.memory_space<hbm>> -> memref<624x128xf32, #tpu.memory_space<hbm>>
        %dma_wait3A_40 = arith.constant 0 : i32
        %dma_wait3A_41 = tpu.memref_slice %arg8[%mul3A_0, %dma_wait3A_40] : memref<10016x128xf32, #tpu.memory_space<vmem_shared>> -> memref<624x128xf32, #tpu.memory_space<vmem_shared>>
        tpu.wait_dma2 semaphore(%run_scoped3A : memref<!tpu.dma_semaphore, #tpu.memory_space<semaphore_mem>>) src(%dma_wait3A_41 : memref<624x128xf32, #tpu.memory_space<vmem_shared>>) dst(%dma_wait3A_39 : memref<624x128xf32, #tpu.memory_space<hbm>>)
        tpu.yield
      }) : () -> ()
      %eq3A_31 = arith.constant 15 : i32
      %eq3A_32 = arith.cmpi eq, %arg1, %eq3A_31 : i32
      %convert_element_type3A_33 = arith.extui %eq3A_32 : i1 to i32
      %cond3A_34 = arith.constant 0 : i32
      %cond3A_35 = arith.cmpi ne, %convert_element_type3A_33, %cond3A_34 : i32
      scf.if %cond3A_35 {
        "tpu.region"() ({
          %run_scoped3A = tpu.sem_alloc : memref<!tpu.dma_semaphore, #tpu.memory_space<semaphore_mem>>
          %dma_start3A = arith.constant 9984 : i32
          %dma_start3A_36 = arith.constant 0 : i32
          %dma_start3A_37 = tpu.memref_slice %arg6[%dma_start3A, %dma_start3A_36] : memref<10000x128xf32, #tpu.memory_space<hbm>> -> memref<16x128xf32, #tpu.memory_space<hbm>>
          %dma_start3A_38 = arith.constant 9984 : i32
          %dma_start3A_39 = arith.constant 0 : i32
          %dma_start3A_40 = tpu.memref_slice %arg8[%dma_start3A_38, %dma_start3A_39] : memref<10016x128xf32, #tpu.memory_space<vmem_shared>> -> memref<16x128xf32, #tpu.memory_space<vmem_shared>>
          tpu.enqueue_dma source(%dma_start3A_40 : memref<16x128xf32, #tpu.memory_space<vmem_shared>>) target(%dma_start3A_37 : memref<16x128xf32, #tpu.memory_space<hbm>>) target_semaphore(%run_scoped3A : memref<!tpu.dma_semaphore, #tpu.memory_space<semaphore_mem>>)
          %dma_wait3A = arith.constant 9984 : i32
          %dma_wait3A_41 = arith.constant 0 : i32
          %dma_wait3A_42 = tpu.memref_slice %arg6[%dma_wait3A, %dma_wait3A_41] : memref<10000x128xf32, #tpu.memory_space<hbm>> -> memref<16x128xf32, #tpu.memory_space<hbm>>
          %dma_wait3A_43 = arith.constant 9984 : i32
          %dma_wait3A_44 = arith.constant 0 : i32
          %dma_wait3A_45 = tpu.memref_slice %arg8[%dma_wait3A_43, %dma_wait3A_44] : memref<10016x128xf32, #tpu.memory_space<vmem_shared>> -> memref<16x128xf32, #tpu.memory_space<vmem_shared>>
          tpu.wait_dma2 semaphore(%run_scoped3A : memref<!tpu.dma_semaphore, #tpu.memory_space<semaphore_mem>>) src(%dma_wait3A_45 : memref<16x128xf32, #tpu.memory_space<vmem_shared>>) dst(%dma_wait3A_42 : memref<16x128xf32, #tpu.memory_space<hbm>>)
          tpu.yield
        }) : () -> ()
      } else {
      }
    } else {
    }
    %eq3A_13 = arith.constant 1 : i32
    %eq3A_14 = arith.cmpi eq, %arg0, %eq3A_13 : i32
    %convert_element_type3A_15 = arith.extui %eq3A_14 : i1 to i32
    %cond3A_16 = arith.constant 0 : i32
    %cond3A_17 = arith.cmpi ne, %convert_element_type3A_15, %cond3A_16 : i32
    scf.if %cond3A_17 {
      "tpu.region"() ({
        %run_scoped3A = tpu.sem_alloc : memref<!tpu.dma_semaphore, #tpu.memory_space<semaphore_mem>>
        %dma_start3A = arith.constant 0 : i32
        %dma_start3A_36 = tpu.memref_slice %arg8[%mul3A_0, %dma_start3A] : memref<10016x128xf32, #tpu.memory_space<vmem_shared>> -> memref<624x128xf32, #tpu.memory_space<vmem_shared>>
        %dma_start3A_37 = arith.constant 0 : i32
        %dma_start3A_38 = tpu.memref_slice %arg3[%mul3A_0, %dma_start3A_37] : memref<10000x128xf32, #tpu.memory_space<hbm>> -> memref<624x128xf32, #tpu.memory_space<hbm>>
        tpu.enqueue_dma source(%dma_start3A_38 : memref<624x128xf32, #tpu.memory_space<hbm>>) target(%dma_start3A_36 : memref<624x128xf32, #tpu.memory_space<vmem_shared>>) target_semaphore(%run_scoped3A : memref<!tpu.dma_semaphore, #tpu.memory_space<semaphore_mem>>)
        %dma_wait3A = arith.constant 0 : i32
        %dma_wait3A_39 = tpu.memref_slice %arg8[%mul3A_0, %dma_wait3A] : memref<10016x128xf32, #tpu.memory_space<vmem_shared>> -> memref<624x128xf32, #tpu.memory_space<vmem_shared>>
        %dma_wait3A_40 = arith.constant 0 : i32
        %dma_wait3A_41 = tpu.memref_slice %arg3[%mul3A_0, %dma_wait3A_40] : memref<10000x128xf32, #tpu.memory_space<hbm>> -> memref<624x128xf32, #tpu.memory_space<hbm>>
        tpu.wait_dma2 semaphore(%run_scoped3A : memref<!tpu.dma_semaphore, #tpu.memory_space<semaphore_mem>>) src(%dma_wait3A_41 : memref<624x128xf32, #tpu.memory_space<hbm>>) dst(%dma_wait3A_39 : memref<624x128xf32, #tpu.memory_space<vmem_shared>>)
        tpu.yield
      }) : () -> ()
      %eq3A_18 = arith.constant 15 : i32
      %eq3A_19 = arith.cmpi eq, %arg1, %eq3A_18 : i32
      %convert_element_type3A_20 = arith.extui %eq3A_19 : i1 to i32
      %cond3A_21 = arith.constant 0 : i32
      %cond3A_22 = arith.cmpi ne, %convert_element_type3A_20, %cond3A_21 : i32
      scf.if %cond3A_22 {
        "tpu.region"() ({
          %run_scoped3A = tpu.sem_alloc : memref<!tpu.dma_semaphore, #tpu.memory_space<semaphore_mem>>
          %dma_start3A = arith.constant 9984 : i32
          %dma_start3A_36 = arith.constant 0 : i32
          %dma_start3A_37 = tpu.memref_slice %arg8[%dma_start3A, %dma_start3A_36] : memref<10016x128xf32, #tpu.memory_space<vmem_shared>> -> memref<16x128xf32, #tpu.memory_space<vmem_shared>>
          %dma_start3A_38 = arith.constant 9984 : i32
          %dma_start3A_39 = arith.constant 0 : i32
          %dma_start3A_40 = tpu.memref_slice %arg3[%dma_start3A_38, %dma_start3A_39] : memref<10000x128xf32, #tpu.memory_space<hbm>> -> memref<16x128xf32, #tpu.memory_space<hbm>>
          tpu.enqueue_dma source(%dma_start3A_40 : memref<16x128xf32, #tpu.memory_space<hbm>>) target(%dma_start3A_37 : memref<16x128xf32, #tpu.memory_space<vmem_shared>>) target_semaphore(%run_scoped3A : memref<!tpu.dma_semaphore, #tpu.memory_space<semaphore_mem>>)
          %dma_wait3A = arith.constant 9984 : i32
          %dma_wait3A_41 = arith.constant 0 : i32
          %dma_wait3A_42 = tpu.memref_slice %arg8[%dma_wait3A, %dma_wait3A_41] : memref<10016x128xf32, #tpu.memory_space<vmem_shared>> -> memref<16x128xf32, #tpu.memory_space<vmem_shared>>
          %dma_wait3A_43 = arith.constant 9984 : i32
          %dma_wait3A_44 = arith.constant 0 : i32
          %dma_wait3A_45 = tpu.memref_slice %arg3[%dma_wait3A_43, %dma_wait3A_44] : memref<10000x128xf32, #tpu.memory_space<hbm>> -> memref<16x128xf32, #tpu.memory_space<hbm>>
          tpu.wait_dma2 semaphore(%run_scoped3A : memref<!tpu.dma_semaphore, #tpu.memory_space<semaphore_mem>>) src(%dma_wait3A_45 : memref<16x128xf32, #tpu.memory_space<hbm>>) dst(%dma_wait3A_42 : memref<16x128xf32, #tpu.memory_space<vmem_shared>>)
          tpu.yield
        }) : () -> ()
      } else {
      }
      %barrier3A = arith.constant 0 : index
      tpu.barrier barrier_id(%barrier3A)
      %scan3A_23 = arith.constant 0 : i32
      %scan3A_24 = arith.constant 0 : i32
      %scan3A_25 = arith.constant 80 : i32
      %scan3A_26 = arith.addi %scan3A_24, %scan3A_25 : i32
      %scan3A_27 = arith.constant 1 : i32
      %scan3A_28 = scf.for %scan3A_36 = %scan3A_24 to %scan3A_26 step %scan3A_27 iter_args(%scan3A_37 = %scan3A_23) -> (i32)  : i32 {
        %mul3A_38 = arith.constant 128 : i32
        %mul3A_39 = arith.muli %scan3A_36, %mul3A_38 : i32
        %multiple_of3A = tpu.assume_multiple %mul3A_39, 128 : i32
        %dma_start3A = tpu.memref_slice %arg9[%multiple_of3A] : memref<10240xi32, #tpu.memory_space<vmem>> -> memref<128xi32, #tpu.memory_space<vmem>>
        %dma_start3A_40 = arith.constant 0 : i32
        %dma_start3A_41 = arith.constant 0 : i32
        %dma_start3A_42 = tpu.memref_slice %arg3[%dma_start3A_40, %dma_start3A_41] : memref<10000x128xf32, #tpu.memory_space<hbm>> -> memref<10000x128xf32, #tpu.memory_space<hbm>>
        tpu.enqueue_indirect_dma source(%dma_start3A_42 : memref<10000x128xf32, #tpu.memory_space<hbm>>) target(%arg12 : memref<128x128xf32, #tpu.memory_space<vmem>>) offsets(%dma_start3A : memref<128xi32, #tpu.memory_space<vmem>>) semaphore(%arg13 : memref<!tpu.dma_semaphore, #tpu.memory_space<semaphore_mem>>)
        %dma_wait3A = arith.constant 0 : i32
        %dma_wait3A_43 = arith.constant 0 : i32
        %dma_wait3A_44 = tpu.memref_slice %arg3[%dma_wait3A, %dma_wait3A_43] : memref<10000x128xf32, #tpu.memory_space<hbm>> -> memref<128x128xf32, #tpu.memory_space<hbm>>
        %dma_wait3A_45 = arith.constant 0 : i32
        %dma_wait3A_46 = arith.constant 0 : i32
        %dma_wait3A_47 = tpu.memref_slice %arg3[%dma_wait3A_45, %dma_wait3A_46] : memref<10000x128xf32, #tpu.memory_space<hbm>> -> memref<128x128xf32, #tpu.memory_space<hbm>>
        tpu.wait_dma2 semaphore(%arg13 : memref<!tpu.dma_semaphore, #tpu.memory_space<semaphore_mem>>) src(%dma_wait3A_47 : memref<128x128xf32, #tpu.memory_space<hbm>>) dst(%arg12 : memref<128x128xf32, #tpu.memory_space<vmem>>)
        "tpu.region"() ({
          %run_scoped3A = tpu.sem_alloc : memref<!tpu.dma_semaphore, #tpu.memory_space<semaphore_mem>>
          %dma_start3A_49 = arith.constant 0 : i32
          %dma_start3A_50 = tpu.memref_slice %arg11[%scan3A_36, %dma_start3A_49] : memref<80x128xi32, #tpu.memory_space<vmem>> -> memref<1x128xi32, #tpu.memory_space<vmem>>
          %dma_start3A_51 = tpu.memref_squeeze %dma_start3A_50 : memref<1x128xi32, #tpu.memory_space<vmem>> -> memref<128xi32, #tpu.memory_space<vmem>>
          %dma_start3A_52 = arith.constant 0 : i32
          %dma_start3A_53 = arith.constant 0 : i32
          %dma_start3A_54 = tpu.memref_slice %arg8[%dma_start3A_52, %dma_start3A_53] : memref<10016x128xf32, #tpu.memory_space<vmem_shared>> -> memref<10016x128xf32, #tpu.memory_space<vmem_shared>>
          tpu.enqueue_indirect_dma source(%arg12 : memref<128x128xf32, #tpu.memory_space<vmem>>) target(%dma_start3A_54 : memref<10016x128xf32, #tpu.memory_space<vmem_shared>>) offsets(%dma_start3A_51 : memref<128xi32, #tpu.memory_space<vmem>>) semaphore(%run_scoped3A : memref<!tpu.dma_semaphore, #tpu.memory_space<semaphore_mem>>) {add = true}
          %dma_wait3A_55 = arith.constant 0 : i32
          %dma_wait3A_56 = tpu.memref_slice %arg11[%scan3A_36, %dma_wait3A_55] : memref<80x128xi32, #tpu.memory_space<vmem>> -> memref<1x128xi32, #tpu.memory_space<vmem>>
          %dma_wait3A_57 = tpu.memref_squeeze %dma_wait3A_56 : memref<1x128xi32, #tpu.memory_space<vmem>> -> memref<128xi32, #tpu.memory_space<vmem>>
          %dma_wait3A_58 = arith.constant 0 : i32
          %dma_wait3A_59 = arith.constant 0 : i32
          %dma_wait3A_60 = tpu.memref_slice %arg8[%dma_wait3A_58, %dma_wait3A_59] : memref<10016x128xf32, #tpu.memory_space<vmem_shared>> -> memref<10016x128xf32, #tpu.memory_space<vmem_shared>>
          tpu.wait_indirect_dma semaphore(%run_scoped3A : memref<!tpu.dma_semaphore, #tpu.memory_space<semaphore_mem>>) src(%arg12 : memref<128x128xf32, #tpu.memory_space<vmem>>) dst(%dma_wait3A_60 : memref<10016x128xf32, #tpu.memory_space<vmem_shared>>)
          tpu.yield
        }) : () -> ()
        %scan3A_48 = arith.constant 0 : i32
        scf.yield %scan3A_48 : i32
      }
      %scan3A_29 = arith.constant 80 : i32
      %barrier3A_30 = arith.constant 0 : index
      tpu.barrier barrier_id(%barrier3A_30)
      "tpu.region"() ({
        %run_scoped3A = tpu.sem_alloc : memref<!tpu.dma_semaphore, #tpu.memory_space<semaphore_mem>>
        %dma_start3A = arith.constant 0 : i32
        %dma_start3A_36 = tpu.memref_slice %arg7[%mul3A_0, %dma_start3A] : memref<10000x128xf32, #tpu.memory_space<hbm>> -> memref<624x128xf32, #tpu.memory_space<hbm>>
        %dma_start3A_37 = arith.constant 0 : i32
        %dma_start3A_38 = tpu.memref_slice %arg8[%mul3A_0, %dma_start3A_37] : memref<10016x128xf32, #tpu.memory_space<vmem_shared>> -> memref<624x128xf32, #tpu.memory_space<vmem_shared>>
        tpu.enqueue_dma source(%dma_start3A_38 : memref<624x128xf32, #tpu.memory_space<vmem_shared>>) target(%dma_start3A_36 : memref<624x128xf32, #tpu.memory_space<hbm>>) target_semaphore(%run_scoped3A : memref<!tpu.dma_semaphore, #tpu.memory_space<semaphore_mem>>)
        %dma_wait3A = arith.constant 0 : i32
        %dma_wait3A_39 = tpu.memref_slice %arg7[%mul3A_0, %dma_wait3A] : memref<10000x128xf32, #tpu.memory_space<hbm>> -> memref<624x128xf32, #tpu.memory_space<hbm>>
        %dma_wait3A_40 = arith.constant 0 : i32
        %dma_wait3A_41 = tpu.memref_slice %arg8[%mul3A_0, %dma_wait3A_40] : memref<10016x128xf32, #tpu.memory_space<vmem_shared>> -> memref<624x128xf32, #tpu.memory_space<vmem_shared>>
        tpu.wait_dma2 semaphore(%run_scoped3A : memref<!tpu.dma_semaphore, #tpu.memory_space<semaphore_mem>>) src(%dma_wait3A_41 : memref<624x128xf32, #tpu.memory_space<vmem_shared>>) dst(%dma_wait3A_39 : memref<624x128xf32, #tpu.memory_space<hbm>>)
        tpu.yield
      }) : () -> ()
      %eq3A_31 = arith.constant 15 : i32
      %eq3A_32 = arith.cmpi eq, %arg1, %eq3A_31 : i32
      %convert_element_type3A_33 = arith.extui %eq3A_32 : i1 to i32
      %cond3A_34 = arith.constant 0 : i32
      %cond3A_35 = arith.cmpi ne, %convert_element_type3A_33, %cond3A_34 : i32
      scf.if %cond3A_35 {
        "tpu.region"() ({
          %run_scoped3A = tpu.sem_alloc : memref<!tpu.dma_semaphore, #tpu.memory_space<semaphore_mem>>
          %dma_start3A = arith.constant 9984 : i32
          %dma_start3A_36 = arith.constant 0 : i32
          %dma_start3A_37 = tpu.memref_slice %arg7[%dma_start3A, %dma_start3A_36] : memref<10000x128xf32, #tpu.memory_space<hbm>> -> memref<16x128xf32, #tpu.memory_space<hbm>>
          %dma_start3A_38 = arith.constant 9984 : i32
          %dma_start3A_39 = arith.constant 0 : i32
          %dma_start3A_40 = tpu.memref_slice %arg8[%dma_start3A_38, %dma_start3A_39] : memref<10016x128xf32, #tpu.memory_space<vmem_shared>> -> memref<16x128xf32, #tpu.memory_space<vmem_shared>>
          tpu.enqueue_dma source(%dma_start3A_40 : memref<16x128xf32, #tpu.memory_space<vmem_shared>>) target(%dma_start3A_37 : memref<16x128xf32, #tpu.memory_space<hbm>>) target_semaphore(%run_scoped3A : memref<!tpu.dma_semaphore, #tpu.memory_space<semaphore_mem>>)
          %dma_wait3A = arith.constant 9984 : i32
          %dma_wait3A_41 = arith.constant 0 : i32
          %dma_wait3A_42 = tpu.memref_slice %arg7[%dma_wait3A, %dma_wait3A_41] : memref<10000x128xf32, #tpu.memory_space<hbm>> -> memref<16x128xf32, #tpu.memory_space<hbm>>
          %dma_wait3A_43 = arith.constant 9984 : i32
          %dma_wait3A_44 = arith.constant 0 : i32
          %dma_wait3A_45 = tpu.memref_slice %arg8[%dma_wait3A_43, %dma_wait3A_44] : memref<10016x128xf32, #tpu.memory_space<vmem_shared>> -> memref<16x128xf32, #tpu.memory_space<vmem_shared>>
          tpu.wait_dma2 semaphore(%run_scoped3A : memref<!tpu.dma_semaphore, #tpu.memory_space<semaphore_mem>>) src(%dma_wait3A_45 : memref<16x128xf32, #tpu.memory_space<vmem_shared>>) dst(%dma_wait3A_42 : memref<16x128xf32, #tpu.memory_space<hbm>>)
          tpu.yield
        }) : () -> ()
      } else {
      }
    } else {
    }
    return
  }
}

#map = affine_map<(d0, d1) -> (0, 0)>
#map1 = affine_map<(d0, d1) -> (0)>
module attributes {stable_mosaic.version = 14 : i64} {
  func.func @_edge_sum_body(%arg0: i32, %arg1: i32, %arg2: memref<10000x128xf32, #tpu.memory_space<hbm>>, %arg3: memref<10000x128xf32, #tpu.memory_space<hbm>>, %arg4: memref<10000x128xf32, #tpu.memory_space<hbm>>, %arg5: memref<10000x128xf32, #tpu.memory_space<hbm>>, %arg6: memref<163840xi32, #tpu.memory_space<hbm>>, %arg7: memref<163840xi32, #tpu.memory_space<hbm>>, %arg8: memref<10000x128xf32, #tpu.memory_space<hbm>>, %arg9: memref<10000x128xf32, #tpu.memory_space<hbm>>, %arg10: memref<10000x128xf32, #tpu.memory_space<hbm>>, %arg11: memref<10000x128xf32, #tpu.memory_space<hbm>>, %arg12: memref<10016x128xf32, #tpu.memory_space<vmem_shared>>, %arg13: memref<10240xi32, #tpu.memory_space<vmem>>, %arg14: memref<10240xi32, #tpu.memory_space<vmem>>, %arg15: memref<80x128xi32, #tpu.memory_space<vmem>>, %arg16: memref<128x128xf32, #tpu.memory_space<vmem>>, %arg17: memref<!tpu.dma_semaphore, #tpu.memory_space<semaphore_mem>>) attributes {dimension_semantics = [#tpu.dimension_semantics<core_parallel>, #tpu.dimension_semantics<subcore_parallel>], iteration_bounds = array<i64: 2, 16>, scalar_prefetch = 0 : i64, scratch_operands = 6 : i64, tpu.core_type = #tpu.core_type<sc_vector_subcore>, window_params = [{transform_indices = #map}, {transform_indices = #map}, {transform_indices = #map}, {transform_indices = #map}, {transform_indices = #map1}, {transform_indices = #map1}, {transform_indices = #map}, {transform_indices = #map}, {transform_indices = #map}, {transform_indices = #map}]} {
    %mul3A = arith.constant 624 : i32
    %mul3A_0 = arith.muli %arg1, %mul3A : i32
    %mul3A_1 = arith.constant 10240 : i32
    %mul3A_2 = arith.muli %arg1, %mul3A_1 : i32
    "tpu.region"() ({
      %run_scoped3A = tpu.sem_alloc : memref<!tpu.dma_semaphore, #tpu.memory_space<semaphore_mem>>
      %dma_start3A = tpu.memref_slice %arg6[%mul3A_2] : memref<163840xi32, #tpu.memory_space<hbm>> -> memref<10240xi32, #tpu.memory_space<hbm>>
      %dma_start3A_28 = tpu.memref_slice %arg6[%mul3A_2] : memref<163840xi32, #tpu.memory_space<hbm>> -> memref<10240xi32, #tpu.memory_space<hbm>>
      tpu.enqueue_dma source(%dma_start3A_28 : memref<10240xi32, #tpu.memory_space<hbm>>) target(%arg13 : memref<10240xi32, #tpu.memory_space<vmem>>) target_semaphore(%run_scoped3A : memref<!tpu.dma_semaphore, #tpu.memory_space<semaphore_mem>>)
      %dma_wait3A = tpu.memref_slice %arg6[%mul3A_2] : memref<163840xi32, #tpu.memory_space<hbm>> -> memref<10240xi32, #tpu.memory_space<hbm>>
      %dma_wait3A_29 = tpu.memref_slice %arg6[%mul3A_2] : memref<163840xi32, #tpu.memory_space<hbm>> -> memref<10240xi32, #tpu.memory_space<hbm>>
      tpu.wait_dma2 semaphore(%run_scoped3A : memref<!tpu.dma_semaphore, #tpu.memory_space<semaphore_mem>>) src(%dma_wait3A_29 : memref<10240xi32, #tpu.memory_space<hbm>>) dst(%arg13 : memref<10240xi32, #tpu.memory_space<vmem>>)
      tpu.yield
    }) : () -> ()
    %mul3A_3 = arith.constant 10240 : i32
    %mul3A_4 = arith.muli %arg1, %mul3A_3 : i32
    "tpu.region"() ({
      %run_scoped3A = tpu.sem_alloc : memref<!tpu.dma_semaphore, #tpu.memory_space<semaphore_mem>>
      %dma_start3A = tpu.memref_slice %arg7[%mul3A_4] : memref<163840xi32, #tpu.memory_space<hbm>> -> memref<10240xi32, #tpu.memory_space<hbm>>
      %dma_start3A_28 = tpu.memref_slice %arg7[%mul3A_4] : memref<163840xi32, #tpu.memory_space<hbm>> -> memref<10240xi32, #tpu.memory_space<hbm>>
      tpu.enqueue_dma source(%dma_start3A_28 : memref<10240xi32, #tpu.memory_space<hbm>>) target(%arg14 : memref<10240xi32, #tpu.memory_space<vmem>>) target_semaphore(%run_scoped3A : memref<!tpu.dma_semaphore, #tpu.memory_space<semaphore_mem>>)
      %dma_wait3A = tpu.memref_slice %arg7[%mul3A_4] : memref<163840xi32, #tpu.memory_space<hbm>> -> memref<10240xi32, #tpu.memory_space<hbm>>
      %dma_wait3A_29 = tpu.memref_slice %arg7[%mul3A_4] : memref<163840xi32, #tpu.memory_space<hbm>> -> memref<10240xi32, #tpu.memory_space<hbm>>
      tpu.wait_dma2 semaphore(%run_scoped3A : memref<!tpu.dma_semaphore, #tpu.memory_space<semaphore_mem>>) src(%dma_wait3A_29 : memref<10240xi32, #tpu.memory_space<hbm>>) dst(%arg14 : memref<10240xi32, #tpu.memory_space<vmem>>)
      tpu.yield
    }) : () -> ()
    %scan3A = arith.constant 0 : i32
    %scan3A_5 = arith.constant 0 : i32
    %scan3A_6 = arith.constant 640 : i32
    %scan3A_7 = arith.addi %scan3A_5, %scan3A_6 : i32
    %scan3A_8 = arith.constant 8 : i32
    %scan3A_9 = scf.for %scan3A_28 = %scan3A_5 to %scan3A_7 step %scan3A_8 iter_args(%scan3A_29 = %scan3A) -> (i32)  : i32 {
      %mul3A_30 = arith.constant 16 : i32
      %mul3A_31 = arith.muli %scan3A_28, %mul3A_30 : i32
      %multiple_of3A = tpu.assume_multiple %mul3A_31, 16 : i32
      %jit3A = arith.constant 8 : i32
      %div3A = arith.divsi %scan3A_28, %jit3A : i32
      %sign3A = arith.constant 0 : i32
      %sign3A_32 = arith.cmpi sgt, %scan3A_28, %sign3A : i32
      %sign3A_33 = arith.extui %sign3A_32 : i1 to i32
      %sign3A_34 = arith.constant 0 : i32
      %sign3A_35 = arith.cmpi slt, %scan3A_28, %sign3A_34 : i32
      %sign3A_36 = arith.extui %sign3A_35 : i1 to i32
      %sign3A_37 = arith.subi %sign3A_33, %sign3A_36 : i32
      %sign3A_38 = arith.constant 0 : i32
      %sign3A_39 = arith.cmpi sgt, %jit3A, %sign3A_38 : i32
      %sign3A_40 = arith.extui %sign3A_39 : i1 to i32
      %sign3A_41 = arith.constant 0 : i32
      %sign3A_42 = arith.cmpi slt, %jit3A, %sign3A_41 : i32
      %sign3A_43 = arith.extui %sign3A_42 : i1 to i32
      %sign3A_44 = arith.subi %sign3A_40, %sign3A_43 : i32
      %ne3A = arith.cmpi ne, %sign3A_37, %sign3A_44 : i32
      %rem3A = arith.remsi %scan3A_28, %jit3A : i32
      %ne3A_45 = arith.constant 0 : i32
      %ne3A_46 = arith.cmpi ne, %rem3A, %ne3A_45 : i32
      %and3A = arith.andi %ne3A, %ne3A_46 : i1
      %sub3A = arith.constant 1 : i32
      %sub3A_47 = arith.subi %div3A, %sub3A : i32
      %select_n3A = arith.select %and3A, %sub3A_47, %div3A : i32
      %jit3A_48 = arith.constant 8 : i32
      %eq3A_49 = arith.constant 0 : i32
      %eq3A_50 = arith.cmpi eq, %jit3A_48, %eq3A_49 : i32
      %jit3A_51 = arith.constant 1 : i32
      %select_n3A_52 = arith.select %eq3A_50, %jit3A_51, %jit3A_48 : i32
      %rem3A_53 = arith.remsi %scan3A_28, %select_n3A_52 : i32
      %ne3A_54 = arith.constant 0 : i32
      %ne3A_55 = arith.cmpi ne, %rem3A_53, %ne3A_54 : i32
      %lt3A = arith.constant 0 : i32
      %lt3A_56 = arith.cmpi slt, %rem3A_53, %lt3A : i32
      %lt3A_57 = arith.constant 0 : i32
      %lt3A_58 = arith.cmpi slt, %select_n3A_52, %lt3A_57 : i32
      %ne3A_59 = arith.xori %lt3A_56, %lt3A_58 : i1
      %and3A_60 = arith.andi %ne3A_59, %ne3A_55 : i1
      %add3A = arith.addi %rem3A_53, %select_n3A_52 : i32
      %select_n3A_61 = arith.select %and3A_60, %add3A, %rem3A_53 : i32
      %mul3A_62 = arith.constant 16 : i32
      %mul3A_63 = arith.muli %select_n3A_61, %mul3A_62 : i32
      %get3A = arith.index_cast %multiple_of3A : i32 to index
      %get3A_64 = tpu.vector_load %arg14[%get3A] {strides = array<i32>} : memref<10240xi32, #tpu.memory_space<vmem>>, vector<16xi32>,
      %get3A_65 = vector.shape_cast %get3A_64 : vector<16xi32> to vector<16xi32>
      %swap3A = arith.index_cast %select_n3A : i32 to index
      %swap3A_66 = arith.index_cast %mul3A_63 : i32 to index
      %swap3A_67 = tpu.vector_load %arg15[%swap3A, %swap3A_66] {strides = array<i32>} : memref<80x128xi32, #tpu.memory_space<vmem>>, vector<1x16xi32>,
      %swap3A_68 = vector.shape_cast %swap3A_67 : vector<1x16xi32> to vector<16xi32>
      %swap3A_69 = vector.shape_cast %get3A_65 : vector<16xi32> to vector<1x16xi32>
      tpu.vector_store %arg15[%swap3A, %swap3A_66], %swap3A_69 {strides = array<i32>} : memref<80x128xi32, #tpu.memory_space<vmem>>, vector<1x16xi32>,
      %scan3A_70 = arith.constant 0 : i32
      %scan3A_71 = arith.constant 1 : i32
      %scan3A_72 = arith.addi %scan3A_28, %scan3A_71 : i32
      %mul3A_73 = arith.constant 16 : i32
      %mul3A_74 = arith.muli %scan3A_72, %mul3A_73 : i32
      %multiple_of3A_75 = tpu.assume_multiple %mul3A_74, 16 : i32
      %jit3A_76 = arith.constant 8 : i32
      %div3A_77 = arith.divsi %scan3A_72, %jit3A_76 : i32
      %sign3A_78 = arith.constant 0 : i32
      %sign3A_79 = arith.cmpi sgt, %scan3A_72, %sign3A_78 : i32
      %sign3A_80 = arith.extui %sign3A_79 : i1 to i32
      %sign3A_81 = arith.constant 0 : i32
      %sign3A_82 = arith.cmpi slt, %scan3A_72, %sign3A_81 : i32
      %sign3A_83 = arith.extui %sign3A_82 : i1 to i32
      %sign3A_84 = arith.subi %sign3A_80, %sign3A_83 : i32
      %sign3A_85 = arith.constant 0 : i32
      %sign3A_86 = arith.cmpi sgt, %jit3A_76, %sign3A_85 : i32
      %sign3A_87 = arith.extui %sign3A_86 : i1 to i32
      %sign3A_88 = arith.constant 0 : i32
      %sign3A_89 = arith.cmpi slt, %jit3A_76, %sign3A_88 : i32
      %sign3A_90 = arith.extui %sign3A_89 : i1 to i32
      %sign3A_91 = arith.subi %sign3A_87, %sign3A_90 : i32
      %ne3A_92 = arith.cmpi ne, %sign3A_84, %sign3A_91 : i32
      %rem3A_93 = arith.remsi %scan3A_72, %jit3A_76 : i32
      %ne3A_94 = arith.constant 0 : i32
      %ne3A_95 = arith.cmpi ne, %rem3A_93, %ne3A_94 : i32
      %and3A_96 = arith.andi %ne3A_92, %ne3A_95 : i1
      %sub3A_97 = arith.constant 1 : i32
      %sub3A_98 = arith.subi %div3A_77, %sub3A_97 : i32
      %select_n3A_99 = arith.select %and3A_96, %sub3A_98, %div3A_77 : i32
      %jit3A_100 = arith.constant 8 : i32
      %eq3A_101 = arith.constant 0 : i32
      %eq3A_102 = arith.cmpi eq, %jit3A_100, %eq3A_101 : i32
      %jit3A_103 = arith.constant 1 : i32
      %select_n3A_104 = arith.select %eq3A_102, %jit3A_103, %jit3A_100 : i32
      %rem3A_105 = arith.remsi %scan3A_72, %select_n3A_104 : i32
      %ne3A_106 = arith.constant 0 : i32
      %ne3A_107 = arith.cmpi ne, %rem3A_105, %ne3A_106 : i32
      %lt3A_108 = arith.constant 0 : i32
      %lt3A_109 = arith.cmpi slt, %rem3A_105, %lt3A_108 : i32
      %lt3A_110 = arith.constant 0 : i32
      %lt3A_111 = arith.cmpi slt, %select_n3A_104, %lt3A_110 : i32
      %ne3A_112 = arith.xori %lt3A_109, %lt3A_111 : i1
      %and3A_113 = arith.andi %ne3A_112, %ne3A_107 : i1
      %add3A_114 = arith.addi %rem3A_105, %select_n3A_104 : i32
      %select_n3A_115 = arith.select %and3A_113, %add3A_114, %rem3A_105 : i32
      %mul3A_116 = arith.constant 16 : i32
      %mul3A_117 = arith.muli %select_n3A_115, %mul3A_116 : i32
      %get3A_118 = arith.index_cast %multiple_of3A_75 : i32 to index
      %get3A_119 = tpu.vector_load %arg14[%get3A_118] {strides = array<i32>} : memref<10240xi32, #tpu.memory_space<vmem>>, vector<16xi32>,
      %get3A_120 = vector.shape_cast %get3A_119 : vector<16xi32> to vector<16xi32>
      %swap3A_121 = arith.index_cast %select_n3A_99 : i32 to index
      %swap3A_122 = arith.index_cast %mul3A_117 : i32 to index
      %swap3A_123 = tpu.vector_load %arg15[%swap3A_121, %swap3A_122] {strides = array<i32>} : memref<80x128xi32, #tpu.memory_space<vmem>>, vector<1x16xi32>,
      %swap3A_124 = vector.shape_cast %swap3A_123 : vector<1x16xi32> to vector<16xi32>
      %swap3A_125 = vector.shape_cast %get3A_120 : vector<16xi32> to vector<1x16xi32>
      tpu.vector_store %arg15[%swap3A_121, %swap3A_122], %swap3A_125 {strides = array<i32>} : memref<80x128xi32, #tpu.memory_space<vmem>>, vector<1x16xi32>,
      %scan3A_126 = arith.constant 0 : i32
      %scan3A_127 = arith.constant 2 : i32
      %scan3A_128 = arith.addi %scan3A_28, %scan3A_127 : i32
      %mul3A_129 = arith.constant 16 : i32
      %mul3A_130 = arith.muli %scan3A_128, %mul3A_129 : i32
      %multiple_of3A_131 = tpu.assume_multiple %mul3A_130, 16 : i32
      %jit3A_132 = arith.constant 8 : i32
      %div3A_133 = arith.divsi %scan3A_128, %jit3A_132 : i32
      %sign3A_134 = arith.constant 0 : i32
      %sign3A_135 = arith.cmpi sgt, %scan3A_128, %sign3A_134 : i32
      %sign3A_136 = arith.extui %sign3A_135 : i1 to i32
      %sign3A_137 = arith.constant 0 : i32
      %sign3A_138 = arith.cmpi slt, %scan3A_128, %sign3A_137 : i32
      %sign3A_139 = arith.extui %sign3A_138 : i1 to i32
      %sign3A_140 = arith.subi %sign3A_136, %sign3A_139 : i32
      %sign3A_141 = arith.constant 0 : i32
      %sign3A_142 = arith.cmpi sgt, %jit3A_132, %sign3A_141 : i32
      %sign3A_143 = arith.extui %sign3A_142 : i1 to i32
      %sign3A_144 = arith.constant 0 : i32
      %sign3A_145 = arith.cmpi slt, %jit3A_132, %sign3A_144 : i32
      %sign3A_146 = arith.extui %sign3A_145 : i1 to i32
      %sign3A_147 = arith.subi %sign3A_143, %sign3A_146 : i32
      %ne3A_148 = arith.cmpi ne, %sign3A_140, %sign3A_147 : i32
      %rem3A_149 = arith.remsi %scan3A_128, %jit3A_132 : i32
      %ne3A_150 = arith.constant 0 : i32
      %ne3A_151 = arith.cmpi ne, %rem3A_149, %ne3A_150 : i32
      %and3A_152 = arith.andi %ne3A_148, %ne3A_151 : i1
      %sub3A_153 = arith.constant 1 : i32
      %sub3A_154 = arith.subi %div3A_133, %sub3A_153 : i32
      %select_n3A_155 = arith.select %and3A_152, %sub3A_154, %div3A_133 : i32
      %jit3A_156 = arith.constant 8 : i32
      %eq3A_157 = arith.constant 0 : i32
      %eq3A_158 = arith.cmpi eq, %jit3A_156, %eq3A_157 : i32
      %jit3A_159 = arith.constant 1 : i32
      %select_n3A_160 = arith.select %eq3A_158, %jit3A_159, %jit3A_156 : i32
      %rem3A_161 = arith.remsi %scan3A_128, %select_n3A_160 : i32
      %ne3A_162 = arith.constant 0 : i32
      %ne3A_163 = arith.cmpi ne, %rem3A_161, %ne3A_162 : i32
      %lt3A_164 = arith.constant 0 : i32
      %lt3A_165 = arith.cmpi slt, %rem3A_161, %lt3A_164 : i32
      %lt3A_166 = arith.constant 0 : i32
      %lt3A_167 = arith.cmpi slt, %select_n3A_160, %lt3A_166 : i32
      %ne3A_168 = arith.xori %lt3A_165, %lt3A_167 : i1
      %and3A_169 = arith.andi %ne3A_168, %ne3A_163 : i1
      %add3A_170 = arith.addi %rem3A_161, %select_n3A_160 : i32
      %select_n3A_171 = arith.select %and3A_169, %add3A_170, %rem3A_161 : i32
      %mul3A_172 = arith.constant 16 : i32
      %mul3A_173 = arith.muli %select_n3A_171, %mul3A_172 : i32
      %get3A_174 = arith.index_cast %multiple_of3A_131 : i32 to index
      %get3A_175 = tpu.vector_load %arg14[%get3A_174] {strides = array<i32>} : memref<10240xi32, #tpu.memory_space<vmem>>, vector<16xi32>,
      %get3A_176 = vector.shape_cast %get3A_175 : vector<16xi32> to vector<16xi32>
      %swap3A_177 = arith.index_cast %select_n3A_155 : i32 to index
      %swap3A_178 = arith.index_cast %mul3A_173 : i32 to index
      %swap3A_179 = tpu.vector_load %arg15[%swap3A_177, %swap3A_178] {strides = array<i32>} : memref<80x128xi32, #tpu.memory_space<vmem>>, vector<1x16xi32>,
      %swap3A_180 = vector.shape_cast %swap3A_179 : vector<1x16xi32> to vector<16xi32>
      %swap3A_181 = vector.shape_cast %get3A_176 : vector<16xi32> to vector<1x16xi32>
      tpu.vector_store %arg15[%swap3A_177, %swap3A_178], %swap3A_181 {strides = array<i32>} : memref<80x128xi32, #tpu.memory_space<vmem>>, vector<1x16xi32>,
      %scan3A_182 = arith.constant 0 : i32
      %scan3A_183 = arith.constant 3 : i32
      %scan3A_184 = arith.addi %scan3A_28, %scan3A_183 : i32
      %mul3A_185 = arith.constant 16 : i32
      %mul3A_186 = arith.muli %scan3A_184, %mul3A_185 : i32
      %multiple_of3A_187 = tpu.assume_multiple %mul3A_186, 16 : i32
      %jit3A_188 = arith.constant 8 : i32
      %div3A_189 = arith.divsi %scan3A_184, %jit3A_188 : i32
      %sign3A_190 = arith.constant 0 : i32
      %sign3A_191 = arith.cmpi sgt, %scan3A_184, %sign3A_190 : i32
      %sign3A_192 = arith.extui %sign3A_191 : i1 to i32
      %sign3A_193 = arith.constant 0 : i32
      %sign3A_194 = arith.cmpi slt, %scan3A_184, %sign3A_193 : i32
      %sign3A_195 = arith.extui %sign3A_194 : i1 to i32
      %sign3A_196 = arith.subi %sign3A_192, %sign3A_195 : i32
      %sign3A_197 = arith.constant 0 : i32
      %sign3A_198 = arith.cmpi sgt, %jit3A_188, %sign3A_197 : i32
      %sign3A_199 = arith.extui %sign3A_198 : i1 to i32
      %sign3A_200 = arith.constant 0 : i32
      %sign3A_201 = arith.cmpi slt, %jit3A_188, %sign3A_200 : i32
      %sign3A_202 = arith.extui %sign3A_201 : i1 to i32
      %sign3A_203 = arith.subi %sign3A_199, %sign3A_202 : i32
      %ne3A_204 = arith.cmpi ne, %sign3A_196, %sign3A_203 : i32
      %rem3A_205 = arith.remsi %scan3A_184, %jit3A_188 : i32
      %ne3A_206 = arith.constant 0 : i32
      %ne3A_207 = arith.cmpi ne, %rem3A_205, %ne3A_206 : i32
      %and3A_208 = arith.andi %ne3A_204, %ne3A_207 : i1
      %sub3A_209 = arith.constant 1 : i32
      %sub3A_210 = arith.subi %div3A_189, %sub3A_209 : i32
      %select_n3A_211 = arith.select %and3A_208, %sub3A_210, %div3A_189 : i32
      %jit3A_212 = arith.constant 8 : i32
      %eq3A_213 = arith.constant 0 : i32
      %eq3A_214 = arith.cmpi eq, %jit3A_212, %eq3A_213 : i32
      %jit3A_215 = arith.constant 1 : i32
      %select_n3A_216 = arith.select %eq3A_214, %jit3A_215, %jit3A_212 : i32
      %rem3A_217 = arith.remsi %scan3A_184, %select_n3A_216 : i32
      %ne3A_218 = arith.constant 0 : i32
      %ne3A_219 = arith.cmpi ne, %rem3A_217, %ne3A_218 : i32
      %lt3A_220 = arith.constant 0 : i32
      %lt3A_221 = arith.cmpi slt, %rem3A_217, %lt3A_220 : i32
      %lt3A_222 = arith.constant 0 : i32
      %lt3A_223 = arith.cmpi slt, %select_n3A_216, %lt3A_222 : i32
      %ne3A_224 = arith.xori %lt3A_221, %lt3A_223 : i1
      %and3A_225 = arith.andi %ne3A_224, %ne3A_219 : i1
      %add3A_226 = arith.addi %rem3A_217, %select_n3A_216 : i32
      %select_n3A_227 = arith.select %and3A_225, %add3A_226, %rem3A_217 : i32
      %mul3A_228 = arith.constant 16 : i32
      %mul3A_229 = arith.muli %select_n3A_227, %mul3A_228 : i32
      %get3A_230 = arith.index_cast %multiple_of3A_187 : i32 to index
      %get3A_231 = tpu.vector_load %arg14[%get3A_230] {strides = array<i32>} : memref<10240xi32, #tpu.memory_space<vmem>>, vector<16xi32>,
      %get3A_232 = vector.shape_cast %get3A_231 : vector<16xi32> to vector<16xi32>
      %swap3A_233 = arith.index_cast %select_n3A_211 : i32 to index
      %swap3A_234 = arith.index_cast %mul3A_229 : i32 to index
      %swap3A_235 = tpu.vector_load %arg15[%swap3A_233, %swap3A_234] {strides = array<i32>} : memref<80x128xi32, #tpu.memory_space<vmem>>, vector<1x16xi32>,
      %swap3A_236 = vector.shape_cast %swap3A_235 : vector<1x16xi32> to vector<16xi32>
      %swap3A_237 = vector.shape_cast %get3A_232 : vector<16xi32> to vector<1x16xi32>
      tpu.vector_store %arg15[%swap3A_233, %swap3A_234], %swap3A_237 {strides = array<i32>} : memref<80x128xi32, #tpu.memory_space<vmem>>, vector<1x16xi32>,
      %scan3A_238 = arith.constant 0 : i32
      %scan3A_239 = arith.constant 4 : i32
      %scan3A_240 = arith.addi %scan3A_28, %scan3A_239 : i32
      %mul3A_241 = arith.constant 16 : i32
      %mul3A_242 = arith.muli %scan3A_240, %mul3A_241 : i32
      %multiple_of3A_243 = tpu.assume_multiple %mul3A_242, 16 : i32
      %jit3A_244 = arith.constant 8 : i32
      %div3A_245 = arith.divsi %scan3A_240, %jit3A_244 : i32
      %sign3A_246 = arith.constant 0 : i32
      %sign3A_247 = arith.cmpi sgt, %scan3A_240, %sign3A_246 : i32
      %sign3A_248 = arith.extui %sign3A_247 : i1 to i32
      %sign3A_249 = arith.constant 0 : i32
      %sign3A_250 = arith.cmpi slt, %scan3A_240, %sign3A_249 : i32
      %sign3A_251 = arith.extui %sign3A_250 : i1 to i32
      %sign3A_252 = arith.subi %sign3A_248, %sign3A_251 : i32
      %sign3A_253 = arith.constant 0 : i32
      %sign3A_254 = arith.cmpi sgt, %jit3A_244, %sign3A_253 : i32
      %sign3A_255 = arith.extui %sign3A_254 : i1 to i32
      %sign3A_256 = arith.constant 0 : i32
      %sign3A_257 = arith.cmpi slt, %jit3A_244, %sign3A_256 : i32
      %sign3A_258 = arith.extui %sign3A_257 : i1 to i32
      %sign3A_259 = arith.subi %sign3A_255, %sign3A_258 : i32
      %ne3A_260 = arith.cmpi ne, %sign3A_252, %sign3A_259 : i32
      %rem3A_261 = arith.remsi %scan3A_240, %jit3A_244 : i32
      %ne3A_262 = arith.constant 0 : i32
      %ne3A_263 = arith.cmpi ne, %rem3A_261, %ne3A_262 : i32
      %and3A_264 = arith.andi %ne3A_260, %ne3A_263 : i1
      %sub3A_265 = arith.constant 1 : i32
      %sub3A_266 = arith.subi %div3A_245, %sub3A_265 : i32
      %select_n3A_267 = arith.select %and3A_264, %sub3A_266, %div3A_245 : i32
      %jit3A_268 = arith.constant 8 : i32
      %eq3A_269 = arith.constant 0 : i32
      %eq3A_270 = arith.cmpi eq, %jit3A_268, %eq3A_269 : i32
      %jit3A_271 = arith.constant 1 : i32
      %select_n3A_272 = arith.select %eq3A_270, %jit3A_271, %jit3A_268 : i32
      %rem3A_273 = arith.remsi %scan3A_240, %select_n3A_272 : i32
      %ne3A_274 = arith.constant 0 : i32
      %ne3A_275 = arith.cmpi ne, %rem3A_273, %ne3A_274 : i32
      %lt3A_276 = arith.constant 0 : i32
      %lt3A_277 = arith.cmpi slt, %rem3A_273, %lt3A_276 : i32
      %lt3A_278 = arith.constant 0 : i32
      %lt3A_279 = arith.cmpi slt, %select_n3A_272, %lt3A_278 : i32
      %ne3A_280 = arith.xori %lt3A_277, %lt3A_279 : i1
      %and3A_281 = arith.andi %ne3A_280, %ne3A_275 : i1
      %add3A_282 = arith.addi %rem3A_273, %select_n3A_272 : i32
      %select_n3A_283 = arith.select %and3A_281, %add3A_282, %rem3A_273 : i32
      %mul3A_284 = arith.constant 16 : i32
      %mul3A_285 = arith.muli %select_n3A_283, %mul3A_284 : i32
      %get3A_286 = arith.index_cast %multiple_of3A_243 : i32 to index
      %get3A_287 = tpu.vector_load %arg14[%get3A_286] {strides = array<i32>} : memref<10240xi32, #tpu.memory_space<vmem>>, vector<16xi32>,
      %get3A_288 = vector.shape_cast %get3A_287 : vector<16xi32> to vector<16xi32>
      %swap3A_289 = arith.index_cast %select_n3A_267 : i32 to index
      %swap3A_290 = arith.index_cast %mul3A_285 : i32 to index
      %swap3A_291 = tpu.vector_load %arg15[%swap3A_289, %swap3A_290] {strides = array<i32>} : memref<80x128xi32, #tpu.memory_space<vmem>>, vector<1x16xi32>,
      %swap3A_292 = vector.shape_cast %swap3A_291 : vector<1x16xi32> to vector<16xi32>
      %swap3A_293 = vector.shape_cast %get3A_288 : vector<16xi32> to vector<1x16xi32>
      tpu.vector_store %arg15[%swap3A_289, %swap3A_290], %swap3A_293 {strides = array<i32>} : memref<80x128xi32, #tpu.memory_space<vmem>>, vector<1x16xi32>,
      %scan3A_294 = arith.constant 0 : i32
      %scan3A_295 = arith.constant 5 : i32
      %scan3A_296 = arith.addi %scan3A_28, %scan3A_295 : i32
      %mul3A_297 = arith.constant 16 : i32
      %mul3A_298 = arith.muli %scan3A_296, %mul3A_297 : i32
      %multiple_of3A_299 = tpu.assume_multiple %mul3A_298, 16 : i32
      %jit3A_300 = arith.constant 8 : i32
      %div3A_301 = arith.divsi %scan3A_296, %jit3A_300 : i32
      %sign3A_302 = arith.constant 0 : i32
      %sign3A_303 = arith.cmpi sgt, %scan3A_296, %sign3A_302 : i32
      %sign3A_304 = arith.extui %sign3A_303 : i1 to i32
      %sign3A_305 = arith.constant 0 : i32
      %sign3A_306 = arith.cmpi slt, %scan3A_296, %sign3A_305 : i32
      %sign3A_307 = arith.extui %sign3A_306 : i1 to i32
      %sign3A_308 = arith.subi %sign3A_304, %sign3A_307 : i32
      %sign3A_309 = arith.constant 0 : i32
      %sign3A_310 = arith.cmpi sgt, %jit3A_300, %sign3A_309 : i32
      %sign3A_311 = arith.extui %sign3A_310 : i1 to i32
      %sign3A_312 = arith.constant 0 : i32
      %sign3A_313 = arith.cmpi slt, %jit3A_300, %sign3A_312 : i32
      %sign3A_314 = arith.extui %sign3A_313 : i1 to i32
      %sign3A_315 = arith.subi %sign3A_311, %sign3A_314 : i32
      %ne3A_316 = arith.cmpi ne, %sign3A_308, %sign3A_315 : i32
      %rem3A_317 = arith.remsi %scan3A_296, %jit3A_300 : i32
      %ne3A_318 = arith.constant 0 : i32
      %ne3A_319 = arith.cmpi ne, %rem3A_317, %ne3A_318 : i32
      %and3A_320 = arith.andi %ne3A_316, %ne3A_319 : i1
      %sub3A_321 = arith.constant 1 : i32
      %sub3A_322 = arith.subi %div3A_301, %sub3A_321 : i32
      %select_n3A_323 = arith.select %and3A_320, %sub3A_322, %div3A_301 : i32
      %jit3A_324 = arith.constant 8 : i32
      %eq3A_325 = arith.constant 0 : i32
      %eq3A_326 = arith.cmpi eq, %jit3A_324, %eq3A_325 : i32
      %jit3A_327 = arith.constant 1 : i32
      %select_n3A_328 = arith.select %eq3A_326, %jit3A_327, %jit3A_324 : i32
      %rem3A_329 = arith.remsi %scan3A_296, %select_n3A_328 : i32
      %ne3A_330 = arith.constant 0 : i32
      %ne3A_331 = arith.cmpi ne, %rem3A_329, %ne3A_330 : i32
      %lt3A_332 = arith.constant 0 : i32
      %lt3A_333 = arith.cmpi slt, %rem3A_329, %lt3A_332 : i32
      %lt3A_334 = arith.constant 0 : i32
      %lt3A_335 = arith.cmpi slt, %select_n3A_328, %lt3A_334 : i32
      %ne3A_336 = arith.xori %lt3A_333, %lt3A_335 : i1
      %and3A_337 = arith.andi %ne3A_336, %ne3A_331 : i1
      %add3A_338 = arith.addi %rem3A_329, %select_n3A_328 : i32
      %select_n3A_339 = arith.select %and3A_337, %add3A_338, %rem3A_329 : i32
      %mul3A_340 = arith.constant 16 : i32
      %mul3A_341 = arith.muli %select_n3A_339, %mul3A_340 : i32
      %get3A_342 = arith.index_cast %multiple_of3A_299 : i32 to index
      %get3A_343 = tpu.vector_load %arg14[%get3A_342] {strides = array<i32>} : memref<10240xi32, #tpu.memory_space<vmem>>, vector<16xi32>,
      %get3A_344 = vector.shape_cast %get3A_343 : vector<16xi32> to vector<16xi32>
      %swap3A_345 = arith.index_cast %select_n3A_323 : i32 to index
      %swap3A_346 = arith.index_cast %mul3A_341 : i32 to index
      %swap3A_347 = tpu.vector_load %arg15[%swap3A_345, %swap3A_346] {strides = array<i32>} : memref<80x128xi32, #tpu.memory_space<vmem>>, vector<1x16xi32>,
      %swap3A_348 = vector.shape_cast %swap3A_347 : vector<1x16xi32> to vector<16xi32>
      %swap3A_349 = vector.shape_cast %get3A_344 : vector<16xi32> to vector<1x16xi32>
      tpu.vector_store %arg15[%swap3A_345, %swap3A_346], %swap3A_349 {strides = array<i32>} : memref<80x128xi32, #tpu.memory_space<vmem>>, vector<1x16xi32>,
      %scan3A_350 = arith.constant 0 : i32
      %scan3A_351 = arith.constant 6 : i32
      %scan3A_352 = arith.addi %scan3A_28, %scan3A_351 : i32
      %mul3A_353 = arith.constant 16 : i32
      %mul3A_354 = arith.muli %scan3A_352, %mul3A_353 : i32
      %multiple_of3A_355 = tpu.assume_multiple %mul3A_354, 16 : i32
      %jit3A_356 = arith.constant 8 : i32
      %div3A_357 = arith.divsi %scan3A_352, %jit3A_356 : i32
      %sign3A_358 = arith.constant 0 : i32
      %sign3A_359 = arith.cmpi sgt, %scan3A_352, %sign3A_358 : i32
      %sign3A_360 = arith.extui %sign3A_359 : i1 to i32
      %sign3A_361 = arith.constant 0 : i32
      %sign3A_362 = arith.cmpi slt, %scan3A_352, %sign3A_361 : i32
      %sign3A_363 = arith.extui %sign3A_362 : i1 to i32
      %sign3A_364 = arith.subi %sign3A_360, %sign3A_363 : i32
      %sign3A_365 = arith.constant 0 : i32
      %sign3A_366 = arith.cmpi sgt, %jit3A_356, %sign3A_365 : i32
      %sign3A_367 = arith.extui %sign3A_366 : i1 to i32
      %sign3A_368 = arith.constant 0 : i32
      %sign3A_369 = arith.cmpi slt, %jit3A_356, %sign3A_368 : i32
      %sign3A_370 = arith.extui %sign3A_369 : i1 to i32
      %sign3A_371 = arith.subi %sign3A_367, %sign3A_370 : i32
      %ne3A_372 = arith.cmpi ne, %sign3A_364, %sign3A_371 : i32
      %rem3A_373 = arith.remsi %scan3A_352, %jit3A_356 : i32
      %ne3A_374 = arith.constant 0 : i32
      %ne3A_375 = arith.cmpi ne, %rem3A_373, %ne3A_374 : i32
      %and3A_376 = arith.andi %ne3A_372, %ne3A_375 : i1
      %sub3A_377 = arith.constant 1 : i32
      %sub3A_378 = arith.subi %div3A_357, %sub3A_377 : i32
      %select_n3A_379 = arith.select %and3A_376, %sub3A_378, %div3A_357 : i32
      %jit3A_380 = arith.constant 8 : i32
      %eq3A_381 = arith.constant 0 : i32
      %eq3A_382 = arith.cmpi eq, %jit3A_380, %eq3A_381 : i32
      %jit3A_383 = arith.constant 1 : i32
      %select_n3A_384 = arith.select %eq3A_382, %jit3A_383, %jit3A_380 : i32
      %rem3A_385 = arith.remsi %scan3A_352, %select_n3A_384 : i32
      %ne3A_386 = arith.constant 0 : i32
      %ne3A_387 = arith.cmpi ne, %rem3A_385, %ne3A_386 : i32
      %lt3A_388 = arith.constant 0 : i32
      %lt3A_389 = arith.cmpi slt, %rem3A_385, %lt3A_388 : i32
      %lt3A_390 = arith.constant 0 : i32
      %lt3A_391 = arith.cmpi slt, %select_n3A_384, %lt3A_390 : i32
      %ne3A_392 = arith.xori %lt3A_389, %lt3A_391 : i1
      %and3A_393 = arith.andi %ne3A_392, %ne3A_387 : i1
      %add3A_394 = arith.addi %rem3A_385, %select_n3A_384 : i32
      %select_n3A_395 = arith.select %and3A_393, %add3A_394, %rem3A_385 : i32
      %mul3A_396 = arith.constant 16 : i32
      %mul3A_397 = arith.muli %select_n3A_395, %mul3A_396 : i32
      %get3A_398 = arith.index_cast %multiple_of3A_355 : i32 to index
      %get3A_399 = tpu.vector_load %arg14[%get3A_398] {strides = array<i32>} : memref<10240xi32, #tpu.memory_space<vmem>>, vector<16xi32>,
      %get3A_400 = vector.shape_cast %get3A_399 : vector<16xi32> to vector<16xi32>
      %swap3A_401 = arith.index_cast %select_n3A_379 : i32 to index
      %swap3A_402 = arith.index_cast %mul3A_397 : i32 to index
      %swap3A_403 = tpu.vector_load %arg15[%swap3A_401, %swap3A_402] {strides = array<i32>} : memref<80x128xi32, #tpu.memory_space<vmem>>, vector<1x16xi32>,
      %swap3A_404 = vector.shape_cast %swap3A_403 : vector<1x16xi32> to vector<16xi32>
      %swap3A_405 = vector.shape_cast %get3A_400 : vector<16xi32> to vector<1x16xi32>
      tpu.vector_store %arg15[%swap3A_401, %swap3A_402], %swap3A_405 {strides = array<i32>} : memref<80x128xi32, #tpu.memory_space<vmem>>, vector<1x16xi32>,
      %scan3A_406 = arith.constant 0 : i32
      %scan3A_407 = arith.constant 7 : i32
      %scan3A_408 = arith.addi %scan3A_28, %scan3A_407 : i32
      %mul3A_409 = arith.constant 16 : i32
      %mul3A_410 = arith.muli %scan3A_408, %mul3A_409 : i32
      %multiple_of3A_411 = tpu.assume_multiple %mul3A_410, 16 : i32
      %jit3A_412 = arith.constant 8 : i32
      %div3A_413 = arith.divsi %scan3A_408, %jit3A_412 : i32
      %sign3A_414 = arith.constant 0 : i32
      %sign3A_415 = arith.cmpi sgt, %scan3A_408, %sign3A_414 : i32
      %sign3A_416 = arith.extui %sign3A_415 : i1 to i32
      %sign3A_417 = arith.constant 0 : i32
      %sign3A_418 = arith.cmpi slt, %scan3A_408, %sign3A_417 : i32
      %sign3A_419 = arith.extui %sign3A_418 : i1 to i32
      %sign3A_420 = arith.subi %sign3A_416, %sign3A_419 : i32
      %sign3A_421 = arith.constant 0 : i32
      %sign3A_422 = arith.cmpi sgt, %jit3A_412, %sign3A_421 : i32
      %sign3A_423 = arith.extui %sign3A_422 : i1 to i32
      %sign3A_424 = arith.constant 0 : i32
      %sign3A_425 = arith.cmpi slt, %jit3A_412, %sign3A_424 : i32
      %sign3A_426 = arith.extui %sign3A_425 : i1 to i32
      %sign3A_427 = arith.subi %sign3A_423, %sign3A_426 : i32
      %ne3A_428 = arith.cmpi ne, %sign3A_420, %sign3A_427 : i32
      %rem3A_429 = arith.remsi %scan3A_408, %jit3A_412 : i32
      %ne3A_430 = arith.constant 0 : i32
      %ne3A_431 = arith.cmpi ne, %rem3A_429, %ne3A_430 : i32
      %and3A_432 = arith.andi %ne3A_428, %ne3A_431 : i1
      %sub3A_433 = arith.constant 1 : i32
      %sub3A_434 = arith.subi %div3A_413, %sub3A_433 : i32
      %select_n3A_435 = arith.select %and3A_432, %sub3A_434, %div3A_413 : i32
      %jit3A_436 = arith.constant 8 : i32
      %eq3A_437 = arith.constant 0 : i32
      %eq3A_438 = arith.cmpi eq, %jit3A_436, %eq3A_437 : i32
      %jit3A_439 = arith.constant 1 : i32
      %select_n3A_440 = arith.select %eq3A_438, %jit3A_439, %jit3A_436 : i32
      %rem3A_441 = arith.remsi %scan3A_408, %select_n3A_440 : i32
      %ne3A_442 = arith.constant 0 : i32
      %ne3A_443 = arith.cmpi ne, %rem3A_441, %ne3A_442 : i32
      %lt3A_444 = arith.constant 0 : i32
      %lt3A_445 = arith.cmpi slt, %rem3A_441, %lt3A_444 : i32
      %lt3A_446 = arith.constant 0 : i32
      %lt3A_447 = arith.cmpi slt, %select_n3A_440, %lt3A_446 : i32
      %ne3A_448 = arith.xori %lt3A_445, %lt3A_447 : i1
      %and3A_449 = arith.andi %ne3A_448, %ne3A_443 : i1
      %add3A_450 = arith.addi %rem3A_441, %select_n3A_440 : i32
      %select_n3A_451 = arith.select %and3A_449, %add3A_450, %rem3A_441 : i32
      %mul3A_452 = arith.constant 16 : i32
      %mul3A_453 = arith.muli %select_n3A_451, %mul3A_452 : i32
      %get3A_454 = arith.index_cast %multiple_of3A_411 : i32 to index
      %get3A_455 = tpu.vector_load %arg14[%get3A_454] {strides = array<i32>} : memref<10240xi32, #tpu.memory_space<vmem>>, vector<16xi32>,
      %get3A_456 = vector.shape_cast %get3A_455 : vector<16xi32> to vector<16xi32>
      %swap3A_457 = arith.index_cast %select_n3A_435 : i32 to index
      %swap3A_458 = arith.index_cast %mul3A_453 : i32 to index
      %swap3A_459 = tpu.vector_load %arg15[%swap3A_457, %swap3A_458] {strides = array<i32>} : memref<80x128xi32, #tpu.memory_space<vmem>>, vector<1x16xi32>,
      %swap3A_460 = vector.shape_cast %swap3A_459 : vector<1x16xi32> to vector<16xi32>
      %swap3A_461 = vector.shape_cast %get3A_456 : vector<16xi32> to vector<1x16xi32>
      tpu.vector_store %arg15[%swap3A_457, %swap3A_458], %swap3A_461 {strides = array<i32>} : memref<80x128xi32, #tpu.memory_space<vmem>>, vector<1x16xi32>,
      %scan3A_462 = arith.constant 0 : i32
      scf.yield %scan3A_462 : i32
    }
    %scan3A_10 = arith.constant 640 : i32
    %eq3A = arith.constant 0 : i32
    %eq3A_11 = arith.cmpi eq, %arg0, %eq3A : i32
    %convert_element_type3A = arith.extui %eq3A_11 : i1 to i32
    %cond3A = arith.constant 0 : i32
    %cond3A_12 = arith.cmpi ne, %convert_element_type3A, %cond3A : i32
    scf.if %cond3A_12 {
      "tpu.region"() ({
        %run_scoped3A = tpu.sem_alloc : memref<!tpu.dma_semaphore, #tpu.memory_space<semaphore_mem>>
        %dma_start3A = arith.constant 0 : i32
        %dma_start3A_46 = tpu.memref_slice %arg12[%mul3A_0, %dma_start3A] : memref<10016x128xf32, #tpu.memory_space<vmem_shared>> -> memref<624x128xf32, #tpu.memory_space<vmem_shared>>
        %dma_start3A_47 = arith.constant 0 : i32
        %dma_start3A_48 = tpu.memref_slice %arg2[%mul3A_0, %dma_start3A_47] : memref<10000x128xf32, #tpu.memory_space<hbm>> -> memref<624x128xf32, #tpu.memory_space<hbm>>
        tpu.enqueue_dma source(%dma_start3A_48 : memref<624x128xf32, #tpu.memory_space<hbm>>) target(%dma_start3A_46 : memref<624x128xf32, #tpu.memory_space<vmem_shared>>) target_semaphore(%run_scoped3A : memref<!tpu.dma_semaphore, #tpu.memory_space<semaphore_mem>>)
        %dma_wait3A = arith.constant 0 : i32
        %dma_wait3A_49 = tpu.memref_slice %arg12[%mul3A_0, %dma_wait3A] : memref<10016x128xf32, #tpu.memory_space<vmem_shared>> -> memref<624x128xf32, #tpu.memory_space<vmem_shared>>
        %dma_wait3A_50 = arith.constant 0 : i32
        %dma_wait3A_51 = tpu.memref_slice %arg2[%mul3A_0, %dma_wait3A_50] : memref<10000x128xf32, #tpu.memory_space<hbm>> -> memref<624x128xf32, #tpu.memory_space<hbm>>
        tpu.wait_dma2 semaphore(%run_scoped3A : memref<!tpu.dma_semaphore, #tpu.memory_space<semaphore_mem>>) src(%dma_wait3A_51 : memref<624x128xf32, #tpu.memory_space<hbm>>) dst(%dma_wait3A_49 : memref<624x128xf32, #tpu.memory_space<vmem_shared>>)
        tpu.yield
      }) : () -> ()
      %eq3A_28 = arith.constant 15 : i32
      %eq3A_29 = arith.cmpi eq, %arg1, %eq3A_28 : i32
      %convert_element_type3A_30 = arith.extui %eq3A_29 : i1 to i32
      %cond3A_31 = arith.constant 0 : i32
      %cond3A_32 = arith.cmpi ne, %convert_element_type3A_30, %cond3A_31 : i32
      scf.if %cond3A_32 {
        "tpu.region"() ({
          %run_scoped3A = tpu.sem_alloc : memref<!tpu.dma_semaphore, #tpu.memory_space<semaphore_mem>>
          %dma_start3A = arith.constant 9984 : i32
          %dma_start3A_46 = arith.constant 0 : i32
          %dma_start3A_47 = tpu.memref_slice %arg12[%dma_start3A, %dma_start3A_46] : memref<10016x128xf32, #tpu.memory_space<vmem_shared>> -> memref<16x128xf32, #tpu.memory_space<vmem_shared>>
          %dma_start3A_48 = arith.constant 9984 : i32
          %dma_start3A_49 = arith.constant 0 : i32
          %dma_start3A_50 = tpu.memref_slice %arg2[%dma_start3A_48, %dma_start3A_49] : memref<10000x128xf32, #tpu.memory_space<hbm>> -> memref<16x128xf32, #tpu.memory_space<hbm>>
          tpu.enqueue_dma source(%dma_start3A_50 : memref<16x128xf32, #tpu.memory_space<hbm>>) target(%dma_start3A_47 : memref<16x128xf32, #tpu.memory_space<vmem_shared>>) target_semaphore(%run_scoped3A : memref<!tpu.dma_semaphore, #tpu.memory_space<semaphore_mem>>)
          %dma_wait3A = arith.constant 9984 : i32
          %dma_wait3A_51 = arith.constant 0 : i32
          %dma_wait3A_52 = tpu.memref_slice %arg12[%dma_wait3A, %dma_wait3A_51] : memref<10016x128xf32, #tpu.memory_space<vmem_shared>> -> memref<16x128xf32, #tpu.memory_space<vmem_shared>>
          %dma_wait3A_53 = arith.constant 9984 : i32
          %dma_wait3A_54 = arith.constant 0 : i32
          %dma_wait3A_55 = tpu.memref_slice %arg2[%dma_wait3A_53, %dma_wait3A_54] : memref<10000x128xf32, #tpu.memory_space<hbm>> -> memref<16x128xf32, #tpu.memory_space<hbm>>
          tpu.wait_dma2 semaphore(%run_scoped3A : memref<!tpu.dma_semaphore, #tpu.memory_space<semaphore_mem>>) src(%dma_wait3A_55 : memref<16x128xf32, #tpu.memory_space<hbm>>) dst(%dma_wait3A_52 : memref<16x128xf32, #tpu.memory_space<vmem_shared>>)
          tpu.yield
        }) : () -> ()
      } else {
      }
      %barrier3A = arith.constant 0 : index
      tpu.barrier barrier_id(%barrier3A)
      %scan3A_33 = arith.constant 0 : i32
      %scan3A_34 = arith.constant 0 : i32
      %scan3A_35 = arith.constant 80 : i32
      %scan3A_36 = arith.addi %scan3A_34, %scan3A_35 : i32
      %scan3A_37 = arith.constant 1 : i32
      %scan3A_38 = scf.for %scan3A_46 = %scan3A_34 to %scan3A_36 step %scan3A_37 iter_args(%scan3A_47 = %scan3A_33) -> (i32)  : i32 {
        %mul3A_48 = arith.constant 128 : i32
        %mul3A_49 = arith.muli %scan3A_46, %mul3A_48 : i32
        %multiple_of3A = tpu.assume_multiple %mul3A_49, 128 : i32
        %dma_start3A = tpu.memref_slice %arg13[%multiple_of3A] : memref<10240xi32, #tpu.memory_space<vmem>> -> memref<128xi32, #tpu.memory_space<vmem>>
        %dma_start3A_50 = arith.constant 0 : i32
        %dma_start3A_51 = arith.constant 0 : i32
        %dma_start3A_52 = tpu.memref_slice %arg2[%dma_start3A_50, %dma_start3A_51] : memref<10000x128xf32, #tpu.memory_space<hbm>> -> memref<10000x128xf32, #tpu.memory_space<hbm>>
        tpu.enqueue_indirect_dma source(%dma_start3A_52 : memref<10000x128xf32, #tpu.memory_space<hbm>>) target(%arg16 : memref<128x128xf32, #tpu.memory_space<vmem>>) offsets(%dma_start3A : memref<128xi32, #tpu.memory_space<vmem>>) semaphore(%arg17 : memref<!tpu.dma_semaphore, #tpu.memory_space<semaphore_mem>>)
        %dma_wait3A = arith.constant 0 : i32
        %dma_wait3A_53 = arith.constant 0 : i32
        %dma_wait3A_54 = tpu.memref_slice %arg2[%dma_wait3A, %dma_wait3A_53] : memref<10000x128xf32, #tpu.memory_space<hbm>> -> memref<128x128xf32, #tpu.memory_space<hbm>>
        %dma_wait3A_55 = arith.constant 0 : i32
        %dma_wait3A_56 = arith.constant 0 : i32
        %dma_wait3A_57 = tpu.memref_slice %arg2[%dma_wait3A_55, %dma_wait3A_56] : memref<10000x128xf32, #tpu.memory_space<hbm>> -> memref<128x128xf32, #tpu.memory_space<hbm>>
        tpu.wait_dma2 semaphore(%arg17 : memref<!tpu.dma_semaphore, #tpu.memory_space<semaphore_mem>>) src(%dma_wait3A_57 : memref<128x128xf32, #tpu.memory_space<hbm>>) dst(%arg16 : memref<128x128xf32, #tpu.memory_space<vmem>>)
        "tpu.region"() ({
          %run_scoped3A = tpu.sem_alloc : memref<!tpu.dma_semaphore, #tpu.memory_space<semaphore_mem>>
          %dma_start3A_59 = arith.constant 0 : i32
          %dma_start3A_60 = tpu.memref_slice %arg15[%scan3A_46, %dma_start3A_59] : memref<80x128xi32, #tpu.memory_space<vmem>> -> memref<1x128xi32, #tpu.memory_space<vmem>>
          %dma_start3A_61 = tpu.memref_squeeze %dma_start3A_60 : memref<1x128xi32, #tpu.memory_space<vmem>> -> memref<128xi32, #tpu.memory_space<vmem>>
          %dma_start3A_62 = arith.constant 0 : i32
          %dma_start3A_63 = arith.constant 0 : i32
          %dma_start3A_64 = tpu.memref_slice %arg12[%dma_start3A_62, %dma_start3A_63] : memref<10016x128xf32, #tpu.memory_space<vmem_shared>> -> memref<10016x128xf32, #tpu.memory_space<vmem_shared>>
          tpu.enqueue_indirect_dma source(%arg16 : memref<128x128xf32, #tpu.memory_space<vmem>>) target(%dma_start3A_64 : memref<10016x128xf32, #tpu.memory_space<vmem_shared>>) offsets(%dma_start3A_61 : memref<128xi32, #tpu.memory_space<vmem>>) semaphore(%run_scoped3A : memref<!tpu.dma_semaphore, #tpu.memory_space<semaphore_mem>>) {add = true}
          %dma_wait3A_65 = arith.constant 0 : i32
          %dma_wait3A_66 = tpu.memref_slice %arg15[%scan3A_46, %dma_wait3A_65] : memref<80x128xi32, #tpu.memory_space<vmem>> -> memref<1x128xi32, #tpu.memory_space<vmem>>
          %dma_wait3A_67 = tpu.memref_squeeze %dma_wait3A_66 : memref<1x128xi32, #tpu.memory_space<vmem>> -> memref<128xi32, #tpu.memory_space<vmem>>
          %dma_wait3A_68 = arith.constant 0 : i32
          %dma_wait3A_69 = arith.constant 0 : i32
          %dma_wait3A_70 = tpu.memref_slice %arg12[%dma_wait3A_68, %dma_wait3A_69] : memref<10016x128xf32, #tpu.memory_space<vmem_shared>> -> memref<10016x128xf32, #tpu.memory_space<vmem_shared>>
          tpu.wait_indirect_dma semaphore(%run_scoped3A : memref<!tpu.dma_semaphore, #tpu.memory_space<semaphore_mem>>) src(%arg16 : memref<128x128xf32, #tpu.memory_space<vmem>>) dst(%dma_wait3A_70 : memref<10016x128xf32, #tpu.memory_space<vmem_shared>>)
          tpu.yield
        }) : () -> ()
        %scan3A_58 = arith.constant 0 : i32
        scf.yield %scan3A_58 : i32
      }
      %scan3A_39 = arith.constant 80 : i32
      %barrier3A_40 = arith.constant 0 : index
      tpu.barrier barrier_id(%barrier3A_40)
      "tpu.region"() ({
        %run_scoped3A = tpu.sem_alloc : memref<!tpu.dma_semaphore, #tpu.memory_space<semaphore_mem>>
        %dma_start3A = arith.constant 0 : i32
        %dma_start3A_46 = tpu.memref_slice %arg8[%mul3A_0, %dma_start3A] : memref<10000x128xf32, #tpu.memory_space<hbm>> -> memref<624x128xf32, #tpu.memory_space<hbm>>
        %dma_start3A_47 = arith.constant 0 : i32
        %dma_start3A_48 = tpu.memref_slice %arg12[%mul3A_0, %dma_start3A_47] : memref<10016x128xf32, #tpu.memory_space<vmem_shared>> -> memref<624x128xf32, #tpu.memory_space<vmem_shared>>
        tpu.enqueue_dma source(%dma_start3A_48 : memref<624x128xf32, #tpu.memory_space<vmem_shared>>) target(%dma_start3A_46 : memref<624x128xf32, #tpu.memory_space<hbm>>) target_semaphore(%run_scoped3A : memref<!tpu.dma_semaphore, #tpu.memory_space<semaphore_mem>>)
        %dma_wait3A = arith.constant 0 : i32
        %dma_wait3A_49 = tpu.memref_slice %arg8[%mul3A_0, %dma_wait3A] : memref<10000x128xf32, #tpu.memory_space<hbm>> -> memref<624x128xf32, #tpu.memory_space<hbm>>
        %dma_wait3A_50 = arith.constant 0 : i32
        %dma_wait3A_51 = tpu.memref_slice %arg12[%mul3A_0, %dma_wait3A_50] : memref<10016x128xf32, #tpu.memory_space<vmem_shared>> -> memref<624x128xf32, #tpu.memory_space<vmem_shared>>
        tpu.wait_dma2 semaphore(%run_scoped3A : memref<!tpu.dma_semaphore, #tpu.memory_space<semaphore_mem>>) src(%dma_wait3A_51 : memref<624x128xf32, #tpu.memory_space<vmem_shared>>) dst(%dma_wait3A_49 : memref<624x128xf32, #tpu.memory_space<hbm>>)
        tpu.yield
      }) : () -> ()
      %eq3A_41 = arith.constant 15 : i32
      %eq3A_42 = arith.cmpi eq, %arg1, %eq3A_41 : i32
      %convert_element_type3A_43 = arith.extui %eq3A_42 : i1 to i32
      %cond3A_44 = arith.constant 0 : i32
      %cond3A_45 = arith.cmpi ne, %convert_element_type3A_43, %cond3A_44 : i32
      scf.if %cond3A_45 {
        "tpu.region"() ({
          %run_scoped3A = tpu.sem_alloc : memref<!tpu.dma_semaphore, #tpu.memory_space<semaphore_mem>>
          %dma_start3A = arith.constant 9984 : i32
          %dma_start3A_46 = arith.constant 0 : i32
          %dma_start3A_47 = tpu.memref_slice %arg8[%dma_start3A, %dma_start3A_46] : memref<10000x128xf32, #tpu.memory_space<hbm>> -> memref<16x128xf32, #tpu.memory_space<hbm>>
          %dma_start3A_48 = arith.constant 9984 : i32
          %dma_start3A_49 = arith.constant 0 : i32
          %dma_start3A_50 = tpu.memref_slice %arg12[%dma_start3A_48, %dma_start3A_49] : memref<10016x128xf32, #tpu.memory_space<vmem_shared>> -> memref<16x128xf32, #tpu.memory_space<vmem_shared>>
          tpu.enqueue_dma source(%dma_start3A_50 : memref<16x128xf32, #tpu.memory_space<vmem_shared>>) target(%dma_start3A_47 : memref<16x128xf32, #tpu.memory_space<hbm>>) target_semaphore(%run_scoped3A : memref<!tpu.dma_semaphore, #tpu.memory_space<semaphore_mem>>)
          %dma_wait3A = arith.constant 9984 : i32
          %dma_wait3A_51 = arith.constant 0 : i32
          %dma_wait3A_52 = tpu.memref_slice %arg8[%dma_wait3A, %dma_wait3A_51] : memref<10000x128xf32, #tpu.memory_space<hbm>> -> memref<16x128xf32, #tpu.memory_space<hbm>>
          %dma_wait3A_53 = arith.constant 9984 : i32
          %dma_wait3A_54 = arith.constant 0 : i32
          %dma_wait3A_55 = tpu.memref_slice %arg12[%dma_wait3A_53, %dma_wait3A_54] : memref<10016x128xf32, #tpu.memory_space<vmem_shared>> -> memref<16x128xf32, #tpu.memory_space<vmem_shared>>
          tpu.wait_dma2 semaphore(%run_scoped3A : memref<!tpu.dma_semaphore, #tpu.memory_space<semaphore_mem>>) src(%dma_wait3A_55 : memref<16x128xf32, #tpu.memory_space<vmem_shared>>) dst(%dma_wait3A_52 : memref<16x128xf32, #tpu.memory_space<hbm>>)
          tpu.yield
        }) : () -> ()
      } else {
      }
    } else {
    }
    %eq3A_13 = arith.constant 0 : i32
    %eq3A_14 = arith.cmpi eq, %arg0, %eq3A_13 : i32
    %convert_element_type3A_15 = arith.extui %eq3A_14 : i1 to i32
    %cond3A_16 = arith.constant 0 : i32
    %cond3A_17 = arith.cmpi ne, %convert_element_type3A_15, %cond3A_16 : i32
    scf.if %cond3A_17 {
      %barrier3A = arith.constant 0 : index
      tpu.barrier barrier_id(%barrier3A)
      "tpu.region"() ({
        %run_scoped3A = tpu.sem_alloc : memref<!tpu.dma_semaphore, #tpu.memory_space<semaphore_mem>>
        %dma_start3A = arith.constant 0 : i32
        %dma_start3A_47 = tpu.memref_slice %arg12[%mul3A_0, %dma_start3A] : memref<10016x128xf32, #tpu.memory_space<vmem_shared>> -> memref<624x128xf32, #tpu.memory_space<vmem_shared>>
        %dma_start3A_48 = arith.constant 0 : i32
        %dma_start3A_49 = tpu.memref_slice %arg3[%mul3A_0, %dma_start3A_48] : memref<10000x128xf32, #tpu.memory_space<hbm>> -> memref<624x128xf32, #tpu.memory_space<hbm>>
        tpu.enqueue_dma source(%dma_start3A_49 : memref<624x128xf32, #tpu.memory_space<hbm>>) target(%dma_start3A_47 : memref<624x128xf32, #tpu.memory_space<vmem_shared>>) target_semaphore(%run_scoped3A : memref<!tpu.dma_semaphore, #tpu.memory_space<semaphore_mem>>)
        %dma_wait3A = arith.constant 0 : i32
        %dma_wait3A_50 = tpu.memref_slice %arg12[%mul3A_0, %dma_wait3A] : memref<10016x128xf32, #tpu.memory_space<vmem_shared>> -> memref<624x128xf32, #tpu.memory_space<vmem_shared>>
        %dma_wait3A_51 = arith.constant 0 : i32
        %dma_wait3A_52 = tpu.memref_slice %arg3[%mul3A_0, %dma_wait3A_51] : memref<10000x128xf32, #tpu.memory_space<hbm>> -> memref<624x128xf32, #tpu.memory_space<hbm>>
        tpu.wait_dma2 semaphore(%run_scoped3A : memref<!tpu.dma_semaphore, #tpu.memory_space<semaphore_mem>>) src(%dma_wait3A_52 : memref<624x128xf32, #tpu.memory_space<hbm>>) dst(%dma_wait3A_50 : memref<624x128xf32, #tpu.memory_space<vmem_shared>>)
        tpu.yield
      }) : () -> ()
      %eq3A_28 = arith.constant 15 : i32
      %eq3A_29 = arith.cmpi eq, %arg1, %eq3A_28 : i32
      %convert_element_type3A_30 = arith.extui %eq3A_29 : i1 to i32
      %cond3A_31 = arith.constant 0 : i32
      %cond3A_32 = arith.cmpi ne, %convert_element_type3A_30, %cond3A_31 : i32
      scf.if %cond3A_32 {
        "tpu.region"() ({
          %run_scoped3A = tpu.sem_alloc : memref<!tpu.dma_semaphore, #tpu.memory_space<semaphore_mem>>
          %dma_start3A = arith.constant 9984 : i32
          %dma_start3A_47 = arith.constant 0 : i32
          %dma_start3A_48 = tpu.memref_slice %arg12[%dma_start3A, %dma_start3A_47] : memref<10016x128xf32, #tpu.memory_space<vmem_shared>> -> memref<16x128xf32, #tpu.memory_space<vmem_shared>>
          %dma_start3A_49 = arith.constant 9984 : i32
          %dma_start3A_50 = arith.constant 0 : i32
          %dma_start3A_51 = tpu.memref_slice %arg3[%dma_start3A_49, %dma_start3A_50] : memref<10000x128xf32, #tpu.memory_space<hbm>> -> memref<16x128xf32, #tpu.memory_space<hbm>>
          tpu.enqueue_dma source(%dma_start3A_51 : memref<16x128xf32, #tpu.memory_space<hbm>>) target(%dma_start3A_48 : memref<16x128xf32, #tpu.memory_space<vmem_shared>>) target_semaphore(%run_scoped3A : memref<!tpu.dma_semaphore, #tpu.memory_space<semaphore_mem>>)
          %dma_wait3A = arith.constant 9984 : i32
          %dma_wait3A_52 = arith.constant 0 : i32
          %dma_wait3A_53 = tpu.memref_slice %arg12[%dma_wait3A, %dma_wait3A_52] : memref<10016x128xf32, #tpu.memory_space<vmem_shared>> -> memref<16x128xf32, #tpu.memory_space<vmem_shared>>
          %dma_wait3A_54 = arith.constant 9984 : i32
          %dma_wait3A_55 = arith.constant 0 : i32
          %dma_wait3A_56 = tpu.memref_slice %arg3[%dma_wait3A_54, %dma_wait3A_55] : memref<10000x128xf32, #tpu.memory_space<hbm>> -> memref<16x128xf32, #tpu.memory_space<hbm>>
          tpu.wait_dma2 semaphore(%run_scoped3A : memref<!tpu.dma_semaphore, #tpu.memory_space<semaphore_mem>>) src(%dma_wait3A_56 : memref<16x128xf32, #tpu.memory_space<hbm>>) dst(%dma_wait3A_53 : memref<16x128xf32, #tpu.memory_space<vmem_shared>>)
          tpu.yield
        }) : () -> ()
      } else {
      }
      %barrier3A_33 = arith.constant 0 : index
      tpu.barrier barrier_id(%barrier3A_33)
      %scan3A_34 = arith.constant 0 : i32
      %scan3A_35 = arith.constant 0 : i32
      %scan3A_36 = arith.constant 80 : i32
      %scan3A_37 = arith.addi %scan3A_35, %scan3A_36 : i32
      %scan3A_38 = arith.constant 1 : i32
      %scan3A_39 = scf.for %scan3A_47 = %scan3A_35 to %scan3A_37 step %scan3A_38 iter_args(%scan3A_48 = %scan3A_34) -> (i32)  : i32 {
        %mul3A_49 = arith.constant 128 : i32
        %mul3A_50 = arith.muli %scan3A_47, %mul3A_49 : i32
        %multiple_of3A = tpu.assume_multiple %mul3A_50, 128 : i32
        %dma_start3A = tpu.memref_slice %arg13[%multiple_of3A] : memref<10240xi32, #tpu.memory_space<vmem>> -> memref<128xi32, #tpu.memory_space<vmem>>
        %dma_start3A_51 = arith.constant 0 : i32
        %dma_start3A_52 = arith.constant 0 : i32
        %dma_start3A_53 = tpu.memref_slice %arg3[%dma_start3A_51, %dma_start3A_52] : memref<10000x128xf32, #tpu.memory_space<hbm>> -> memref<10000x128xf32, #tpu.memory_space<hbm>>
        tpu.enqueue_indirect_dma source(%dma_start3A_53 : memref<10000x128xf32, #tpu.memory_space<hbm>>) target(%arg16 : memref<128x128xf32, #tpu.memory_space<vmem>>) offsets(%dma_start3A : memref<128xi32, #tpu.memory_space<vmem>>) semaphore(%arg17 : memref<!tpu.dma_semaphore, #tpu.memory_space<semaphore_mem>>)
        %dma_wait3A = arith.constant 0 : i32
        %dma_wait3A_54 = arith.constant 0 : i32
        %dma_wait3A_55 = tpu.memref_slice %arg3[%dma_wait3A, %dma_wait3A_54] : memref<10000x128xf32, #tpu.memory_space<hbm>> -> memref<128x128xf32, #tpu.memory_space<hbm>>
        %dma_wait3A_56 = arith.constant 0 : i32
        %dma_wait3A_57 = arith.constant 0 : i32
        %dma_wait3A_58 = tpu.memref_slice %arg3[%dma_wait3A_56, %dma_wait3A_57] : memref<10000x128xf32, #tpu.memory_space<hbm>> -> memref<128x128xf32, #tpu.memory_space<hbm>>
        tpu.wait_dma2 semaphore(%arg17 : memref<!tpu.dma_semaphore, #tpu.memory_space<semaphore_mem>>) src(%dma_wait3A_58 : memref<128x128xf32, #tpu.memory_space<hbm>>) dst(%arg16 : memref<128x128xf32, #tpu.memory_space<vmem>>)
        "tpu.region"() ({
          %run_scoped3A = tpu.sem_alloc : memref<!tpu.dma_semaphore, #tpu.memory_space<semaphore_mem>>
          %dma_start3A_60 = arith.constant 0 : i32
          %dma_start3A_61 = tpu.memref_slice %arg15[%scan3A_47, %dma_start3A_60] : memref<80x128xi32, #tpu.memory_space<vmem>> -> memref<1x128xi32, #tpu.memory_space<vmem>>
          %dma_start3A_62 = tpu.memref_squeeze %dma_start3A_61 : memref<1x128xi32, #tpu.memory_space<vmem>> -> memref<128xi32, #tpu.memory_space<vmem>>
          %dma_start3A_63 = arith.constant 0 : i32
          %dma_start3A_64 = arith.constant 0 : i32
          %dma_start3A_65 = tpu.memref_slice %arg12[%dma_start3A_63, %dma_start3A_64] : memref<10016x128xf32, #tpu.memory_space<vmem_shared>> -> memref<10016x128xf32, #tpu.memory_space<vmem_shared>>
          tpu.enqueue_indirect_dma source(%arg16 : memref<128x128xf32, #tpu.memory_space<vmem>>) target(%dma_start3A_65 : memref<10016x128xf32, #tpu.memory_space<vmem_shared>>) offsets(%dma_start3A_62 : memref<128xi32, #tpu.memory_space<vmem>>) semaphore(%run_scoped3A : memref<!tpu.dma_semaphore, #tpu.memory_space<semaphore_mem>>) {add = true}
          %dma_wait3A_66 = arith.constant 0 : i32
          %dma_wait3A_67 = tpu.memref_slice %arg15[%scan3A_47, %dma_wait3A_66] : memref<80x128xi32, #tpu.memory_space<vmem>> -> memref<1x128xi32, #tpu.memory_space<vmem>>
          %dma_wait3A_68 = tpu.memref_squeeze %dma_wait3A_67 : memref<1x128xi32, #tpu.memory_space<vmem>> -> memref<128xi32, #tpu.memory_space<vmem>>
          %dma_wait3A_69 = arith.constant 0 : i32
          %dma_wait3A_70 = arith.constant 0 : i32
          %dma_wait3A_71 = tpu.memref_slice %arg12[%dma_wait3A_69, %dma_wait3A_70] : memref<10016x128xf32, #tpu.memory_space<vmem_shared>> -> memref<10016x128xf32, #tpu.memory_space<vmem_shared>>
          tpu.wait_indirect_dma semaphore(%run_scoped3A : memref<!tpu.dma_semaphore, #tpu.memory_space<semaphore_mem>>) src(%arg16 : memref<128x128xf32, #tpu.memory_space<vmem>>) dst(%dma_wait3A_71 : memref<10016x128xf32, #tpu.memory_space<vmem_shared>>)
          tpu.yield
        }) : () -> ()
        %scan3A_59 = arith.constant 0 : i32
        scf.yield %scan3A_59 : i32
      }
      %scan3A_40 = arith.constant 80 : i32
      %barrier3A_41 = arith.constant 0 : index
      tpu.barrier barrier_id(%barrier3A_41)
      "tpu.region"() ({
        %run_scoped3A = tpu.sem_alloc : memref<!tpu.dma_semaphore, #tpu.memory_space<semaphore_mem>>
        %dma_start3A = arith.constant 0 : i32
        %dma_start3A_47 = tpu.memref_slice %arg9[%mul3A_0, %dma_start3A] : memref<10000x128xf32, #tpu.memory_space<hbm>> -> memref<624x128xf32, #tpu.memory_space<hbm>>
        %dma_start3A_48 = arith.constant 0 : i32
        %dma_start3A_49 = tpu.memref_slice %arg12[%mul3A_0, %dma_start3A_48] : memref<10016x128xf32, #tpu.memory_space<vmem_shared>> -> memref<624x128xf32, #tpu.memory_space<vmem_shared>>
        tpu.enqueue_dma source(%dma_start3A_49 : memref<624x128xf32, #tpu.memory_space<vmem_shared>>) target(%dma_start3A_47 : memref<624x128xf32, #tpu.memory_space<hbm>>) target_semaphore(%run_scoped3A : memref<!tpu.dma_semaphore, #tpu.memory_space<semaphore_mem>>)
        %dma_wait3A = arith.constant 0 : i32
        %dma_wait3A_50 = tpu.memref_slice %arg9[%mul3A_0, %dma_wait3A] : memref<10000x128xf32, #tpu.memory_space<hbm>> -> memref<624x128xf32, #tpu.memory_space<hbm>>
        %dma_wait3A_51 = arith.constant 0 : i32
        %dma_wait3A_52 = tpu.memref_slice %arg12[%mul3A_0, %dma_wait3A_51] : memref<10016x128xf32, #tpu.memory_space<vmem_shared>> -> memref<624x128xf32, #tpu.memory_space<vmem_shared>>
        tpu.wait_dma2 semaphore(%run_scoped3A : memref<!tpu.dma_semaphore, #tpu.memory_space<semaphore_mem>>) src(%dma_wait3A_52 : memref<624x128xf32, #tpu.memory_space<vmem_shared>>) dst(%dma_wait3A_50 : memref<624x128xf32, #tpu.memory_space<hbm>>)
        tpu.yield
      }) : () -> ()
      %eq3A_42 = arith.constant 15 : i32
      %eq3A_43 = arith.cmpi eq, %arg1, %eq3A_42 : i32
      %convert_element_type3A_44 = arith.extui %eq3A_43 : i1 to i32
      %cond3A_45 = arith.constant 0 : i32
      %cond3A_46 = arith.cmpi ne, %convert_element_type3A_44, %cond3A_45 : i32
      scf.if %cond3A_46 {
        "tpu.region"() ({
          %run_scoped3A = tpu.sem_alloc : memref<!tpu.dma_semaphore, #tpu.memory_space<semaphore_mem>>
          %dma_start3A = arith.constant 9984 : i32
          %dma_start3A_47 = arith.constant 0 : i32
          %dma_start3A_48 = tpu.memref_slice %arg9[%dma_start3A, %dma_start3A_47] : memref<10000x128xf32, #tpu.memory_space<hbm>> -> memref<16x128xf32, #tpu.memory_space<hbm>>
          %dma_start3A_49 = arith.constant 9984 : i32
          %dma_start3A_50 = arith.constant 0 : i32
          %dma_start3A_51 = tpu.memref_slice %arg12[%dma_start3A_49, %dma_start3A_50] : memref<10016x128xf32, #tpu.memory_space<vmem_shared>> -> memref<16x128xf32, #tpu.memory_space<vmem_shared>>
          tpu.enqueue_dma source(%dma_start3A_51 : memref<16x128xf32, #tpu.memory_space<vmem_shared>>) target(%dma_start3A_48 : memref<16x128xf32, #tpu.memory_space<hbm>>) target_semaphore(%run_scoped3A : memref<!tpu.dma_semaphore, #tpu.memory_space<semaphore_mem>>)
          %dma_wait3A = arith.constant 9984 : i32
          %dma_wait3A_52 = arith.constant 0 : i32
          %dma_wait3A_53 = tpu.memref_slice %arg9[%dma_wait3A, %dma_wait3A_52] : memref<10000x128xf32, #tpu.memory_space<hbm>> -> memref<16x128xf32, #tpu.memory_space<hbm>>
          %dma_wait3A_54 = arith.constant 9984 : i32
          %dma_wait3A_55 = arith.constant 0 : i32
          %dma_wait3A_56 = tpu.memref_slice %arg12[%dma_wait3A_54, %dma_wait3A_55] : memref<10016x128xf32, #tpu.memory_space<vmem_shared>> -> memref<16x128xf32, #tpu.memory_space<vmem_shared>>
          tpu.wait_dma2 semaphore(%run_scoped3A : memref<!tpu.dma_semaphore, #tpu.memory_space<semaphore_mem>>) src(%dma_wait3A_56 : memref<16x128xf32, #tpu.memory_space<vmem_shared>>) dst(%dma_wait3A_53 : memref<16x128xf32, #tpu.memory_space<hbm>>)
          tpu.yield
        }) : () -> ()
      } else {
      }
    } else {
    }
    %eq3A_18 = arith.constant 1 : i32
    %eq3A_19 = arith.cmpi eq, %arg0, %eq3A_18 : i32
    %convert_element_type3A_20 = arith.extui %eq3A_19 : i1 to i32
    %cond3A_21 = arith.constant 0 : i32
    %cond3A_22 = arith.cmpi ne, %convert_element_type3A_20, %cond3A_21 : i32
    scf.if %cond3A_22 {
      "tpu.region"() ({
        %run_scoped3A = tpu.sem_alloc : memref<!tpu.dma_semaphore, #tpu.memory_space<semaphore_mem>>
        %dma_start3A = arith.constant 0 : i32
        %dma_start3A_46 = tpu.memref_slice %arg12[%mul3A_0, %dma_start3A] : memref<10016x128xf32, #tpu.memory_space<vmem_shared>> -> memref<624x128xf32, #tpu.memory_space<vmem_shared>>
        %dma_start3A_47 = arith.constant 0 : i32
        %dma_start3A_48 = tpu.memref_slice %arg4[%mul3A_0, %dma_start3A_47] : memref<10000x128xf32, #tpu.memory_space<hbm>> -> memref<624x128xf32, #tpu.memory_space<hbm>>
        tpu.enqueue_dma source(%dma_start3A_48 : memref<624x128xf32, #tpu.memory_space<hbm>>) target(%dma_start3A_46 : memref<624x128xf32, #tpu.memory_space<vmem_shared>>) target_semaphore(%run_scoped3A : memref<!tpu.dma_semaphore, #tpu.memory_space<semaphore_mem>>)
        %dma_wait3A = arith.constant 0 : i32
        %dma_wait3A_49 = tpu.memref_slice %arg12[%mul3A_0, %dma_wait3A] : memref<10016x128xf32, #tpu.memory_space<vmem_shared>> -> memref<624x128xf32, #tpu.memory_space<vmem_shared>>
        %dma_wait3A_50 = arith.constant 0 : i32
        %dma_wait3A_51 = tpu.memref_slice %arg4[%mul3A_0, %dma_wait3A_50] : memref<10000x128xf32, #tpu.memory_space<hbm>> -> memref<624x128xf32, #tpu.memory_space<hbm>>
        tpu.wait_dma2 semaphore(%run_scoped3A : memref<!tpu.dma_semaphore, #tpu.memory_space<semaphore_mem>>) src(%dma_wait3A_51 : memref<624x128xf32, #tpu.memory_space<hbm>>) dst(%dma_wait3A_49 : memref<624x128xf32, #tpu.memory_space<vmem_shared>>)
        tpu.yield
      }) : () -> ()
      %eq3A_28 = arith.constant 15 : i32
      %eq3A_29 = arith.cmpi eq, %arg1, %eq3A_28 : i32
      %convert_element_type3A_30 = arith.extui %eq3A_29 : i1 to i32
      %cond3A_31 = arith.constant 0 : i32
      %cond3A_32 = arith.cmpi ne, %convert_element_type3A_30, %cond3A_31 : i32
      scf.if %cond3A_32 {
        "tpu.region"() ({
          %run_scoped3A = tpu.sem_alloc : memref<!tpu.dma_semaphore, #tpu.memory_space<semaphore_mem>>
          %dma_start3A = arith.constant 9984 : i32
          %dma_start3A_46 = arith.constant 0 : i32
          %dma_start3A_47 = tpu.memref_slice %arg12[%dma_start3A, %dma_start3A_46] : memref<10016x128xf32, #tpu.memory_space<vmem_shared>> -> memref<16x128xf32, #tpu.memory_space<vmem_shared>>
          %dma_start3A_48 = arith.constant 9984 : i32
          %dma_start3A_49 = arith.constant 0 : i32
          %dma_start3A_50 = tpu.memref_slice %arg4[%dma_start3A_48, %dma_start3A_49] : memref<10000x128xf32, #tpu.memory_space<hbm>> -> memref<16x128xf32, #tpu.memory_space<hbm>>
          tpu.enqueue_dma source(%dma_start3A_50 : memref<16x128xf32, #tpu.memory_space<hbm>>) target(%dma_start3A_47 : memref<16x128xf32, #tpu.memory_space<vmem_shared>>) target_semaphore(%run_scoped3A : memref<!tpu.dma_semaphore, #tpu.memory_space<semaphore_mem>>)
          %dma_wait3A = arith.constant 9984 : i32
          %dma_wait3A_51 = arith.constant 0 : i32
          %dma_wait3A_52 = tpu.memref_slice %arg12[%dma_wait3A, %dma_wait3A_51] : memref<10016x128xf32, #tpu.memory_space<vmem_shared>> -> memref<16x128xf32, #tpu.memory_space<vmem_shared>>
          %dma_wait3A_53 = arith.constant 9984 : i32
          %dma_wait3A_54 = arith.constant 0 : i32
          %dma_wait3A_55 = tpu.memref_slice %arg4[%dma_wait3A_53, %dma_wait3A_54] : memref<10000x128xf32, #tpu.memory_space<hbm>> -> memref<16x128xf32, #tpu.memory_space<hbm>>
          tpu.wait_dma2 semaphore(%run_scoped3A : memref<!tpu.dma_semaphore, #tpu.memory_space<semaphore_mem>>) src(%dma_wait3A_55 : memref<16x128xf32, #tpu.memory_space<hbm>>) dst(%dma_wait3A_52 : memref<16x128xf32, #tpu.memory_space<vmem_shared>>)
          tpu.yield
        }) : () -> ()
      } else {
      }
      %barrier3A = arith.constant 0 : index
      tpu.barrier barrier_id(%barrier3A)
      %scan3A_33 = arith.constant 0 : i32
      %scan3A_34 = arith.constant 0 : i32
      %scan3A_35 = arith.constant 80 : i32
      %scan3A_36 = arith.addi %scan3A_34, %scan3A_35 : i32
      %scan3A_37 = arith.constant 1 : i32
      %scan3A_38 = scf.for %scan3A_46 = %scan3A_34 to %scan3A_36 step %scan3A_37 iter_args(%scan3A_47 = %scan3A_33) -> (i32)  : i32 {
        %mul3A_48 = arith.constant 128 : i32
        %mul3A_49 = arith.muli %scan3A_46, %mul3A_48 : i32
        %multiple_of3A = tpu.assume_multiple %mul3A_49, 128 : i32
        %dma_start3A = tpu.memref_slice %arg13[%multiple_of3A] : memref<10240xi32, #tpu.memory_space<vmem>> -> memref<128xi32, #tpu.memory_space<vmem>>
        %dma_start3A_50 = arith.constant 0 : i32
        %dma_start3A_51 = arith.constant 0 : i32
        %dma_start3A_52 = tpu.memref_slice %arg4[%dma_start3A_50, %dma_start3A_51] : memref<10000x128xf32, #tpu.memory_space<hbm>> -> memref<10000x128xf32, #tpu.memory_space<hbm>>
        tpu.enqueue_indirect_dma source(%dma_start3A_52 : memref<10000x128xf32, #tpu.memory_space<hbm>>) target(%arg16 : memref<128x128xf32, #tpu.memory_space<vmem>>) offsets(%dma_start3A : memref<128xi32, #tpu.memory_space<vmem>>) semaphore(%arg17 : memref<!tpu.dma_semaphore, #tpu.memory_space<semaphore_mem>>)
        %dma_wait3A = arith.constant 0 : i32
        %dma_wait3A_53 = arith.constant 0 : i32
        %dma_wait3A_54 = tpu.memref_slice %arg4[%dma_wait3A, %dma_wait3A_53] : memref<10000x128xf32, #tpu.memory_space<hbm>> -> memref<128x128xf32, #tpu.memory_space<hbm>>
        %dma_wait3A_55 = arith.constant 0 : i32
        %dma_wait3A_56 = arith.constant 0 : i32
        %dma_wait3A_57 = tpu.memref_slice %arg4[%dma_wait3A_55, %dma_wait3A_56] : memref<10000x128xf32, #tpu.memory_space<hbm>> -> memref<128x128xf32, #tpu.memory_space<hbm>>
        tpu.wait_dma2 semaphore(%arg17 : memref<!tpu.dma_semaphore, #tpu.memory_space<semaphore_mem>>) src(%dma_wait3A_57 : memref<128x128xf32, #tpu.memory_space<hbm>>) dst(%arg16 : memref<128x128xf32, #tpu.memory_space<vmem>>)
        "tpu.region"() ({
          %run_scoped3A = tpu.sem_alloc : memref<!tpu.dma_semaphore, #tpu.memory_space<semaphore_mem>>
          %dma_start3A_59 = arith.constant 0 : i32
          %dma_start3A_60 = tpu.memref_slice %arg15[%scan3A_46, %dma_start3A_59] : memref<80x128xi32, #tpu.memory_space<vmem>> -> memref<1x128xi32, #tpu.memory_space<vmem>>
          %dma_start3A_61 = tpu.memref_squeeze %dma_start3A_60 : memref<1x128xi32, #tpu.memory_space<vmem>> -> memref<128xi32, #tpu.memory_space<vmem>>
          %dma_start3A_62 = arith.constant 0 : i32
          %dma_start3A_63 = arith.constant 0 : i32
          %dma_start3A_64 = tpu.memref_slice %arg12[%dma_start3A_62, %dma_start3A_63] : memref<10016x128xf32, #tpu.memory_space<vmem_shared>> -> memref<10016x128xf32, #tpu.memory_space<vmem_shared>>
          tpu.enqueue_indirect_dma source(%arg16 : memref<128x128xf32, #tpu.memory_space<vmem>>) target(%dma_start3A_64 : memref<10016x128xf32, #tpu.memory_space<vmem_shared>>) offsets(%dma_start3A_61 : memref<128xi32, #tpu.memory_space<vmem>>) semaphore(%run_scoped3A : memref<!tpu.dma_semaphore, #tpu.memory_space<semaphore_mem>>) {add = true}
          %dma_wait3A_65 = arith.constant 0 : i32
          %dma_wait3A_66 = tpu.memref_slice %arg15[%scan3A_46, %dma_wait3A_65] : memref<80x128xi32, #tpu.memory_space<vmem>> -> memref<1x128xi32, #tpu.memory_space<vmem>>
          %dma_wait3A_67 = tpu.memref_squeeze %dma_wait3A_66 : memref<1x128xi32, #tpu.memory_space<vmem>> -> memref<128xi32, #tpu.memory_space<vmem>>
          %dma_wait3A_68 = arith.constant 0 : i32
          %dma_wait3A_69 = arith.constant 0 : i32
          %dma_wait3A_70 = tpu.memref_slice %arg12[%dma_wait3A_68, %dma_wait3A_69] : memref<10016x128xf32, #tpu.memory_space<vmem_shared>> -> memref<10016x128xf32, #tpu.memory_space<vmem_shared>>
          tpu.wait_indirect_dma semaphore(%run_scoped3A : memref<!tpu.dma_semaphore, #tpu.memory_space<semaphore_mem>>) src(%arg16 : memref<128x128xf32, #tpu.memory_space<vmem>>) dst(%dma_wait3A_70 : memref<10016x128xf32, #tpu.memory_space<vmem_shared>>)
          tpu.yield
        }) : () -> ()
        %scan3A_58 = arith.constant 0 : i32
        scf.yield %scan3A_58 : i32
      }
      %scan3A_39 = arith.constant 80 : i32
      %barrier3A_40 = arith.constant 0 : index
      tpu.barrier barrier_id(%barrier3A_40)
      "tpu.region"() ({
        %run_scoped3A = tpu.sem_alloc : memref<!tpu.dma_semaphore, #tpu.memory_space<semaphore_mem>>
        %dma_start3A = arith.constant 0 : i32
        %dma_start3A_46 = tpu.memref_slice %arg10[%mul3A_0, %dma_start3A] : memref<10000x128xf32, #tpu.memory_space<hbm>> -> memref<624x128xf32, #tpu.memory_space<hbm>>
        %dma_start3A_47 = arith.constant 0 : i32
        %dma_start3A_48 = tpu.memref_slice %arg12[%mul3A_0, %dma_start3A_47] : memref<10016x128xf32, #tpu.memory_space<vmem_shared>> -> memref<624x128xf32, #tpu.memory_space<vmem_shared>>
        tpu.enqueue_dma source(%dma_start3A_48 : memref<624x128xf32, #tpu.memory_space<vmem_shared>>) target(%dma_start3A_46 : memref<624x128xf32, #tpu.memory_space<hbm>>) target_semaphore(%run_scoped3A : memref<!tpu.dma_semaphore, #tpu.memory_space<semaphore_mem>>)
        %dma_wait3A = arith.constant 0 : i32
        %dma_wait3A_49 = tpu.memref_slice %arg10[%mul3A_0, %dma_wait3A] : memref<10000x128xf32, #tpu.memory_space<hbm>> -> memref<624x128xf32, #tpu.memory_space<hbm>>
        %dma_wait3A_50 = arith.constant 0 : i32
        %dma_wait3A_51 = tpu.memref_slice %arg12[%mul3A_0, %dma_wait3A_50] : memref<10016x128xf32, #tpu.memory_space<vmem_shared>> -> memref<624x128xf32, #tpu.memory_space<vmem_shared>>
        tpu.wait_dma2 semaphore(%run_scoped3A : memref<!tpu.dma_semaphore, #tpu.memory_space<semaphore_mem>>) src(%dma_wait3A_51 : memref<624x128xf32, #tpu.memory_space<vmem_shared>>) dst(%dma_wait3A_49 : memref<624x128xf32, #tpu.memory_space<hbm>>)
        tpu.yield
      }) : () -> ()
      %eq3A_41 = arith.constant 15 : i32
      %eq3A_42 = arith.cmpi eq, %arg1, %eq3A_41 : i32
      %convert_element_type3A_43 = arith.extui %eq3A_42 : i1 to i32
      %cond3A_44 = arith.constant 0 : i32
      %cond3A_45 = arith.cmpi ne, %convert_element_type3A_43, %cond3A_44 : i32
      scf.if %cond3A_45 {
        "tpu.region"() ({
          %run_scoped3A = tpu.sem_alloc : memref<!tpu.dma_semaphore, #tpu.memory_space<semaphore_mem>>
          %dma_start3A = arith.constant 9984 : i32
          %dma_start3A_46 = arith.constant 0 : i32
          %dma_start3A_47 = tpu.memref_slice %arg10[%dma_start3A, %dma_start3A_46] : memref<10000x128xf32, #tpu.memory_space<hbm>> -> memref<16x128xf32, #tpu.memory_space<hbm>>
          %dma_start3A_48 = arith.constant 9984 : i32
          %dma_start3A_49 = arith.constant 0 : i32
          %dma_start3A_50 = tpu.memref_slice %arg12[%dma_start3A_48, %dma_start3A_49] : memref<10016x128xf32, #tpu.memory_space<vmem_shared>> -> memref<16x128xf32, #tpu.memory_space<vmem_shared>>
          tpu.enqueue_dma source(%dma_start3A_50 : memref<16x128xf32, #tpu.memory_space<vmem_shared>>) target(%dma_start3A_47 : memref<16x128xf32, #tpu.memory_space<hbm>>) target_semaphore(%run_scoped3A : memref<!tpu.dma_semaphore, #tpu.memory_space<semaphore_mem>>)
          %dma_wait3A = arith.constant 9984 : i32
          %dma_wait3A_51 = arith.constant 0 : i32
          %dma_wait3A_52 = tpu.memref_slice %arg10[%dma_wait3A, %dma_wait3A_51] : memref<10000x128xf32, #tpu.memory_space<hbm>> -> memref<16x128xf32, #tpu.memory_space<hbm>>
          %dma_wait3A_53 = arith.constant 9984 : i32
          %dma_wait3A_54 = arith.constant 0 : i32
          %dma_wait3A_55 = tpu.memref_slice %arg12[%dma_wait3A_53, %dma_wait3A_54] : memref<10016x128xf32, #tpu.memory_space<vmem_shared>> -> memref<16x128xf32, #tpu.memory_space<vmem_shared>>
          tpu.wait_dma2 semaphore(%run_scoped3A : memref<!tpu.dma_semaphore, #tpu.memory_space<semaphore_mem>>) src(%dma_wait3A_55 : memref<16x128xf32, #tpu.memory_space<vmem_shared>>) dst(%dma_wait3A_52 : memref<16x128xf32, #tpu.memory_space<hbm>>)
          tpu.yield
        }) : () -> ()
      } else {
      }
    } else {
    }
    %eq3A_23 = arith.constant 1 : i32
    %eq3A_24 = arith.cmpi eq, %arg0, %eq3A_23 : i32
    %convert_element_type3A_25 = arith.extui %eq3A_24 : i1 to i32
    %cond3A_26 = arith.constant 0 : i32
    %cond3A_27 = arith.cmpi ne, %convert_element_type3A_25, %cond3A_26 : i32
    scf.if %cond3A_27 {
      %barrier3A = arith.constant 0 : index
      tpu.barrier barrier_id(%barrier3A)
      "tpu.region"() ({
        %run_scoped3A = tpu.sem_alloc : memref<!tpu.dma_semaphore, #tpu.memory_space<semaphore_mem>>
        %dma_start3A = arith.constant 0 : i32
        %dma_start3A_47 = tpu.memref_slice %arg12[%mul3A_0, %dma_start3A] : memref<10016x128xf32, #tpu.memory_space<vmem_shared>> -> memref<624x128xf32, #tpu.memory_space<vmem_shared>>
        %dma_start3A_48 = arith.constant 0 : i32
        %dma_start3A_49 = tpu.memref_slice %arg5[%mul3A_0, %dma_start3A_48] : memref<10000x128xf32, #tpu.memory_space<hbm>> -> memref<624x128xf32, #tpu.memory_space<hbm>>
        tpu.enqueue_dma source(%dma_start3A_49 : memref<624x128xf32, #tpu.memory_space<hbm>>) target(%dma_start3A_47 : memref<624x128xf32, #tpu.memory_space<vmem_shared>>) target_semaphore(%run_scoped3A : memref<!tpu.dma_semaphore, #tpu.memory_space<semaphore_mem>>)
        %dma_wait3A = arith.constant 0 : i32
        %dma_wait3A_50 = tpu.memref_slice %arg12[%mul3A_0, %dma_wait3A] : memref<10016x128xf32, #tpu.memory_space<vmem_shared>> -> memref<624x128xf32, #tpu.memory_space<vmem_shared>>
        %dma_wait3A_51 = arith.constant 0 : i32
        %dma_wait3A_52 = tpu.memref_slice %arg5[%mul3A_0, %dma_wait3A_51] : memref<10000x128xf32, #tpu.memory_space<hbm>> -> memref<624x128xf32, #tpu.memory_space<hbm>>
        tpu.wait_dma2 semaphore(%run_scoped3A : memref<!tpu.dma_semaphore, #tpu.memory_space<semaphore_mem>>) src(%dma_wait3A_52 : memref<624x128xf32, #tpu.memory_space<hbm>>) dst(%dma_wait3A_50 : memref<624x128xf32, #tpu.memory_space<vmem_shared>>)
        tpu.yield
      }) : () -> ()
      %eq3A_28 = arith.constant 15 : i32
      %eq3A_29 = arith.cmpi eq, %arg1, %eq3A_28 : i32
      %convert_element_type3A_30 = arith.extui %eq3A_29 : i1 to i32
      %cond3A_31 = arith.constant 0 : i32
      %cond3A_32 = arith.cmpi ne, %convert_element_type3A_30, %cond3A_31 : i32
      scf.if %cond3A_32 {
        "tpu.region"() ({
          %run_scoped3A = tpu.sem_alloc : memref<!tpu.dma_semaphore, #tpu.memory_space<semaphore_mem>>
          %dma_start3A = arith.constant 9984 : i32
          %dma_start3A_47 = arith.constant 0 : i32
          %dma_start3A_48 = tpu.memref_slice %arg12[%dma_start3A, %dma_start3A_47] : memref<10016x128xf32, #tpu.memory_space<vmem_shared>> -> memref<16x128xf32, #tpu.memory_space<vmem_shared>>
          %dma_start3A_49 = arith.constant 9984 : i32
          %dma_start3A_50 = arith.constant 0 : i32
          %dma_start3A_51 = tpu.memref_slice %arg5[%dma_start3A_49, %dma_start3A_50] : memref<10000x128xf32, #tpu.memory_space<hbm>> -> memref<16x128xf32, #tpu.memory_space<hbm>>
          tpu.enqueue_dma source(%dma_start3A_51 : memref<16x128xf32, #tpu.memory_space<hbm>>) target(%dma_start3A_48 : memref<16x128xf32, #tpu.memory_space<vmem_shared>>) target_semaphore(%run_scoped3A : memref<!tpu.dma_semaphore, #tpu.memory_space<semaphore_mem>>)
          %dma_wait3A = arith.constant 9984 : i32
          %dma_wait3A_52 = arith.constant 0 : i32
          %dma_wait3A_53 = tpu.memref_slice %arg12[%dma_wait3A, %dma_wait3A_52] : memref<10016x128xf32, #tpu.memory_space<vmem_shared>> -> memref<16x128xf32, #tpu.memory_space<vmem_shared>>
          %dma_wait3A_54 = arith.constant 9984 : i32
          %dma_wait3A_55 = arith.constant 0 : i32
          %dma_wait3A_56 = tpu.memref_slice %arg5[%dma_wait3A_54, %dma_wait3A_55] : memref<10000x128xf32, #tpu.memory_space<hbm>> -> memref<16x128xf32, #tpu.memory_space<hbm>>
          tpu.wait_dma2 semaphore(%run_scoped3A : memref<!tpu.dma_semaphore, #tpu.memory_space<semaphore_mem>>) src(%dma_wait3A_56 : memref<16x128xf32, #tpu.memory_space<hbm>>) dst(%dma_wait3A_53 : memref<16x128xf32, #tpu.memory_space<vmem_shared>>)
          tpu.yield
        }) : () -> ()
      } else {
      }
      %barrier3A_33 = arith.constant 0 : index
      tpu.barrier barrier_id(%barrier3A_33)
      %scan3A_34 = arith.constant 0 : i32
      %scan3A_35 = arith.constant 0 : i32
      %scan3A_36 = arith.constant 80 : i32
      %scan3A_37 = arith.addi %scan3A_35, %scan3A_36 : i32
      %scan3A_38 = arith.constant 1 : i32
      %scan3A_39 = scf.for %scan3A_47 = %scan3A_35 to %scan3A_37 step %scan3A_38 iter_args(%scan3A_48 = %scan3A_34) -> (i32)  : i32 {
        %mul3A_49 = arith.constant 128 : i32
        %mul3A_50 = arith.muli %scan3A_47, %mul3A_49 : i32
        %multiple_of3A = tpu.assume_multiple %mul3A_50, 128 : i32
        %dma_start3A = tpu.memref_slice %arg13[%multiple_of3A] : memref<10240xi32, #tpu.memory_space<vmem>> -> memref<128xi32, #tpu.memory_space<vmem>>
        %dma_start3A_51 = arith.constant 0 : i32
        %dma_start3A_52 = arith.constant 0 : i32
        %dma_start3A_53 = tpu.memref_slice %arg5[%dma_start3A_51, %dma_start3A_52] : memref<10000x128xf32, #tpu.memory_space<hbm>> -> memref<10000x128xf32, #tpu.memory_space<hbm>>
        tpu.enqueue_indirect_dma source(%dma_start3A_53 : memref<10000x128xf32, #tpu.memory_space<hbm>>) target(%arg16 : memref<128x128xf32, #tpu.memory_space<vmem>>) offsets(%dma_start3A : memref<128xi32, #tpu.memory_space<vmem>>) semaphore(%arg17 : memref<!tpu.dma_semaphore, #tpu.memory_space<semaphore_mem>>)
        %dma_wait3A = arith.constant 0 : i32
        %dma_wait3A_54 = arith.constant 0 : i32
        %dma_wait3A_55 = tpu.memref_slice %arg5[%dma_wait3A, %dma_wait3A_54] : memref<10000x128xf32, #tpu.memory_space<hbm>> -> memref<128x128xf32, #tpu.memory_space<hbm>>
        %dma_wait3A_56 = arith.constant 0 : i32
        %dma_wait3A_57 = arith.constant 0 : i32
        %dma_wait3A_58 = tpu.memref_slice %arg5[%dma_wait3A_56, %dma_wait3A_57] : memref<10000x128xf32, #tpu.memory_space<hbm>> -> memref<128x128xf32, #tpu.memory_space<hbm>>
        tpu.wait_dma2 semaphore(%arg17 : memref<!tpu.dma_semaphore, #tpu.memory_space<semaphore_mem>>) src(%dma_wait3A_58 : memref<128x128xf32, #tpu.memory_space<hbm>>) dst(%arg16 : memref<128x128xf32, #tpu.memory_space<vmem>>)
        "tpu.region"() ({
          %run_scoped3A = tpu.sem_alloc : memref<!tpu.dma_semaphore, #tpu.memory_space<semaphore_mem>>
          %dma_start3A_60 = arith.constant 0 : i32
          %dma_start3A_61 = tpu.memref_slice %arg15[%scan3A_47, %dma_start3A_60] : memref<80x128xi32, #tpu.memory_space<vmem>> -> memref<1x128xi32, #tpu.memory_space<vmem>>
          %dma_start3A_62 = tpu.memref_squeeze %dma_start3A_61 : memref<1x128xi32, #tpu.memory_space<vmem>> -> memref<128xi32, #tpu.memory_space<vmem>>
          %dma_start3A_63 = arith.constant 0 : i32
          %dma_start3A_64 = arith.constant 0 : i32
          %dma_start3A_65 = tpu.memref_slice %arg12[%dma_start3A_63, %dma_start3A_64] : memref<10016x128xf32, #tpu.memory_space<vmem_shared>> -> memref<10016x128xf32, #tpu.memory_space<vmem_shared>>
          tpu.enqueue_indirect_dma source(%arg16 : memref<128x128xf32, #tpu.memory_space<vmem>>) target(%dma_start3A_65 : memref<10016x128xf32, #tpu.memory_space<vmem_shared>>) offsets(%dma_start3A_62 : memref<128xi32, #tpu.memory_space<vmem>>) semaphore(%run_scoped3A : memref<!tpu.dma_semaphore, #tpu.memory_space<semaphore_mem>>) {add = true}
          %dma_wait3A_66 = arith.constant 0 : i32
          %dma_wait3A_67 = tpu.memref_slice %arg15[%scan3A_47, %dma_wait3A_66] : memref<80x128xi32, #tpu.memory_space<vmem>> -> memref<1x128xi32, #tpu.memory_space<vmem>>
          %dma_wait3A_68 = tpu.memref_squeeze %dma_wait3A_67 : memref<1x128xi32, #tpu.memory_space<vmem>> -> memref<128xi32, #tpu.memory_space<vmem>>
          %dma_wait3A_69 = arith.constant 0 : i32
          %dma_wait3A_70 = arith.constant 0 : i32
          %dma_wait3A_71 = tpu.memref_slice %arg12[%dma_wait3A_69, %dma_wait3A_70] : memref<10016x128xf32, #tpu.memory_space<vmem_shared>> -> memref<10016x128xf32, #tpu.memory_space<vmem_shared>>
          tpu.wait_indirect_dma semaphore(%run_scoped3A : memref<!tpu.dma_semaphore, #tpu.memory_space<semaphore_mem>>) src(%arg16 : memref<128x128xf32, #tpu.memory_space<vmem>>) dst(%dma_wait3A_71 : memref<10016x128xf32, #tpu.memory_space<vmem_shared>>)
          tpu.yield
        }) : () -> ()
        %scan3A_59 = arith.constant 0 : i32
        scf.yield %scan3A_59 : i32
      }
      %scan3A_40 = arith.constant 80 : i32
      %barrier3A_41 = arith.constant 0 : index
      tpu.barrier barrier_id(%barrier3A_41)
      "tpu.region"() ({
        %run_scoped3A = tpu.sem_alloc : memref<!tpu.dma_semaphore, #tpu.memory_space<semaphore_mem>>
        %dma_start3A = arith.constant 0 : i32
        %dma_start3A_47 = tpu.memref_slice %arg11[%mul3A_0, %dma_start3A] : memref<10000x128xf32, #tpu.memory_space<hbm>> -> memref<624x128xf32, #tpu.memory_space<hbm>>
        %dma_start3A_48 = arith.constant 0 : i32
        %dma_start3A_49 = tpu.memref_slice %arg12[%mul3A_0, %dma_start3A_48] : memref<10016x128xf32, #tpu.memory_space<vmem_shared>> -> memref<624x128xf32, #tpu.memory_space<vmem_shared>>
        tpu.enqueue_dma source(%dma_start3A_49 : memref<624x128xf32, #tpu.memory_space<vmem_shared>>) target(%dma_start3A_47 : memref<624x128xf32, #tpu.memory_space<hbm>>) target_semaphore(%run_scoped3A : memref<!tpu.dma_semaphore, #tpu.memory_space<semaphore_mem>>)
        %dma_wait3A = arith.constant 0 : i32
        %dma_wait3A_50 = tpu.memref_slice %arg11[%mul3A_0, %dma_wait3A] : memref<10000x128xf32, #tpu.memory_space<hbm>> -> memref<624x128xf32, #tpu.memory_space<hbm>>
        %dma_wait3A_51 = arith.constant 0 : i32
        %dma_wait3A_52 = tpu.memref_slice %arg12[%mul3A_0, %dma_wait3A_51] : memref<10016x128xf32, #tpu.memory_space<vmem_shared>> -> memref<624x128xf32, #tpu.memory_space<vmem_shared>>
        tpu.wait_dma2 semaphore(%run_scoped3A : memref<!tpu.dma_semaphore, #tpu.memory_space<semaphore_mem>>) src(%dma_wait3A_52 : memref<624x128xf32, #tpu.memory_space<vmem_shared>>) dst(%dma_wait3A_50 : memref<624x128xf32, #tpu.memory_space<hbm>>)
        tpu.yield
      }) : () -> ()
      %eq3A_42 = arith.constant 15 : i32
      %eq3A_43 = arith.cmpi eq, %arg1, %eq3A_42 : i32
      %convert_element_type3A_44 = arith.extui %eq3A_43 : i1 to i32
      %cond3A_45 = arith.constant 0 : i32
      %cond3A_46 = arith.cmpi ne, %convert_element_type3A_44, %cond3A_45 : i32
      scf.if %cond3A_46 {
        "tpu.region"() ({
          %run_scoped3A = tpu.sem_alloc : memref<!tpu.dma_semaphore, #tpu.memory_space<semaphore_mem>>
          %dma_start3A = arith.constant 9984 : i32
          %dma_start3A_47 = arith.constant 0 : i32
          %dma_start3A_48 = tpu.memref_slice %arg11[%dma_start3A, %dma_start3A_47] : memref<10000x128xf32, #tpu.memory_space<hbm>> -> memref<16x128xf32, #tpu.memory_space<hbm>>
          %dma_start3A_49 = arith.constant 9984 : i32
          %dma_start3A_50 = arith.constant 0 : i32
          %dma_start3A_51 = tpu.memref_slice %arg12[%dma_start3A_49, %dma_start3A_50] : memref<10016x128xf32, #tpu.memory_space<vmem_shared>> -> memref<16x128xf32, #tpu.memory_space<vmem_shared>>
          tpu.enqueue_dma source(%dma_start3A_51 : memref<16x128xf32, #tpu.memory_space<vmem_shared>>) target(%dma_start3A_48 : memref<16x128xf32, #tpu.memory_space<hbm>>) target_semaphore(%run_scoped3A : memref<!tpu.dma_semaphore, #tpu.memory_space<semaphore_mem>>)
          %dma_wait3A = arith.constant 9984 : i32
          %dma_wait3A_52 = arith.constant 0 : i32
          %dma_wait3A_53 = tpu.memref_slice %arg11[%dma_wait3A, %dma_wait3A_52] : memref<10000x128xf32, #tpu.memory_space<hbm>> -> memref<16x128xf32, #tpu.memory_space<hbm>>
          %dma_wait3A_54 = arith.constant 9984 : i32
          %dma_wait3A_55 = arith.constant 0 : i32
          %dma_wait3A_56 = tpu.memref_slice %arg12[%dma_wait3A_54, %dma_wait3A_55] : memref<10016x128xf32, #tpu.memory_space<vmem_shared>> -> memref<16x128xf32, #tpu.memory_space<vmem_shared>>
          tpu.wait_dma2 semaphore(%run_scoped3A : memref<!tpu.dma_semaphore, #tpu.memory_space<semaphore_mem>>) src(%dma_wait3A_56 : memref<16x128xf32, #tpu.memory_space<vmem_shared>>) dst(%dma_wait3A_53 : memref<16x128xf32, #tpu.memory_space<hbm>>)
          tpu.yield
        }) : () -> ()
      } else {
      }
    } else {
    }
    return
  }
}

module attributes {stable_mosaic.version = 14 : i64} {
  func.func @_mm1_body(%arg0: i32, %arg1: memref<1000x128xf32, #tpu.memory_space<vmem>>, %arg2: memref<1000x128xf32, #tpu.memory_space<vmem>>, %arg3: memref<256x512xf32, #tpu.memory_space<vmem>>, %arg4: memref<1x512xf32, #tpu.memory_space<vmem>>, %arg5: memref<1x512xf32, #tpu.memory_space<vmem>>, %arg6: memref<1x512xf32, #tpu.memory_space<vmem>>, %arg7: memref<1000x512xf32, #tpu.memory_space<vmem>>, %arg8: memref<8x512xf32, #tpu.memory_space<vmem>>) attributes {dimension_semantics = [#tpu.dimension_semantics<arbitrary>], iteration_bounds = array<i64: 10>, scalar_prefetch = 0 : i64, scratch_operands = 0 : i64, tpu.core_type = #tpu.core_type<tc>, window_params = [{transform_indices = @transform_0, window_bounds = array<i64: 1000, 128>}, {transform_indices = @transform_1, window_bounds = array<i64: 1000, 128>}, {pipeline_mode = #tpu.pipeline_mode<synchronous>, transform_indices = @transform_2, window_bounds = array<i64: 256, 512>}, {pipeline_mode = #tpu.pipeline_mode<synchronous>, transform_indices = @transform_3, window_bounds = array<i64: 1, 512>}, {pipeline_mode = #tpu.pipeline_mode<synchronous>, transform_indices = @transform_4, window_bounds = array<i64: 1, 512>}, {pipeline_mode = #tpu.pipeline_mode<synchronous>, transform_indices = @transform_5, window_bounds = array<i64: 1, 512>}, {transform_indices = @transform_6, window_bounds = array<i64: 1000, 512>}, {pipeline_mode = #tpu.pipeline_mode<synchronous>, transform_indices = @transform_7, window_bounds = array<i64: 8, 512>}]} {
    %get3A = arith.constant 0 : index
    %get3A_0 = arith.constant 0 : index
    %get3A_1 = vector.load %arg1[%get3A, %get3A_0] : memref<1000x128xf32, #tpu.memory_space<vmem>>, vector<1000x128xf32>
    %get3A_2 = arith.constant 0 : index
    %get3A_3 = arith.constant 0 : index
    %get3A_4 = vector.load %arg2[%get3A_2, %get3A_3] : memref<1000x128xf32, #tpu.memory_space<vmem>>, vector<1000x128xf32>
    %concatenate3A = tpu.concatenate %get3A_1, %get3A_4 in 1 : vector<1000x128xf32>, vector<1000x128xf32> -> vector<1000x256xf32>
    %get3A_5 = arith.constant 0 : index
    %get3A_6 = arith.constant 0 : index
    %get3A_7 = vector.load %arg3[%get3A_5, %get3A_6] : memref<256x512xf32, #tpu.memory_space<vmem>>, vector<256x512xf32>
    %dot_general3A = arith.constant dense<0.000000e+00> : vector<1000x512xf32>
    %dot_general3A_8 = tpu.matmul %concatenate3A, %get3A_7, %dot_general3A {dimension_numbers = #tpu.dot_dimension_numbers<[1], [0], [0], [1], [0, 0, 1, 1], [], []>, transpose_lhs_hint = false} : vector<1000x256xf32>, vector<256x512xf32>, vector<1000x512xf32> -> vector<1000x512xf32>
    %get3A_9 = arith.constant 0 : index
    %get3A_10 = arith.constant 0 : index
    %get3A_11 = vector.load %arg4[%get3A_9, %get3A_10] : memref<1x512xf32, #tpu.memory_space<vmem>>, vector<1x512xf32>
    %add3A = vector.broadcast %get3A_11 : vector<1x512xf32> to vector<1000x512xf32>
    %add3A_12 = arith.addf %dot_general3A_8, %add3A : vector<1000x512xf32>
    %swap3A = arith.constant 0 : index
    %swap3A_13 = arith.constant 0 : index
    %swap3A_14 = vector.load %arg7[%swap3A, %swap3A_13] : memref<1000x512xf32, #tpu.memory_space<vmem>>, vector<1000x512xf32>
    tpu.vector_store %arg7[%swap3A, %swap3A_13], %add3A_12 {strides = array<i32>} : memref<1000x512xf32, #tpu.memory_space<vmem>>, vector<1000x512xf32>,
    %eq3A = arith.constant 0 : i32
    %eq3A_15 = arith.cmpi eq, %arg0, %eq3A : i32
    %convert_element_type3A = arith.extui %eq3A_15 : i1 to i32
    %cond3A = arith.constant 0 : i32
    %cond3A_16 = arith.cmpi ne, %convert_element_type3A, %cond3A : i32
    scf.if %cond3A_16 {
      %broadcast_in_dim3A_40 = arith.constant 0.000000e+00 : f32
      %broadcast_in_dim3A_41 = vector.broadcast %broadcast_in_dim3A_40 : f32 to vector<8x512xf32>
      %swap3A_42 = arith.constant 0 : index
      %swap3A_43 = arith.constant 0 : index
      %swap3A_44 = vector.load %arg8[%swap3A_42, %swap3A_43] : memref<8x512xf32, #tpu.memory_space<vmem>>, vector<8x512xf32>
      tpu.vector_store %arg8[%swap3A_42, %swap3A_43], %broadcast_in_dim3A_41 {strides = array<i32>} : memref<8x512xf32, #tpu.memory_space<vmem>>, vector<8x512xf32>,
    } else {
    }
    %get3A_17 = arith.constant 0 : index
    %get3A_18 = arith.constant 0 : index
    %get3A_19 = vector.load %arg8[%get3A_17, %get3A_18] : memref<8x512xf32, #tpu.memory_space<vmem>>, vector<1x512xf32>
    %reduce_sum3A = arith.constant dense<0.000000e+00> : vector<512xf32>
    %reduce_sum3A_20 = vector.multi_reduction <add>, %add3A_12, %reduce_sum3A [0] : vector<1000x512xf32> to vector<512xf32>
    %broadcast_in_dim3A = vector.shape_cast %reduce_sum3A_20 : vector<512xf32> to vector<1x512xf32>
    %add3A_21 = arith.addf %get3A_19, %broadcast_in_dim3A : vector<1x512xf32>
    %swap3A_22 = arith.constant 0 : index
    %swap3A_23 = arith.constant 0 : index
    %swap3A_24 = vector.load %arg8[%swap3A_22, %swap3A_23] : memref<8x512xf32, #tpu.memory_space<vmem>>, vector<1x512xf32>
    tpu.vector_store %arg8[%swap3A_22, %swap3A_23], %add3A_21 {strides = array<i32>} : memref<8x512xf32, #tpu.memory_space<vmem>>, vector<1x512xf32>,
    %get3A_25 = arith.constant 1 : index
    %get3A_26 = arith.constant 0 : index
    %get3A_27 = vector.load %arg8[%get3A_25, %get3A_26] : memref<8x512xf32, #tpu.memory_space<vmem>>, vector<1x512xf32>
    %mul3A = arith.mulf %add3A_12, %add3A_12 : vector<1000x512xf32>
    %reduce_sum3A_28 = arith.constant dense<0.000000e+00> : vector<512xf32>
    %reduce_sum3A_29 = vector.multi_reduction <add>, %mul3A, %reduce_sum3A_28 [0] : vector<1000x512xf32> to vector<512xf32>
    %broadcast_in_dim3A_30 = vector.shape_cast %reduce_sum3A_29 : vector<512xf32> to vector<1x512xf32>
    %add3A_31 = arith.addf %get3A_27, %broadcast_in_dim3A_30 : vector<1x512xf32>
    %swap3A_32 = arith.constant 1 : index
    %swap3A_33 = arith.constant 0 : index
    %swap3A_34 = vector.load %arg8[%swap3A_32, %swap3A_33] : memref<8x512xf32, #tpu.memory_space<vmem>>, vector<1x512xf32>
    tpu.vector_store %arg8[%swap3A_32, %swap3A_33], %add3A_31 {strides = array<i32>} : memref<8x512xf32, #tpu.memory_space<vmem>>, vector<1x512xf32>,
    %eq3A_35 = arith.constant 9 : i32
    %eq3A_36 = arith.cmpi eq, %arg0, %eq3A_35 : i32
    %convert_element_type3A_37 = arith.extui %eq3A_36 : i1 to i32
    %cond3A_38 = arith.constant 0 : i32
    %cond3A_39 = arith.cmpi ne, %convert_element_type3A_37, %cond3A_38 : i32
    scf.if %cond3A_39 {
      %get3A_40 = arith.constant 0 : index
      %get3A_41 = arith.constant 0 : index
      %get3A_42 = vector.load %arg8[%get3A_40, %get3A_41] : memref<8x512xf32, #tpu.memory_space<vmem>>, vector<1x512xf32>
      %div3A = arith.constant 1.000000e+04 : f32
      %div3A_43 = vector.broadcast %div3A : f32 to vector<1x512xf32>
      %div3A_44 = arith.divf %get3A_42, %div3A_43 : vector<1x512xf32>
      %get3A_45 = arith.constant 1 : index
      %get3A_46 = arith.constant 0 : index
      %get3A_47 = vector.load %arg8[%get3A_45, %get3A_46] : memref<8x512xf32, #tpu.memory_space<vmem>>, vector<1x512xf32>
      %div3A_48 = arith.constant 1.000000e+04 : f32
      %div3A_49 = vector.broadcast %div3A_48 : f32 to vector<1x512xf32>
      %div3A_50 = arith.divf %get3A_47, %div3A_49 : vector<1x512xf32>
      %mul3A_51 = arith.mulf %div3A_44, %div3A_44 : vector<1x512xf32>
      %sub3A = arith.subf %div3A_50, %mul3A_51 : vector<1x512xf32>
      %get3A_52 = arith.constant 0 : index
      %get3A_53 = arith.constant 0 : index
      %get3A_54 = vector.load %arg5[%get3A_52, %get3A_53] : memref<1x512xf32, #tpu.memory_space<vmem>>, vector<1x512xf32>
      %add3A_55 = arith.constant 9.99999974E-6 : f32
      %add3A_56 = vector.broadcast %add3A_55 : f32 to vector<1x512xf32>
      %add3A_57 = arith.addf %sub3A, %add3A_56 : vector<1x512xf32>
      %rsqrt3A = math.rsqrt %add3A_57 : vector<1x512xf32>
      %mul3A_58 = arith.mulf %get3A_54, %rsqrt3A : vector<1x512xf32>
      %swap3A_59 = arith.constant 2 : index
      %swap3A_60 = arith.constant 0 : index
      %swap3A_61 = vector.load %arg8[%swap3A_59, %swap3A_60] : memref<8x512xf32, #tpu.memory_space<vmem>>, vector<1x512xf32>
      tpu.vector_store %arg8[%swap3A_59, %swap3A_60], %mul3A_58 {strides = array<i32>} : memref<8x512xf32, #tpu.memory_space<vmem>>, vector<1x512xf32>,
      %get3A_62 = arith.constant 0 : index
      %get3A_63 = arith.constant 0 : index
      %get3A_64 = vector.load %arg6[%get3A_62, %get3A_63] : memref<1x512xf32, #tpu.memory_space<vmem>>, vector<1x512xf32>
      %mul3A_65 = arith.mulf %div3A_44, %mul3A_58 : vector<1x512xf32>
      %sub3A_66 = arith.subf %get3A_64, %mul3A_65 : vector<1x512xf32>
      %swap3A_67 = arith.constant 3 : index
      %swap3A_68 = arith.constant 0 : index
      %swap3A_69 = vector.load %arg8[%swap3A_67, %swap3A_68] : memref<8x512xf32, #tpu.memory_space<vmem>>, vector<1x512xf32>
      tpu.vector_store %arg8[%swap3A_67, %swap3A_68], %sub3A_66 {strides = array<i32>} : memref<8x512xf32, #tpu.memory_space<vmem>>, vector<1x512xf32>,
    } else {
    }
    return
  }
  func.func @transform_0(%arg0: i32) -> (i32, i32) {
    %c0_i32 = arith.constant 0 : i32
    %c0_i32_0 = arith.constant 0 : i32
    return %arg0, %c0_i32 : i32, i32
  }
  func.func @transform_1(%arg0: i32) -> (i32, i32) {
    %c0_i32 = arith.constant 0 : i32
    %c0_i32_0 = arith.constant 0 : i32
    return %arg0, %c0_i32 : i32, i32
  }
  func.func @transform_2(%arg0: i32) -> (i32, i32) {
    %c0_i32 = arith.constant 0 : i32
    %c0_i32_0 = arith.constant 0 : i32
    %c0_i32_1 = arith.constant 0 : i32
    return %c0_i32, %c0_i32_0 : i32, i32
  }
  func.func @transform_3(%arg0: i32) -> (i32, i32) {
    %c0_i32 = arith.constant 0 : i32
    %c0_i32_0 = arith.constant 0 : i32
    %c0_i32_1 = arith.constant 0 : i32
    return %c0_i32, %c0_i32_0 : i32, i32
  }
  func.func @transform_4(%arg0: i32) -> (i32, i32) {
    %c0_i32 = arith.constant 0 : i32
    %c0_i32_0 = arith.constant 0 : i32
    %c0_i32_1 = arith.constant 0 : i32
    return %c0_i32, %c0_i32_0 : i32, i32
  }
  func.func @transform_5(%arg0: i32) -> (i32, i32) {
    %c0_i32 = arith.constant 0 : i32
    %c0_i32_0 = arith.constant 0 : i32
    %c0_i32_1 = arith.constant 0 : i32
    return %c0_i32, %c0_i32_0 : i32, i32
  }
  func.func @transform_6(%arg0: i32) -> (i32, i32) {
    %c0_i32 = arith.constant 0 : i32
    %c0_i32_0 = arith.constant 0 : i32
    return %arg0, %c0_i32 : i32, i32
  }
  func.func @transform_7(%arg0: i32) -> (i32, i32) {
    %c0_i32 = arith.constant 0 : i32
    %c0_i32_0 = arith.constant 0 : i32
    %c0_i32_1 = arith.constant 0 : i32
    return %c0_i32, %c0_i32_0 : i32, i32
  }
}

module attributes {stable_mosaic.version = 14 : i64} {
  func.func @_mm2_body(%arg0: i32, %arg1: memref<1000x512xf32, #tpu.memory_space<vmem>>, %arg2: memref<8x512xf32, #tpu.memory_space<vmem>>, %arg3: memref<512x512xf32, #tpu.memory_space<vmem>>, %arg4: memref<1x512xf32, #tpu.memory_space<vmem>>, %arg5: memref<1000x128xf32, #tpu.memory_space<vmem>>, %arg6: memref<1000x128xf32, #tpu.memory_space<vmem>>, %arg7: memref<1000x128xf32, #tpu.memory_space<vmem>>, %arg8: memref<1000x128xf32, #tpu.memory_space<vmem>>) attributes {dimension_semantics = [#tpu.dimension_semantics<arbitrary>], iteration_bounds = array<i64: 10>, scalar_prefetch = 0 : i64, scratch_operands = 0 : i64, tpu.core_type = #tpu.core_type<tc>, window_params = [{transform_indices = @transform_0, window_bounds = array<i64: 1000, 512>}, {pipeline_mode = #tpu.pipeline_mode<synchronous>, transform_indices = @transform_1, window_bounds = array<i64: 8, 512>}, {pipeline_mode = #tpu.pipeline_mode<synchronous>, transform_indices = @transform_2, window_bounds = array<i64: 512, 512>}, {pipeline_mode = #tpu.pipeline_mode<synchronous>, transform_indices = @transform_3, window_bounds = array<i64: 1, 512>}, {transform_indices = @transform_4, window_bounds = array<i64: 1000, 128>}, {transform_indices = @transform_5, window_bounds = array<i64: 1000, 128>}, {transform_indices = @transform_6, window_bounds = array<i64: 1000, 128>}, {transform_indices = @transform_7, window_bounds = array<i64: 1000, 128>}]} {
    %get3A = arith.constant 0 : index
    %get3A_0 = arith.constant 0 : index
    %get3A_1 = vector.load %arg1[%get3A, %get3A_0] : memref<1000x512xf32, #tpu.memory_space<vmem>>, vector<1000x512xf32>
    %get3A_2 = arith.constant 2 : index
    %get3A_3 = arith.constant 0 : index
    %get3A_4 = vector.load %arg2[%get3A_2, %get3A_3] : memref<8x512xf32, #tpu.memory_space<vmem>>, vector<1x512xf32>
    %mul3A = vector.broadcast %get3A_4 : vector<1x512xf32> to vector<1000x512xf32>
    %mul3A_5 = arith.mulf %get3A_1, %mul3A : vector<1000x512xf32>
    %get3A_6 = arith.constant 3 : index
    %get3A_7 = arith.constant 0 : index
    %get3A_8 = vector.load %arg2[%get3A_6, %get3A_7] : memref<8x512xf32, #tpu.memory_space<vmem>>, vector<1x512xf32>
    %add3A = vector.broadcast %get3A_8 : vector<1x512xf32> to vector<1000x512xf32>
    %add3A_9 = arith.addf %mul3A_5, %add3A : vector<1000x512xf32>
    %max3A = arith.constant 0.000000e+00 : f32
    %max3A_10 = vector.broadcast %max3A : f32 to vector<1000x512xf32>
    %max3A_11 = arith.maximumf %add3A_9, %max3A_10 : vector<1000x512xf32>
    %get3A_12 = arith.constant 0 : index
    %get3A_13 = arith.constant 0 : index
    %get3A_14 = vector.load %arg3[%get3A_12, %get3A_13] : memref<512x512xf32, #tpu.memory_space<vmem>>, vector<512x512xf32>
    %dot_general3A = arith.constant dense<0.000000e+00> : vector<1000x512xf32>
    %dot_general3A_15 = tpu.matmul %max3A_11, %get3A_14, %dot_general3A {dimension_numbers = #tpu.dot_dimension_numbers<[1], [0], [0], [1], [0, 0, 1, 1], [], []>, transpose_lhs_hint = false} : vector<1000x512xf32>, vector<512x512xf32>, vector<1000x512xf32> -> vector<1000x512xf32>
    %get3A_16 = arith.constant 0 : index
    %get3A_17 = arith.constant 0 : index
    %get3A_18 = vector.load %arg4[%get3A_16, %get3A_17] : memref<1x512xf32, #tpu.memory_space<vmem>>, vector<1x512xf32>
    %add3A_19 = vector.broadcast %get3A_18 : vector<1x512xf32> to vector<1000x512xf32>
    %add3A_20 = arith.addf %dot_general3A_15, %add3A_19 : vector<1000x512xf32>
    %max3A_21 = arith.constant 0.000000e+00 : f32
    %max3A_22 = vector.broadcast %max3A_21 : f32 to vector<1000x512xf32>
    %max3A_23 = arith.maximumf %add3A_20, %max3A_22 : vector<1000x512xf32>
    %slice3A = vector.extract_strided_slice %max3A_23 {offsets = [0, 0], sizes = [1000, 128], strides = [1, 1]} : vector<1000x512xf32> to vector<1000x128xf32>
    %swap3A = arith.constant 0 : index
    %swap3A_24 = arith.constant 0 : index
    %swap3A_25 = vector.load %arg5[%swap3A, %swap3A_24] : memref<1000x128xf32, #tpu.memory_space<vmem>>, vector<1000x128xf32>
    tpu.vector_store %arg5[%swap3A, %swap3A_24], %slice3A {strides = array<i32>} : memref<1000x128xf32, #tpu.memory_space<vmem>>, vector<1000x128xf32>,
    %slice3A_26 = vector.extract_strided_slice %max3A_23 {offsets = [0, 128], sizes = [1000, 128], strides = [1, 1]} : vector<1000x512xf32> to vector<1000x128xf32>
    %swap3A_27 = arith.constant 0 : index
    %swap3A_28 = arith.constant 0 : index
    %swap3A_29 = vector.load %arg6[%swap3A_27, %swap3A_28] : memref<1000x128xf32, #tpu.memory_space<vmem>>, vector<1000x128xf32>
    tpu.vector_store %arg6[%swap3A_27, %swap3A_28], %slice3A_26 {strides = array<i32>} : memref<1000x128xf32, #tpu.memory_space<vmem>>, vector<1000x128xf32>,
    %slice3A_30 = vector.extract_strided_slice %max3A_23 {offsets = [0, 256], sizes = [1000, 128], strides = [1, 1]} : vector<1000x512xf32> to vector<1000x128xf32>
    %swap3A_31 = arith.constant 0 : index
    %swap3A_32 = arith.constant 0 : index
    %swap3A_33 = vector.load %arg7[%swap3A_31, %swap3A_32] : memref<1000x128xf32, #tpu.memory_space<vmem>>, vector<1000x128xf32>
    tpu.vector_store %arg7[%swap3A_31, %swap3A_32], %slice3A_30 {strides = array<i32>} : memref<1000x128xf32, #tpu.memory_space<vmem>>, vector<1000x128xf32>,
    %slice3A_34 = vector.extract_strided_slice %max3A_23 {offsets = [0, 384], sizes = [1000, 128], strides = [1, 1]} : vector<1000x512xf32> to vector<1000x128xf32>
    %swap3A_35 = arith.constant 0 : index
    %swap3A_36 = arith.constant 0 : index
    %swap3A_37 = vector.load %arg8[%swap3A_35, %swap3A_36] : memref<1000x128xf32, #tpu.memory_space<vmem>>, vector<1000x128xf32>
    tpu.vector_store %arg8[%swap3A_35, %swap3A_36], %slice3A_34 {strides = array<i32>} : memref<1000x128xf32, #tpu.memory_space<vmem>>, vector<1000x128xf32>,
    return
  }
  func.func @transform_0(%arg0: i32) -> (i32, i32) {
    %c0_i32 = arith.constant 0 : i32
    %c0_i32_0 = arith.constant 0 : i32
    return %arg0, %c0_i32 : i32, i32
  }
  func.func @transform_1(%arg0: i32) -> (i32, i32) {
    %c0_i32 = arith.constant 0 : i32
    %c0_i32_0 = arith.constant 0 : i32
    %c0_i32_1 = arith.constant 0 : i32
    return %c0_i32, %c0_i32_0 : i32, i32
  }
  func.func @transform_2(%arg0: i32) -> (i32, i32) {
    %c0_i32 = arith.constant 0 : i32
    %c0_i32_0 = arith.constant 0 : i32
    %c0_i32_1 = arith.constant 0 : i32
    return %c0_i32, %c0_i32_0 : i32, i32
  }
  func.func @transform_3(%arg0: i32) -> (i32, i32) {
    %c0_i32 = arith.constant 0 : i32
    %c0_i32_0 = arith.constant 0 : i32
    %c0_i32_1 = arith.constant 0 : i32
    return %c0_i32, %c0_i32_0 : i32, i32
  }
  func.func @transform_4(%arg0: i32) -> (i32, i32) {
    %c0_i32 = arith.constant 0 : i32
    %c0_i32_0 = arith.constant 0 : i32
    return %arg0, %c0_i32 : i32, i32
  }
  func.func @transform_5(%arg0: i32) -> (i32, i32) {
    %c0_i32 = arith.constant 0 : i32
    %c0_i32_0 = arith.constant 0 : i32
    return %arg0, %c0_i32 : i32, i32
  }
  func.func @transform_6(%arg0: i32) -> (i32, i32) {
    %c0_i32 = arith.constant 0 : i32
    %c0_i32_0 = arith.constant 0 : i32
    return %arg0, %c0_i32 : i32, i32
  }
  func.func @transform_7(%arg0: i32) -> (i32, i32) {
    %c0_i32 = arith.constant 0 : i32
    %c0_i32_0 = arith.constant 0 : i32
    return %arg0, %c0_i32 : i32, i32
  }
}

module attributes {stable_mosaic.version = 14 : i64} {
  func.func @_mm1_body(%arg0: i32, %arg1: memref<1000x128xf32, #tpu.memory_space<vmem>>, %arg2: memref<1000x128xf32, #tpu.memory_space<vmem>>, %arg3: memref<1000x128xf32, #tpu.memory_space<vmem>>, %arg4: memref<1000x128xf32, #tpu.memory_space<vmem>>, %arg5: memref<512x512xf32, #tpu.memory_space<vmem>>, %arg6: memref<1x512xf32, #tpu.memory_space<vmem>>, %arg7: memref<1x512xf32, #tpu.memory_space<vmem>>, %arg8: memref<1x512xf32, #tpu.memory_space<vmem>>, %arg9: memref<1000x512xf32, #tpu.memory_space<vmem>>, %arg10: memref<8x512xf32, #tpu.memory_space<vmem>>) attributes {dimension_semantics = [#tpu.dimension_semantics<arbitrary>], iteration_bounds = array<i64: 10>, scalar_prefetch = 0 : i64, scratch_operands = 0 : i64, tpu.core_type = #tpu.core_type<tc>, window_params = [{transform_indices = @transform_0, window_bounds = array<i64: 1000, 128>}, {transform_indices = @transform_1, window_bounds = array<i64: 1000, 128>}, {transform_indices = @transform_2, window_bounds = array<i64: 1000, 128>}, {transform_indices = @transform_3, window_bounds = array<i64: 1000, 128>}, {pipeline_mode = #tpu.pipeline_mode<synchronous>, transform_indices = @transform_4, window_bounds = array<i64: 512, 512>}, {pipeline_mode = #tpu.pipeline_mode<synchronous>, transform_indices = @transform_5, window_bounds = array<i64: 1, 512>}, {pipeline_mode = #tpu.pipeline_mode<synchronous>, transform_indices = @transform_6, window_bounds = array<i64: 1, 512>}, {pipeline_mode = #tpu.pipeline_mode<synchronous>, transform_indices = @transform_7, window_bounds = array<i64: 1, 512>}, {transform_indices = @transform_8, window_bounds = array<i64: 1000, 512>}, {pipeline_mode = #tpu.pipeline_mode<synchronous>, transform_indices = @transform_9, window_bounds = array<i64: 8, 512>}]} {
    %get3A = arith.constant 0 : index
    %get3A_0 = arith.constant 0 : index
    %get3A_1 = vector.load %arg1[%get3A, %get3A_0] : memref<1000x128xf32, #tpu.memory_space<vmem>>, vector<1000x128xf32>
    %get3A_2 = arith.constant 0 : index
    %get3A_3 = arith.constant 0 : index
    %get3A_4 = vector.load %arg2[%get3A_2, %get3A_3] : memref<1000x128xf32, #tpu.memory_space<vmem>>, vector<1000x128xf32>
    %get3A_5 = arith.constant 0 : index
    %get3A_6 = arith.constant 0 : index
    %get3A_7 = vector.load %arg3[%get3A_5, %get3A_6] : memref<1000x128xf32, #tpu.memory_space<vmem>>, vector<1000x128xf32>
    %get3A_8 = arith.constant 0 : index
    %get3A_9 = arith.constant 0 : index
    %get3A_10 = vector.load %arg4[%get3A_8, %get3A_9] : memref<1000x128xf32, #tpu.memory_space<vmem>>, vector<1000x128xf32>
    %concatenate3A = tpu.concatenate %get3A_1, %get3A_4, %get3A_7, %get3A_10 in 1 : vector<1000x128xf32>, vector<1000x128xf32>, vector<1000x128xf32>, vector<1000x128xf32> -> vector<1000x512xf32>
    %get3A_11 = arith.constant 0 : index
    %get3A_12 = arith.constant 0 : index
    %get3A_13 = vector.load %arg5[%get3A_11, %get3A_12] : memref<512x512xf32, #tpu.memory_space<vmem>>, vector<512x512xf32>
    %dot_general3A = arith.constant dense<0.000000e+00> : vector<1000x512xf32>
    %dot_general3A_14 = tpu.matmul %concatenate3A, %get3A_13, %dot_general3A {dimension_numbers = #tpu.dot_dimension_numbers<[1], [0], [0], [1], [0, 0, 1, 1], [], []>, transpose_lhs_hint = false} : vector<1000x512xf32>, vector<512x512xf32>, vector<1000x512xf32> -> vector<1000x512xf32>
    %get3A_15 = arith.constant 0 : index
    %get3A_16 = arith.constant 0 : index
    %get3A_17 = vector.load %arg6[%get3A_15, %get3A_16] : memref<1x512xf32, #tpu.memory_space<vmem>>, vector<1x512xf32>
    %add3A = vector.broadcast %get3A_17 : vector<1x512xf32> to vector<1000x512xf32>
    %add3A_18 = arith.addf %dot_general3A_14, %add3A : vector<1000x512xf32>
    %swap3A = arith.constant 0 : index
    %swap3A_19 = arith.constant 0 : index
    %swap3A_20 = vector.load %arg9[%swap3A, %swap3A_19] : memref<1000x512xf32, #tpu.memory_space<vmem>>, vector<1000x512xf32>
    tpu.vector_store %arg9[%swap3A, %swap3A_19], %add3A_18 {strides = array<i32>} : memref<1000x512xf32, #tpu.memory_space<vmem>>, vector<1000x512xf32>,
    %eq3A = arith.constant 0 : i32
    %eq3A_21 = arith.cmpi eq, %arg0, %eq3A : i32
    %convert_element_type3A = arith.extui %eq3A_21 : i1 to i32
    %cond3A = arith.constant 0 : i32
    %cond3A_22 = arith.cmpi ne, %convert_element_type3A, %cond3A : i32
    scf.if %cond3A_22 {
      %broadcast_in_dim3A_46 = arith.constant 0.000000e+00 : f32
      %broadcast_in_dim3A_47 = vector.broadcast %broadcast_in_dim3A_46 : f32 to vector<8x512xf32>
      %swap3A_48 = arith.constant 0 : index
      %swap3A_49 = arith.constant 0 : index
      %swap3A_50 = vector.load %arg10[%swap3A_48, %swap3A_49] : memref<8x512xf32, #tpu.memory_space<vmem>>, vector<8x512xf32>
      tpu.vector_store %arg10[%swap3A_48, %swap3A_49], %broadcast_in_dim3A_47 {strides = array<i32>} : memref<8x512xf32, #tpu.memory_space<vmem>>, vector<8x512xf32>,
    } else {
    }
    %get3A_23 = arith.constant 0 : index
    %get3A_24 = arith.constant 0 : index
    %get3A_25 = vector.load %arg10[%get3A_23, %get3A_24] : memref<8x512xf32, #tpu.memory_space<vmem>>, vector<1x512xf32>
    %reduce_sum3A = arith.constant dense<0.000000e+00> : vector<512xf32>
    %reduce_sum3A_26 = vector.multi_reduction <add>, %add3A_18, %reduce_sum3A [0] : vector<1000x512xf32> to vector<512xf32>
    %broadcast_in_dim3A = vector.shape_cast %reduce_sum3A_26 : vector<512xf32> to vector<1x512xf32>
    %add3A_27 = arith.addf %get3A_25, %broadcast_in_dim3A : vector<1x512xf32>
    %swap3A_28 = arith.constant 0 : index
    %swap3A_29 = arith.constant 0 : index
    %swap3A_30 = vector.load %arg10[%swap3A_28, %swap3A_29] : memref<8x512xf32, #tpu.memory_space<vmem>>, vector<1x512xf32>
    tpu.vector_store %arg10[%swap3A_28, %swap3A_29], %add3A_27 {strides = array<i32>} : memref<8x512xf32, #tpu.memory_space<vmem>>, vector<1x512xf32>,
    %get3A_31 = arith.constant 1 : index
    %get3A_32 = arith.constant 0 : index
    %get3A_33 = vector.load %arg10[%get3A_31, %get3A_32] : memref<8x512xf32, #tpu.memory_space<vmem>>, vector<1x512xf32>
    %mul3A = arith.mulf %add3A_18, %add3A_18 : vector<1000x512xf32>
    %reduce_sum3A_34 = arith.constant dense<0.000000e+00> : vector<512xf32>
    %reduce_sum3A_35 = vector.multi_reduction <add>, %mul3A, %reduce_sum3A_34 [0] : vector<1000x512xf32> to vector<512xf32>
    %broadcast_in_dim3A_36 = vector.shape_cast %reduce_sum3A_35 : vector<512xf32> to vector<1x512xf32>
    %add3A_37 = arith.addf %get3A_33, %broadcast_in_dim3A_36 : vector<1x512xf32>
    %swap3A_38 = arith.constant 1 : index
    %swap3A_39 = arith.constant 0 : index
    %swap3A_40 = vector.load %arg10[%swap3A_38, %swap3A_39] : memref<8x512xf32, #tpu.memory_space<vmem>>, vector<1x512xf32>
    tpu.vector_store %arg10[%swap3A_38, %swap3A_39], %add3A_37 {strides = array<i32>} : memref<8x512xf32, #tpu.memory_space<vmem>>, vector<1x512xf32>,
    %eq3A_41 = arith.constant 9 : i32
    %eq3A_42 = arith.cmpi eq, %arg0, %eq3A_41 : i32
    %convert_element_type3A_43 = arith.extui %eq3A_42 : i1 to i32
    %cond3A_44 = arith.constant 0 : i32
    %cond3A_45 = arith.cmpi ne, %convert_element_type3A_43, %cond3A_44 : i32
    scf.if %cond3A_45 {
      %get3A_46 = arith.constant 0 : index
      %get3A_47 = arith.constant 0 : index
      %get3A_48 = vector.load %arg10[%get3A_46, %get3A_47] : memref<8x512xf32, #tpu.memory_space<vmem>>, vector<1x512xf32>
      %div3A = arith.constant 1.000000e+04 : f32
      %div3A_49 = vector.broadcast %div3A : f32 to vector<1x512xf32>
      %div3A_50 = arith.divf %get3A_48, %div3A_49 : vector<1x512xf32>
      %get3A_51 = arith.constant 1 : index
      %get3A_52 = arith.constant 0 : index
      %get3A_53 = vector.load %arg10[%get3A_51, %get3A_52] : memref<8x512xf32, #tpu.memory_space<vmem>>, vector<1x512xf32>
      %div3A_54 = arith.constant 1.000000e+04 : f32
      %div3A_55 = vector.broadcast %div3A_54 : f32 to vector<1x512xf32>
      %div3A_56 = arith.divf %get3A_53, %div3A_55 : vector<1x512xf32>
      %mul3A_57 = arith.mulf %div3A_50, %div3A_50 : vector<1x512xf32>
      %sub3A = arith.subf %div3A_56, %mul3A_57 : vector<1x512xf32>
      %get3A_58 = arith.constant 0 : index
      %get3A_59 = arith.constant 0 : index
      %get3A_60 = vector.load %arg7[%get3A_58, %get3A_59] : memref<1x512xf32, #tpu.memory_space<vmem>>, vector<1x512xf32>
      %add3A_61 = arith.constant 9.99999974E-6 : f32
      %add3A_62 = vector.broadcast %add3A_61 : f32 to vector<1x512xf32>
      %add3A_63 = arith.addf %sub3A, %add3A_62 : vector<1x512xf32>
      %rsqrt3A = math.rsqrt %add3A_63 : vector<1x512xf32>
      %mul3A_64 = arith.mulf %get3A_60, %rsqrt3A : vector<1x512xf32>
      %swap3A_65 = arith.constant 2 : index
      %swap3A_66 = arith.constant 0 : index
      %swap3A_67 = vector.load %arg10[%swap3A_65, %swap3A_66] : memref<8x512xf32, #tpu.memory_space<vmem>>, vector<1x512xf32>
      tpu.vector_store %arg10[%swap3A_65, %swap3A_66], %mul3A_64 {strides = array<i32>} : memref<8x512xf32, #tpu.memory_space<vmem>>, vector<1x512xf32>,
      %get3A_68 = arith.constant 0 : index
      %get3A_69 = arith.constant 0 : index
      %get3A_70 = vector.load %arg8[%get3A_68, %get3A_69] : memref<1x512xf32, #tpu.memory_space<vmem>>, vector<1x512xf32>
      %mul3A_71 = arith.mulf %div3A_50, %mul3A_64 : vector<1x512xf32>
      %sub3A_72 = arith.subf %get3A_70, %mul3A_71 : vector<1x512xf32>
      %swap3A_73 = arith.constant 3 : index
      %swap3A_74 = arith.constant 0 : index
      %swap3A_75 = vector.load %arg10[%swap3A_73, %swap3A_74] : memref<8x512xf32, #tpu.memory_space<vmem>>, vector<1x512xf32>
      tpu.vector_store %arg10[%swap3A_73, %swap3A_74], %sub3A_72 {strides = array<i32>} : memref<8x512xf32, #tpu.memory_space<vmem>>, vector<1x512xf32>,
    } else {
    }
    return
  }
  func.func @transform_0(%arg0: i32) -> (i32, i32) {
    %c0_i32 = arith.constant 0 : i32
    %c0_i32_0 = arith.constant 0 : i32
    return %arg0, %c0_i32 : i32, i32
  }
  func.func @transform_1(%arg0: i32) -> (i32, i32) {
    %c0_i32 = arith.constant 0 : i32
    %c0_i32_0 = arith.constant 0 : i32
    return %arg0, %c0_i32 : i32, i32
  }
  func.func @transform_2(%arg0: i32) -> (i32, i32) {
    %c0_i32 = arith.constant 0 : i32
    %c0_i32_0 = arith.constant 0 : i32
    return %arg0, %c0_i32 : i32, i32
  }
  func.func @transform_3(%arg0: i32) -> (i32, i32) {
    %c0_i32 = arith.constant 0 : i32
    %c0_i32_0 = arith.constant 0 : i32
    return %arg0, %c0_i32 : i32, i32
  }
  func.func @transform_4(%arg0: i32) -> (i32, i32) {
    %c0_i32 = arith.constant 0 : i32
    %c0_i32_0 = arith.constant 0 : i32
    %c0_i32_1 = arith.constant 0 : i32
    return %c0_i32, %c0_i32_0 : i32, i32
  }
  func.func @transform_5(%arg0: i32) -> (i32, i32) {
    %c0_i32 = arith.constant 0 : i32
    %c0_i32_0 = arith.constant 0 : i32
    %c0_i32_1 = arith.constant 0 : i32
    return %c0_i32, %c0_i32_0 : i32, i32
  }
  func.func @transform_6(%arg0: i32) -> (i32, i32) {
    %c0_i32 = arith.constant 0 : i32
    %c0_i32_0 = arith.constant 0 : i32
    %c0_i32_1 = arith.constant 0 : i32
    return %c0_i32, %c0_i32_0 : i32, i32
  }
  func.func @transform_7(%arg0: i32) -> (i32, i32) {
    %c0_i32 = arith.constant 0 : i32
    %c0_i32_0 = arith.constant 0 : i32
    %c0_i32_1 = arith.constant 0 : i32
    return %c0_i32, %c0_i32_0 : i32, i32
  }
  func.func @transform_8(%arg0: i32) -> (i32, i32) {
    %c0_i32 = arith.constant 0 : i32
    %c0_i32_0 = arith.constant 0 : i32
    return %arg0, %c0_i32 : i32, i32
  }
  func.func @transform_9(%arg0: i32) -> (i32, i32) {
    %c0_i32 = arith.constant 0 : i32
    %c0_i32_0 = arith.constant 0 : i32
    %c0_i32_1 = arith.constant 0 : i32
    return %c0_i32, %c0_i32_0 : i32, i32
  }
}

module attributes {stable_mosaic.version = 14 : i64} {
  func.func @_mm2p_body(%arg0: i32, %arg1: memref<1000x512xf32, #tpu.memory_space<vmem>>, %arg2: memref<8x512xf32, #tpu.memory_space<vmem>>, %arg3: memref<512x512xf32, #tpu.memory_space<vmem>>, %arg4: memref<1x512xf32, #tpu.memory_space<vmem>>, %arg5: memref<1x1x1000xi32, #tpu.memory_space<vmem>>, %arg6: memref<1000x512xf32, #tpu.memory_space<vmem>>, %arg7: memref<64x512xf32, #tpu.memory_space<vmem>>) attributes {dimension_semantics = [#tpu.dimension_semantics<arbitrary>], iteration_bounds = array<i64: 10>, scalar_prefetch = 0 : i64, scratch_operands = 0 : i64, tpu.core_type = #tpu.core_type<tc>, window_params = [{transform_indices = @transform_0, window_bounds = array<i64: 1000, 512>}, {pipeline_mode = #tpu.pipeline_mode<synchronous>, transform_indices = @transform_1, window_bounds = array<i64: 8, 512>}, {pipeline_mode = #tpu.pipeline_mode<synchronous>, transform_indices = @transform_2, window_bounds = array<i64: 512, 512>}, {pipeline_mode = #tpu.pipeline_mode<synchronous>, transform_indices = @transform_3, window_bounds = array<i64: 1, 512>}, {transform_indices = @transform_4, window_bounds = array<i64: 1, 1, 1000>}, {transform_indices = @transform_5, window_bounds = array<i64: 1000, 512>}, {pipeline_mode = #tpu.pipeline_mode<synchronous>, transform_indices = @transform_6, window_bounds = array<i64: 64, 512>}]} {
    %get3A = arith.constant 0 : index
    %get3A_0 = arith.constant 0 : index
    %get3A_1 = vector.load %arg1[%get3A, %get3A_0] : memref<1000x512xf32, #tpu.memory_space<vmem>>, vector<1000x512xf32>
    %get3A_2 = arith.constant 2 : index
    %get3A_3 = arith.constant 0 : index
    %get3A_4 = vector.load %arg2[%get3A_2, %get3A_3] : memref<8x512xf32, #tpu.memory_space<vmem>>, vector<1x512xf32>
    %mul3A = vector.broadcast %get3A_4 : vector<1x512xf32> to vector<1000x512xf32>
    %mul3A_5 = arith.mulf %get3A_1, %mul3A : vector<1000x512xf32>
    %get3A_6 = arith.constant 3 : index
    %get3A_7 = arith.constant 0 : index
    %get3A_8 = vector.load %arg2[%get3A_6, %get3A_7] : memref<8x512xf32, #tpu.memory_space<vmem>>, vector<1x512xf32>
    %add3A = vector.broadcast %get3A_8 : vector<1x512xf32> to vector<1000x512xf32>
    %add3A_9 = arith.addf %mul3A_5, %add3A : vector<1000x512xf32>
    %max3A = arith.constant 0.000000e+00 : f32
    %max3A_10 = vector.broadcast %max3A : f32 to vector<1000x512xf32>
    %max3A_11 = arith.maximumf %add3A_9, %max3A_10 : vector<1000x512xf32>
    %get3A_12 = arith.constant 0 : index
    %get3A_13 = arith.constant 0 : index
    %get3A_14 = vector.load %arg3[%get3A_12, %get3A_13] : memref<512x512xf32, #tpu.memory_space<vmem>>, vector<512x512xf32>
    %dot_general3A = arith.constant dense<0.000000e+00> : vector<1000x512xf32>
    %dot_general3A_15 = tpu.matmul %max3A_11, %get3A_14, %dot_general3A {dimension_numbers = #tpu.dot_dimension_numbers<[1], [0], [0], [1], [0, 0, 1, 1], [], []>, transpose_lhs_hint = false} : vector<1000x512xf32>, vector<512x512xf32>, vector<1000x512xf32> -> vector<1000x512xf32>
    %get3A_16 = arith.constant 0 : index
    %get3A_17 = arith.constant 0 : index
    %get3A_18 = vector.load %arg4[%get3A_16, %get3A_17] : memref<1x512xf32, #tpu.memory_space<vmem>>, vector<1x512xf32>
    %add3A_19 = vector.broadcast %get3A_18 : vector<1x512xf32> to vector<1000x512xf32>
    %add3A_20 = arith.addf %dot_general3A_15, %add3A_19 : vector<1000x512xf32>
    %max3A_21 = arith.constant 0.000000e+00 : f32
    %max3A_22 = vector.broadcast %max3A_21 : f32 to vector<1000x512xf32>
    %max3A_23 = arith.maximumf %add3A_20, %max3A_22 : vector<1000x512xf32>
    %swap3A = arith.constant 0 : index
    %swap3A_24 = arith.constant 0 : index
    %swap3A_25 = vector.load %arg6[%swap3A, %swap3A_24] : memref<1000x512xf32, #tpu.memory_space<vmem>>, vector<1000x512xf32>
    tpu.vector_store %arg6[%swap3A, %swap3A_24], %max3A_23 {strides = array<i32>} : memref<1000x512xf32, #tpu.memory_space<vmem>>, vector<1000x512xf32>,
    %iota3A = tpu.iota {dimensions = array<i32: 0>} : vector<64x1000xi32>
    %get3A_26 = arith.constant 0 : index
    %get3A_27 = arith.constant 0 : index
    %get3A_28 = arith.constant 0 : index
    %get3A_29 = vector.load %arg5[%get3A_26, %get3A_27, %get3A_28] : memref<1x1x1000xi32, #tpu.memory_space<vmem>>, vector<1x1x1000xi32>
    %get3A_30 = vector.shape_cast %get3A_29 : vector<1x1x1000xi32> to vector<1000xi32>
    %broadcast_in_dim3A = vector.shape_cast %get3A_30 : vector<1000xi32> to vector<1x1000xi32>
    %eq3A = vector.broadcast %broadcast_in_dim3A : vector<1x1000xi32> to vector<64x1000xi32>
    %eq3A_31 = arith.cmpi eq, %iota3A, %eq3A : vector<64x1000xi32>
    %convert_element_type3A = arith.extui %eq3A_31 : vector<64x1000xi1> to vector<64x1000xi32>
    %convert_element_type3A_32 = arith.sitofp %convert_element_type3A : vector<64x1000xi32> to vector<64x1000xf32>
    %eq3A_33 = arith.constant 0 : i32
    %eq3A_34 = arith.cmpi eq, %arg0, %eq3A_33 : i32
    %convert_element_type3A_35 = arith.extui %eq3A_34 : i1 to i32
    %cond3A = arith.constant 0 : i32
    %cond3A_36 = arith.cmpi ne, %convert_element_type3A_35, %cond3A : i32
    scf.if %cond3A_36 {
      %broadcast_in_dim3A_46 = arith.constant 0.000000e+00 : f32
      %broadcast_in_dim3A_47 = vector.broadcast %broadcast_in_dim3A_46 : f32 to vector<64x512xf32>
      %swap3A_48 = arith.constant 0 : index
      %swap3A_49 = arith.constant 0 : index
      %swap3A_50 = vector.load %arg7[%swap3A_48, %swap3A_49] : memref<64x512xf32, #tpu.memory_space<vmem>>, vector<64x512xf32>
      tpu.vector_store %arg7[%swap3A_48, %swap3A_49], %broadcast_in_dim3A_47 {strides = array<i32>} : memref<64x512xf32, #tpu.memory_space<vmem>>, vector<64x512xf32>,
    } else {
    }
    %get3A_37 = arith.constant 0 : index
    %get3A_38 = arith.constant 0 : index
    %get3A_39 = vector.load %arg7[%get3A_37, %get3A_38] : memref<64x512xf32, #tpu.memory_space<vmem>>, vector<64x512xf32>
    %dot_general3A_40 = arith.constant dense<0.000000e+00> : vector<64x512xf32>
    %dot_general3A_41 = tpu.matmul %convert_element_type3A_32, %max3A_23, %dot_general3A_40 {dimension_numbers = #tpu.dot_dimension_numbers<[1], [0], [0], [1], [0, 0, 1, 1], [], []>, transpose_lhs_hint = false} : vector<64x1000xf32>, vector<1000x512xf32>, vector<64x512xf32> -> vector<64x512xf32>
    %add3A_42 = arith.addf %get3A_39, %dot_general3A_41 : vector<64x512xf32>
    %swap3A_43 = arith.constant 0 : index
    %swap3A_44 = arith.constant 0 : index
    %swap3A_45 = vector.load %arg7[%swap3A_43, %swap3A_44] : memref<64x512xf32, #tpu.memory_space<vmem>>, vector<64x512xf32>
    tpu.vector_store %arg7[%swap3A_43, %swap3A_44], %add3A_42 {strides = array<i32>} : memref<64x512xf32, #tpu.memory_space<vmem>>, vector<64x512xf32>,
    return
  }
  func.func @transform_0(%arg0: i32) -> (i32, i32) {
    %c0_i32 = arith.constant 0 : i32
    %c0_i32_0 = arith.constant 0 : i32
    return %arg0, %c0_i32 : i32, i32
  }
  func.func @transform_1(%arg0: i32) -> (i32, i32) {
    %c0_i32 = arith.constant 0 : i32
    %c0_i32_0 = arith.constant 0 : i32
    %c0_i32_1 = arith.constant 0 : i32
    return %c0_i32, %c0_i32_0 : i32, i32
  }
  func.func @transform_2(%arg0: i32) -> (i32, i32) {
    %c0_i32 = arith.constant 0 : i32
    %c0_i32_0 = arith.constant 0 : i32
    %c0_i32_1 = arith.constant 0 : i32
    return %c0_i32, %c0_i32_0 : i32, i32
  }
  func.func @transform_3(%arg0: i32) -> (i32, i32) {
    %c0_i32 = arith.constant 0 : i32
    %c0_i32_0 = arith.constant 0 : i32
    %c0_i32_1 = arith.constant 0 : i32
    return %c0_i32, %c0_i32_0 : i32, i32
  }
  func.func @transform_4(%arg0: i32) -> (i32, i32, i32) {
    %c0_i32 = arith.constant 0 : i32
    %c0_i32_0 = arith.constant 0 : i32
    %c0_i32_1 = arith.constant 0 : i32
    return %arg0, %c0_i32, %c0_i32_0 : i32, i32, i32
  }
  func.func @transform_5(%arg0: i32) -> (i32, i32) {
    %c0_i32 = arith.constant 0 : i32
    %c0_i32_0 = arith.constant 0 : i32
    return %arg0, %c0_i32 : i32, i32
  }
  func.func @transform_6(%arg0: i32) -> (i32, i32) {
    %c0_i32 = arith.constant 0 : i32
    %c0_i32_0 = arith.constant 0 : i32
    %c0_i32_1 = arith.constant 0 : i32
    return %c0_i32, %c0_i32_0 : i32, i32
  }
}

</mosaic_0001>

<sc_bundles>
// kernel: kernel.11.cloned.1.call-start
scs
__scs_entry_jumppad:
0x0: {  	(pc) =	sbr.rel $0x88, $3  }
0x1: {  	(tag) =	ssettag $0x0;
	lr =	simm.s32 $0x1  }
0x2: {  	[smem:$0x3F8C] =	sst lr;
	_ =	strace $0xD0000000  }
0x3: {  	_ = 	snop  }
0x4: {  	_ = 	snop  }
0x5: {  	_ = 	snop  }
0x6: {  	_ = 	snop  }
0x7: {  	_ = 	snop  }
__scs_overlays_trampoline_lowered:
0x8: {  	[smem:$0x3F9B] =	sst s0  }
0x9: {  	[smem:$0x3F9C] =	sst s1  }
0xa: {  	[smem:$0x3F9D] =	sst s2  }
0xb: {  	[smem:$0x3F9E] =	sst s3  }
0xc: {  	[smem:$0x3F9F] =	sst s4  }
0xd: {  	[smem:$0x3FA0] =	sst s5  }
0xe: {  	[smem:$0x3FA1] =	sst s6  }
0xf: {  	[smem:$0x3FA2] =	sst s7  }
0x10: {  	[smem:$0x3FA3] =	sst s8  }
0x11: {  	[smem:$0x3FA4] =	sst s9;
	s0 =	simm.s32 @!p0 $0x0  }
0x12: {  	s1 =	sld [smem:$0x3F8A];
	s0 =	simm.s32 @p0 $0x1  }
0x13: {  	[smem:$0x3FA5] =	sst s0;
	s0 =	simm.s32 @!p1 $0x0  }
0x14: {  	s2 =	sld [smem:$0x3F89];
	s0 =	simm.s32 @p1 $0x1  }
0x15: {  	[smem:$0x3FA6] =	sst s0;
	s0 =	simm.s32 @!p2 $0x0  }
0x16: {  	s3 =	sld [smem:$0x3FDB];
	s0 =	simm.s32 @p2 $0x1  }
0x17: {  	s4 =	simm.s32 $0x1BF5;
	[smem:$0x3FA8] =	sst s0  }
0x18: {  	s0 =	sld [smem:$0x3F8B];
	_ =	swait.ge [sflag:s4], $0x0  }
0x19: {  	s7 =	sld [smem:$0x3F8C]  }
0x1a: {  	s8 =	sadd.s32 $0xFFFFE003, lr  }
0x1b: {  	s9 =	sadd.s32 $0xFFFFFEF7, lr;
	s5 =	simm.s32 $0xFFFFFFFF;
	p2 =	slt.u32 s8, $0xFFFFF086  }
0x1c: {  	p1 =	slt.u32 s9, $0xF7A;
	s5 =	simm.s32 @!p2 $0x0  }
0x1d: {  	s5 =	simm.s32 @p1 $0x1;
	p0 =	seq.s32 s7, s2  }
0x1e: {  	s7 =	smul.u32 @!p0 $0xF7A, s2;
	p2 =	seq.s32 @!p0 s5, $0x0  }
0x1f: {  	s9 =	smul.u32 $0xF7A, s1;
	s8 =	simm.s32 @!p0 $0x1BF5;
	p2 =	por !p2, p0  }
0x20: {  	[sflag:s8] =	ssyncset.s32 @!p0 $0xFFFFF086;
	s6 =	sadd.s32 @!p0 s3, s7;
	s7 =	simm.s32 @!p0 $0x108  }
0x21: {  	s3 =	sadd.s32 s3, s9;
	s6 =	sadd.s32 @!p0 $0x88, s6;
	s7 =	simm.s32 @p2 $0x1082  }
0x22: {  	[simem:s7], [sflag:s8] =	dma.local @!p0 [hbm:s6], $0xF7A  }
0x23: {  	s9 =	sor.u32 $0xD0000000, s2;
	s6 =	simm.s32 $0x108;
	_ =	swait.ge @!p0 [sflag:s8], $0x0  }
0x24: {  	s3 =	sadd.s32 $0x88, s3;
	s6 =	simm.s32 @!p1 $0x1082;
	[sflag:s4] =	ssyncset.s32 $0xFFFFF086  }
0x25: {  	[simem:s6], [sflag:s4] =	dma.local [hbm:s3], $0xF7A  }
0x26: {  	[smem:$0x3F8C] =	sst s1;
	(tag) =	ssettag s2;
	_ =	strace s9  }
0x27: {  	s1 =	sld [smem:$0x3F9C]  }
0x28: {  	s2 =	sld [smem:$0x3F9D]  }
0x29: {  	s4 =	sld [smem:$0x3F9F]  }
0x2a: {  	p0 =	seq.s32 s5, $0x0;
	s5 =	sld [smem:$0x3FA0]  }
0x2b: {  	s6 =	sld [smem:$0x3FA1]  }
0x2c: {  	s7 =	sld [smem:$0x3FA2]  }
0x2d: {  	s3 =	simm.s32 $0x108;
	s8 =	sld [smem:$0x3FA3]  }
0x2e: {  	s3 =	simm.s32 @!p0 $0x1082;
	s9 =	sld [smem:$0x3FA4]  }
0x2f: {  	lr =	sadd.s32 s0, s3;
	s0 =	sld [smem:$0x3F9B]  }
0x30: {  	s3 =	sld [smem:$0x3F9E]  }
0x31: {  	[smem:$0x3FA7] =	sst s10  }
0x32: {  	s10 =	sld [smem:$0x3FA5];
	_ =	sdelay $0x3  }
0x33: {  	p0 =	seq.s32 s10, $0x1;
	s10 =	sld [smem:$0x3FA7];
	_ =	sdelay $0x3  }
0x34: {  	[smem:$0x3FA7] =	sst s10  }
0x35: {  	s10 =	sld [smem:$0x3FA6];
	_ =	sdelay $0x3  }
0x36: {  	p1 =	seq.s32 s10, $0x1;
	s10 =	sld [smem:$0x3FA7];
	_ =	sdelay $0x3  }
0x37: {  	[smem:$0x3FA7] =	sst s10  }
0x38: {  	s10 =	sld [smem:$0x3FA8]  }
0x39: {  	_ = 	snop;
	(pc) =	sbr.ind lr, $3  }
0x3a: {  	_ = 	snop  }
0x3b: {  	_ = 	snop  }
0x3c: {  	p2 =	seq.s32 s10, $0x1;
	s10 =	sld [smem:$0x3FA7]  }
0x3d: {  	_ =	shalt  }
0x3e: {  	_ =	shalt  }
0x3f: {  	_ =	shalt  }
0x40: {  	_ =	shalt  }
0x41: {  	_ =	shalt  }
0x42: {  	_ =	shalt  }
0x43: {  	_ =	shalt  }
0x44: {  	_ =	shalt  }
0x45: {  	_ =	shalt  }
0x46: {  	_ =	shalt  }
0x47: {  	_ =	shalt  }
0x48: {  	_ =	shalt  }
0x49: {  	_ =	shalt  }
0x4a: {  	_ =	shalt  }
0x4b: {  	_ =	shalt  }
0x4c: {  	_ =	shalt  }
0x4d: {  	_ =	shalt  }
0x4e: {  	_ =	shalt  }
0x4f: {  	_ =	shalt  }
0x50: {  	_ =	shalt  }
0x51: {  	_ =	shalt  }
0x52: {  	_ =	shalt  }
0x53: {  	_ =	shalt  }
0x54: {  	_ =	shalt  }
0x55: {  	_ =	shalt  }
0x56: {  	_ =	shalt  }
0x57: {  	_ =	shalt  }
0x58: {  	_ =	shalt  }
0x59: {  	_ =	shalt  }
0x5a: {  	_ =	shalt  }
0x5b: {  	_ =	shalt  }
0x5c: {  	_ =	shalt  }
0x5d: {  	_ =	shalt  }
0x5e: {  	_ =	shalt  }
0x5f: {  	_ =	shalt  }
0x60: {  	_ =	shalt  }
0x61: {  	_ =	shalt  }
0x62: {  	_ =	shalt  }
0x63: {  	_ =	shalt  }
0x64: {  	_ =	shalt  }
0x65: {  	_ =	shalt  }
0x66: {  	_ =	shalt  }
0x67: {  	_ =	shalt  }
0x68: {  	_ =	shalt  }
0x69: {  	_ =	shalt  }
0x6a: {  	_ =	shalt  }
0x6b: {  	_ =	shalt  }
0x6c: {  	_ =	shalt  }
0x6d: {  	_ =	shalt  }
0x6e: {  	_ =	shalt  }
0x6f: {  	_ =	shalt  }
0x70: {  	_ =	shalt  }
0x71: {  	_ =	shalt  }
0x72: {  	_ =	shalt  }
0x73: {  	_ =	shalt  }
0x74: {  	_ =	shalt  }
0x75: {  	_ =	shalt  }
0x76: {  	_ =	shalt  }
0x77: {  	_ =	shalt  }
0x78: {  	_ =	shalt  }
0x79: {  	_ =	shalt  }
0x7a: {  	_ =	shalt  }
0x7b: {  	_ =	shalt  }
0x7c: {  	_ =	shalt  }
0x7d: {  	_ =	shalt  }
0x7e: {  	_ =	shalt  }
0x7f: {  	_ =	shalt  }
0x80: {  	_ =	shalt  }
0x81: {  	_ =	shalt  }
0x82: {  	_ =	shalt  }
0x83: {  	_ =	shalt  }
0x84: {  	_ =	shalt  }
0x85: {  	_ =	shalt  }
0x86: {  	_ =	shalt  }
0x87: {  	_ =	shalt  }
.Lfunc_end0:
.L_simem_size_0:
called_computation_lowered:
.L_overlay_start_0:
0x88: {  	s2 =	sld [smem:$0x3FD9]  }
0x89: {  	s3 =	sld [smem:$0x3FFE];
	_ =	sdelay $0x1  }
0x8a: {  	s1 =	srdreg.scid  }
0x8b: {  	s0 =	sand.u32 $0x1, s1  }
0x8c: {  	s14 =	sshll.u32 s0, $0xA;
	s2 =	sadd.s32 s3, s2  }
0x8d: {  	s2 =	sadd.s32 s2, s14  }
0x8e: {  	[smem:$0x3FB3] =	sst s2  }
0x8f: {  	_ = 	snop  }
0x90: {  	s2 =	sld [smem:$0x3FD0];
	_ =	sdelay $0x2  }
0x91: {  	s15 =	simm.s32 $0xA;
	s4 =	simm.s32 $0x10  }
0x92: {  	[smem:s4], [sflag:s15] =	dma.local [hbm:s2], $0x1  }
0x93: {  	_ =	swait.eq [sflag:s15], $0x1  }
0x94: {  	[sflag:s15] =	ssyncset.done $0x0  }
0x95: {  	[sflag:s15] =	ssyncadd.s32 $0xFFFFFFFF  }
0x96: {  	s16 =	sld [smem:$0x10];
	(tm) =	ssettm $0x1  }
0x97: {  	s17 =	sld [smem:$0x3FFB];
	_ =	sdelay $0x3  }
0x98: {  	_ =	strace s17  }
0x99: {  	s3 =	sld [smem:$0x3FFC];
	_ =	sdelay $0x3  }
0x9a: {  	_ =	strace s3  }
0x9b: {  	s3 =	sld [smem:$0x3FFD];
	_ =	sdelay $0x3  }
0x9c: {  	_ =	strace s3  }
0x9d: {  	_ =	strace $0x8FFFFFFF  }
0x9e: {  	s18 =	sld [smem:$0x3FDB];
	_ =	sdelay $0x1  }
0x9f: {  	s19 =	simm.s32 $_scs_section_size  }
0xa0: {  	s5 =	simm.s32 $_size__tile_overlayer_lowered;
	s6 =	simm.s32 $_tile_overlayer_lowered  }
0xa1: {  	s22 =	simm.s32 $0x1BFF;
	s21 =	sshll.u32 s6, $0x1;
	s3 =	sadd.s32 s19, s18  }
0xa2: {  	s7 =	simm.s32 $0x0;
	s20 =	sshll.u32 s5, $0x1;
	s5 =	sadd.s32 s21, s3  }
0xa3: {  	[timem:s7], [sflag:s22] =	dma.local [hbm:s5], s20  }
0xa4: {  	_ =	swait.ge [sflag:s22], s20  }
0xa5: {  	s4 =	ssub.s32 $0x0, s20;
	[sflag:s22] =	ssyncset.done $0x0  }
0xa6: {  	[sflag:s22] =	ssyncadd.s32 s4;
	_ =	sdelay $0x1  }
0xa7: {  	s23 =	simm.s32 $0x1B8B  }
0xa8: {  	_ =	swait.ge [sflag:s23], $0x1  }
0xa9: {  	[sflag:s23] =	ssyncset.done $0x0  }
0xaa: {  	s25 =	simm.s32 $0x1B8E;
	s24 =	sld [smem:$0x3FFE];
	[sflag:s23] =	ssyncadd.s32 $0xFFFFFFFF  }
0xab: {  	s26 =	simm.s32 $execute0_lowered;
	[smem:$0x3FD2] =	sst s25  }
0xac: {  	s5 =	sshll.u32 s26, $0x1;
	_ =	strace $0x80000046;
	[dreg:$0x1] =	wrdreg $0xFFFFFFFF  }
0xad: {  	s28 =	simm.s32 $_size_execute0_lowered;
	s3 =	sadd.s32 s3, s5;
	[dreg:$0x0] =	wrdreg $0x0  }
0xae: {  	s5 =	sshll.u32 s28, $0x1;
	[dreg:$0x2] =	wrdreg s3  }
0xaf: {  	[dreg:$0x3] =	wrdreg s5  }
0xb0: {  	[dreg:$0x4] =	wrdreg $0xC0  }
0xb1: {  	_ =	task [dreg:s7], $0x5FFFF  }
0xb2: {  	[dreg:$0x1] =	wrdreg $0xFFFFFFFF  }
0xb3: {  	[dreg:$0x0] =	wrdreg $0x60  }
0xb4: {  	[dreg:$0x2] =	wrdreg s24  }
0xb5: {  	[dreg:$0x3] =	wrdreg s16  }
0xb6: {  	[dreg:$0x4] =	wrdreg $0x0  }
0xb7: {  	[dreg:$0x5] =	wrdreg $0x9  }
0xb8: {  	_ =	task.clear_ibuf [dreg:s7], $0x6FFFF;
	_ =	strace $0x90000046  }
0xb9: {  	s29 =	simm.s32 $0x9;
	_ =	strace $0x80000048  }
0xba: {  	_ =	swait.ge [sflag:s29], $0x1  }
0xbb: {  	[sflag:s29] =	ssyncadd.s32 $0xFFFFFFFF  }
0xbc: {  	_ =	strace $0x90000048  }
0xbd: {  	_ =	sfence  }
0xbe: {  	s30 =	sld [smem:$0x0];
	_ =	sdelay $0x2  }
0xbf: {  	s31 =	sshll.u32 s1, $0xD;
	s1 =	sshrl.u32 s1, $0x2  }
0xc0: {  	s3 =	sand.u32 $0x4000, s31;
	s1 =	sadd.s32 s1, s30  }
0xc1: {  	s0 =	sor.u32 s3, s0;
	s1 =	sshll.u32 s1, $0x11  }
0xc2: {  	s0 =	sor.u32 s1, s0  }
0xc3: {  	s0 =	sadd.s32 $0x8F2B, s0  }
0xc4: {  	[sflag:s0] =	ssyncadd.remote.s32 $0x1  }
0xc5: {  	_ =	sfence.sel $0xFFFF  }
0xc6: {  	[dreg:$0x0] =	wrdreg $0xFFFFFFFF;
	(pc) =	sbr.abs _section_cstart, $3  }
0xc7: {  	[dreg:$0x1] =	wrdreg $0xFFFFFFFF  }
0xc8: {  	_ =	task.clear_ibuf [dreg:s7], $0x2FFFF;
	_ =	strace $0x9FFFFFFF  }
0xc9: {  	(tm) =	ssettm $0x7FFFFFFF  }
tec
execute0_lowered:
.L_overlay_start_1:
0x0: {  	(tag) =	ssettag $0x1  }
0x1: {  	s13 =	rddreg [dreg:$0x0]  }
0x2: {  	s1 =	rddreg [dreg:$0x1]  }
0x3: {  	s3 =	rddreg [dreg:$0x2];
	s4 =	simm.s32 $0x0;
	s2 =	stileid.u32  }
0x4: {  	s7 =	srdreg.scid;
	s20 =	simm.s32 $0x2;
	s21 =	simm.s32 $0x16100  }
0x5: {  	s22 =	simm.s32 $0x80;
	s23 =	simm.s32 $0x1B100;
	s24 =	simm.s32 $0x1  }
0x6: {  	s25 =	simm.s32 $0x0;
	[smem:$0x7FF] =	sst s4;
	s6 =	smul.u32 $0x500, s2  }
0x7: {  	s5 =	sadd.s32 $0x6800, s13;
	s10 =	sand.u32 $0x1, s7;
	s12 =	smul.u32 $0x4E000, s2  }
0x8: {  	s7 =	sadd.s32 $0x5EC00, s13;
	s17 =	smul.u32 $0x2700, s2;
	s16 =	sadd.s32 $0x27000, s1  }
0x9: {  	p1 =	sne.s32 s2, $0xF;
	p2 =	seq.s32 s2, $0xF;
	_ =	strace $0x80000047  }
0xa: {  	s8 =	ssub.s32 $0x2, s10;
	p0 =	seq.s32 s10, $0x1;
	s9 =	sadd.s32 s6, s13  }
.Ltmp0:
0xb: {  	s6 =	sadd.s32 $0x37A00, s13;
	s11 =	sshrl.u32 s8, $0x1;
	(pc) =	sbr.rel .LBB2_1-.Ltmp0, $4  }
0xc: {  	s31 =	sshrl.u32 s12, $0x2;
	s12 =	sadd.s32 $0x138000, s3;
	s13 =	sadd.s32 $0x2D800, s13  }
0xd: {  	s15 =	sadd.s32 s1, s17;
	s18 =	ssub.s32 s8, s11;
	s8 =	sadd.s32 $0x2DA00, s9  }
0xe: {  	s9 =	sadd.s32 $0x32A00, s9;
	s10 =	sadd.s32 s31, s3;
	s11 =	sadd.s32 s5, s17  }
0xf: {  	s14 =	sadd.s32 s6, s17;
	s17 =	sadd.s32 s7, s17;
	s18 =	smax.u32 s18, $0x1  }
.LBB2_10:
0x10: {  	s0 =	sadd.s32 $0x27000, s28;
	s19 =	sshrl.u32 s12, $0x3  }
0x11: {  	[hbm:s0], [sflag:s26] =	dma.local [spmem:s19], $0x100  }
0x12: {  	_ =	swait.ge [sflag:s20], $0x100  }
0x13: {  	[sflag:s20] =	ssyncset.done $0x0  }
0x14: {  	[sflag:s20] =	ssyncadd.s32 $0xFFFFFF00  }
.LBB2_11:
0x15: {  	s25 =	sadd.s32 $0x1, s25  }
0x16: {  	p3 =	sne.s32 s25, s18  }
.Ltmp1:
0x17: {  	_ = 	snop;
	(pc) =	sbr.rel @!p3 .LBB2_12-.Ltmp1, $1  }
0x18: {  	_ =	sdelay $0x3  }
.LBB2_1:
0x19: {  	s0 =	simm.s32 $0x13900  }
0x1a: {  	[tilespmem:s0], [sflag:$0x2] =	stream.linear.gather [hbm4b:s8+s4], $0x2800, $0x38;
	[tilespmem:$0x1F100] =	vst v63  }
0x1b: {  	_ =	swait.ge [sflag:s20], $0x2800  }
0x1c: {  	[sflag:s20] =	ssyncset.done $0x0  }
0x1d: {  	[sflag:s20] =	ssyncadd.s32 $0xFFFFD800  }
0x1e: {  	[tilespmem:s21], [sflag:$0x2] =	stream.linear.gather [hbm4b:s9+s4], $0x2800, $0x38;
	[tilespmem:$0x1F100] =	vst v63  }
0x1f: {  	_ =	swait.ge [sflag:s20], $0x2800  }
0x20: {  	[sflag:s20] =	ssyncset.done $0x0  }
0x21: {  	s28 =	simm.s32 $0x16140;
	[sflag:s20] =	ssyncadd.s32 $0xFFFFD800  }
0x22: {  	v0 =	vld [tilespmem:s28+$0xFFFFFFC0];
	_ =	sdelay $0x3  }
0x23: {  	s26 =	simm.s32 $0x18940  }
0x24: {  	[tilespmem:s26+$0xFFFFFFC0] =	vst v0  }
0x25: {  	v0 =	vld [tilespmem:s28+$0xFFFFFFD0];
	_ =	sdelay $0x4  }
0x26: {  	[tilespmem:s26+$0xFFFFFFD0] =	vst v0  }
0x27: {  	v0 =	vld [tilespmem:s28+$0xFFFFFFE0];
	_ =	sdelay $0x4  }
0x28: {  	[tilespmem:s26+$0xFFFFFFE0] =	vst v0  }
0x29: {  	v0 =	vld [tilespmem:s28+$0xFFFFFFF0];
	_ =	sdelay $0x4  }
0x2a: {  	[tilespmem:s26+$0xFFFFFFF0] =	vst v0  }
0x2b: {  	v0 =	vld [tilespmem:s28+$0x0];
	_ =	sdelay $0x4  }
0x2c: {  	[tilespmem:s26+$0x0] =	vst v0  }
0x2d: {  	v0 =	vld [tilespmem:s28+$0x10];
	_ =	sdelay $0x4  }
0x2e: {  	[tilespmem:s26+$0x10] =	vst v0  }
0x2f: {  	v0 =	vld [tilespmem:s28+$0x20];
	_ =	sdelay $0x4  }
0x30: {  	[tilespmem:s26+$0x20] =	vst v0  }
0x31: {  	v0 =	vld [tilespmem:s28+$0x30];
	_ =	sdelay $0x4  }
0x32: {  	s29 =	simm.s32 $0x161C0;
	s28 =	simm.s32 $0x0;
	[tilespmem:s26+$0x30] =	vst v0  }
.LBB2_2:
0x33: {  	v0 =	vld [tilespmem:s29+$0xFFFFFFC0];
	s28 =	sadd.s32 $0x8, s28  }
0x34: {  	p3 =	slt.u32 s28, $0x278;
	_ =	sdelay $0x2  }
0x35: {  	s26 =	sadd.s32 $0x80, s26  }
0x36: {  	[tilespmem:s26+$0xFFFFFFC0] =	vst v0  }
0x37: {  	v0 =	vld [tilespmem:s29+$0xFFFFFFD0];
	_ =	sdelay $0x4  }
0x38: {  	[tilespmem:s26+$0xFFFFFFD0] =	vst v0  }
0x39: {  	v0 =	vld [tilespmem:s29+$0xFFFFFFE0];
	_ =	sdelay $0x4  }
0x3a: {  	[tilespmem:s26+$0xFFFFFFE0] =	vst v0  }
0x3b: {  	v0 =	vld [tilespmem:s29+$0xFFFFFFF0];
	_ =	sdelay $0x4  }
0x3c: {  	[tilespmem:s26+$0xFFFFFFF0] =	vst v0  }
0x3d: {  	v0 =	vld [tilespmem:s29+$0x0];
	_ =	sdelay $0x4  }
0x3e: {  	[tilespmem:s26+$0x0] =	vst v0  }
0x3f: {  	v0 =	vld [tilespmem:s29+$0x10];
	_ =	sdelay $0x4  }
0x40: {  	[tilespmem:s26+$0x10] =	vst v0  }
0x41: {  	v0 =	vld [tilespmem:s29+$0x20];
	_ =	sdelay $0x4  }
0x42: {  	[tilespmem:s26+$0x20] =	vst v0  }
0x43: {  	v0 =	vld [tilespmem:s29+$0x30]  }
.Ltmp2:
0x44: {  	(pc) =	sbr.rel @p3 .LBB2_2-.Ltmp2, $2  }
0x45: {  	_ =	sdelay $0x2  }
0x46: {  	s29 =	sadd.s32 $0x80, s29;
	[tilespmem:s26+$0x30] =	vst v0  }
.Ltmp3:
0x47: {  	(pc) =	sbr.rel @!p0 .LBB2_4-.Ltmp3, $3  }
0x48: {  	_ =	sdelay $0x1  }
0x49: {  	s30 =	sshll.u32 s2, $0x6  }
0x4a: {  	s28 =	sshrl.u32 s10, $0x3;
	s29 =	sshrl.u32 @!p1 s12, $0x3;
	s26 =	sor.u32 $0x1C02, s30  }
0x4b: {  	s26 =	sor.u32 $0x1C02, s30  }
0x4c: {  	[spmem:s28], [sflag:s26] =	dma.local [hbm:s15], $0x2700  }
0x4d: {  	_ =	swait.ge [sflag:s20], $0x2700  }
0x4e: {  	[sflag:s20] =	ssyncset.done $0x0  }
0x4f: {  	s0 =	simm.s32 @!p1 $0x2;
	[sflag:s20] =	ssyncadd.s32 $0xFFFFD900  }
0x50: {  	[spmem:s29], [sflag:s26] =	dma.local @!p1 [hbm:s16], $0x100  }
0x51: {  	_ =	swait.ge @!p1 [sflag:s0], $0x100  }
0x52: {  	[sflag:s0] =	ssyncset.done @!p1 $0x0  }
0x53: {  	[sflag:s0] =	ssyncadd.s32 @!p1 $0xFFFFFF00  }
0x54: {  	s19 =	simm.s32 $0x13900;
	[bflag:$0x0] =	sbarrier.arrive $0xFFFF  }
0x55: {  	[tilespmem:s23], [sflag:$0x1] =	stream.indirect.gather [hbm4b:s1+s22], $0x80, s19, s22, $0xb8;
	[tilespmem:$0x1F100] =	vst v63  }
0x56: {  	_ =	swait.ge [sflag:s24], $0x4000  }
0x57: {  	[sflag:s24] =	ssyncset.done $0x0  }
0x58: {  	s31 =	simm.s32 $0x18900;
	[sflag:s24] =	ssyncadd.s32 $0xFFFFC000  }
0x59: {  	[spmem:s3] =	stream.indirect.scatter.add.f32 [tilespmem:s23], [sflag:$0x2], $0x80, s31, s22, $0xb8;
	[tilespmem:$0x1F100] =	vst v63  }
0x5a: {  	_ =	swait.ge [sflag:s20], $0x4000  }
0x5b: {  	s30 =	simm.s32 $0x400;
	s29 =	simm.s32 $0x80;
	[sflag:s20] =	ssyncset.done $0x0  }
.LBB2_8:
0x5c: {  	s0 =	sadd.s32 $0x13900, s29  }
0x5d: {  	[sflag:s20] =	ssyncadd.s32 $0xFFFFC000;
	s19 =	smov.u32 s30;
	s31 =	sadd.s32 $0x200, s30  }
0x5e: {  	[tilespmem:s23], [sflag:$0x1] =	stream.indirect.gather [hbm4b:s1+s22], $0x80, s0, s22, $0xb8;
	[tilespmem:$0x1F100] =	vst v63  }
0x5f: {  	p3 =	sne.s32 s30, $0x9E00;
	_ =	swait.ge [sflag:s24], $0x4000  }
.Ltmp4:
0x60: {  	[sflag:s24] =	ssyncset.done $0x0;
	(pc) =	sbr.rel @p3 .LBB2_8-.Ltmp4, $4  }
0x61: {  	s0 =	sadd.s32 $0x18900, s29;
	[sflag:s24] =	ssyncadd.s32 $0xFFFFC000  }
0x62: {  	[spmem:s3] =	stream.indirect.scatter.add.f32 [tilespmem:s23], [sflag:$0x2], $0x80, s0, s22, $0xb8;
	[tilespmem:$0x1F100] =	vst v63  }
0x63: {  	_ =	swait.ge [sflag:s20], $0x4000  }
0x64: {  	s29 =	sshra.s32 s19, $0x2;
	s30 =	smov.u32 s31;
	[sflag:s20] =	ssyncset.done $0x0  }
0x65: {  	s0 =	sadd.s32 $0x13900, s29;
	[sflag:s20] =	ssyncadd.s32 $0xFFFFC000  }
0x66: {  	[tilespmem:s23], [sflag:$0x1] =	stream.indirect.gather [hbm4b:s1+s22], $0x80, s0, s22, $0xb8;
	[tilespmem:$0x1F100] =	vst v63  }
0x67: {  	_ =	swait.ge [sflag:s24], $0x4000  }
0x68: {  	[sflag:s24] =	ssyncset.done $0x0  }
0x69: {  	s31 =	sadd.s32 $0x18900, s29;
	[sflag:s24] =	ssyncadd.s32 $0xFFFFC000  }
0x6a: {  	[spmem:s3] =	stream.indirect.scatter.add.f32 [tilespmem:s23], [sflag:$0x2], $0x80, s31, s22, $0xb8;
	[tilespmem:$0x1F100] =	vst v63  }
0x6b: {  	_ =	swait.ge [sflag:s20], $0x4000  }
0x6c: {  	[sflag:s20] =	ssyncset.done $0x0  }
0x6d: {  	[sflag:s20] =	ssyncadd.s32 $0xFFFFC000  }
0x6e: {  	[bflag:$0x0] =	sbarrier.arrive $0xFFFF  }
0x6f: {  	[hbm:s17], [sflag:s26] =	dma.local [spmem:s28], $0x2700  }
.Ltmp5:
0x70: {  	_ = 	snop;
	(pc) =	sbr.rel @p1 .LBB2_11-.Ltmp5, $4  }
.Ltmp6:
0x71: {  	_ = 	snop;
	(pc) =	sbr.rel @!p1 .LBB2_10-.Ltmp6, $4  }
0x72: {  	_ =	swait.ge [sflag:s20], $0x2700  }
0x73: {  	[sflag:s20] =	ssyncset.done $0x0  }
0x74: {  	s28 =	smov.u32 s7;
	[sflag:s20] =	ssyncadd.s32 $0xFFFFD900  }
0x75: {  	_ = 	snop  }
.LBB2_4:
0x76: {  	[spmem:s28], [sflag:s26] =	dma.local [hbm:s11], $0x2700  }
0x77: {  	_ =	swait.ge [sflag:s20], $0x2700  }
0x78: {  	[sflag:s20] =	ssyncset.done $0x0  }
0x79: {  	[sflag:s20] =	ssyncadd.s32 $0xFFFFD900  }
0x7a: {  	[spmem:s29], [sflag:s26] =	dma.local @!p1 [hbm:s13], $0x100  }
0x7b: {  	s29 =	simm.s32 @!p1 $0x2  }
0x7c: {  	_ =	swait.ge @!p1 [sflag:s29], $0x100  }
0x7d: {  	[sflag:s29] =	ssyncset.done @!p1 $0x0  }
0x7e: {  	[sflag:s29] =	ssyncadd.s32 @!p1 $0xFFFFFF00  }
0x7f: {  	s29 =	simm.s32 $0x13900;
	[bflag:$0x0] =	sbarrier.arrive $0xFFFF  }
0x80: {  	[tilespmem:s23], [sflag:$0x1] =	stream.indirect.gather [hbm4b:s5+s22], $0x80, s29, s22, $0xb8;
	[tilespmem:$0x1F100] =	vst v63  }
0x81: {  	_ =	swait.ge [sflag:s24], $0x4000  }
0x82: {  	[sflag:s24] =	ssyncset.done $0x0  }
0x83: {  	s29 =	simm.s32 $0x18900;
	[sflag:s24] =	ssyncadd.s32 $0xFFFFC000  }
0x84: {  	[spmem:s3] =	stream.indirect.scatter.add.f32 [tilespmem:s23], [sflag:$0x2], $0x80, s29, s22, $0xb8;
	[tilespmem:$0x1F100] =	vst v63  }
0x85: {  	_ =	swait.ge [sflag:s20], $0x4000  }
0x86: {  	s30 =	simm.s32 $0x400;
	s29 =	simm.s32 $0x80;
	[sflag:s20] =	ssyncset.done $0x0  }
.LBB2_5:
0x87: {  	s31 =	sadd.s32 $0x13900, s29  }
0x88: {  	[sflag:s20] =	ssyncadd.s32 $0xFFFFC000;
	s0 =	smov.u32 s30;
	s19 =	sadd.s32 $0x200, s30  }
0x89: {  	[tilespmem:s23], [sflag:$0x1] =	stream.indirect.gather [hbm4b:s5+s22], $0x80, s31, s22, $0xb8;
	[tilespmem:$0x1F100] =	vst v63  }
0x8a: {  	p3 =	sne.s32 s30, $0x9E00;
	_ =	swait.ge [sflag:s24], $0x4000  }
.Ltmp7:
0x8b: {  	[sflag:s24] =	ssyncset.done $0x0;
	(pc) =	sbr.rel @p3 .LBB2_5-.Ltmp7, $4  }
0x8c: {  	s29 =	sadd.s32 $0x18900, s29;
	[sflag:s24] =	ssyncadd.s32 $0xFFFFC000  }
0x8d: {  	[spmem:s3] =	stream.indirect.scatter.add.f32 [tilespmem:s23], [sflag:$0x2], $0x80, s29, s22, $0xb8;
	[tilespmem:$0x1F100] =	vst v63  }
0x8e: {  	_ =	swait.ge [sflag:s20], $0x4000  }
0x8f: {  	s30 =	smov.u32 s19;
	s29 =	sshra.s32 s0, $0x2;
	[sflag:s20] =	ssyncset.done $0x0  }
0x90: {  	s0 =	sadd.s32 $0x13900, s29;
	[sflag:s20] =	ssyncadd.s32 $0xFFFFC000  }
0x91: {  	[tilespmem:s23], [sflag:$0x1] =	stream.indirect.gather [hbm4b:s5+s22], $0x80, s0, s22, $0xb8;
	[tilespmem:$0x1F100] =	vst v63  }
0x92: {  	_ =	swait.ge [sflag:s24], $0x4000  }
0x93: {  	[sflag:s24] =	ssyncset.done $0x0  }
0x94: {  	s31 =	sadd.s32 $0x18900, s29;
	[sflag:s24] =	ssyncadd.s32 $0xFFFFC000  }
0x95: {  	[spmem:s3] =	stream.indirect.scatter.add.f32 [tilespmem:s23], [sflag:$0x2], $0x80, s31, s22, $0xb8;
	[tilespmem:$0x1F100] =	vst v63  }
0x96: {  	_ =	swait.ge [sflag:s20], $0x4000  }
0x97: {  	[sflag:s20] =	ssyncset.done $0x0  }
0x98: {  	[sflag:s20] =	ssyncadd.s32 $0xFFFFC000  }
0x99: {  	[bflag:$0x0] =	sbarrier.arrive $0xFFFF  }
0x9a: {  	[hbm:s14], [sflag:s26] =	dma.local [spmem:s28], $0x2700  }
.Ltmp8:
0x9b: {  	_ = 	snop;
	(pc) =	sbr.rel @p2 .LBB2_10-.Ltmp8, $4  }
.Ltmp9:
0x9c: {  	_ = 	snop;
	(pc) =	sbr.rel @!p2 .LBB2_11-.Ltmp9, $4  }
0x9d: {  	_ =	swait.ge [sflag:s20], $0x2700  }
0x9e: {  	[sflag:s20] =	ssyncset.done $0x0  }
0x9f: {  	s28 =	smov.u32 s6;
	[sflag:s20] =	ssyncadd.s32 $0xFFFFD900  }
0xa0: {  	_ = 	snop  }
.LBB2_12:
0xa1: {  	_ =	sfence.sel $0x180000  }
0xa2: {  	[bflag:$0x0] =	sbarrier.arrive $0xFFFF  }
0xa3: {  	_ =	strace $0x90000047  }
0xa4: {  	[bflag:$0x2] =	sbarrier.arrive $0xFFFF  }
0xa5: {  	p0 =	sne.s32 s2, $0x0;
	s0 =	rddreg [dreg:$0x3]  }
0xa6: {  	s0 =	sadd.s32 @!p0 $0x100000, s0  }
0xa7: {  	[sflag:s0] =	ssyncadd.tile.s32 @!p0 $0x1;
	_ =	shalt  }
.Lfunc_end2:
_tile_overlayer_lowered:
.L_overlay_start_2:
0xa8: {  	(tag) =	ssettag $0x2  }
0xa9: {  	s0 =	rddreg [dreg:$0x0];
	s2 =	stileid.u32  }
0xaa: {  	s1 =	rddreg [dreg:$0x1];
	p0 =	sne.s32 s2, $0x0  }
0xab: {  	s3 =	rddreg [dreg:$0x2];
	[bflag:$0x3] =	sbarrier.arrive $0xFFFF;
	s2 =	simm.s32 @!p0 $0x1C02  }
0xac: {  	[timem:s3], [sflag:s2] =	dma.local @!p0 [hbm:s0], s1  }
0xad: {  	s0 =	simm.s32 @!p0 $0x2  }
0xae: {  	_ =	swait.ge @!p0 [sflag:s0], s1  }
0xaf: {  	s1 =	ssub.s32 @!p0 $0x0, s1;
	[sflag:s0] =	ssyncset.done @!p0 $0x0  }
0xb0: {  	[sflag:s0] =	ssyncadd.s32 @!p0 s1  }
0xb1: {  	[bflag:$0x3] =	sbarrier.arrive $0xFFFF  }
0xb2: {  	_ =	shalt  }

// kernel: kernel.14.cloned.1.call-start
scs
__scs_entry_jumppad:
0x0: {  	(pc) =	sbr.rel $0x88, $3  }
0x1: {  	(tag) =	ssettag $0x0;
	lr =	simm.s32 $0x1  }
0x2: {  	[smem:$0x3F8C] =	sst lr;
	_ =	strace $0xD0000000  }
0x3: {  	_ = 	snop  }
0x4: {  	_ = 	snop  }
0x5: {  	_ = 	snop  }
0x6: {  	_ = 	snop  }
0x7: {  	_ = 	snop  }
__scs_overlays_trampoline_lowered:
0x8: {  	[smem:$0x3F9B] =	sst s0  }
0x9: {  	[smem:$0x3F9C] =	sst s1  }
0xa: {  	[smem:$0x3F9D] =	sst s2  }
0xb: {  	[smem:$0x3F9E] =	sst s3  }
0xc: {  	[smem:$0x3F9F] =	sst s4  }
0xd: {  	[smem:$0x3FA0] =	sst s5  }
0xe: {  	[smem:$0x3FA1] =	sst s6  }
0xf: {  	[smem:$0x3FA2] =	sst s7  }
0x10: {  	[smem:$0x3FA3] =	sst s8  }
0x11: {  	[smem:$0x3FA4] =	sst s9;
	s0 =	simm.s32 @!p0 $0x0  }
0x12: {  	s1 =	sld [smem:$0x3F8A];
	s0 =	simm.s32 @p0 $0x1  }
0x13: {  	[smem:$0x3FA5] =	sst s0;
	s0 =	simm.s32 @!p1 $0x0  }
0x14: {  	s2 =	sld [smem:$0x3F89];
	s0 =	simm.s32 @p1 $0x1  }
0x15: {  	[smem:$0x3FA6] =	sst s0;
	s0 =	simm.s32 @!p2 $0x0  }
0x16: {  	s3 =	sld [smem:$0x3FDB];
	s0 =	simm.s32 @p2 $0x1  }
0x17: {  	s4 =	simm.s32 $0x1BF5;
	[smem:$0x3FA8] =	sst s0  }
0x18: {  	s0 =	sld [smem:$0x3F8B];
	_ =	swait.ge [sflag:s4], $0x0  }
0x19: {  	s7 =	sld [smem:$0x3F8C]  }
0x1a: {  	s8 =	sadd.s32 $0xFFFFE003, lr  }
0x1b: {  	s9 =	sadd.s32 $0xFFFFFEF7, lr;
	s5 =	simm.s32 $0xFFFFFFFF;
	p2 =	slt.u32 s8, $0xFFFFF086  }
0x1c: {  	p1 =	slt.u32 s9, $0xF7A;
	s5 =	simm.s32 @!p2 $0x0  }
0x1d: {  	s5 =	simm.s32 @p1 $0x1;
	p0 =	seq.s32 s7, s2  }
0x1e: {  	s7 =	smul.u32 @!p0 $0xF7A, s2;
	p2 =	seq.s32 @!p0 s5, $0x0  }
0x1f: {  	s9 =	smul.u32 $0xF7A, s1;
	s8 =	simm.s32 @!p0 $0x1BF5;
	p2 =	por !p2, p0  }
0x20: {  	[sflag:s8] =	ssyncset.s32 @!p0 $0xFFFFF086;
	s6 =	sadd.s32 @!p0 s3, s7;
	s7 =	simm.s32 @!p0 $0x108  }
0x21: {  	s3 =	sadd.s32 s3, s9;
	s6 =	sadd.s32 @!p0 $0x88, s6;
	s7 =	simm.s32 @p2 $0x1082  }
0x22: {  	[simem:s7], [sflag:s8] =	dma.local @!p0 [hbm:s6], $0xF7A  }
0x23: {  	s9 =	sor.u32 $0xD0000000, s2;
	s6 =	simm.s32 $0x108;
	_ =	swait.ge @!p0 [sflag:s8], $0x0  }
0x24: {  	s3 =	sadd.s32 $0x88, s3;
	s6 =	simm.s32 @!p1 $0x1082;
	[sflag:s4] =	ssyncset.s32 $0xFFFFF086  }
0x25: {  	[simem:s6], [sflag:s4] =	dma.local [hbm:s3], $0xF7A  }
0x26: {  	[smem:$0x3F8C] =	sst s1;
	(tag) =	ssettag s2;
	_ =	strace s9  }
0x27: {  	s1 =	sld [smem:$0x3F9C]  }
0x28: {  	s2 =	sld [smem:$0x3F9D]  }
0x29: {  	s4 =	sld [smem:$0x3F9F]  }
0x2a: {  	p0 =	seq.s32 s5, $0x0;
	s5 =	sld [smem:$0x3FA0]  }
0x2b: {  	s6 =	sld [smem:$0x3FA1]  }
0x2c: {  	s7 =	sld [smem:$0x3FA2]  }
0x2d: {  	s3 =	simm.s32 $0x108;
	s8 =	sld [smem:$0x3FA3]  }
0x2e: {  	s3 =	simm.s32 @!p0 $0x1082;
	s9 =	sld [smem:$0x3FA4]  }
0x2f: {  	lr =	sadd.s32 s0, s3;
	s0 =	sld [smem:$0x3F9B]  }
0x30: {  	s3 =	sld [smem:$0x3F9E]  }
0x31: {  	[smem:$0x3FA7] =	sst s10  }
0x32: {  	s10 =	sld [smem:$0x3FA5];
	_ =	sdelay $0x3  }
0x33: {  	p0 =	seq.s32 s10, $0x1;
	s10 =	sld [smem:$0x3FA7];
	_ =	sdelay $0x3  }
0x34: {  	[smem:$0x3FA7] =	sst s10  }
0x35: {  	s10 =	sld [smem:$0x3FA6];
	_ =	sdelay $0x3  }
0x36: {  	p1 =	seq.s32 s10, $0x1;
	s10 =	sld [smem:$0x3FA7];
	_ =	sdelay $0x3  }
0x37: {  	[smem:$0x3FA7] =	sst s10  }
0x38: {  	s10 =	sld [smem:$0x3FA8]  }
0x39: {  	_ = 	snop;
	(pc) =	sbr.ind lr, $3  }
0x3a: {  	_ = 	snop  }
0x3b: {  	_ = 	snop  }
0x3c: {  	p2 =	seq.s32 s10, $0x1;
	s10 =	sld [smem:$0x3FA7]  }
0x3d: {  	_ =	shalt  }
0x3e: {  	_ =	shalt  }
0x3f: {  	_ =	shalt  }
0x40: {  	_ =	shalt  }
0x41: {  	_ =	shalt  }
0x42: {  	_ =	shalt  }
0x43: {  	_ =	shalt  }
0x44: {  	_ =	shalt  }
0x45: {  	_ =	shalt  }
0x46: {  	_ =	shalt  }
0x47: {  	_ =	shalt  }
0x48: {  	_ =	shalt  }
0x49: {  	_ =	shalt  }
0x4a: {  	_ =	shalt  }
0x4b: {  	_ =	shalt  }
0x4c: {  	_ =	shalt  }
0x4d: {  	_ =	shalt  }
0x4e: {  	_ =	shalt  }
0x4f: {  	_ =	shalt  }
0x50: {  	_ =	shalt  }
0x51: {  	_ =	shalt  }
0x52: {  	_ =	shalt  }
0x53: {  	_ =	shalt  }
0x54: {  	_ =	shalt  }
0x55: {  	_ =	shalt  }
0x56: {  	_ =	shalt  }
0x57: {  	_ =	shalt  }
0x58: {  	_ =	shalt  }
0x59: {  	_ =	shalt  }
0x5a: {  	_ =	shalt  }
0x5b: {  	_ =	shalt  }
0x5c: {  	_ =	shalt  }
0x5d: {  	_ =	shalt  }
0x5e: {  	_ =	shalt  }
0x5f: {  	_ =	shalt  }
0x60: {  	_ =	shalt  }
0x61: {  	_ =	shalt  }
0x62: {  	_ =	shalt  }
0x63: {  	_ =	shalt  }
0x64: {  	_ =	shalt  }
0x65: {  	_ =	shalt  }
0x66: {  	_ =	shalt  }
0x67: {  	_ =	shalt  }
0x68: {  	_ =	shalt  }
0x69: {  	_ =	shalt  }
0x6a: {  	_ =	shalt  }
0x6b: {  	_ =	shalt  }
0x6c: {  	_ =	shalt  }
0x6d: {  	_ =	shalt  }
0x6e: {  	_ =	shalt  }
0x6f: {  	_ =	shalt  }
0x70: {  	_ =	shalt  }
0x71: {  	_ =	shalt  }
0x72: {  	_ =	shalt  }
0x73: {  	_ =	shalt  }
0x74: {  	_ =	shalt  }
0x75: {  	_ =	shalt  }
0x76: {  	_ =	shalt  }
0x77: {  	_ =	shalt  }
0x78: {  	_ =	shalt  }
0x79: {  	_ =	shalt  }
0x7a: {  	_ =	shalt  }
0x7b: {  	_ =	shalt  }
0x7c: {  	_ =	shalt  }
0x7d: {  	_ =	shalt  }
0x7e: {  	_ =	shalt  }
0x7f: {  	_ =	shalt  }
0x80: {  	_ =	shalt  }
0x81: {  	_ =	shalt  }
0x82: {  	_ =	shalt  }
0x83: {  	_ =	shalt  }
0x84: {  	_ =	shalt  }
0x85: {  	_ =	shalt  }
0x86: {  	_ =	shalt  }
0x87: {  	_ =	shalt  }
.Lfunc_end0:
.L_simem_size_0:
called_computation.1_lowered:
.L_overlay_start_0:
0x88: {  	s2 =	sld [smem:$0x3FD9]  }
0x89: {  	s3 =	sld [smem:$0x3FFE];
	_ =	sdelay $0x1  }
0x8a: {  	s1 =	srdreg.scid  }
0x8b: {  	s0 =	sand.u32 $0x1, s1  }
0x8c: {  	s14 =	sshll.u32 s0, $0xA;
	s2 =	sadd.s32 s3, s2  }
0x8d: {  	s2 =	sadd.s32 s2, s14  }
0x8e: {  	[smem:$0x3FB3] =	sst s2  }
0x8f: {  	_ = 	snop  }
0x90: {  	s2 =	sld [smem:$0x3FD0];
	_ =	sdelay $0x2  }
0x91: {  	s15 =	simm.s32 $0xA;
	s4 =	simm.s32 $0x10  }
0x92: {  	[smem:s4], [sflag:s15] =	dma.local [hbm:s2], $0x1  }
0x93: {  	_ =	swait.eq [sflag:s15], $0x1  }
0x94: {  	[sflag:s15] =	ssyncset.done $0x0  }
0x95: {  	[sflag:s15] =	ssyncadd.s32 $0xFFFFFFFF  }
0x96: {  	s16 =	sld [smem:$0x10];
	(tm) =	ssettm $0x1  }
0x97: {  	s17 =	sld [smem:$0x3FFB];
	_ =	sdelay $0x3  }
0x98: {  	_ =	strace s17  }
0x99: {  	s3 =	sld [smem:$0x3FFC];
	_ =	sdelay $0x3  }
0x9a: {  	_ =	strace s3  }
0x9b: {  	s3 =	sld [smem:$0x3FFD];
	_ =	sdelay $0x3  }
0x9c: {  	_ =	strace s3  }
0x9d: {  	_ =	strace $0x8FFFFFFF  }
0x9e: {  	s18 =	sld [smem:$0x3FDB];
	_ =	sdelay $0x1  }
0x9f: {  	s19 =	simm.s32 $_scs_section_size  }
0xa0: {  	s5 =	simm.s32 $_size__tile_overlayer_lowered;
	s6 =	simm.s32 $_tile_overlayer_lowered  }
0xa1: {  	s22 =	simm.s32 $0x1BFF;
	s21 =	sshll.u32 s6, $0x1;
	s3 =	sadd.s32 s19, s18  }
0xa2: {  	s7 =	simm.s32 $0x0;
	s20 =	sshll.u32 s5, $0x1;
	s5 =	sadd.s32 s21, s3  }
0xa3: {  	[timem:s7], [sflag:s22] =	dma.local [hbm:s5], s20  }
0xa4: {  	_ =	swait.ge [sflag:s22], s20  }
0xa5: {  	s4 =	ssub.s32 $0x0, s20;
	[sflag:s22] =	ssyncset.done $0x0  }
0xa6: {  	[sflag:s22] =	ssyncadd.s32 s4;
	_ =	sdelay $0x1  }
0xa7: {  	s23 =	simm.s32 $0x1B8B  }
0xa8: {  	_ =	swait.ge [sflag:s23], $0x1  }
0xa9: {  	[sflag:s23] =	ssyncset.done $0x0  }
0xaa: {  	s25 =	simm.s32 $0x1B8E;
	s24 =	sld [smem:$0x3FFE];
	[sflag:s23] =	ssyncadd.s32 $0xFFFFFFFF  }
0xab: {  	s26 =	simm.s32 $execute0_lowered;
	[smem:$0x3FD2] =	sst s25  }
0xac: {  	s5 =	sshll.u32 s26, $0x1;
	_ =	strace $0x80000049;
	[dreg:$0x1] =	wrdreg $0xFFFFFFFF  }
0xad: {  	s28 =	simm.s32 $_size_execute0_lowered;
	s3 =	sadd.s32 s3, s5;
	[dreg:$0x0] =	wrdreg $0x0  }
0xae: {  	s5 =	sshll.u32 s28, $0x1;
	[dreg:$0x2] =	wrdreg s3  }
0xaf: {  	[dreg:$0x3] =	wrdreg s5  }
0xb0: {  	[dreg:$0x4] =	wrdreg $0xC0  }
0xb1: {  	_ =	task [dreg:s7], $0x5FFFF  }
0xb2: {  	[dreg:$0x1] =	wrdreg $0xFFFFFFFF  }
0xb3: {  	[dreg:$0x0] =	wrdreg $0x60  }
0xb4: {  	[dreg:$0x2] =	wrdreg s16  }
0xb5: {  	[dreg:$0x3] =	wrdreg s24  }
0xb6: {  	[dreg:$0x4] =	wrdreg $0x0  }
0xb7: {  	[dreg:$0x5] =	wrdreg $0x9  }
0xb8: {  	_ =	task.clear_ibuf [dreg:s7], $0x6FFFF;
	_ =	strace $0x90000049  }
0xb9: {  	s29 =	simm.s32 $0x9;
	_ =	strace $0x8000004B  }
0xba: {  	_ =	swait.ge [sflag:s29], $0x1  }
0xbb: {  	[sflag:s29] =	ssyncadd.s32 $0xFFFFFFFF  }
0xbc: {  	_ =	strace $0x9000004B  }
0xbd: {  	_ =	sfence  }
0xbe: {  	s30 =	sld [smem:$0x0];
	_ =	sdelay $0x2  }
0xbf: {  	s31 =	sshll.u32 s1, $0xD;
	s1 =	sshrl.u32 s1, $0x2  }
0xc0: {  	s3 =	sand.u32 $0x4000, s31;
	s1 =	sadd.s32 s1, s30  }
0xc1: {  	s0 =	sor.u32 s3, s0;
	s1 =	sshll.u32 s1, $0x11  }
0xc2: {  	s0 =	sor.u32 s1, s0  }
0xc3: {  	s0 =	sadd.s32 $0x8F2B, s0  }
0xc4: {  	[sflag:s0] =	ssyncadd.remote.s32 $0x1  }
0xc5: {  	_ =	sfence.sel $0xFFFF  }
0xc6: {  	[dreg:$0x0] =	wrdreg $0xFFFFFFFF;
	(pc) =	sbr.abs _section_cstart, $3  }
0xc7: {  	[dreg:$0x1] =	wrdreg $0xFFFFFFFF  }
0xc8: {  	_ =	task.clear_ibuf [dreg:s7], $0x2FFFF;
	_ =	strace $0x9FFFFFFF  }
0xc9: {  	(tm) =	ssettm $0x7FFFFFFF  }
tec
execute0_lowered:
.L_overlay_start_1:
0x0: {  	(tag) =	ssettag $0x1  }
0x1: {  	s1 =	rddreg [dreg:$0x0]  }
0x2: {  	s0 =	rddreg [dreg:$0x1]  }
0x3: {  	s2 =	rddreg [dreg:$0x2]  }
0x4: {  	s4 =	simm.s32 $0x0;
	s3 =	stileid.u32;
	s9 =	srdreg.scid  }
0x5: {  	s31 =	simm.s32 $0x2;
	[smem:$0x7FF] =	sst s4;
	s8 =	smul.u32 $0x500, s3  }
0x6: {  	s5 =	sadd.s32 $0x6800, s0;
	s6 =	sadd.s32 $0x37A00, s0;
	s13 =	smul.u32 $0x2700, s3  }
0x7: {  	s7 =	sadd.s32 $0x5EC00, s0;
	s12 =	sand.u32 $0x1, s9;
	s15 =	smul.u32 $0x4E000, s3  }
0x8: {  	s9 =	sadd.s32 $0xFB400, s0;
	s17 =	sadd.s32 $0xACE00, s0;
	s22 =	sadd.s32 $0x2D800, s0  }
0x9: {  	s25 =	sadd.s32 $0x5EA00, s0;
	_ =	strace $0x8000004A;
	[dreg:$0x6] =	wrdreg s17  }
0xa: {  	s26 =	sadd.s32 $0xFB200, s0;
	p1 =	sne.s32 s3, $0xF;
	[dreg:$0x7] =	wrdreg s22  }
0xb: {  	p2 =	seq.s32 s3, $0xF;
	s28 =	sadd.s32 $0x138000, s2;
	[dreg:$0xa] =	wrdreg s25  }
0xc: {  	s30 =	sadd.s32 $0x27000, s1;
	s10 =	ssub.s32 $0x2, s12;
	[dreg:$0xc] =	wrdreg s26  }
0xd: {  	p0 =	seq.s32 s12, $0x1;
	[dreg:$0xf] =	wrdreg s30;
	s17 =	simm.s32 $0x0  }
0xe: {  	s11 =	sadd.s32 s8, s0;
	s8 =	sadd.s32 $0xAD000, s0;
	s14 =	sshrl.u32 s10, $0x1  }
0xf: {  	s16 =	sadd.s32 s13, s0;
	s15 =	sshrl.u32 s15, $0x2;
	s20 =	sadd.s32 s1, s13  }
0x10: {  	s24 =	sadd.s32 s6, s13;
	s0 =	sadd.s32 $0x85C00, s0;
	[dreg:$0x4] =	wrdreg s20  }
0x11: {  	s29 =	sadd.s32 s9, s13;
	s14 =	ssub.s32 s10, s14;
	[dreg:$0x9] =	wrdreg s24  }
0x12: {  	s10 =	sadd.s32 $0x2DA00, s11;
	s11 =	sadd.s32 $0x32A00, s11;
	[dreg:$0xd] =	wrdreg s0  }
.Ltmp0:
0x13: {  	s21 =	sadd.s32 $0x85E00, s16;
	[dreg:$0xe] =	wrdreg s29;
	(pc) =	sbr.rel .LBB2_1-.Ltmp0, $4  }
0x14: {  	s12 =	sadd.s32 s15, s2;
	s23 =	sadd.s32 s8, s13;
	[dreg:$0x5] =	wrdreg s21  }
0x15: {  	s15 =	sadd.s32 s5, s13;
	s16 =	sadd.s32 $0xD4200, s16;
	[dreg:$0x8] =	wrdreg s23  }
0x16: {  	s24 =	sadd.s32 s7, s13;
	s13 =	simm.s32 $0x80;
	[dreg:$0xb] =	wrdreg s16  }
0x17: {  	s26 =	smax.u32 s14, $0x1;
	s14 =	simm.s32 $0x1B100;
	s16 =	simm.s32 $0x1  }
.LBB2_14:
0x18: {  	s0 =	sadd.s32 $0x27000, s0;
	s18 =	sshrl.u32 s28, $0x3  }
0x19: {  	[hbm:s0], [sflag:s30] =	dma.local [spmem:s18], $0x100  }
0x1a: {  	_ =	swait.ge [sflag:s31], $0x100  }
0x1b: {  	[sflag:s31] =	ssyncset.done $0x0  }
0x1c: {  	[sflag:s31] =	ssyncadd.s32 $0xFFFFFF00  }
.LBB2_15:
0x1d: {  	s17 =	sadd.s32 $0x1, s17  }
0x1e: {  	p3 =	sne.s32 s17, s26  }
.Ltmp1:
0x1f: {  	_ = 	snop;
	(pc) =	sbr.rel @!p3 .LBB2_16-.Ltmp1, $1  }
0x20: {  	_ =	sdelay $0x3  }
.LBB2_1:
0x21: {  	s0 =	simm.s32 $0x13900  }
0x22: {  	[tilespmem:s0], [sflag:$0x2] =	stream.linear.gather [hbm4b:s10+s4], $0x2800, $0x38;
	[tilespmem:$0x1F100] =	vst v63  }
0x23: {  	_ =	swait.ge [sflag:s31], $0x2800  }
0x24: {  	[sflag:s31] =	ssyncset.done $0x0  }
0x25: {  	s30 =	simm.s32 $0x16100;
	[sflag:s31] =	ssyncadd.s32 $0xFFFFD800  }
0x26: {  	[tilespmem:s30], [sflag:$0x2] =	stream.linear.gather [hbm4b:s11+s4], $0x2800, $0x38;
	[tilespmem:$0x1F100] =	vst v63  }
0x27: {  	_ =	swait.ge [sflag:s31], $0x2800  }
0x28: {  	[sflag:s31] =	ssyncset.done $0x0  }
0x29: {  	s18 =	simm.s32 $0x16140;
	[sflag:s31] =	ssyncadd.s32 $0xFFFFD800  }
0x2a: {  	v0 =	vld [tilespmem:s18+$0xFFFFFFC0];
	_ =	sdelay $0x3  }
0x2b: {  	s0 =	simm.s32 $0x18940  }
0x2c: {  	[tilespmem:s0+$0xFFFFFFC0] =	vst v0  }
0x2d: {  	v0 =	vld [tilespmem:s18+$0xFFFFFFD0];
	_ =	sdelay $0x4  }
0x2e: {  	[tilespmem:s0+$0xFFFFFFD0] =	vst v0  }
0x2f: {  	v0 =	vld [tilespmem:s18+$0xFFFFFFE0];
	_ =	sdelay $0x4  }
0x30: {  	[tilespmem:s0+$0xFFFFFFE0] =	vst v0  }
0x31: {  	v0 =	vld [tilespmem:s18+$0xFFFFFFF0];
	_ =	sdelay $0x4  }
0x32: {  	[tilespmem:s0+$0xFFFFFFF0] =	vst v0  }
0x33: {  	v0 =	vld [tilespmem:s18+$0x0];
	_ =	sdelay $0x4  }
0x34: {  	[tilespmem:s0+$0x0] =	vst v0  }
0x35: {  	v0 =	vld [tilespmem:s18+$0x10];
	_ =	sdelay $0x4  }
0x36: {  	[tilespmem:s0+$0x10] =	vst v0  }
0x37: {  	v0 =	vld [tilespmem:s18+$0x20];
	_ =	sdelay $0x4  }
0x38: {  	[tilespmem:s0+$0x20] =	vst v0  }
0x39: {  	v0 =	vld [tilespmem:s18+$0x30];
	_ =	sdelay $0x4  }
0x3a: {  	s19 =	simm.s32 $0x161C0;
	s18 =	simm.s32 $0x0;
	[tilespmem:s0+$0x30] =	vst v0  }
.LBB2_2:
0x3b: {  	v0 =	vld [tilespmem:s19+$0xFFFFFFC0];
	s18 =	sadd.s32 $0x8, s18  }
0x3c: {  	p3 =	slt.u32 s18, $0x278;
	_ =	sdelay $0x2  }
0x3d: {  	s0 =	sadd.s32 $0x80, s0  }
0x3e: {  	[tilespmem:s0+$0xFFFFFFC0] =	vst v0  }
0x3f: {  	v0 =	vld [tilespmem:s19+$0xFFFFFFD0];
	_ =	sdelay $0x4  }
0x40: {  	[tilespmem:s0+$0xFFFFFFD0] =	vst v0  }
0x41: {  	v0 =	vld [tilespmem:s19+$0xFFFFFFE0];
	_ =	sdelay $0x4  }
0x42: {  	[tilespmem:s0+$0xFFFFFFE0] =	vst v0  }
0x43: {  	v0 =	vld [tilespmem:s19+$0xFFFFFFF0];
	_ =	sdelay $0x4  }
0x44: {  	[tilespmem:s0+$0xFFFFFFF0] =	vst v0  }
0x45: {  	v0 =	vld [tilespmem:s19+$0x0];
	_ =	sdelay $0x4  }
0x46: {  	[tilespmem:s0+$0x0] =	vst v0  }
0x47: {  	v0 =	vld [tilespmem:s19+$0x10];
	_ =	sdelay $0x4  }
0x48: {  	[tilespmem:s0+$0x10] =	vst v0  }
0x49: {  	v0 =	vld [tilespmem:s19+$0x20];
	_ =	sdelay $0x4  }
0x4a: {  	[tilespmem:s0+$0x20] =	vst v0  }
0x4b: {  	v0 =	vld [tilespmem:s19+$0x30]  }
.Ltmp2:
0x4c: {  	(pc) =	sbr.rel @p3 .LBB2_2-.Ltmp2, $2  }
0x4d: {  	_ =	sdelay $0x2  }
0x4e: {  	s19 =	sadd.s32 $0x80, s19;
	[tilespmem:s0+$0x30] =	vst v0  }
.Ltmp3:
0x4f: {  	(pc) =	sbr.rel @!p0 .LBB2_4-.Ltmp3, $3  }
0x50: {  	_ =	sdelay $0x1  }
0x51: {  	s21 =	sshll.u32 s3, $0x6;
	s18 =	sshrl.u32 s12, $0x3;
	s19 =	sshrl.u32 @!p1 s28, $0x3  }
0x52: {  	s20 =	sshrl.u32 @p1 s12, $0x3;
	s0 =	sshrl.u32 @!p1 s12, $0x3;
	s30 =	sor.u32 $0x1C02, s21  }
0x53: {  	s30 =	sor.u32 $0x1C02, s21;
	s23 =	rddreg [dreg:$0x9]  }
0x54: {  	[spmem:s18], [sflag:s30] =	dma.local [hbm:s23], $0x2700  }
0x55: {  	_ =	swait.ge [sflag:s31], $0x2700  }
0x56: {  	[sflag:s31] =	ssyncset.done $0x0  }
0x57: {  	s21 =	rddreg [dreg:$0xa];
	[sflag:s31] =	ssyncadd.s32 $0xFFFFD900  }
0x58: {  	[spmem:s19], [sflag:s30] =	dma.local @!p1 [hbm:s21], $0x100  }
0x59: {  	s21 =	simm.s32 @!p1 $0x2  }
0x5a: {  	_ =	swait.ge @!p1 [sflag:s21], $0x100  }
0x5b: {  	[sflag:s21] =	ssyncset.done @!p1 $0x0  }
0x5c: {  	[sflag:s21] =	ssyncadd.s32 @!p1 $0xFFFFFF00  }
0x5d: {  	s25 =	simm.s32 $0x13900;
	[bflag:$0x0] =	sbarrier.arrive $0xFFFF  }
0x5e: {  	[tilespmem:s14], [sflag:$0x1] =	stream.indirect.gather [hbm4b:s6+s13], $0x80, s25, s13, $0xb8;
	[tilespmem:$0x1F100] =	vst v63  }
0x5f: {  	_ =	swait.ge [sflag:s16], $0x4000  }
0x60: {  	[sflag:s16] =	ssyncset.done $0x0  }
0x61: {  	s29 =	simm.s32 $0x18900;
	[sflag:s16] =	ssyncadd.s32 $0xFFFFC000  }
0x62: {  	[spmem:s2] =	stream.indirect.scatter.add.f32 [tilespmem:s14], [sflag:$0x2], $0x80, s29, s13, $0xb8;
	[tilespmem:$0x1F100] =	vst v63  }
0x63: {  	_ =	swait.ge [sflag:s31], $0x4000  }
0x64: {  	s22 =	simm.s32 $0x400;
	s21 =	simm.s32 $0x80;
	[sflag:s31] =	ssyncset.done $0x0  }
.LBB2_10:
0x65: {  	s23 =	sadd.s32 $0x13900, s21  }
0x66: {  	[sflag:s31] =	ssyncadd.s32 $0xFFFFC000;
	s25 =	smov.u32 s22;
	s29 =	sadd.s32 $0x200, s22  }
0x67: {  	[tilespmem:s14], [sflag:$0x1] =	stream.indirect.gather [hbm4b:s6+s13], $0x80, s23, s13, $0xb8;
	[tilespmem:$0x1F100] =	vst v63  }
0x68: {  	p3 =	sne.s32 s22, $0x9E00;
	_ =	swait.ge [sflag:s16], $0x4000  }
.Ltmp4:
0x69: {  	[sflag:s16] =	ssyncset.done $0x0;
	(pc) =	sbr.rel @p3 .LBB2_10-.Ltmp4, $4  }
0x6a: {  	s21 =	sadd.s32 $0x18900, s21;
	[sflag:s16] =	ssyncadd.s32 $0xFFFFC000  }
0x6b: {  	[spmem:s2] =	stream.indirect.scatter.add.f32 [tilespmem:s14], [sflag:$0x2], $0x80, s21, s13, $0xb8;
	[tilespmem:$0x1F100] =	vst v63  }
0x6c: {  	_ =	swait.ge [sflag:s31], $0x4000  }
0x6d: {  	s22 =	smov.u32 s29;
	s21 =	sshra.s32 s25, $0x2;
	[sflag:s31] =	ssyncset.done $0x0  }
0x6e: {  	s22 =	sadd.s32 $0x13900, s21;
	[sflag:s31] =	ssyncadd.s32 $0xFFFFC000  }
0x6f: {  	[tilespmem:s14], [sflag:$0x1] =	stream.indirect.gather [hbm4b:s6+s13], $0x80, s22, s13, $0xb8;
	[tilespmem:$0x1F100] =	vst v63  }
0x70: {  	_ =	swait.ge [sflag:s16], $0x4000  }
0x71: {  	[sflag:s16] =	ssyncset.done $0x0  }
0x72: {  	s22 =	sadd.s32 $0x18900, s21;
	[sflag:s16] =	ssyncadd.s32 $0xFFFFC000  }
0x73: {  	[spmem:s2] =	stream.indirect.scatter.add.f32 [tilespmem:s14], [sflag:$0x2], $0x80, s22, s13, $0xb8;
	[tilespmem:$0x1F100] =	vst v63  }
0x74: {  	_ =	swait.ge [sflag:s31], $0x4000  }
0x75: {  	[sflag:s31] =	ssyncset.done $0x0  }
0x76: {  	[sflag:s31] =	ssyncadd.s32 $0xFFFFC000  }
0x77: {  	[bflag:$0x0] =	sbarrier.arrive $0xFFFF  }
0x78: {  	s23 =	rddreg [dreg:$0xb]  }
0x79: {  	[hbm:s23], [sflag:s30] =	dma.local [spmem:s18], $0x2700  }
0x7a: {  	_ =	swait.ge [sflag:s31], $0x2700  }
0x7b: {  	[sflag:s31] =	ssyncset.done $0x0  }
0x7c: {  	[sflag:s31] =	ssyncadd.s32 $0xFFFFD900  }
0x7d: {  	[bflag:$0x0] =	sbarrier.arrive @p1 $0xFFFF  }
0x7e: {  	[spmem:s20], [sflag:s30] =	dma.local @p1 [hbm:s24], $0x2700  }
0x7f: {  	s20 =	simm.s32 @p1 $0x2  }
0x80: {  	_ =	swait.ge @p1 [sflag:s20], $0x2700  }
0x81: {  	[sflag:s20] =	ssyncset.done @p1 $0x0  }
0x82: {  	[sflag:s20] =	ssyncadd.s32 @p1 $0xFFFFD900;
	s20 =	rddreg [dreg:$0xc]  }
0x83: {  	[hbm:s20], [sflag:s30] =	dma.local @!p1 [spmem:s19], $0x100  }
0x84: {  	s20 =	simm.s32 @!p1 $0x2  }
0x85: {  	_ =	swait.ge @!p1 [sflag:s20], $0x100  }
0x86: {  	[sflag:s20] =	ssyncset.done @!p1 $0x0  }
0x87: {  	[sflag:s20] =	ssyncadd.s32 @!p1 $0xFFFFFF00  }
0x88: {  	[bflag:$0x0] =	sbarrier.arrive @!p1 $0xFFFF  }
0x89: {  	[spmem:s0], [sflag:s30] =	dma.local @!p1 [hbm:s24], $0x2700  }
0x8a: {  	_ =	swait.ge @!p1 [sflag:s20], $0x2700  }
0x8b: {  	[sflag:s20] =	ssyncset.done @!p1 $0x0  }
0x8c: {  	s0 =	rddreg [dreg:$0xd];
	[sflag:s20] =	ssyncadd.s32 @!p1 $0xFFFFD900  }
0x8d: {  	[spmem:s19], [sflag:s30] =	dma.local @!p1 [hbm:s0], $0x100  }
0x8e: {  	_ =	swait.ge @!p1 [sflag:s20], $0x100  }
0x8f: {  	[sflag:s20] =	ssyncset.done @!p1 $0x0  }
0x90: {  	[sflag:s20] =	ssyncadd.s32 @!p1 $0xFFFFFF00  }
0x91: {  	s25 =	simm.s32 $0x13900;
	[bflag:$0x0] =	sbarrier.arrive $0xFFFF  }
0x92: {  	[tilespmem:s14], [sflag:$0x1] =	stream.indirect.gather [hbm4b:s7+s13], $0x80, s25, s13, $0xb8;
	[tilespmem:$0x1F100] =	vst v63  }
0x93: {  	_ =	swait.ge [sflag:s16], $0x4000  }
0x94: {  	[sflag:s16] =	ssyncset.done $0x0  }
0x95: {  	s29 =	simm.s32 $0x18900;
	[sflag:s16] =	ssyncadd.s32 $0xFFFFC000  }
0x96: {  	[spmem:s2] =	stream.indirect.scatter.add.f32 [tilespmem:s14], [sflag:$0x2], $0x80, s29, s13, $0xb8;
	[tilespmem:$0x1F100] =	vst v63  }
0x97: {  	_ =	swait.ge [sflag:s31], $0x4000  }
0x98: {  	s19 =	simm.s32 $0x400;
	s0 =	simm.s32 $0x80;
	[sflag:s31] =	ssyncset.done $0x0  }
.LBB2_12:
0x99: {  	s20 =	sadd.s32 $0x13900, s0  }
0x9a: {  	[sflag:s31] =	ssyncadd.s32 $0xFFFFC000;
	s21 =	smov.u32 s19;
	s22 =	sadd.s32 $0x200, s19  }
0x9b: {  	[tilespmem:s14], [sflag:$0x1] =	stream.indirect.gather [hbm4b:s7+s13], $0x80, s20, s13, $0xb8;
	[tilespmem:$0x1F100] =	vst v63  }
0x9c: {  	p3 =	sne.s32 s19, $0x9E00;
	_ =	swait.ge [sflag:s16], $0x4000  }
.Ltmp5:
0x9d: {  	[sflag:s16] =	ssyncset.done $0x0;
	(pc) =	sbr.rel @p3 .LBB2_12-.Ltmp5, $4  }
0x9e: {  	s0 =	sadd.s32 $0x18900, s0;
	[sflag:s16] =	ssyncadd.s32 $0xFFFFC000  }
0x9f: {  	[spmem:s2] =	stream.indirect.scatter.add.f32 [tilespmem:s14], [sflag:$0x2], $0x80, s0, s13, $0xb8;
	[tilespmem:$0x1F100] =	vst v63  }
0xa0: {  	_ =	swait.ge [sflag:s31], $0x4000  }
0xa1: {  	s19 =	smov.u32 s22;
	s0 =	sshra.s32 s21, $0x2;
	[sflag:s31] =	ssyncset.done $0x0  }
0xa2: {  	s19 =	sadd.s32 $0x13900, s0;
	[sflag:s31] =	ssyncadd.s32 $0xFFFFC000  }
0xa3: {  	[tilespmem:s14], [sflag:$0x1] =	stream.indirect.gather [hbm4b:s7+s13], $0x80, s19, s13, $0xb8;
	[tilespmem:$0x1F100] =	vst v63  }
0xa4: {  	_ =	swait.ge [sflag:s16], $0x4000  }
0xa5: {  	[sflag:s16] =	ssyncset.done $0x0  }
0xa6: {  	s25 =	sadd.s32 $0x18900, s0;
	[sflag:s16] =	ssyncadd.s32 $0xFFFFC000  }
0xa7: {  	[spmem:s2] =	stream.indirect.scatter.add.f32 [tilespmem:s14], [sflag:$0x2], $0x80, s25, s13, $0xb8;
	[tilespmem:$0x1F100] =	vst v63  }
0xa8: {  	_ =	swait.ge [sflag:s31], $0x4000  }
0xa9: {  	[sflag:s31] =	ssyncset.done $0x0  }
0xaa: {  	[sflag:s31] =	ssyncadd.s32 $0xFFFFC000  }
0xab: {  	[bflag:$0x0] =	sbarrier.arrive $0xFFFF  }
0xac: {  	s29 =	rddreg [dreg:$0xe]  }
0xad: {  	[hbm:s29], [sflag:s30] =	dma.local [spmem:s18], $0x2700  }
.Ltmp6:
0xae: {  	_ = 	snop;
	(pc) =	sbr.rel @p1 .LBB2_15-.Ltmp6, $4  }
.Ltmp7:
0xaf: {  	_ = 	snop;
	(pc) =	sbr.rel @!p1 .LBB2_14-.Ltmp7, $4  }
0xb0: {  	_ =	swait.ge [sflag:s31], $0x2700  }
0xb1: {  	[sflag:s31] =	ssyncset.done $0x0  }
0xb2: {  	s0 =	smov.u32 s9;
	[sflag:s31] =	ssyncadd.s32 $0xFFFFD900  }
0xb3: {  	_ = 	snop  }
.LBB2_4:
0xb4: {  	s21 =	rddreg [dreg:$0x4]  }
0xb5: {  	[spmem:s18], [sflag:s30] =	dma.local [hbm:s21], $0x2700  }
0xb6: {  	_ =	swait.ge [sflag:s31], $0x2700  }
0xb7: {  	[sflag:s31] =	ssyncset.done $0x0  }
0xb8: {  	s21 =	rddreg [dreg:$0xf];
	[sflag:s31] =	ssyncadd.s32 $0xFFFFD900  }
0xb9: {  	[spmem:s19], [sflag:s30] =	dma.local @!p1 [hbm:s21], $0x100  }
0xba: {  	s21 =	simm.s32 @!p1 $0x2  }
0xbb: {  	_ =	swait.ge @!p1 [sflag:s21], $0x100  }
0xbc: {  	[sflag:s21] =	ssyncset.done @!p1 $0x0  }
0xbd: {  	[sflag:s21] =	ssyncadd.s32 @!p1 $0xFFFFFF00  }
0xbe: {  	s25 =	simm.s32 $0x13900;
	[bflag:$0x0] =	sbarrier.arrive $0xFFFF  }
0xbf: {  	[tilespmem:s14], [sflag:$0x1] =	stream.indirect.gather [hbm4b:s1+s13], $0x80, s25, s13, $0xb8;
	[tilespmem:$0x1F100] =	vst v63  }
0xc0: {  	_ =	swait.ge [sflag:s16], $0x4000  }
0xc1: {  	[sflag:s16] =	ssyncset.done $0x0  }
0xc2: {  	s29 =	simm.s32 $0x18900;
	[sflag:s16] =	ssyncadd.s32 $0xFFFFC000  }
0xc3: {  	[spmem:s2] =	stream.indirect.scatter.add.f32 [tilespmem:s14], [sflag:$0x2], $0x80, s29, s13, $0xb8;
	[tilespmem:$0x1F100] =	vst v63  }
0xc4: {  	_ =	swait.ge [sflag:s31], $0x4000  }
0xc5: {  	s22 =	simm.s32 $0x400;
	s21 =	simm.s32 $0x80;
	[sflag:s31] =	ssyncset.done $0x0  }
.LBB2_5:
0xc6: {  	s23 =	sadd.s32 $0x13900, s21  }
0xc7: {  	[sflag:s31] =	ssyncadd.s32 $0xFFFFC000;
	s25 =	smov.u32 s22;
	s29 =	sadd.s32 $0x200, s22  }
0xc8: {  	[tilespmem:s14], [sflag:$0x1] =	stream.indirect.gather [hbm4b:s1+s13], $0x80, s23, s13, $0xb8;
	[tilespmem:$0x1F100] =	vst v63  }
0xc9: {  	p3 =	sne.s32 s22, $0x9E00;
	_ =	swait.ge [sflag:s16], $0x4000  }
.Ltmp8:
0xca: {  	[sflag:s16] =	ssyncset.done $0x0;
	(pc) =	sbr.rel @p3 .LBB2_5-.Ltmp8, $4  }
0xcb: {  	s21 =	sadd.s32 $0x18900, s21;
	[sflag:s16] =	ssyncadd.s32 $0xFFFFC000  }
0xcc: {  	[spmem:s2] =	stream.indirect.scatter.add.f32 [tilespmem:s14], [sflag:$0x2], $0x80, s21, s13, $0xb8;
	[tilespmem:$0x1F100] =	vst v63  }
0xcd: {  	_ =	swait.ge [sflag:s31], $0x4000  }
0xce: {  	s22 =	smov.u32 s29;
	s21 =	sshra.s32 s25, $0x2;
	[sflag:s31] =	ssyncset.done $0x0  }
0xcf: {  	s22 =	sadd.s32 $0x13900, s21;
	[sflag:s31] =	ssyncadd.s32 $0xFFFFC000  }
0xd0: {  	[tilespmem:s14], [sflag:$0x1] =	stream.indirect.gather [hbm4b:s1+s13], $0x80, s22, s13, $0xb8;
	[tilespmem:$0x1F100] =	vst v63  }
0xd1: {  	_ =	swait.ge [sflag:s16], $0x4000  }
0xd2: {  	[sflag:s16] =	ssyncset.done $0x0  }
0xd3: {  	s22 =	sadd.s32 $0x18900, s21;
	[sflag:s16] =	ssyncadd.s32 $0xFFFFC000  }
0xd4: {  	[spmem:s2] =	stream.indirect.scatter.add.f32 [tilespmem:s14], [sflag:$0x2], $0x80, s22, s13, $0xb8;
	[tilespmem:$0x1F100] =	vst v63  }
0xd5: {  	_ =	swait.ge [sflag:s31], $0x4000  }
0xd6: {  	[sflag:s31] =	ssyncset.done $0x0  }
0xd7: {  	[sflag:s31] =	ssyncadd.s32 $0xFFFFC000  }
0xd8: {  	[bflag:$0x0] =	sbarrier.arrive $0xFFFF  }
0xd9: {  	s23 =	rddreg [dreg:$0x5]  }
0xda: {  	[hbm:s23], [sflag:s30] =	dma.local [spmem:s18], $0x2700  }
0xdb: {  	_ =	swait.ge [sflag:s31], $0x2700  }
0xdc: {  	[sflag:s31] =	ssyncset.done $0x0  }
0xdd: {  	[sflag:s31] =	ssyncadd.s32 $0xFFFFD900  }
0xde: {  	[bflag:$0x0] =	sbarrier.arrive @p1 $0xFFFF  }
0xdf: {  	[spmem:s20], [sflag:s30] =	dma.local @p1 [hbm:s15], $0x2700  }
0xe0: {  	s20 =	simm.s32 @p1 $0x2  }
0xe1: {  	_ =	swait.ge @p1 [sflag:s20], $0x2700  }
0xe2: {  	[sflag:s20] =	ssyncset.done @p1 $0x0  }
0xe3: {  	[sflag:s20] =	ssyncadd.s32 @p1 $0xFFFFD900;
	s20 =	rddreg [dreg:$0x6]  }
0xe4: {  	[hbm:s20], [sflag:s30] =	dma.local @!p1 [spmem:s19], $0x100  }
0xe5: {  	s20 =	simm.s32 @!p1 $0x2  }
0xe6: {  	_ =	swait.ge @!p1 [sflag:s20], $0x100  }
0xe7: {  	[sflag:s20] =	ssyncset.done @!p1 $0x0  }
0xe8: {  	[sflag:s20] =	ssyncadd.s32 @!p1 $0xFFFFFF00  }
0xe9: {  	[bflag:$0x0] =	sbarrier.arrive @!p1 $0xFFFF  }
0xea: {  	[spmem:s0], [sflag:s30] =	dma.local @!p1 [hbm:s15], $0x2700  }
0xeb: {  	_ =	swait.ge @!p1 [sflag:s20], $0x2700  }
0xec: {  	[sflag:s20] =	ssyncset.done @!p1 $0x0  }
0xed: {  	s0 =	rddreg [dreg:$0x7];
	[sflag:s20] =	ssyncadd.s32 @!p1 $0xFFFFD900  }
0xee: {  	[spmem:s19], [sflag:s30] =	dma.local @!p1 [hbm:s0], $0x100  }
0xef: {  	_ =	swait.ge @!p1 [sflag:s20], $0x100  }
0xf0: {  	[sflag:s20] =	ssyncset.done @!p1 $0x0  }
0xf1: {  	[sflag:s20] =	ssyncadd.s32 @!p1 $0xFFFFFF00  }
0xf2: {  	s25 =	simm.s32 $0x13900;
	[bflag:$0x0] =	sbarrier.arrive $0xFFFF  }
0xf3: {  	[tilespmem:s14], [sflag:$0x1] =	stream.indirect.gather [hbm4b:s5+s13], $0x80, s25, s13, $0xb8;
	[tilespmem:$0x1F100] =	vst v63  }
0xf4: {  	_ =	swait.ge [sflag:s16], $0x4000  }
0xf5: {  	[sflag:s16] =	ssyncset.done $0x0  }
0xf6: {  	s29 =	simm.s32 $0x18900;
	[sflag:s16] =	ssyncadd.s32 $0xFFFFC000  }
0xf7: {  	[spmem:s2] =	stream.indirect.scatter.add.f32 [tilespmem:s14], [sflag:$0x2], $0x80, s29, s13, $0xb8;
	[tilespmem:$0x1F100] =	vst v63  }
0xf8: {  	_ =	swait.ge [sflag:s31], $0x4000  }
0xf9: {  	s19 =	simm.s32 $0x400;
	s0 =	simm.s32 $0x80;
	[sflag:s31] =	ssyncset.done $0x0  }
.LBB2_7:
0xfa: {  	s20 =	sadd.s32 $0x13900, s0  }
0xfb: {  	[sflag:s31] =	ssyncadd.s32 $0xFFFFC000;
	s21 =	smov.u32 s19;
	s22 =	sadd.s32 $0x200, s19  }
0xfc: {  	[tilespmem:s14], [sflag:$0x1] =	stream.indirect.gather [hbm4b:s5+s13], $0x80, s20, s13, $0xb8;
	[tilespmem:$0x1F100] =	vst v63  }
0xfd: {  	p3 =	sne.s32 s19, $0x9E00;
	_ =	swait.ge [sflag:s16], $0x4000  }
.Ltmp9:
0xfe: {  	[sflag:s16] =	ssyncset.done $0x0;
	(pc) =	sbr.rel @p3 .LBB2_7-.Ltmp9, $4  }
0xff: {  	s0 =	sadd.s32 $0x18900, s0;
	[sflag:s16] =	ssyncadd.s32 $0xFFFFC000  }
0x100: {  	[spmem:s2] =	stream.indirect.scatter.add.f32 [tilespmem:s14], [sflag:$0x2], $0x80, s0, s13, $0xb8;
	[tilespmem:$0x1F100] =	vst v63  }
0x101: {  	_ =	swait.ge [sflag:s31], $0x4000  }
0x102: {  	s19 =	smov.u32 s22;
	s0 =	sshra.s32 s21, $0x2;
	[sflag:s31] =	ssyncset.done $0x0  }
0x103: {  	s19 =	sadd.s32 $0x13900, s0;
	[sflag:s31] =	ssyncadd.s32 $0xFFFFC000  }
0x104: {  	[tilespmem:s14], [sflag:$0x1] =	stream.indirect.gather [hbm4b:s5+s13], $0x80, s19, s13, $0xb8;
	[tilespmem:$0x1F100] =	vst v63  }
0x105: {  	_ =	swait.ge [sflag:s16], $0x4000  }
0x106: {  	[sflag:s16] =	ssyncset.done $0x0  }
0x107: {  	s25 =	sadd.s32 $0x18900, s0;
	[sflag:s16] =	ssyncadd.s32 $0xFFFFC000  }
0x108: {  	[spmem:s2] =	stream.indirect.scatter.add.f32 [tilespmem:s14], [sflag:$0x2], $0x80, s25, s13, $0xb8;
	[tilespmem:$0x1F100] =	vst v63  }
0x109: {  	_ =	swait.ge [sflag:s31], $0x4000  }
0x10a: {  	[sflag:s31] =	ssyncset.done $0x0  }
0x10b: {  	[sflag:s31] =	ssyncadd.s32 $0xFFFFC000  }
0x10c: {  	[bflag:$0x0] =	sbarrier.arrive $0xFFFF  }
0x10d: {  	s29 =	rddreg [dreg:$0x8]  }
0x10e: {  	[hbm:s29], [sflag:s30] =	dma.local [spmem:s18], $0x2700  }
.Ltmp10:
0x10f: {  	_ = 	snop;
	(pc) =	sbr.rel @p2 .LBB2_14-.Ltmp10, $4  }
.Ltmp11:
0x110: {  	_ = 	snop;
	(pc) =	sbr.rel @!p2 .LBB2_15-.Ltmp11, $4  }
0x111: {  	_ =	swait.ge [sflag:s31], $0x2700  }
0x112: {  	[sflag:s31] =	ssyncset.done $0x0  }
0x113: {  	s0 =	smov.u32 s8;
	[sflag:s31] =	ssyncadd.s32 $0xFFFFD900  }
0x114: {  	_ = 	snop  }
.LBB2_16:
0x115: {  	_ =	sfence.sel $0x180000  }
0x116: {  	[bflag:$0x0] =	sbarrier.arrive $0xFFFF  }
0x117: {  	_ =	strace $0x9000004A  }
0x118: {  	[bflag:$0x2] =	sbarrier.arrive $0xFFFF  }
0x119: {  	p0 =	sne.s32 s3, $0x0;
	s0 =	rddreg [dreg:$0x3]  }
0x11a: {  	s0 =	sadd.s32 @!p0 $0x100000, s0  }
0x11b: {  	[sflag:s0] =	ssyncadd.tile.s32 @!p0 $0x1;
	_ =	shalt  }
.Lfunc_end2:
_tile_overlayer_lowered:
.L_overlay_start_2:
0x11c: {  	(tag) =	ssettag $0x2  }
0x11d: {  	s0 =	rddreg [dreg:$0x0];
	s2 =	stileid.u32  }
0x11e: {  	s1 =	rddreg [dreg:$0x1];
	p0 =	sne.s32 s2, $0x0  }
0x11f: {  	s3 =	rddreg [dreg:$0x2];
	[bflag:$0x3] =	sbarrier.arrive $0xFFFF;
	s2 =	simm.s32 @!p0 $0x1C02  }
0x120: {  	[timem:s3], [sflag:s2] =	dma.local @!p0 [hbm:s0], s1  }
0x121: {  	s0 =	simm.s32 @!p0 $0x2  }
0x122: {  	_ =	swait.ge @!p0 [sflag:s0], s1  }
0x123: {  	s1 =	ssub.s32 @!p0 $0x0, s1;
	[sflag:s0] =	ssyncset.done @!p0 $0x0  }
0x124: {  	[sflag:s0] =	ssyncadd.s32 @!p0 s1  }
0x125: {  	[bflag:$0x3] =	sbarrier.arrive $0xFFFF  }
0x126: {  	_ =	shalt  }

// kernel: kernel.17.cloned.1.call-start
scs
__scs_entry_jumppad:
0x0: {  	(pc) =	sbr.rel $0x88, $3  }
0x1: {  	(tag) =	ssettag $0x0;
	lr =	simm.s32 $0x1  }
0x2: {  	[smem:$0x3F8C] =	sst lr;
	_ =	strace $0xD0000000  }
0x3: {  	_ = 	snop  }
0x4: {  	_ = 	snop  }
0x5: {  	_ = 	snop  }
0x6: {  	_ = 	snop  }
0x7: {  	_ = 	snop  }
__scs_overlays_trampoline_lowered:
0x8: {  	[smem:$0x3F9B] =	sst s0  }
0x9: {  	[smem:$0x3F9C] =	sst s1  }
0xa: {  	[smem:$0x3F9D] =	sst s2  }
0xb: {  	[smem:$0x3F9E] =	sst s3  }
0xc: {  	[smem:$0x3F9F] =	sst s4  }
0xd: {  	[smem:$0x3FA0] =	sst s5  }
0xe: {  	[smem:$0x3FA1] =	sst s6  }
0xf: {  	[smem:$0x3FA2] =	sst s7  }
0x10: {  	[smem:$0x3FA3] =	sst s8  }
0x11: {  	[smem:$0x3FA4] =	sst s9;
	s0 =	simm.s32 @!p0 $0x0  }
0x12: {  	s1 =	sld [smem:$0x3F8A];
	s0 =	simm.s32 @p0 $0x1  }
0x13: {  	[smem:$0x3FA5] =	sst s0;
	s0 =	simm.s32 @!p1 $0x0  }
0x14: {  	s2 =	sld [smem:$0x3F89];
	s0 =	simm.s32 @p1 $0x1  }
0x15: {  	[smem:$0x3FA6] =	sst s0;
	s0 =	simm.s32 @!p2 $0x0  }
0x16: {  	s3 =	sld [smem:$0x3FDB];
	s0 =	simm.s32 @p2 $0x1  }
0x17: {  	s4 =	simm.s32 $0x1BF5;
	[smem:$0x3FA8] =	sst s0  }
0x18: {  	s0 =	sld [smem:$0x3F8B];
	_ =	swait.ge [sflag:s4], $0x0  }
0x19: {  	s7 =	sld [smem:$0x3F8C]  }
0x1a: {  	s8 =	sadd.s32 $0xFFFFE003, lr  }
0x1b: {  	s9 =	sadd.s32 $0xFFFFFEF7, lr;
	s5 =	simm.s32 $0xFFFFFFFF;
	p2 =	slt.u32 s8, $0xFFFFF086  }
0x1c: {  	p1 =	slt.u32 s9, $0xF7A;
	s5 =	simm.s32 @!p2 $0x0  }
0x1d: {  	s5 =	simm.s32 @p1 $0x1;
	p0 =	seq.s32 s7, s2  }
0x1e: {  	s7 =	smul.u32 @!p0 $0xF7A, s2;
	p2 =	seq.s32 @!p0 s5, $0x0  }
0x1f: {  	s9 =	smul.u32 $0xF7A, s1;
	s8 =	simm.s32 @!p0 $0x1BF5;
	p2 =	por !p2, p0  }
0x20: {  	[sflag:s8] =	ssyncset.s32 @!p0 $0xFFFFF086;
	s6 =	sadd.s32 @!p0 s3, s7;
	s7 =	simm.s32 @!p0 $0x108  }
0x21: {  	s3 =	sadd.s32 s3, s9;
	s6 =	sadd.s32 @!p0 $0x88, s6;
	s7 =	simm.s32 @p2 $0x1082  }
0x22: {  	[simem:s7], [sflag:s8] =	dma.local @!p0 [hbm:s6], $0xF7A  }
0x23: {  	s9 =	sor.u32 $0xD0000000, s2;
	s6 =	simm.s32 $0x108;
	_ =	swait.ge @!p0 [sflag:s8], $0x0  }
0x24: {  	s3 =	sadd.s32 $0x88, s3;
	s6 =	simm.s32 @!p1 $0x1082;
	[sflag:s4] =	ssyncset.s32 $0xFFFFF086  }
0x25: {  	[simem:s6], [sflag:s4] =	dma.local [hbm:s3], $0xF7A  }
0x26: {  	[smem:$0x3F8C] =	sst s1;
	(tag) =	ssettag s2;
	_ =	strace s9  }
0x27: {  	s1 =	sld [smem:$0x3F9C]  }
0x28: {  	s2 =	sld [smem:$0x3F9D]  }
0x29: {  	s4 =	sld [smem:$0x3F9F]  }
0x2a: {  	p0 =	seq.s32 s5, $0x0;
	s5 =	sld [smem:$0x3FA0]  }
0x2b: {  	s6 =	sld [smem:$0x3FA1]  }
0x2c: {  	s7 =	sld [smem:$0x3FA2]  }
0x2d: {  	s3 =	simm.s32 $0x108;
	s8 =	sld [smem:$0x3FA3]  }
0x2e: {  	s3 =	simm.s32 @!p0 $0x1082;
	s9 =	sld [smem:$0x3FA4]  }
0x2f: {  	lr =	sadd.s32 s0, s3;
	s0 =	sld [smem:$0x3F9B]  }
0x30: {  	s3 =	sld [smem:$0x3F9E]  }
0x31: {  	[smem:$0x3FA7] =	sst s10  }
0x32: {  	s10 =	sld [smem:$0x3FA5];
	_ =	sdelay $0x3  }
0x33: {  	p0 =	seq.s32 s10, $0x1;
	s10 =	sld [smem:$0x3FA7];
	_ =	sdelay $0x3  }
0x34: {  	[smem:$0x3FA7] =	sst s10  }
0x35: {  	s10 =	sld [smem:$0x3FA6];
	_ =	sdelay $0x3  }
0x36: {  	p1 =	seq.s32 s10, $0x1;
	s10 =	sld [smem:$0x3FA7];
	_ =	sdelay $0x3  }
0x37: {  	[smem:$0x3FA7] =	sst s10  }
0x38: {  	s10 =	sld [smem:$0x3FA8]  }
0x39: {  	_ = 	snop;
	(pc) =	sbr.ind lr, $3  }
0x3a: {  	_ = 	snop  }
0x3b: {  	_ = 	snop  }
0x3c: {  	p2 =	seq.s32 s10, $0x1;
	s10 =	sld [smem:$0x3FA7]  }
0x3d: {  	_ =	shalt  }
0x3e: {  	_ =	shalt  }
0x3f: {  	_ =	shalt  }
0x40: {  	_ =	shalt  }
0x41: {  	_ =	shalt  }
0x42: {  	_ =	shalt  }
0x43: {  	_ =	shalt  }
0x44: {  	_ =	shalt  }
0x45: {  	_ =	shalt  }
0x46: {  	_ =	shalt  }
0x47: {  	_ =	shalt  }
0x48: {  	_ =	shalt  }
0x49: {  	_ =	shalt  }
0x4a: {  	_ =	shalt  }
0x4b: {  	_ =	shalt  }
0x4c: {  	_ =	shalt  }
0x4d: {  	_ =	shalt  }
0x4e: {  	_ =	shalt  }
0x4f: {  	_ =	shalt  }
0x50: {  	_ =	shalt  }
0x51: {  	_ =	shalt  }
0x52: {  	_ =	shalt  }
0x53: {  	_ =	shalt  }
0x54: {  	_ =	shalt  }
0x55: {  	_ =	shalt  }
0x56: {  	_ =	shalt  }
0x57: {  	_ =	shalt  }
0x58: {  	_ =	shalt  }
0x59: {  	_ =	shalt  }
0x5a: {  	_ =	shalt  }
0x5b: {  	_ =	shalt  }
0x5c: {  	_ =	shalt  }
0x5d: {  	_ =	shalt  }
0x5e: {  	_ =	shalt  }
0x5f: {  	_ =	shalt  }
0x60: {  	_ =	shalt  }
0x61: {  	_ =	shalt  }
0x62: {  	_ =	shalt  }
0x63: {  	_ =	shalt  }
0x64: {  	_ =	shalt  }
0x65: {  	_ =	shalt  }
0x66: {  	_ =	shalt  }
0x67: {  	_ =	shalt  }
0x68: {  	_ =	shalt  }
0x69: {  	_ =	shalt  }
0x6a: {  	_ =	shalt  }
0x6b: {  	_ =	shalt  }
0x6c: {  	_ =	shalt  }
0x6d: {  	_ =	shalt  }
0x6e: {  	_ =	shalt  }
0x6f: {  	_ =	shalt  }
0x70: {  	_ =	shalt  }
0x71: {  	_ =	shalt  }
0x72: {  	_ =	shalt  }
0x73: {  	_ =	shalt  }
0x74: {  	_ =	shalt  }
0x75: {  	_ =	shalt  }
0x76: {  	_ =	shalt  }
0x77: {  	_ =	shalt  }
0x78: {  	_ =	shalt  }
0x79: {  	_ =	shalt  }
0x7a: {  	_ =	shalt  }
0x7b: {  	_ =	shalt  }
0x7c: {  	_ =	shalt  }
0x7d: {  	_ =	shalt  }
0x7e: {  	_ =	shalt  }
0x7f: {  	_ =	shalt  }
0x80: {  	_ =	shalt  }
0x81: {  	_ =	shalt  }
0x82: {  	_ =	shalt  }
0x83: {  	_ =	shalt  }
0x84: {  	_ =	shalt  }
0x85: {  	_ =	shalt  }
0x86: {  	_ =	shalt  }
0x87: {  	_ =	shalt  }
.Lfunc_end0:
.L_simem_size_0:
called_computation.2_lowered:
.L_overlay_start_0:
0x88: {  	s2 =	sld [smem:$0x3FD9]  }
0x89: {  	s3 =	sld [smem:$0x3FFE];
	_ =	sdelay $0x1  }
0x8a: {  	s1 =	srdreg.scid  }
0x8b: {  	s0 =	sand.u32 $0x1, s1  }
0x8c: {  	s14 =	sshll.u32 s0, $0xA;
	s2 =	sadd.s32 s3, s2  }
0x8d: {  	s2 =	sadd.s32 s2, s14  }
0x8e: {  	[smem:$0x3FB3] =	sst s2  }
0x8f: {  	_ = 	snop  }
0x90: {  	s2 =	sld [smem:$0x3FD0];
	_ =	sdelay $0x2  }
0x91: {  	s15 =	simm.s32 $0xA;
	s4 =	simm.s32 $0x10  }
0x92: {  	[smem:s4], [sflag:s15] =	dma.local [hbm:s2], $0x1  }
0x93: {  	_ =	swait.eq [sflag:s15], $0x1  }
0x94: {  	[sflag:s15] =	ssyncset.done $0x0  }
0x95: {  	[sflag:s15] =	ssyncadd.s32 $0xFFFFFFFF  }
0x96: {  	s16 =	sld [smem:$0x10];
	(tm) =	ssettm $0x1  }
0x97: {  	s17 =	sld [smem:$0x3FFB];
	_ =	sdelay $0x3  }
0x98: {  	_ =	strace s17  }
0x99: {  	s3 =	sld [smem:$0x3FFC];
	_ =	sdelay $0x3  }
0x9a: {  	_ =	strace s3  }
0x9b: {  	s3 =	sld [smem:$0x3FFD];
	_ =	sdelay $0x3  }
0x9c: {  	_ =	strace s3  }
0x9d: {  	_ =	strace $0x8FFFFFFF  }
0x9e: {  	s18 =	sld [smem:$0x3FDB];
	_ =	sdelay $0x1  }
0x9f: {  	s19 =	simm.s32 $_scs_section_size  }
0xa0: {  	s5 =	simm.s32 $_size__tile_overlayer_lowered;
	s6 =	simm.s32 $_tile_overlayer_lowered  }
0xa1: {  	s22 =	simm.s32 $0x1BFF;
	s21 =	sshll.u32 s6, $0x1;
	s3 =	sadd.s32 s19, s18  }
0xa2: {  	s7 =	simm.s32 $0x0;
	s20 =	sshll.u32 s5, $0x1;
	s5 =	sadd.s32 s21, s3  }
0xa3: {  	[timem:s7], [sflag:s22] =	dma.local [hbm:s5], s20  }
0xa4: {  	_ =	swait.ge [sflag:s22], s20  }
0xa5: {  	s4 =	ssub.s32 $0x0, s20;
	[sflag:s22] =	ssyncset.done $0x0  }
0xa6: {  	[sflag:s22] =	ssyncadd.s32 s4;
	_ =	sdelay $0x1  }
0xa7: {  	s23 =	simm.s32 $0x1B8B  }
0xa8: {  	_ =	swait.ge [sflag:s23], $0x1  }
0xa9: {  	[sflag:s23] =	ssyncset.done $0x0  }
0xaa: {  	s25 =	simm.s32 $0x1B8E;
	s24 =	sld [smem:$0x3FFE];
	[sflag:s23] =	ssyncadd.s32 $0xFFFFFFFF  }
0xab: {  	s26 =	simm.s32 $execute0_lowered;
	[smem:$0x3FD2] =	sst s25  }
0xac: {  	s5 =	sshll.u32 s26, $0x1;
	_ =	strace $0x8000004C;
	[dreg:$0x1] =	wrdreg $0xFFFFFFFF  }
0xad: {  	s28 =	simm.s32 $_size_execute0_lowered;
	s3 =	sadd.s32 s3, s5;
	[dreg:$0x0] =	wrdreg $0x0  }
0xae: {  	s5 =	sshll.u32 s28, $0x1;
	[dreg:$0x2] =	wrdreg s3  }
0xaf: {  	[dreg:$0x3] =	wrdreg s5  }
0xb0: {  	[dreg:$0x4] =	wrdreg $0xC0  }
0xb1: {  	_ =	task [dreg:s7], $0x5FFFF  }
0xb2: {  	[dreg:$0x1] =	wrdreg $0xFFFFFFFF  }
0xb3: {  	[dreg:$0x0] =	wrdreg $0x60  }
0xb4: {  	[dreg:$0x2] =	wrdreg s16  }
0xb5: {  	[dreg:$0x3] =	wrdreg s24  }
0xb6: {  	[dreg:$0x4] =	wrdreg $0x0  }
0xb7: {  	[dreg:$0x5] =	wrdreg $0x9  }
0xb8: {  	_ =	task.clear_ibuf [dreg:s7], $0x6FFFF;
	_ =	strace $0x9000004C  }
0xb9: {  	s29 =	simm.s32 $0x9;
	_ =	strace $0x8000004E  }
0xba: {  	_ =	swait.ge [sflag:s29], $0x1  }
0xbb: {  	[sflag:s29] =	ssyncadd.s32 $0xFFFFFFFF  }
0xbc: {  	_ =	strace $0x9000004E  }
0xbd: {  	_ =	sfence  }
0xbe: {  	s30 =	sld [smem:$0x0];
	_ =	sdelay $0x2  }
0xbf: {  	s31 =	sshll.u32 s1, $0xD;
	s1 =	sshrl.u32 s1, $0x2  }
0xc0: {  	s3 =	sand.u32 $0x4000, s31;
	s1 =	sadd.s32 s1, s30  }
0xc1: {  	s0 =	sor.u32 s3, s0;
	s1 =	sshll.u32 s1, $0x11  }
0xc2: {  	s0 =	sor.u32 s1, s0  }
0xc3: {  	s0 =	sadd.s32 $0x8F2B, s0  }
0xc4: {  	[sflag:s0] =	ssyncadd.remote.s32 $0x1  }
0xc5: {  	_ =	sfence.sel $0xFFFF  }
0xc6: {  	[dreg:$0x0] =	wrdreg $0xFFFFFFFF;
	(pc) =	sbr.abs _section_cstart, $3  }
0xc7: {  	[dreg:$0x1] =	wrdreg $0xFFFFFFFF  }
0xc8: {  	_ =	task.clear_ibuf [dreg:s7], $0x2FFFF;
	_ =	strace $0x9FFFFFFF  }
0xc9: {  	(tm) =	ssettm $0x7FFFFFFF  }
tec
execute0_lowered:
.L_overlay_start_1:
0x0: {  	(tag) =	ssettag $0x1  }
0x1: {  	s1 =	rddreg [dreg:$0x0]  }
0x2: {  	s0 =	rddreg [dreg:$0x1]  }
0x3: {  	s2 =	rddreg [dreg:$0x2]  }
0x4: {  	s4 =	simm.s32 $0x0;
	s3 =	stileid.u32;
	s9 =	srdreg.scid  }
0x5: {  	s31 =	simm.s32 $0x2;
	[smem:$0x7FF] =	sst s4;
	s8 =	smul.u32 $0x500, s3  }
0x6: {  	s5 =	sadd.s32 $0x6800, s0;
	s6 =	sadd.s32 $0x37A00, s0;
	s13 =	smul.u32 $0x2700, s3  }
0x7: {  	s7 =	sadd.s32 $0x5EC00, s0;
	s12 =	sand.u32 $0x1, s9;
	s15 =	smul.u32 $0x4E000, s3  }
0x8: {  	s9 =	sadd.s32 $0xFB400, s0;
	s17 =	sadd.s32 $0xACE00, s0;
	s22 =	sadd.s32 $0x2D800, s0  }
0x9: {  	s25 =	sadd.s32 $0x5EA00, s0;
	_ =	strace $0x8000004D;
	[dreg:$0x6] =	wrdreg s17  }
0xa: {  	s26 =	sadd.s32 $0xFB200, s0;
	p1 =	sne.s32 s3, $0xF;
	[dreg:$0x7] =	wrdreg s22  }
0xb: {  	p2 =	seq.s32 s3, $0xF;
	s28 =	sadd.s32 $0x138000, s2;
	[dreg:$0xa] =	wrdreg s25  }
0xc: {  	s30 =	sadd.s32 $0x27000, s1;
	s10 =	ssub.s32 $0x2, s12;
	[dreg:$0xc] =	wrdreg s26  }
0xd: {  	p0 =	seq.s32 s12, $0x1;
	[dreg:$0xf] =	wrdreg s30;
	s17 =	simm.s32 $0x0  }
0xe: {  	s11 =	sadd.s32 s8, s0;
	s8 =	sadd.s32 $0xAD000, s0;
	s14 =	sshrl.u32 s10, $0x1  }
0xf: {  	s16 =	sadd.s32 s13, s0;
	s15 =	sshrl.u32 s15, $0x2;
	s20 =	sadd.s32 s1, s13  }
0x10: {  	s24 =	sadd.s32 s6, s13;
	s0 =	sadd.s32 $0x85C00, s0;
	[dreg:$0x4] =	wrdreg s20  }
0x11: {  	s29 =	sadd.s32 s9, s13;
	s14 =	ssub.s32 s10, s14;
	[dreg:$0x9] =	wrdreg s24  }
0x12: {  	s10 =	sadd.s32 $0x2DA00, s11;
	s11 =	sadd.s32 $0x32A00, s11;
	[dreg:$0xd] =	wrdreg s0  }
.Ltmp0:
0x13: {  	s21 =	sadd.s32 $0x85E00, s16;
	[dreg:$0xe] =	wrdreg s29;
	(pc) =	sbr.rel .LBB2_1-.Ltmp0, $4  }
0x14: {  	s12 =	sadd.s32 s15, s2;
	s23 =	sadd.s32 s8, s13;
	[dreg:$0x5] =	wrdreg s21  }
0x15: {  	s15 =	sadd.s32 s5, s13;
	s16 =	sadd.s32 $0xD4200, s16;
	[dreg:$0x8] =	wrdreg s23  }
0x16: {  	s24 =	sadd.s32 s7, s13;
	s13 =	simm.s32 $0x80;
	[dreg:$0xb] =	wrdreg s16  }
0x17: {  	s26 =	smax.u32 s14, $0x1;
	s14 =	simm.s32 $0x1B100;
	s16 =	simm.s32 $0x1  }
.LBB2_14:
0x18: {  	s0 =	sadd.s32 $0x27000, s0;
	s18 =	sshrl.u32 s28, $0x3  }
0x19: {  	[hbm:s0], [sflag:s30] =	dma.local [spmem:s18], $0x100  }
0x1a: {  	_ =	swait.ge [sflag:s31], $0x100  }
0x1b: {  	[sflag:s31] =	ssyncset.done $0x0  }
0x1c: {  	[sflag:s31] =	ssyncadd.s32 $0xFFFFFF00  }
.LBB2_15:
0x1d: {  	s17 =	sadd.s32 $0x1, s17  }
0x1e: {  	p3 =	sne.s32 s17, s26  }
.Ltmp1:
0x1f: {  	_ = 	snop;
	(pc) =	sbr.rel @!p3 .LBB2_16-.Ltmp1, $1  }
0x20: {  	_ =	sdelay $0x3  }
.LBB2_1:
0x21: {  	s0 =	simm.s32 $0x13900  }
0x22: {  	[tilespmem:s0], [sflag:$0x2] =	stream.linear.gather [hbm4b:s10+s4], $0x2800, $0x38;
	[tilespmem:$0x1F100] =	vst v63  }
0x23: {  	_ =	swait.ge [sflag:s31], $0x2800  }
0x24: {  	[sflag:s31] =	ssyncset.done $0x0  }
0x25: {  	s30 =	simm.s32 $0x16100;
	[sflag:s31] =	ssyncadd.s32 $0xFFFFD800  }
0x26: {  	[tilespmem:s30], [sflag:$0x2] =	stream.linear.gather [hbm4b:s11+s4], $0x2800, $0x38;
	[tilespmem:$0x1F100] =	vst v63  }
0x27: {  	_ =	swait.ge [sflag:s31], $0x2800  }
0x28: {  	[sflag:s31] =	ssyncset.done $0x0  }
0x29: {  	s18 =	simm.s32 $0x16140;
	[sflag:s31] =	ssyncadd.s32 $0xFFFFD800  }
0x2a: {  	v0 =	vld [tilespmem:s18+$0xFFFFFFC0];
	_ =	sdelay $0x3  }
0x2b: {  	s0 =	simm.s32 $0x18940  }
0x2c: {  	[tilespmem:s0+$0xFFFFFFC0] =	vst v0  }
0x2d: {  	v0 =	vld [tilespmem:s18+$0xFFFFFFD0];
	_ =	sdelay $0x4  }
0x2e: {  	[tilespmem:s0+$0xFFFFFFD0] =	vst v0  }
0x2f: {  	v0 =	vld [tilespmem:s18+$0xFFFFFFE0];
	_ =	sdelay $0x4  }
0x30: {  	[tilespmem:s0+$0xFFFFFFE0] =	vst v0  }
0x31: {  	v0 =	vld [tilespmem:s18+$0xFFFFFFF0];
	_ =	sdelay $0x4  }
0x32: {  	[tilespmem:s0+$0xFFFFFFF0] =	vst v0  }
0x33: {  	v0 =	vld [tilespmem:s18+$0x0];
	_ =	sdelay $0x4  }
0x34: {  	[tilespmem:s0+$0x0] =	vst v0  }
0x35: {  	v0 =	vld [tilespmem:s18+$0x10];
	_ =	sdelay $0x4  }
0x36: {  	[tilespmem:s0+$0x10] =	vst v0  }
0x37: {  	v0 =	vld [tilespmem:s18+$0x20];
	_ =	sdelay $0x4  }
0x38: {  	[tilespmem:s0+$0x20] =	vst v0  }
0x39: {  	v0 =	vld [tilespmem:s18+$0x30];
	_ =	sdelay $0x4  }
0x3a: {  	s19 =	simm.s32 $0x161C0;
	s18 =	simm.s32 $0x0;
	[tilespmem:s0+$0x30] =	vst v0  }
.LBB2_2:
0x3b: {  	v0 =	vld [tilespmem:s19+$0xFFFFFFC0];
	s18 =	sadd.s32 $0x8, s18  }
0x3c: {  	p3 =	slt.u32 s18, $0x278;
	_ =	sdelay $0x2  }
0x3d: {  	s0 =	sadd.s32 $0x80, s0  }
0x3e: {  	[tilespmem:s0+$0xFFFFFFC0] =	vst v0  }
0x3f: {  	v0 =	vld [tilespmem:s19+$0xFFFFFFD0];
	_ =	sdelay $0x4  }
0x40: {  	[tilespmem:s0+$0xFFFFFFD0] =	vst v0  }
0x41: {  	v0 =	vld [tilespmem:s19+$0xFFFFFFE0];
	_ =	sdelay $0x4  }
0x42: {  	[tilespmem:s0+$0xFFFFFFE0] =	vst v0  }
0x43: {  	v0 =	vld [tilespmem:s19+$0xFFFFFFF0];
	_ =	sdelay $0x4  }
0x44: {  	[tilespmem:s0+$0xFFFFFFF0] =	vst v0  }
0x45: {  	v0 =	vld [tilespmem:s19+$0x0];
	_ =	sdelay $0x4  }
0x46: {  	[tilespmem:s0+$0x0] =	vst v0  }
0x47: {  	v0 =	vld [tilespmem:s19+$0x10];
	_ =	sdelay $0x4  }
0x48: {  	[tilespmem:s0+$0x10] =	vst v0  }
0x49: {  	v0 =	vld [tilespmem:s19+$0x20];
	_ =	sdelay $0x4  }
0x4a: {  	[tilespmem:s0+$0x20] =	vst v0  }
0x4b: {  	v0 =	vld [tilespmem:s19+$0x30]  }
.Ltmp2:
0x4c: {  	(pc) =	sbr.rel @p3 .LBB2_2-.Ltmp2, $2  }
0x4d: {  	_ =	sdelay $0x2  }
0x4e: {  	s19 =	sadd.s32 $0x80, s19;
	[tilespmem:s0+$0x30] =	vst v0  }
.Ltmp3:
0x4f: {  	(pc) =	sbr.rel @!p0 .LBB2_4-.Ltmp3, $3  }
0x50: {  	_ =	sdelay $0x1  }
0x51: {  	s21 =	sshll.u32 s3, $0x6;
	s18 =	sshrl.u32 s12, $0x3;
	s19 =	sshrl.u32 @!p1 s28, $0x3  }
0x52: {  	s20 =	sshrl.u32 @p1 s12, $0x3;
	s0 =	sshrl.u32 @!p1 s12, $0x3;
	s30 =	sor.u32 $0x1C02, s21  }
0x53: {  	s30 =	sor.u32 $0x1C02, s21;
	s23 =	rddreg [dreg:$0x9]  }
0x54: {  	[spmem:s18], [sflag:s30] =	dma.local [hbm:s23], $0x2700  }
0x55: {  	_ =	swait.ge [sflag:s31], $0x2700  }
0x56: {  	[sflag:s31] =	ssyncset.done $0x0  }
0x57: {  	s21 =	rddreg [dreg:$0xa];
	[sflag:s31] =	ssyncadd.s32 $0xFFFFD900  }
0x58: {  	[spmem:s19], [sflag:s30] =	dma.local @!p1 [hbm:s21], $0x100  }
0x59: {  	s21 =	simm.s32 @!p1 $0x2  }
0x5a: {  	_ =	swait.ge @!p1 [sflag:s21], $0x100  }
0x5b: {  	[sflag:s21] =	ssyncset.done @!p1 $0x0  }
0x5c: {  	[sflag:s21] =	ssyncadd.s32 @!p1 $0xFFFFFF00  }
0x5d: {  	s25 =	simm.s32 $0x13900;
	[bflag:$0x0] =	sbarrier.arrive $0xFFFF  }
0x5e: {  	[tilespmem:s14], [sflag:$0x1] =	stream.indirect.gather [hbm4b:s6+s13], $0x80, s25, s13, $0xb8;
	[tilespmem:$0x1F100] =	vst v63  }
0x5f: {  	_ =	swait.ge [sflag:s16], $0x4000  }
0x60: {  	[sflag:s16] =	ssyncset.done $0x0  }
0x61: {  	s29 =	simm.s32 $0x18900;
	[sflag:s16] =	ssyncadd.s32 $0xFFFFC000  }
0x62: {  	[spmem:s2] =	stream.indirect.scatter.add.f32 [tilespmem:s14], [sflag:$0x2], $0x80, s29, s13, $0xb8;
	[tilespmem:$0x1F100] =	vst v63  }
0x63: {  	_ =	swait.ge [sflag:s31], $0x4000  }
0x64: {  	s22 =	simm.s32 $0x400;
	s21 =	simm.s32 $0x80;
	[sflag:s31] =	ssyncset.done $0x0  }
.LBB2_10:
0x65: {  	s23 =	sadd.s32 $0x13900, s21  }
0x66: {  	[sflag:s31] =	ssyncadd.s32 $0xFFFFC000;
	s25 =	smov.u32 s22;
	s29 =	sadd.s32 $0x200, s22  }
0x67: {  	[tilespmem:s14], [sflag:$0x1] =	stream.indirect.gather [hbm4b:s6+s13], $0x80, s23, s13, $0xb8;
	[tilespmem:$0x1F100] =	vst v63  }
0x68: {  	p3 =	sne.s32 s22, $0x9E00;
	_ =	swait.ge [sflag:s16], $0x4000  }
.Ltmp4:
0x69: {  	[sflag:s16] =	ssyncset.done $0x0;
	(pc) =	sbr.rel @p3 .LBB2_10-.Ltmp4, $4  }
0x6a: {  	s21 =	sadd.s32 $0x18900, s21;
	[sflag:s16] =	ssyncadd.s32 $0xFFFFC000  }
0x6b: {  	[spmem:s2] =	stream.indirect.scatter.add.f32 [tilespmem:s14], [sflag:$0x2], $0x80, s21, s13, $0xb8;
	[tilespmem:$0x1F100] =	vst v63  }
0x6c: {  	_ =	swait.ge [sflag:s31], $0x4000  }
0x6d: {  	s22 =	smov.u32 s29;
	s21 =	sshra.s32 s25, $0x2;
	[sflag:s31] =	ssyncset.done $0x0  }
0x6e: {  	s22 =	sadd.s32 $0x13900, s21;
	[sflag:s31] =	ssyncadd.s32 $0xFFFFC000  }
0x6f: {  	[tilespmem:s14], [sflag:$0x1] =	stream.indirect.gather [hbm4b:s6+s13], $0x80, s22, s13, $0xb8;
	[tilespmem:$0x1F100] =	vst v63  }
0x70: {  	_ =	swait.ge [sflag:s16], $0x4000  }
0x71: {  	[sflag:s16] =	ssyncset.done $0x0  }
0x72: {  	s22 =	sadd.s32 $0x18900, s21;
	[sflag:s16] =	ssyncadd.s32 $0xFFFFC000  }
0x73: {  	[spmem:s2] =	stream.indirect.scatter.add.f32 [tilespmem:s14], [sflag:$0x2], $0x80, s22, s13, $0xb8;
	[tilespmem:$0x1F100] =	vst v63  }
0x74: {  	_ =	swait.ge [sflag:s31], $0x4000  }
0x75: {  	[sflag:s31] =	ssyncset.done $0x0  }
0x76: {  	[sflag:s31] =	ssyncadd.s32 $0xFFFFC000  }
0x77: {  	[bflag:$0x0] =	sbarrier.arrive $0xFFFF  }
0x78: {  	s23 =	rddreg [dreg:$0xb]  }
0x79: {  	[hbm:s23], [sflag:s30] =	dma.local [spmem:s18], $0x2700  }
0x7a: {  	_ =	swait.ge [sflag:s31], $0x2700  }
0x7b: {  	[sflag:s31] =	ssyncset.done $0x0  }
0x7c: {  	[sflag:s31] =	ssyncadd.s32 $0xFFFFD900  }
0x7d: {  	[bflag:$0x0] =	sbarrier.arrive @p1 $0xFFFF  }
0x7e: {  	[spmem:s20], [sflag:s30] =	dma.local @p1 [hbm:s24], $0x2700  }
0x7f: {  	s20 =	simm.s32 @p1 $0x2  }
0x80: {  	_ =	swait.ge @p1 [sflag:s20], $0x2700  }
0x81: {  	[sflag:s20] =	ssyncset.done @p1 $0x0  }
0x82: {  	[sflag:s20] =	ssyncadd.s32 @p1 $0xFFFFD900;
	s20 =	rddreg [dreg:$0xc]  }
0x83: {  	[hbm:s20], [sflag:s30] =	dma.local @!p1 [spmem:s19], $0x100  }
0x84: {  	s20 =	simm.s32 @!p1 $0x2  }
0x85: {  	_ =	swait.ge @!p1 [sflag:s20], $0x100  }
0x86: {  	[sflag:s20] =	ssyncset.done @!p1 $0x0  }
0x87: {  	[sflag:s20] =	ssyncadd.s32 @!p1 $0xFFFFFF00  }
0x88: {  	[bflag:$0x0] =	sbarrier.arrive @!p1 $0xFFFF  }
0x89: {  	[spmem:s0], [sflag:s30] =	dma.local @!p1 [hbm:s24], $0x2700  }
0x8a: {  	_ =	swait.ge @!p1 [sflag:s20], $0x2700  }
0x8b: {  	[sflag:s20] =	ssyncset.done @!p1 $0x0  }
0x8c: {  	s0 =	rddreg [dreg:$0xd];
	[sflag:s20] =	ssyncadd.s32 @!p1 $0xFFFFD900  }
0x8d: {  	[spmem:s19], [sflag:s30] =	dma.local @!p1 [hbm:s0], $0x100  }
0x8e: {  	_ =	swait.ge @!p1 [sflag:s20], $0x100  }
0x8f: {  	[sflag:s20] =	ssyncset.done @!p1 $0x0  }
0x90: {  	[sflag:s20] =	ssyncadd.s32 @!p1 $0xFFFFFF00  }
0x91: {  	s25 =	simm.s32 $0x13900;
	[bflag:$0x0] =	sbarrier.arrive $0xFFFF  }
0x92: {  	[tilespmem:s14], [sflag:$0x1] =	stream.indirect.gather [hbm4b:s7+s13], $0x80, s25, s13, $0xb8;
	[tilespmem:$0x1F100] =	vst v63  }
0x93: {  	_ =	swait.ge [sflag:s16], $0x4000  }
0x94: {  	[sflag:s16] =	ssyncset.done $0x0  }
0x95: {  	s29 =	simm.s32 $0x18900;
	[sflag:s16] =	ssyncadd.s32 $0xFFFFC000  }
0x96: {  	[spmem:s2] =	stream.indirect.scatter.add.f32 [tilespmem:s14], [sflag:$0x2], $0x80, s29, s13, $0xb8;
	[tilespmem:$0x1F100] =	vst v63  }
0x97: {  	_ =	swait.ge [sflag:s31], $0x4000  }
0x98: {  	s19 =	simm.s32 $0x400;
	s0 =	simm.s32 $0x80;
	[sflag:s31] =	ssyncset.done $0x0  }
.LBB2_12:
0x99: {  	s20 =	sadd.s32 $0x13900, s0  }
0x9a: {  	[sflag:s31] =	ssyncadd.s32 $0xFFFFC000;
	s21 =	smov.u32 s19;
	s22 =	sadd.s32 $0x200, s19  }
0x9b: {  	[tilespmem:s14], [sflag:$0x1] =	stream.indirect.gather [hbm4b:s7+s13], $0x80, s20, s13, $0xb8;
	[tilespmem:$0x1F100] =	vst v63  }
0x9c: {  	p3 =	sne.s32 s19, $0x9E00;
	_ =	swait.ge [sflag:s16], $0x4000  }
.Ltmp5:
0x9d: {  	[sflag:s16] =	ssyncset.done $0x0;
	(pc) =	sbr.rel @p3 .LBB2_12-.Ltmp5, $4  }
0x9e: {  	s0 =	sadd.s32 $0x18900, s0;
	[sflag:s16] =	ssyncadd.s32 $0xFFFFC000  }
0x9f: {  	[spmem:s2] =	stream.indirect.scatter.add.f32 [tilespmem:s14], [sflag:$0x2], $0x80, s0, s13, $0xb8;
	[tilespmem:$0x1F100] =	vst v63  }
0xa0: {  	_ =	swait.ge [sflag:s31], $0x4000  }
0xa1: {  	s19 =	smov.u32 s22;
	s0 =	sshra.s32 s21, $0x2;
	[sflag:s31] =	ssyncset.done $0x0  }
0xa2: {  	s19 =	sadd.s32 $0x13900, s0;
	[sflag:s31] =	ssyncadd.s32 $0xFFFFC000  }
0xa3: {  	[tilespmem:s14], [sflag:$0x1] =	stream.indirect.gather [hbm4b:s7+s13], $0x80, s19, s13, $0xb8;
	[tilespmem:$0x1F100] =	vst v63  }
0xa4: {  	_ =	swait.ge [sflag:s16], $0x4000  }
0xa5: {  	[sflag:s16] =	ssyncset.done $0x0  }
0xa6: {  	s25 =	sadd.s32 $0x18900, s0;
	[sflag:s16] =	ssyncadd.s32 $0xFFFFC000  }
0xa7: {  	[spmem:s2] =	stream.indirect.scatter.add.f32 [tilespmem:s14], [sflag:$0x2], $0x80, s25, s13, $0xb8;
	[tilespmem:$0x1F100] =	vst v63  }
0xa8: {  	_ =	swait.ge [sflag:s31], $0x4000  }
0xa9: {  	[sflag:s31] =	ssyncset.done $0x0  }
0xaa: {  	[sflag:s31] =	ssyncadd.s32 $0xFFFFC000  }
0xab: {  	[bflag:$0x0] =	sbarrier.arrive $0xFFFF  }
0xac: {  	s29 =	rddreg [dreg:$0xe]  }
0xad: {  	[hbm:s29], [sflag:s30] =	dma.local [spmem:s18], $0x2700  }
.Ltmp6:
0xae: {  	_ = 	snop;
	(pc) =	sbr.rel @p1 .LBB2_15-.Ltmp6, $4  }
.Ltmp7:
0xaf: {  	_ = 	snop;
	(pc) =	sbr.rel @!p1 .LBB2_14-.Ltmp7, $4  }
0xb0: {  	_ =	swait.ge [sflag:s31], $0x2700  }
0xb1: {  	[sflag:s31] =	ssyncset.done $0x0  }
0xb2: {  	s0 =	smov.u32 s9;
	[sflag:s31] =	ssyncadd.s32 $0xFFFFD900  }
0xb3: {  	_ = 	snop  }
.LBB2_4:
0xb4: {  	s21 =	rddreg [dreg:$0x4]  }
0xb5: {  	[spmem:s18], [sflag:s30] =	dma.local [hbm:s21], $0x2700  }
0xb6: {  	_ =	swait.ge [sflag:s31], $0x2700  }
0xb7: {  	[sflag:s31] =	ssyncset.done $0x0  }
0xb8: {  	s21 =	rddreg [dreg:$0xf];
	[sflag:s31] =	ssyncadd.s32 $0xFFFFD900  }
0xb9: {  	[spmem:s19], [sflag:s30] =	dma.local @!p1 [hbm:s21], $0x100  }
0xba: {  	s21 =	simm.s32 @!p1 $0x2  }
0xbb: {  	_ =	swait.ge @!p1 [sflag:s21], $0x100  }
0xbc: {  	[sflag:s21] =	ssyncset.done @!p1 $0x0  }
0xbd: {  	[sflag:s21] =	ssyncadd.s32 @!p1 $0xFFFFFF00  }
0xbe: {  	s25 =	simm.s32 $0x13900;
	[bflag:$0x0] =	sbarrier.arrive $0xFFFF  }
0xbf: {  	[tilespmem:s14], [sflag:$0x1] =	stream.indirect.gather [hbm4b:s1+s13], $0x80, s25, s13, $0xb8;
	[tilespmem:$0x1F100] =	vst v63  }
0xc0: {  	_ =	swait.ge [sflag:s16], $0x4000  }
0xc1: {  	[sflag:s16] =	ssyncset.done $0x0  }
0xc2: {  	s29 =	simm.s32 $0x18900;
	[sflag:s16] =	ssyncadd.s32 $0xFFFFC000  }
0xc3: {  	[spmem:s2] =	stream.indirect.scatter.add.f32 [tilespmem:s14], [sflag:$0x2], $0x80, s29, s13, $0xb8;
	[tilespmem:$0x1F100] =	vst v63  }
0xc4: {  	_ =	swait.ge [sflag:s31], $0x4000  }
0xc5: {  	s22 =	simm.s32 $0x400;
	s21 =	simm.s32 $0x80;
	[sflag:s31] =	ssyncset.done $0x0  }
.LBB2_5:
0xc6: {  	s23 =	sadd.s32 $0x13900, s21  }
0xc7: {  	[sflag:s31] =	ssyncadd.s32 $0xFFFFC000;
	s25 =	smov.u32 s22;
	s29 =	sadd.s32 $0x200, s22  }
0xc8: {  	[tilespmem:s14], [sflag:$0x1] =	stream.indirect.gather [hbm4b:s1+s13], $0x80, s23, s13, $0xb8;
	[tilespmem:$0x1F100] =	vst v63  }
0xc9: {  	p3 =	sne.s32 s22, $0x9E00;
	_ =	swait.ge [sflag:s16], $0x4000  }
.Ltmp8:
0xca: {  	[sflag:s16] =	ssyncset.done $0x0;
	(pc) =	sbr.rel @p3 .LBB2_5-.Ltmp8, $4  }
0xcb: {  	s21 =	sadd.s32 $0x18900, s21;
	[sflag:s16] =	ssyncadd.s32 $0xFFFFC000  }
0xcc: {  	[spmem:s2] =	stream.indirect.scatter.add.f32 [tilespmem:s14], [sflag:$0x2], $0x80, s21, s13, $0xb8;
	[tilespmem:$0x1F100] =	vst v63  }
0xcd: {  	_ =	swait.ge [sflag:s31], $0x4000  }
0xce: {  	s22 =	smov.u32 s29;
	s21 =	sshra.s32 s25, $0x2;
	[sflag:s31] =	ssyncset.done $0x0  }
0xcf: {  	s22 =	sadd.s32 $0x13900, s21;
	[sflag:s31] =	ssyncadd.s32 $0xFFFFC000  }
0xd0: {  	[tilespmem:s14], [sflag:$0x1] =	stream.indirect.gather [hbm4b:s1+s13], $0x80, s22, s13, $0xb8;
	[tilespmem:$0x1F100] =	vst v63  }
0xd1: {  	_ =	swait.ge [sflag:s16], $0x4000  }
0xd2: {  	[sflag:s16] =	ssyncset.done $0x0  }
0xd3: {  	s22 =	sadd.s32 $0x18900, s21;
	[sflag:s16] =	ssyncadd.s32 $0xFFFFC000  }
0xd4: {  	[spmem:s2] =	stream.indirect.scatter.add.f32 [tilespmem:s14], [sflag:$0x2], $0x80, s22, s13, $0xb8;
	[tilespmem:$0x1F100] =	vst v63  }
0xd5: {  	_ =	swait.ge [sflag:s31], $0x4000  }
0xd6: {  	[sflag:s31] =	ssyncset.done $0x0  }
0xd7: {  	[sflag:s31] =	ssyncadd.s32 $0xFFFFC000  }
0xd8: {  	[bflag:$0x0] =	sbarrier.arrive $0xFFFF  }
0xd9: {  	s23 =	rddreg [dreg:$0x5]  }
0xda: {  	[hbm:s23], [sflag:s30] =	dma.local [spmem:s18], $0x2700  }
0xdb: {  	_ =	swait.ge [sflag:s31], $0x2700  }
0xdc: {  	[sflag:s31] =	ssyncset.done $0x0  }
0xdd: {  	[sflag:s31] =	ssyncadd.s32 $0xFFFFD900  }
0xde: {  	[bflag:$0x0] =	sbarrier.arrive @p1 $0xFFFF  }
0xdf: {  	[spmem:s20], [sflag:s30] =	dma.local @p1 [hbm:s15], $0x2700  }
0xe0: {  	s20 =	simm.s32 @p1 $0x2  }
0xe1: {  	_ =	swait.ge @p1 [sflag:s20], $0x2700  }
0xe2: {  	[sflag:s20] =	ssyncset.done @p1 $0x0  }
0xe3: {  	[sflag:s20] =	ssyncadd.s32 @p1 $0xFFFFD900;
	s20 =	rddreg [dreg:$0x6]  }
0xe4: {  	[hbm:s20], [sflag:s30] =	dma.local @!p1 [spmem:s19], $0x100  }
0xe5: {  	s20 =	simm.s32 @!p1 $0x2  }
0xe6: {  	_ =	swait.ge @!p1 [sflag:s20], $0x100  }
0xe7: {  	[sflag:s20] =	ssyncset.done @!p1 $0x0  }
0xe8: {  	[sflag:s20] =	ssyncadd.s32 @!p1 $0xFFFFFF00  }
0xe9: {  	[bflag:$0x0] =	sbarrier.arrive @!p1 $0xFFFF  }
0xea: {  	[spmem:s0], [sflag:s30] =	dma.local @!p1 [hbm:s15], $0x2700  }
0xeb: {  	_ =	swait.ge @!p1 [sflag:s20], $0x2700  }
0xec: {  	[sflag:s20] =	ssyncset.done @!p1 $0x0  }
0xed: {  	s0 =	rddreg [dreg:$0x7];
	[sflag:s20] =	ssyncadd.s32 @!p1 $0xFFFFD900  }
0xee: {  	[spmem:s19], [sflag:s30] =	dma.local @!p1 [hbm:s0], $0x100  }
0xef: {  	_ =	swait.ge @!p1 [sflag:s20], $0x100  }
0xf0: {  	[sflag:s20] =	ssyncset.done @!p1 $0x0  }
0xf1: {  	[sflag:s20] =	ssyncadd.s32 @!p1 $0xFFFFFF00  }
0xf2: {  	s25 =	simm.s32 $0x13900;
	[bflag:$0x0] =	sbarrier.arrive $0xFFFF  }
0xf3: {  	[tilespmem:s14], [sflag:$0x1] =	stream.indirect.gather [hbm4b:s5+s13], $0x80, s25, s13, $0xb8;
	[tilespmem:$0x1F100] =	vst v63  }
0xf4: {  	_ =	swait.ge [sflag:s16], $0x4000  }
0xf5: {  	[sflag:s16] =	ssyncset.done $0x0  }
0xf6: {  	s29 =	simm.s32 $0x18900;
	[sflag:s16] =	ssyncadd.s32 $0xFFFFC000  }
0xf7: {  	[spmem:s2] =	stream.indirect.scatter.add.f32 [tilespmem:s14], [sflag:$0x2], $0x80, s29, s13, $0xb8;
	[tilespmem:$0x1F100] =	vst v63  }
0xf8: {  	_ =	swait.ge [sflag:s31], $0x4000  }
0xf9: {  	s19 =	simm.s32 $0x400;
	s0 =	simm.s32 $0x80;
	[sflag:s31] =	ssyncset.done $0x0  }
.LBB2_7:
0xfa: {  	s20 =	sadd.s32 $0x13900, s0  }
0xfb: {  	[sflag:s31] =	ssyncadd.s32 $0xFFFFC000;
	s21 =	smov.u32 s19;
	s22 =	sadd.s32 $0x200, s19  }
0xfc: {  	[tilespmem:s14], [sflag:$0x1] =	stream.indirect.gather [hbm4b:s5+s13], $0x80, s20, s13, $0xb8;
	[tilespmem:$0x1F100] =	vst v63  }
0xfd: {  	p3 =	sne.s32 s19, $0x9E00;
	_ =	swait.ge [sflag:s16], $0x4000  }
.Ltmp9:
0xfe: {  	[sflag:s16] =	ssyncset.done $0x0;
	(pc) =	sbr.rel @p3 .LBB2_7-.Ltmp9, $4  }
0xff: {  	s0 =	sadd.s32 $0x18900, s0;
	[sflag:s16] =	ssyncadd.s32 $0xFFFFC000  }
0x100: {  	[spmem:s2] =	stream.indirect.scatter.add.f32 [tilespmem:s14], [sflag:$0x2], $0x80, s0, s13, $0xb8;
	[tilespmem:$0x1F100] =	vst v63  }
0x101: {  	_ =	swait.ge [sflag:s31], $0x4000  }
0x102: {  	s19 =	smov.u32 s22;
	s0 =	sshra.s32 s21, $0x2;
	[sflag:s31] =	ssyncset.done $0x0  }
0x103: {  	s19 =	sadd.s32 $0x13900, s0;
	[sflag:s31] =	ssyncadd.s32 $0xFFFFC000  }
0x104: {  	[tilespmem:s14], [sflag:$0x1] =	stream.indirect.gather [hbm4b:s5+s13], $0x80, s19, s13, $0xb8;
	[tilespmem:$0x1F100] =	vst v63  }
0x105: {  	_ =	swait.ge [sflag:s16], $0x4000  }
0x106: {  	[sflag:s16] =	ssyncset.done $0x0  }
0x107: {  	s25 =	sadd.s32 $0x18900, s0;
	[sflag:s16] =	ssyncadd.s32 $0xFFFFC000  }
0x108: {  	[spmem:s2] =	stream.indirect.scatter.add.f32 [tilespmem:s14], [sflag:$0x2], $0x80, s25, s13, $0xb8;
	[tilespmem:$0x1F100] =	vst v63  }
0x109: {  	_ =	swait.ge [sflag:s31], $0x4000  }
0x10a: {  	[sflag:s31] =	ssyncset.done $0x0  }
0x10b: {  	[sflag:s31] =	ssyncadd.s32 $0xFFFFC000  }
0x10c: {  	[bflag:$0x0] =	sbarrier.arrive $0xFFFF  }
0x10d: {  	s29 =	rddreg [dreg:$0x8]  }
0x10e: {  	[hbm:s29], [sflag:s30] =	dma.local [spmem:s18], $0x2700  }
.Ltmp10:
0x10f: {  	_ = 	snop;
	(pc) =	sbr.rel @p2 .LBB2_14-.Ltmp10, $4  }
.Ltmp11:
0x110: {  	_ = 	snop;
	(pc) =	sbr.rel @!p2 .LBB2_15-.Ltmp11, $4  }
0x111: {  	_ =	swait.ge [sflag:s31], $0x2700  }
0x112: {  	[sflag:s31] =	ssyncset.done $0x0  }
0x113: {  	s0 =	smov.u32 s8;
	[sflag:s31] =	ssyncadd.s32 $0xFFFFD900  }
0x114: {  	_ = 	snop  }
.LBB2_16:
0x115: {  	_ =	sfence.sel $0x180000  }
0x116: {  	[bflag:$0x0] =	sbarrier.arrive $0xFFFF  }
0x117: {  	_ =	strace $0x9000004D  }
0x118: {  	[bflag:$0x2] =	sbarrier.arrive $0xFFFF  }
0x119: {  	p0 =	sne.s32 s3, $0x0;
	s0 =	rddreg [dreg:$0x3]  }
0x11a: {  	s0 =	sadd.s32 @!p0 $0x100000, s0  }
0x11b: {  	[sflag:s0] =	ssyncadd.tile.s32 @!p0 $0x1;
	_ =	shalt  }
.Lfunc_end2:
_tile_overlayer_lowered:
.L_overlay_start_2:
0x11c: {  	(tag) =	ssettag $0x2  }
0x11d: {  	s0 =	rddreg [dreg:$0x0];
	s2 =	stileid.u32  }
0x11e: {  	s1 =	rddreg [dreg:$0x1];
	p0 =	sne.s32 s2, $0x0  }
0x11f: {  	s3 =	rddreg [dreg:$0x2];
	[bflag:$0x3] =	sbarrier.arrive $0xFFFF;
	s2 =	simm.s32 @!p0 $0x1C02  }
0x120: {  	[timem:s3], [sflag:s2] =	dma.local @!p0 [hbm:s0], s1  }
0x121: {  	s0 =	simm.s32 @!p0 $0x2  }
0x122: {  	_ =	swait.ge @!p0 [sflag:s0], s1  }
0x123: {  	s1 =	ssub.s32 @!p0 $0x0, s1;
	[sflag:s0] =	ssyncset.done @!p0 $0x0  }
0x124: {  	[sflag:s0] =	ssyncadd.s32 @!p0 s1  }
0x125: {  	[bflag:$0x3] =	sbarrier.arrive $0xFFFF  }
0x126: {  	_ =	shalt  }

</sc_bundles>
